<compile_context>
chip_gen: v7x
topology: tpu7x:2x2x1
jax: 0.10.2.dev20260603
libtpu: 0.0.44.dev20260713+nightly
codegen_flags: <defaults>
</compile_context>

<pallas_src>
import functools

import jax
import jax.numpy as jnp
from jax import lax
from jax.experimental import pallas as pl
from jax.experimental.pallas import tpu as pltpu
from jax.experimental.pallas import tpu_sc as plsc

N = 10000
E = 320000
F = 128
H = 32
G = 64
CLS = 10

NC = 2
NS = 16
NW = NC * NS
CH = 128
NPAD = 10240
RP = NPAD // 4
RN = N // 4
D = 8
NSLOT = 2 * D
KP = 5
EPOOL = NW * KP * CH


def _segsum_body(nch, full, ei_hbm, p_hbm, zeros_hbm, out_hbm, srcb, dstb,
                 rows, acc, pshr, semg, sems):
    kb, r = nch // NW, nch % NW
    P = min(D, kb)
    c = lax.axis_index("c")
    s = lax.axis_index("s")
    wid = c * NS + s
    rz = NPAD // NS
    if full:
        pltpu.sync_copy(zeros_hbm.at[pl.ds(s * rz, rz)], acc.at[pl.ds(s * rz, rz)])
    else:
        @pl.when(s == 0)
        def _():
            pltpu.sync_copy(zeros_hbm.at[pl.ds(0, rz)], acc.at[pl.ds(0, rz)])
    pltpu.sync_copy(p_hbm.at[pl.ds(s * rz, rz)], pshr.at[pl.ds(s * rz, rz)])
    if r:
        base = kb * wid + jnp.minimum(wid, r)
        cnt = kb + jnp.where(wid < r, 1, 0)
    else:
        base = kb * wid
        cnt = kb
    pltpu.sync_copy(ei_hbm.at[0, pl.ds(base, kb)], srcb.at[pl.ds(0, kb)])
    pltpu.sync_copy(ei_hbm.at[1, pl.ds(base, kb)], dstb.at[pl.ds(0, kb)])
    if r:
        @pl.when(wid < r)
        def _():
            pltpu.sync_copy(ei_hbm.at[0, pl.ds(base + kb, 1)], srcb.at[pl.ds(kb, 1)])
            pltpu.sync_copy(ei_hbm.at[1, pl.ds(base + kb, 1)], dstb.at[pl.ds(kb, 1)])
    plsc.subcore_barrier()

    for b in range(P):
        pltpu.async_copy(pshr.at[srcb.at[b]], rows.at[b], semg)

    def step(j, carry):
        jm = lax.rem(j, NSLOT)
        pltpu.make_async_copy(pshr.at[srcb.at[j]], rows.at[jm], semg).wait()
        pltpu.async_copy(rows.at[jm], acc.at[dstb.at[j]], sems, add=True)

        @pl.when(j >= P)
        def _():
            jd = j - P
            pltpu.make_async_copy(rows.at[lax.rem(jd, NSLOT)],
                                  acc.at[dstb.at[jd]], sems).wait()

        @pl.when(j + P < cnt)
        def _():
            pltpu.async_copy(pshr.at[srcb.at[j + P]],
                             rows.at[lax.rem(j + P, NSLOT)], semg)

        return carry

    lax.fori_loop(0, cnt, step, 0)

    def drain(j, carry):
        pltpu.make_async_copy(rows.at[lax.rem(j, NSLOT)],
                              acc.at[dstb.at[j]], sems).wait()
        return carry

    lax.fori_loop(jnp.maximum(cnt - P, 0), cnt, drain, 0)
    plsc.subcore_barrier()
    if full:
        pltpu.sync_copy(acc.at[pl.ds(s * rz, rz)], out_hbm.at[c, pl.ds(s * rz, rz)])
    else:
        @pl.when(s == 0)
        def _():
            pltpu.sync_copy(acc.at[pl.ds(0, rz)], out_hbm.at[c, pl.ds(0, rz)])


@functools.lru_cache(maxsize=4)
def _make_segsum(nch, full):
    km = nch // NW + (1 if nch % NW else 0)
    return pl.kernel(
        functools.partial(_segsum_body, nch, full),
        out_type=jax.ShapeDtypeStruct((NC, NPAD, H), jnp.float32),
        mesh=plsc.VectorSubcoreMesh(core_axis_name="c", subcore_axis_name="s"),
        scratch_types=[
            pltpu.VMEM((km, CH), jnp.int32),
            pltpu.VMEM((km, CH), jnp.int32),
            pltpu.VMEM((NSLOT, CH, H), jnp.float32),
            pltpu.VMEM_SHARED((NPAD, H), jnp.float32),
            pltpu.VMEM_SHARED((NPAD, H), jnp.float32),
            pltpu.SemaphoreType.DMA,
            pltpu.SemaphoreType.DMA,
        ],
        compiler_params=pltpu.CompilerParams(use_tc_tiling_on_sc=False),
    )


def _fold4(v, n):
    ri = lax.rem(lax.broadcasted_iota(jnp.int32, (F, F), 0), H)
    cj = lax.rem(lax.broadcasted_iota(jnp.int32, (F, F), 1), H)
    m = (ri == cj).astype(jnp.float32)
    return jnp.dot(v, m, preferred_element_type=jnp.float32) / n


def _mlp_bn(p, pa, pb, b1, w2big, b2, gam, bet):
    z = jnp.maximum(p + pa + pb + b1, 0.0)
    z = jnp.maximum(jnp.dot(z, w2big, preferred_element_type=jnp.float32) + b2, 0.0)
    zs = z[0:RN]
    mu = _fold4(jnp.sum(zs, axis=0, keepdims=True), float(N))
    zc = z - mu
    zcs = zc[0:RN]
    var = _fold4(jnp.sum(zcs * zcs, axis=0, keepdims=True), float(N))
    return zc * lax.rsqrt(var + 1e-5) * gam + bet


def _proj_body(x_ref, w1big_ref, o_ref):
    o_ref[0:RN, :] = jnp.dot(x_ref[...], w1big_ref[...],
                             preferred_element_type=jnp.float32)
    o_ref[RN:RP, :] = jnp.zeros((RP - RN, F), jnp.float32)


_proj = pl.pallas_call(_proj_body, out_shape=jax.ShapeDtypeStruct((RP, F), jnp.float32))


def _layer_body(p_ref, parts_ref, b1_ref, w2big_ref, b2_ref, g_ref, be_ref,
                w1nbig_ref, o_ref):
    h = _mlp_bn(p_ref[...], parts_ref[0], parts_ref[1], b1_ref[...],
                w2big_ref[...], b2_ref[...], g_ref[...], be_ref[...])
    o_ref[...] = jnp.dot(h, w1nbig_ref[...], preferred_element_type=jnp.float32)


_layer = pl.pallas_call(_layer_body, out_shape=jax.ShapeDtypeStruct((RP, F), jnp.float32))


def _last_body(p_ref, parts_ref, b1_ref, w2big_ref, b2_ref, g_ref, be_ref, o_ref):
    h = _mlp_bn(p_ref[...], parts_ref[0], parts_ref[1], b1_ref[...],
                w2big_ref[...], b2_ref[...], g_ref[...], be_ref[...])
    o_ref[...] = h
    o_ref[RN:RN + 1, :] = jnp.ones((1, F), jnp.float32)


_last = pl.pallas_call(_last_body, out_shape=jax.ShapeDtypeStruct((RP, F), jnp.float32))


def _unpack4(vp):
    gi = lax.broadcasted_iota(jnp.int32, (G, G // 4), 0)
    ri = lax.broadcasted_iota(jnp.int32, (G, G // 4), 1)
    out = jnp.zeros((G, H), jnp.float32)
    for a in range(4):
        ua = ((lax.rem(gi, 4) == a) & (lax.div(gi, 4) == ri)).astype(jnp.float32)
        out = out + jnp.dot(ua, vp[:, a * H:(a + 1) * H],
                            preferred_element_type=jnp.float32)
    return out


def _head_body(pp_ref, fc1w_ref, fc1b_ref, fc2w_ref, fc2b_ref, o_ref):
    spp = pp_ref[0] + pp_ref[1]
    sums = _unpack4(spp[0:G // 4])
    counts = _unpack4(spp[G // 4:2 * G // 4])[:, 0:1]
    pooled = sums / jnp.maximum(counts, 1.0)
    z = jnp.maximum(jnp.dot(pooled, fc1w_ref[...],
                            preferred_element_type=jnp.float32) + fc1b_ref[...], 0.0)
    logits = jnp.dot(z, fc2w_ref[...], preferred_element_type=jnp.float32) + fc2b_ref[...]
    m = jnp.max(logits, axis=-1, keepdims=True)
    lse = m + jnp.log(jnp.sum(jnp.exp(logits - m), axis=-1, keepdims=True))
    o_ref[...] = logits - lse


_head = pl.pallas_call(_head_body, out_shape=jax.ShapeDtypeStruct((G, CLS), jnp.float32))


def kernel(x, params, edge_index, batch):
    ei3 = edge_index.astype(jnp.int32).reshape(2, E // CH, CH)
    bat = batch.astype(jnp.int32)
    padp = EPOOL - 2 * N
    srcp = jnp.concatenate([jnp.arange(N, dtype=jnp.int32), jnp.full((N,), N, jnp.int32),
                            jnp.zeros((padp,), jnp.int32)]).reshape(NW * KP, CH)
    dstp = jnp.concatenate([bat, bat + G,
                            jnp.full((padp,), NPAD - 1, jnp.int32)]).reshape(NW * KP, CH)
    eip = jnp.stack([srcp, dstp])
    zeros = jnp.zeros((NPAD, H), jnp.float32)
    x_r = x.reshape(RN, 4 * F)
    eye4 = jnp.eye(4, dtype=jnp.float32)
    big = lambda w: jnp.kron(eye4, w)
    vec4 = lambda v: jnp.tile(v, 4).reshape(1, F)

    segsum = _make_segsum(E // CH, True)
    p = _proj(x_r, big(params["conv1_W1"]))
    for i in range(1, 6):
        parts = segsum(ei3, p.reshape(NPAD, H), zeros).reshape(NC, RP, F)
        args = (p, parts, vec4(params[f"conv{i}_b1"]), big(params[f"conv{i}_W2"]),
                vec4(params[f"conv{i}_b2"]), vec4(params[f"bn{i}_gamma"]),
                vec4(params[f"bn{i}_beta"]))
        if i < 5:
            p = _layer(*args, big(params[f"conv{i + 1}_W1"]))
        else:
            h5 = _last(*args)
    pool = _make_segsum(NW * KP, False)(eip, h5.reshape(NPAD, H), zeros)
    pp = pool.reshape(NC, RP, F)[:, 0:2 * G // 4, :]
    return _head(pp, params["fc1_W"], params["fc1_b"].reshape(1, H),
                 params["fc2_W"], params["fc2_b"].reshape(1, CLS))

# --- scband reference (transcript-rebuilt; emitter-appended) ---
"""Pipeline reference for scband-gin-44702019616883 (READ-ONLY COPY).

The authoritative reference and input builder live on the scoring server;
editing this copy changes nothing except your own understanding.
"""

import jax, jax.numpy as jnp
import numpy as np

N = 10000
E = 320000
NUM_FEATS = 128
HID = 32
NUM_CLASSES = 10
NUM_GRAPHS = 64


def _init_params(key):
    params = {}
    dims = [(NUM_FEATS, HID), (HID, HID), (HID, HID), (HID, HID), (HID, HID)]
    c = 0
    for i, (din, dout) in enumerate(dims, 1):
        params[f"conv{i}_W1"] = jax.random.normal(jax.random.fold_in(key, c), (din, HID), jnp.float32) * 0.1; c += 1
        params[f"conv{i}_b1"] = jnp.zeros((HID,), jnp.float32)
        params[f"conv{i}_W2"] = jax.random.normal(jax.random.fold_in(key, c), (HID, HID), jnp.float32) * 0.1; c += 1
        params[f"conv{i}_b2"] = jnp.zeros((HID,), jnp.float32)
        params[f"bn{i}_gamma"] = jnp.ones((HID,), jnp.float32)
        params[f"bn{i}_beta"] = jnp.zeros((HID,), jnp.float32)
    params["fc1_W"] = jax.random.normal(jax.random.fold_in(key, c), (HID, HID), jnp.float32) * 0.1; c += 1
    params["fc1_b"] = jnp.zeros((HID,), jnp.float32)
    params["fc2_W"] = jax.random.normal(jax.random.fold_in(key, c), (HID, NUM_CLASSES), jnp.float32) * 0.1; c += 1
    params["fc2_b"] = jnp.zeros((NUM_CLASSES,), jnp.float32)
    return params


def setup_inputs(seed: int = 0) -> dict:
    key = jax.random.key(seed)
    k0, k1, k2, k3 = jax.random.split(key, 4)
    x = jax.random.normal(k0, (N, NUM_FEATS), jnp.float32)
    edge_index = jax.random.randint(k1, (2, E), 0, N)
    batch = jnp.sort(jax.random.randint(k2, (N,), 0, NUM_GRAPHS))
    params = _init_params(k3)
    return {"x": x, "params": params, "edge_index": edge_index, "batch": batch}


def _forward(x, params, edge_index, batch):
    src = edge_index[0]
    dst = edge_index[1]
    h = x
    for i in range(1, 6):
        # GINConv with eps=0: nn((1+eps)*x + sum_{j in N(i)} x_j)
        agg = jax.ops.segment_sum(h[src], dst, num_segments=N)
        z = h + agg
        z = jnp.maximum(z @ params[f"conv{i}_W1"] + params[f"conv{i}_b1"], 0.0)
        z = z @ params[f"conv{i}_W2"] + params[f"conv{i}_b2"]
        # outer ReLU then BatchNorm1d (training-mode batch statistics)
        z = jnp.maximum(z, 0.0)
        mean = jnp.mean(z, axis=0)
        var = jnp.var(z, axis=0)
        h = (z - mean) / jnp.sqrt(var + 1e-5) * params[f"bn{i}_gamma"] + params[f"bn{i}_beta"]
    # global mean pool over graph ids
    sums = jax.ops.segment_sum(h, batch, num_segments=NUM_GRAPHS)
    counts = jax.ops.segment_sum(jnp.ones((h.shape[0],), jnp.float32), batch, num_segments=NUM_GRAPHS)
    pooled = sums / jnp.clip(counts, 1.0)[:, None]
    z = jnp.maximum(pooled @ params["fc1_W"] + params["fc1_b"], 0.0)
    logits = z @ params["fc2_W"] + params["fc2_b"]
    return logits - jax.scipy.special.logsumexp(logits, axis=-1, keepdims=True)


def reference(x, params, edge_index, batch):
    return _forward(x, params, edge_index, batch)

if __name__ == "__main__":
    import jax
    _d = setup_inputs()
    print(jax.jit(kernel)(*tuple(_d.values())))

</pallas_src>

<mosaic_0001>
#map = affine_map<(d0, d1) -> (0, 0, 0)>
#map1 = affine_map<(d0, d1) -> (0, 0)>
module attributes {stable_mosaic.version = 14 : i64} {
  func.func @_segsum_body(%arg0: i32, %arg1: i32, %arg2: memref<2x2500x128xi32, #tpu.memory_space<hbm>>, %arg3: memref<10240x32xf32, #tpu.memory_space<hbm>>, %arg4: memref<10240x32xf32, #tpu.memory_space<hbm>>, %arg5: memref<2x10240x32xf32, #tpu.memory_space<hbm>>, %arg6: memref<79x128xi32, #tpu.memory_space<vmem>>, %arg7: memref<79x128xi32, #tpu.memory_space<vmem>>, %arg8: memref<16x128x32xf32, #tpu.memory_space<vmem>>, %arg9: memref<10240x32xf32, #tpu.memory_space<vmem_shared>>, %arg10: memref<10240x32xf32, #tpu.memory_space<vmem_shared>>, %arg11: memref<!tpu.dma_semaphore, #tpu.memory_space<semaphore_mem>>, %arg12: memref<!tpu.dma_semaphore, #tpu.memory_space<semaphore_mem>>) attributes {dimension_semantics = [#tpu.dimension_semantics<core_parallel>, #tpu.dimension_semantics<subcore_parallel>], iteration_bounds = array<i64: 2, 16>, scalar_prefetch = 0 : i64, scratch_operands = 7 : i64, tpu.core_type = #tpu.core_type<sc_vector_subcore>, window_params = [{transform_indices = #map}, {transform_indices = #map1}, {transform_indices = #map1}, {transform_indices = #map}]} {
    %mul3A = arith.constant 16 : i32
    %mul3A_0 = arith.muli %arg0, %mul3A : i32
    %add3A = arith.addi %mul3A_0, %arg1 : i32
    %mul3A_1 = arith.constant 640 : i32
    %mul3A_2 = arith.muli %arg1, %mul3A_1 : i32
    %mul3A_3 = arith.constant 640 : i32
    %mul3A_4 = arith.muli %arg1, %mul3A_3 : i32
    "tpu.region"() ({
      %run_scoped3A_141 = tpu.sem_alloc : memref<!tpu.dma_semaphore, #tpu.memory_space<semaphore_mem>>
      %dma_start3A_142 = arith.constant 0 : i32
      %dma_start3A_143 = tpu.memref_slice %arg9[%mul3A_4, %dma_start3A_142] : memref<10240x32xf32, #tpu.memory_space<vmem_shared>> -> memref<640x32xf32, #tpu.memory_space<vmem_shared>>
      %dma_start3A_144 = arith.constant 0 : i32
      %dma_start3A_145 = tpu.memref_slice %arg4[%mul3A_2, %dma_start3A_144] : memref<10240x32xf32, #tpu.memory_space<hbm>> -> memref<640x32xf32, #tpu.memory_space<hbm>>
      tpu.enqueue_dma source(%dma_start3A_145 : memref<640x32xf32, #tpu.memory_space<hbm>>) target(%dma_start3A_143 : memref<640x32xf32, #tpu.memory_space<vmem_shared>>) target_semaphore(%run_scoped3A_141 : memref<!tpu.dma_semaphore, #tpu.memory_space<semaphore_mem>>)
      %dma_wait3A = arith.constant 0 : i32
      %dma_wait3A_146 = tpu.memref_slice %arg9[%mul3A_4, %dma_wait3A] : memref<10240x32xf32, #tpu.memory_space<vmem_shared>> -> memref<640x32xf32, #tpu.memory_space<vmem_shared>>
      %dma_wait3A_147 = arith.constant 0 : i32
      %dma_wait3A_148 = tpu.memref_slice %arg4[%mul3A_2, %dma_wait3A_147] : memref<10240x32xf32, #tpu.memory_space<hbm>> -> memref<640x32xf32, #tpu.memory_space<hbm>>
      tpu.wait_dma2 semaphore(%run_scoped3A_141 : memref<!tpu.dma_semaphore, #tpu.memory_space<semaphore_mem>>) src(%dma_wait3A_148 : memref<640x32xf32, #tpu.memory_space<hbm>>) dst(%dma_wait3A_146 : memref<640x32xf32, #tpu.memory_space<vmem_shared>>)
      tpu.yield
    }) : () -> ()
    %mul3A_5 = arith.constant 640 : i32
    %mul3A_6 = arith.muli %arg1, %mul3A_5 : i32
    %mul3A_7 = arith.constant 640 : i32
    %mul3A_8 = arith.muli %arg1, %mul3A_7 : i32
    "tpu.region"() ({
      %run_scoped3A_141 = tpu.sem_alloc : memref<!tpu.dma_semaphore, #tpu.memory_space<semaphore_mem>>
      %dma_start3A_142 = arith.constant 0 : i32
      %dma_start3A_143 = tpu.memref_slice %arg10[%mul3A_8, %dma_start3A_142] : memref<10240x32xf32, #tpu.memory_space<vmem_shared>> -> memref<640x32xf32, #tpu.memory_space<vmem_shared>>
      %dma_start3A_144 = arith.constant 0 : i32
      %dma_start3A_145 = tpu.memref_slice %arg3[%mul3A_6, %dma_start3A_144] : memref<10240x32xf32, #tpu.memory_space<hbm>> -> memref<640x32xf32, #tpu.memory_space<hbm>>
      tpu.enqueue_dma source(%dma_start3A_145 : memref<640x32xf32, #tpu.memory_space<hbm>>) target(%dma_start3A_143 : memref<640x32xf32, #tpu.memory_space<vmem_shared>>) target_semaphore(%run_scoped3A_141 : memref<!tpu.dma_semaphore, #tpu.memory_space<semaphore_mem>>)
      %dma_wait3A = arith.constant 0 : i32
      %dma_wait3A_146 = tpu.memref_slice %arg10[%mul3A_8, %dma_wait3A] : memref<10240x32xf32, #tpu.memory_space<vmem_shared>> -> memref<640x32xf32, #tpu.memory_space<vmem_shared>>
      %dma_wait3A_147 = arith.constant 0 : i32
      %dma_wait3A_148 = tpu.memref_slice %arg3[%mul3A_6, %dma_wait3A_147] : memref<10240x32xf32, #tpu.memory_space<hbm>> -> memref<640x32xf32, #tpu.memory_space<hbm>>
      tpu.wait_dma2 semaphore(%run_scoped3A_141 : memref<!tpu.dma_semaphore, #tpu.memory_space<semaphore_mem>>) src(%dma_wait3A_148 : memref<640x32xf32, #tpu.memory_space<hbm>>) dst(%dma_wait3A_146 : memref<640x32xf32, #tpu.memory_space<vmem_shared>>)
      tpu.yield
    }) : () -> ()
    %mul3A_9 = arith.constant 78 : i32
    %mul3A_10 = arith.muli %mul3A_9, %add3A : i32
    %min3A = arith.constant 4 : i32
    %min3A_11 = arith.minsi %add3A, %min3A : i32
    %add3A_12 = arith.addi %mul3A_10, %min3A_11 : i32
    %lt3A = arith.constant 4 : i32
    %lt3A_13 = arith.cmpi slt, %add3A, %lt3A : i32
    %jit3A = arith.constant 1 : i32
    %jit3A_14 = arith.constant 0 : i32
    %select_n3A = arith.select %lt3A_13, %jit3A, %jit3A_14 : i32
    %add3A_15 = arith.constant 78 : i32
    %add3A_16 = arith.addi %add3A_15, %select_n3A : i32
    %run_scoped3A = arith.constant 0 : i32
    "tpu.region"() ({
      %run_scoped3A_141 = tpu.sem_alloc : memref<!tpu.dma_semaphore, #tpu.memory_space<semaphore_mem>>
      %dma_start3A_142 = arith.constant 0 : i32
      %dma_start3A_143 = arith.constant 0 : i32
      %dma_start3A_144 = tpu.memref_slice %arg6[%dma_start3A_142, %dma_start3A_143] : memref<79x128xi32, #tpu.memory_space<vmem>> -> memref<78x128xi32, #tpu.memory_space<vmem>>
      %dma_start3A_145 = arith.constant 0 : i32
      %dma_start3A_146 = tpu.memref_slice %arg2[%run_scoped3A, %add3A_12, %dma_start3A_145] : memref<2x2500x128xi32, #tpu.memory_space<hbm>> -> memref<1x78x128xi32, #tpu.memory_space<hbm>>
      %dma_start3A_147 = tpu.memref_squeeze %dma_start3A_146 : memref<1x78x128xi32, #tpu.memory_space<hbm>> -> memref<78x128xi32, #tpu.memory_space<hbm>>
      %dma_start3A_148 = arith.constant 0 : i32
      %dma_start3A_149 = arith.constant 0 : i32
      %dma_start3A_150 = tpu.memref_slice %arg6[%dma_start3A_148, %dma_start3A_149] : memref<79x128xi32, #tpu.memory_space<vmem>> -> memref<78x128xi32, #tpu.memory_space<vmem>>
      %dma_start3A_151 = arith.constant 0 : i32
      %dma_start3A_152 = tpu.memref_slice %arg2[%run_scoped3A, %add3A_12, %dma_start3A_151] : memref<2x2500x128xi32, #tpu.memory_space<hbm>> -> memref<1x78x128xi32, #tpu.memory_space<hbm>>
      %dma_start3A_153 = tpu.memref_squeeze %dma_start3A_152 : memref<1x78x128xi32, #tpu.memory_space<hbm>> -> memref<78x128xi32, #tpu.memory_space<hbm>>
      tpu.enqueue_dma source(%dma_start3A_153 : memref<78x128xi32, #tpu.memory_space<hbm>>) target(%dma_start3A_150 : memref<78x128xi32, #tpu.memory_space<vmem>>) target_semaphore(%run_scoped3A_141 : memref<!tpu.dma_semaphore, #tpu.memory_space<semaphore_mem>>)
      %dma_wait3A = arith.constant 0 : i32
      %dma_wait3A_154 = arith.constant 0 : i32
      %dma_wait3A_155 = tpu.memref_slice %arg6[%dma_wait3A, %dma_wait3A_154] : memref<79x128xi32, #tpu.memory_space<vmem>> -> memref<78x128xi32, #tpu.memory_space<vmem>>
      %dma_wait3A_156 = arith.constant 0 : i32
      %dma_wait3A_157 = tpu.memref_slice %arg2[%run_scoped3A, %add3A_12, %dma_wait3A_156] : memref<2x2500x128xi32, #tpu.memory_space<hbm>> -> memref<1x78x128xi32, #tpu.memory_space<hbm>>
      %dma_wait3A_158 = tpu.memref_squeeze %dma_wait3A_157 : memref<1x78x128xi32, #tpu.memory_space<hbm>> -> memref<78x128xi32, #tpu.memory_space<hbm>>
      %dma_wait3A_159 = arith.constant 0 : i32
      %dma_wait3A_160 = arith.constant 0 : i32
      %dma_wait3A_161 = tpu.memref_slice %arg6[%dma_wait3A_159, %dma_wait3A_160] : memref<79x128xi32, #tpu.memory_space<vmem>> -> memref<78x128xi32, #tpu.memory_space<vmem>>
      %dma_wait3A_162 = arith.constant 0 : i32
      %dma_wait3A_163 = tpu.memref_slice %arg2[%run_scoped3A, %add3A_12, %dma_wait3A_162] : memref<2x2500x128xi32, #tpu.memory_space<hbm>> -> memref<1x78x128xi32, #tpu.memory_space<hbm>>
      %dma_wait3A_164 = tpu.memref_squeeze %dma_wait3A_163 : memref<1x78x128xi32, #tpu.memory_space<hbm>> -> memref<78x128xi32, #tpu.memory_space<hbm>>
      tpu.wait_dma2 semaphore(%run_scoped3A_141 : memref<!tpu.dma_semaphore, #tpu.memory_space<semaphore_mem>>) src(%dma_wait3A_164 : memref<78x128xi32, #tpu.memory_space<hbm>>) dst(%dma_wait3A_161 : memref<78x128xi32, #tpu.memory_space<vmem>>)
      tpu.yield
    }) : () -> ()
    %run_scoped3A_17 = arith.constant 1 : i32
    "tpu.region"() ({
      %run_scoped3A_141 = tpu.sem_alloc : memref<!tpu.dma_semaphore, #tpu.memory_space<semaphore_mem>>
      %dma_start3A_142 = arith.constant 0 : i32
      %dma_start3A_143 = arith.constant 0 : i32
      %dma_start3A_144 = tpu.memref_slice %arg7[%dma_start3A_142, %dma_start3A_143] : memref<79x128xi32, #tpu.memory_space<vmem>> -> memref<78x128xi32, #tpu.memory_space<vmem>>
      %dma_start3A_145 = arith.constant 0 : i32
      %dma_start3A_146 = tpu.memref_slice %arg2[%run_scoped3A_17, %add3A_12, %dma_start3A_145] : memref<2x2500x128xi32, #tpu.memory_space<hbm>> -> memref<1x78x128xi32, #tpu.memory_space<hbm>>
      %dma_start3A_147 = tpu.memref_squeeze %dma_start3A_146 : memref<1x78x128xi32, #tpu.memory_space<hbm>> -> memref<78x128xi32, #tpu.memory_space<hbm>>
      %dma_start3A_148 = arith.constant 0 : i32
      %dma_start3A_149 = arith.constant 0 : i32
      %dma_start3A_150 = tpu.memref_slice %arg7[%dma_start3A_148, %dma_start3A_149] : memref<79x128xi32, #tpu.memory_space<vmem>> -> memref<78x128xi32, #tpu.memory_space<vmem>>
      %dma_start3A_151 = arith.constant 0 : i32
      %dma_start3A_152 = tpu.memref_slice %arg2[%run_scoped3A_17, %add3A_12, %dma_start3A_151] : memref<2x2500x128xi32, #tpu.memory_space<hbm>> -> memref<1x78x128xi32, #tpu.memory_space<hbm>>
      %dma_start3A_153 = tpu.memref_squeeze %dma_start3A_152 : memref<1x78x128xi32, #tpu.memory_space<hbm>> -> memref<78x128xi32, #tpu.memory_space<hbm>>
      tpu.enqueue_dma source(%dma_start3A_153 : memref<78x128xi32, #tpu.memory_space<hbm>>) target(%dma_start3A_150 : memref<78x128xi32, #tpu.memory_space<vmem>>) target_semaphore(%run_scoped3A_141 : memref<!tpu.dma_semaphore, #tpu.memory_space<semaphore_mem>>)
      %dma_wait3A = arith.constant 0 : i32
      %dma_wait3A_154 = arith.constant 0 : i32
      %dma_wait3A_155 = tpu.memref_slice %arg7[%dma_wait3A, %dma_wait3A_154] : memref<79x128xi32, #tpu.memory_space<vmem>> -> memref<78x128xi32, #tpu.memory_space<vmem>>
      %dma_wait3A_156 = arith.constant 0 : i32
      %dma_wait3A_157 = tpu.memref_slice %arg2[%run_scoped3A_17, %add3A_12, %dma_wait3A_156] : memref<2x2500x128xi32, #tpu.memory_space<hbm>> -> memref<1x78x128xi32, #tpu.memory_space<hbm>>
      %dma_wait3A_158 = tpu.memref_squeeze %dma_wait3A_157 : memref<1x78x128xi32, #tpu.memory_space<hbm>> -> memref<78x128xi32, #tpu.memory_space<hbm>>
      %dma_wait3A_159 = arith.constant 0 : i32
      %dma_wait3A_160 = arith.constant 0 : i32
      %dma_wait3A_161 = tpu.memref_slice %arg7[%dma_wait3A_159, %dma_wait3A_160] : memref<79x128xi32, #tpu.memory_space<vmem>> -> memref<78x128xi32, #tpu.memory_space<vmem>>
      %dma_wait3A_162 = arith.constant 0 : i32
      %dma_wait3A_163 = tpu.memref_slice %arg2[%run_scoped3A_17, %add3A_12, %dma_wait3A_162] : memref<2x2500x128xi32, #tpu.memory_space<hbm>> -> memref<1x78x128xi32, #tpu.memory_space<hbm>>
      %dma_wait3A_164 = tpu.memref_squeeze %dma_wait3A_163 : memref<1x78x128xi32, #tpu.memory_space<hbm>> -> memref<78x128xi32, #tpu.memory_space<hbm>>
      tpu.wait_dma2 semaphore(%run_scoped3A_141 : memref<!tpu.dma_semaphore, #tpu.memory_space<semaphore_mem>>) src(%dma_wait3A_164 : memref<78x128xi32, #tpu.memory_space<hbm>>) dst(%dma_wait3A_161 : memref<78x128xi32, #tpu.memory_space<vmem>>)
      tpu.yield
    }) : () -> ()
    %lt3A_18 = arith.constant 4 : i32
    %lt3A_19 = arith.cmpi slt, %add3A, %lt3A_18 : i32
    %convert_element_type3A = arith.extui %lt3A_19 : i1 to i32
    %cond3A = arith.constant 0 : i32
    %cond3A_20 = arith.cmpi ne, %convert_element_type3A, %cond3A : i32
    scf.if %cond3A_20 {
      %add3A_141 = arith.constant 78 : i32
      %add3A_142 = arith.addi %add3A_12, %add3A_141 : i32
      %run_scoped3A_143 = arith.constant 0 : i32
      "tpu.region"() ({
        %run_scoped3A_147 = tpu.sem_alloc : memref<!tpu.dma_semaphore, #tpu.memory_space<semaphore_mem>>
        %dma_start3A_148 = arith.constant 78 : i32
        %dma_start3A_149 = arith.constant 0 : i32
        %dma_start3A_150 = tpu.memref_slice %arg6[%dma_start3A_148, %dma_start3A_149] : memref<79x128xi32, #tpu.memory_space<vmem>> -> memref<1x128xi32, #tpu.memory_space<vmem>>
        %dma_start3A_151 = arith.constant 0 : i32
        %dma_start3A_152 = tpu.memref_slice %arg2[%run_scoped3A_143, %add3A_142, %dma_start3A_151] : memref<2x2500x128xi32, #tpu.memory_space<hbm>> -> memref<1x1x128xi32, #tpu.memory_space<hbm>>
        %dma_start3A_153 = tpu.memref_squeeze %dma_start3A_152 : memref<1x1x128xi32, #tpu.memory_space<hbm>> -> memref<1x128xi32, #tpu.memory_space<hbm>>
        %dma_start3A_154 = arith.constant 78 : i32
        %dma_start3A_155 = arith.constant 0 : i32
        %dma_start3A_156 = tpu.memref_slice %arg6[%dma_start3A_154, %dma_start3A_155] : memref<79x128xi32, #tpu.memory_space<vmem>> -> memref<1x128xi32, #tpu.memory_space<vmem>>
        %dma_start3A_157 = arith.constant 0 : i32
        %dma_start3A_158 = tpu.memref_slice %arg2[%run_scoped3A_143, %add3A_142, %dma_start3A_157] : memref<2x2500x128xi32, #tpu.memory_space<hbm>> -> memref<1x1x128xi32, #tpu.memory_space<hbm>>
        %dma_start3A_159 = tpu.memref_squeeze %dma_start3A_158 : memref<1x1x128xi32, #tpu.memory_space<hbm>> -> memref<1x128xi32, #tpu.memory_space<hbm>>
        tpu.enqueue_dma source(%dma_start3A_159 : memref<1x128xi32, #tpu.memory_space<hbm>>) target(%dma_start3A_156 : memref<1x128xi32, #tpu.memory_space<vmem>>) target_semaphore(%run_scoped3A_147 : memref<!tpu.dma_semaphore, #tpu.memory_space<semaphore_mem>>)
        %dma_wait3A = arith.constant 78 : i32
        %dma_wait3A_160 = arith.constant 0 : i32
        %dma_wait3A_161 = tpu.memref_slice %arg6[%dma_wait3A, %dma_wait3A_160] : memref<79x128xi32, #tpu.memory_space<vmem>> -> memref<1x128xi32, #tpu.memory_space<vmem>>
        %dma_wait3A_162 = arith.constant 0 : i32
        %dma_wait3A_163 = tpu.memref_slice %arg2[%run_scoped3A_143, %add3A_142, %dma_wait3A_162] : memref<2x2500x128xi32, #tpu.memory_space<hbm>> -> memref<1x1x128xi32, #tpu.memory_space<hbm>>
        %dma_wait3A_164 = tpu.memref_squeeze %dma_wait3A_163 : memref<1x1x128xi32, #tpu.memory_space<hbm>> -> memref<1x128xi32, #tpu.memory_space<hbm>>
        %dma_wait3A_165 = arith.constant 78 : i32
        %dma_wait3A_166 = arith.constant 0 : i32
        %dma_wait3A_167 = tpu.memref_slice %arg6[%dma_wait3A_165, %dma_wait3A_166] : memref<79x128xi32, #tpu.memory_space<vmem>> -> memref<1x128xi32, #tpu.memory_space<vmem>>
        %dma_wait3A_168 = arith.constant 0 : i32
        %dma_wait3A_169 = tpu.memref_slice %arg2[%run_scoped3A_143, %add3A_142, %dma_wait3A_168] : memref<2x2500x128xi32, #tpu.memory_space<hbm>> -> memref<1x1x128xi32, #tpu.memory_space<hbm>>
        %dma_wait3A_170 = tpu.memref_squeeze %dma_wait3A_169 : memref<1x1x128xi32, #tpu.memory_space<hbm>> -> memref<1x128xi32, #tpu.memory_space<hbm>>
        tpu.wait_dma2 semaphore(%run_scoped3A_147 : memref<!tpu.dma_semaphore, #tpu.memory_space<semaphore_mem>>) src(%dma_wait3A_170 : memref<1x128xi32, #tpu.memory_space<hbm>>) dst(%dma_wait3A_167 : memref<1x128xi32, #tpu.memory_space<vmem>>)
        tpu.yield
      }) : () -> ()
      %add3A_144 = arith.constant 78 : i32
      %add3A_145 = arith.addi %add3A_12, %add3A_144 : i32
      %run_scoped3A_146 = arith.constant 1 : i32
      "tpu.region"() ({
        %run_scoped3A_147 = tpu.sem_alloc : memref<!tpu.dma_semaphore, #tpu.memory_space<semaphore_mem>>
        %dma_start3A_148 = arith.constant 78 : i32
        %dma_start3A_149 = arith.constant 0 : i32
        %dma_start3A_150 = tpu.memref_slice %arg7[%dma_start3A_148, %dma_start3A_149] : memref<79x128xi32, #tpu.memory_space<vmem>> -> memref<1x128xi32, #tpu.memory_space<vmem>>
        %dma_start3A_151 = arith.constant 0 : i32
        %dma_start3A_152 = tpu.memref_slice %arg2[%run_scoped3A_146, %add3A_145, %dma_start3A_151] : memref<2x2500x128xi32, #tpu.memory_space<hbm>> -> memref<1x1x128xi32, #tpu.memory_space<hbm>>
        %dma_start3A_153 = tpu.memref_squeeze %dma_start3A_152 : memref<1x1x128xi32, #tpu.memory_space<hbm>> -> memref<1x128xi32, #tpu.memory_space<hbm>>
        %dma_start3A_154 = arith.constant 78 : i32
        %dma_start3A_155 = arith.constant 0 : i32
        %dma_start3A_156 = tpu.memref_slice %arg7[%dma_start3A_154, %dma_start3A_155] : memref<79x128xi32, #tpu.memory_space<vmem>> -> memref<1x128xi32, #tpu.memory_space<vmem>>
        %dma_start3A_157 = arith.constant 0 : i32
        %dma_start3A_158 = tpu.memref_slice %arg2[%run_scoped3A_146, %add3A_145, %dma_start3A_157] : memref<2x2500x128xi32, #tpu.memory_space<hbm>> -> memref<1x1x128xi32, #tpu.memory_space<hbm>>
        %dma_start3A_159 = tpu.memref_squeeze %dma_start3A_158 : memref<1x1x128xi32, #tpu.memory_space<hbm>> -> memref<1x128xi32, #tpu.memory_space<hbm>>
        tpu.enqueue_dma source(%dma_start3A_159 : memref<1x128xi32, #tpu.memory_space<hbm>>) target(%dma_start3A_156 : memref<1x128xi32, #tpu.memory_space<vmem>>) target_semaphore(%run_scoped3A_147 : memref<!tpu.dma_semaphore, #tpu.memory_space<semaphore_mem>>)
        %dma_wait3A = arith.constant 78 : i32
        %dma_wait3A_160 = arith.constant 0 : i32
        %dma_wait3A_161 = tpu.memref_slice %arg7[%dma_wait3A, %dma_wait3A_160] : memref<79x128xi32, #tpu.memory_space<vmem>> -> memref<1x128xi32, #tpu.memory_space<vmem>>
        %dma_wait3A_162 = arith.constant 0 : i32
        %dma_wait3A_163 = tpu.memref_slice %arg2[%run_scoped3A_146, %add3A_145, %dma_wait3A_162] : memref<2x2500x128xi32, #tpu.memory_space<hbm>> -> memref<1x1x128xi32, #tpu.memory_space<hbm>>
        %dma_wait3A_164 = tpu.memref_squeeze %dma_wait3A_163 : memref<1x1x128xi32, #tpu.memory_space<hbm>> -> memref<1x128xi32, #tpu.memory_space<hbm>>
        %dma_wait3A_165 = arith.constant 78 : i32
        %dma_wait3A_166 = arith.constant 0 : i32
        %dma_wait3A_167 = tpu.memref_slice %arg7[%dma_wait3A_165, %dma_wait3A_166] : memref<79x128xi32, #tpu.memory_space<vmem>> -> memref<1x128xi32, #tpu.memory_space<vmem>>
        %dma_wait3A_168 = arith.constant 0 : i32
        %dma_wait3A_169 = tpu.memref_slice %arg2[%run_scoped3A_146, %add3A_145, %dma_wait3A_168] : memref<2x2500x128xi32, #tpu.memory_space<hbm>> -> memref<1x1x128xi32, #tpu.memory_space<hbm>>
        %dma_wait3A_170 = tpu.memref_squeeze %dma_wait3A_169 : memref<1x1x128xi32, #tpu.memory_space<hbm>> -> memref<1x128xi32, #tpu.memory_space<hbm>>
        tpu.wait_dma2 semaphore(%run_scoped3A_147 : memref<!tpu.dma_semaphore, #tpu.memory_space<semaphore_mem>>) src(%dma_wait3A_170 : memref<1x128xi32, #tpu.memory_space<hbm>>) dst(%dma_wait3A_167 : memref<1x128xi32, #tpu.memory_space<vmem>>)
        tpu.yield
      }) : () -> ()
    } else {
    }
    %barrier3A = arith.constant 0 : index
    tpu.barrier barrier_id(%barrier3A)
    %dma_start3A = arith.constant 0 : i32
    %dma_start3A_21 = arith.constant 0 : i32
    %dma_start3A_22 = arith.constant 0 : i32
    %dma_start3A_23 = arith.constant 0 : i32
    %dma_start3A_24 = tpu.memref_slice %arg8[%dma_start3A_21, %dma_start3A_22, %dma_start3A_23] : memref<16x128x32xf32, #tpu.memory_space<vmem>> -> memref<1x128x32xf32, #tpu.memory_space<vmem>>
    %dma_start3A_25 = tpu.memref_squeeze %dma_start3A_24 : memref<1x128x32xf32, #tpu.memory_space<vmem>> -> memref<128x32xf32, #tpu.memory_space<vmem>>
    %dma_start3A_26 = arith.constant 0 : i32
    %dma_start3A_27 = tpu.memref_slice %arg6[%dma_start3A, %dma_start3A_26] : memref<79x128xi32, #tpu.memory_space<vmem>> -> memref<1x128xi32, #tpu.memory_space<vmem>>
    %dma_start3A_28 = tpu.memref_squeeze %dma_start3A_27 : memref<1x128xi32, #tpu.memory_space<vmem>> -> memref<128xi32, #tpu.memory_space<vmem>>
    %dma_start3A_29 = arith.constant 0 : i32
    %dma_start3A_30 = arith.constant 0 : i32
    %dma_start3A_31 = tpu.memref_slice %arg10[%dma_start3A_29, %dma_start3A_30] : memref<10240x32xf32, #tpu.memory_space<vmem_shared>> -> memref<10240x32xf32, #tpu.memory_space<vmem_shared>>
    tpu.enqueue_indirect_dma source(%dma_start3A_31 : memref<10240x32xf32, #tpu.memory_space<vmem_shared>>) target(%dma_start3A_25 : memref<128x32xf32, #tpu.memory_space<vmem>>) offsets(%dma_start3A_28 : memref<128xi32, #tpu.memory_space<vmem>>) semaphore(%arg11 : memref<!tpu.dma_semaphore, #tpu.memory_space<semaphore_mem>>)
    %dma_start3A_32 = arith.constant 1 : i32
    %dma_start3A_33 = arith.constant 1 : i32
    %dma_start3A_34 = arith.constant 0 : i32
    %dma_start3A_35 = arith.constant 0 : i32
    %dma_start3A_36 = tpu.memref_slice %arg8[%dma_start3A_33, %dma_start3A_34, %dma_start3A_35] : memref<16x128x32xf32, #tpu.memory_space<vmem>> -> memref<1x128x32xf32, #tpu.memory_space<vmem>>
    %dma_start3A_37 = tpu.memref_squeeze %dma_start3A_36 : memref<1x128x32xf32, #tpu.memory_space<vmem>> -> memref<128x32xf32, #tpu.memory_space<vmem>>
    %dma_start3A_38 = arith.constant 0 : i32
    %dma_start3A_39 = tpu.memref_slice %arg6[%dma_start3A_32, %dma_start3A_38] : memref<79x128xi32, #tpu.memory_space<vmem>> -> memref<1x128xi32, #tpu.memory_space<vmem>>
    %dma_start3A_40 = tpu.memref_squeeze %dma_start3A_39 : memref<1x128xi32, #tpu.memory_space<vmem>> -> memref<128xi32, #tpu.memory_space<vmem>>
    %dma_start3A_41 = arith.constant 0 : i32
    %dma_start3A_42 = arith.constant 0 : i32
    %dma_start3A_43 = tpu.memref_slice %arg10[%dma_start3A_41, %dma_start3A_42] : memref<10240x32xf32, #tpu.memory_space<vmem_shared>> -> memref<10240x32xf32, #tpu.memory_space<vmem_shared>>
    tpu.enqueue_indirect_dma source(%dma_start3A_43 : memref<10240x32xf32, #tpu.memory_space<vmem_shared>>) target(%dma_start3A_37 : memref<128x32xf32, #tpu.memory_space<vmem>>) offsets(%dma_start3A_40 : memref<128xi32, #tpu.memory_space<vmem>>) semaphore(%arg11 : memref<!tpu.dma_semaphore, #tpu.memory_space<semaphore_mem>>)
    %dma_start3A_44 = arith.constant 2 : i32
    %dma_start3A_45 = arith.constant 2 : i32
    %dma_start3A_46 = arith.constant 0 : i32
    %dma_start3A_47 = arith.constant 0 : i32
    %dma_start3A_48 = tpu.memref_slice %arg8[%dma_start3A_45, %dma_start3A_46, %dma_start3A_47] : memref<16x128x32xf32, #tpu.memory_space<vmem>> -> memref<1x128x32xf32, #tpu.memory_space<vmem>>
    %dma_start3A_49 = tpu.memref_squeeze %dma_start3A_48 : memref<1x128x32xf32, #tpu.memory_space<vmem>> -> memref<128x32xf32, #tpu.memory_space<vmem>>
    %dma_start3A_50 = arith.constant 0 : i32
    %dma_start3A_51 = tpu.memref_slice %arg6[%dma_start3A_44, %dma_start3A_50] : memref<79x128xi32, #tpu.memory_space<vmem>> -> memref<1x128xi32, #tpu.memory_space<vmem>>
    %dma_start3A_52 = tpu.memref_squeeze %dma_start3A_51 : memref<1x128xi32, #tpu.memory_space<vmem>> -> memref<128xi32, #tpu.memory_space<vmem>>
    %dma_start3A_53 = arith.constant 0 : i32
    %dma_start3A_54 = arith.constant 0 : i32
    %dma_start3A_55 = tpu.memref_slice %arg10[%dma_start3A_53, %dma_start3A_54] : memref<10240x32xf32, #tpu.memory_space<vmem_shared>> -> memref<10240x32xf32, #tpu.memory_space<vmem_shared>>
    tpu.enqueue_indirect_dma source(%dma_start3A_55 : memref<10240x32xf32, #tpu.memory_space<vmem_shared>>) target(%dma_start3A_49 : memref<128x32xf32, #tpu.memory_space<vmem>>) offsets(%dma_start3A_52 : memref<128xi32, #tpu.memory_space<vmem>>) semaphore(%arg11 : memref<!tpu.dma_semaphore, #tpu.memory_space<semaphore_mem>>)
    %dma_start3A_56 = arith.constant 3 : i32
    %dma_start3A_57 = arith.constant 3 : i32
    %dma_start3A_58 = arith.constant 0 : i32
    %dma_start3A_59 = arith.constant 0 : i32
    %dma_start3A_60 = tpu.memref_slice %arg8[%dma_start3A_57, %dma_start3A_58, %dma_start3A_59] : memref<16x128x32xf32, #tpu.memory_space<vmem>> -> memref<1x128x32xf32, #tpu.memory_space<vmem>>
    %dma_start3A_61 = tpu.memref_squeeze %dma_start3A_60 : memref<1x128x32xf32, #tpu.memory_space<vmem>> -> memref<128x32xf32, #tpu.memory_space<vmem>>
    %dma_start3A_62 = arith.constant 0 : i32
    %dma_start3A_63 = tpu.memref_slice %arg6[%dma_start3A_56, %dma_start3A_62] : memref<79x128xi32, #tpu.memory_space<vmem>> -> memref<1x128xi32, #tpu.memory_space<vmem>>
    %dma_start3A_64 = tpu.memref_squeeze %dma_start3A_63 : memref<1x128xi32, #tpu.memory_space<vmem>> -> memref<128xi32, #tpu.memory_space<vmem>>
    %dma_start3A_65 = arith.constant 0 : i32
    %dma_start3A_66 = arith.constant 0 : i32
    %dma_start3A_67 = tpu.memref_slice %arg10[%dma_start3A_65, %dma_start3A_66] : memref<10240x32xf32, #tpu.memory_space<vmem_shared>> -> memref<10240x32xf32, #tpu.memory_space<vmem_shared>>
    tpu.enqueue_indirect_dma source(%dma_start3A_67 : memref<10240x32xf32, #tpu.memory_space<vmem_shared>>) target(%dma_start3A_61 : memref<128x32xf32, #tpu.memory_space<vmem>>) offsets(%dma_start3A_64 : memref<128xi32, #tpu.memory_space<vmem>>) semaphore(%arg11 : memref<!tpu.dma_semaphore, #tpu.memory_space<semaphore_mem>>)
    %dma_start3A_68 = arith.constant 4 : i32
    %dma_start3A_69 = arith.constant 4 : i32
    %dma_start3A_70 = arith.constant 0 : i32
    %dma_start3A_71 = arith.constant 0 : i32
    %dma_start3A_72 = tpu.memref_slice %arg8[%dma_start3A_69, %dma_start3A_70, %dma_start3A_71] : memref<16x128x32xf32, #tpu.memory_space<vmem>> -> memref<1x128x32xf32, #tpu.memory_space<vmem>>
    %dma_start3A_73 = tpu.memref_squeeze %dma_start3A_72 : memref<1x128x32xf32, #tpu.memory_space<vmem>> -> memref<128x32xf32, #tpu.memory_space<vmem>>
    %dma_start3A_74 = arith.constant 0 : i32
    %dma_start3A_75 = tpu.memref_slice %arg6[%dma_start3A_68, %dma_start3A_74] : memref<79x128xi32, #tpu.memory_space<vmem>> -> memref<1x128xi32, #tpu.memory_space<vmem>>
    %dma_start3A_76 = tpu.memref_squeeze %dma_start3A_75 : memref<1x128xi32, #tpu.memory_space<vmem>> -> memref<128xi32, #tpu.memory_space<vmem>>
    %dma_start3A_77 = arith.constant 0 : i32
    %dma_start3A_78 = arith.constant 0 : i32
    %dma_start3A_79 = tpu.memref_slice %arg10[%dma_start3A_77, %dma_start3A_78] : memref<10240x32xf32, #tpu.memory_space<vmem_shared>> -> memref<10240x32xf32, #tpu.memory_space<vmem_shared>>
    tpu.enqueue_indirect_dma source(%dma_start3A_79 : memref<10240x32xf32, #tpu.memory_space<vmem_shared>>) target(%dma_start3A_73 : memref<128x32xf32, #tpu.memory_space<vmem>>) offsets(%dma_start3A_76 : memref<128xi32, #tpu.memory_space<vmem>>) semaphore(%arg11 : memref<!tpu.dma_semaphore, #tpu.memory_space<semaphore_mem>>)
    %dma_start3A_80 = arith.constant 5 : i32
    %dma_start3A_81 = arith.constant 5 : i32
    %dma_start3A_82 = arith.constant 0 : i32
    %dma_start3A_83 = arith.constant 0 : i32
    %dma_start3A_84 = tpu.memref_slice %arg8[%dma_start3A_81, %dma_start3A_82, %dma_start3A_83] : memref<16x128x32xf32, #tpu.memory_space<vmem>> -> memref<1x128x32xf32, #tpu.memory_space<vmem>>
    %dma_start3A_85 = tpu.memref_squeeze %dma_start3A_84 : memref<1x128x32xf32, #tpu.memory_space<vmem>> -> memref<128x32xf32, #tpu.memory_space<vmem>>
    %dma_start3A_86 = arith.constant 0 : i32
    %dma_start3A_87 = tpu.memref_slice %arg6[%dma_start3A_80, %dma_start3A_86] : memref<79x128xi32, #tpu.memory_space<vmem>> -> memref<1x128xi32, #tpu.memory_space<vmem>>
    %dma_start3A_88 = tpu.memref_squeeze %dma_start3A_87 : memref<1x128xi32, #tpu.memory_space<vmem>> -> memref<128xi32, #tpu.memory_space<vmem>>
    %dma_start3A_89 = arith.constant 0 : i32
    %dma_start3A_90 = arith.constant 0 : i32
    %dma_start3A_91 = tpu.memref_slice %arg10[%dma_start3A_89, %dma_start3A_90] : memref<10240x32xf32, #tpu.memory_space<vmem_shared>> -> memref<10240x32xf32, #tpu.memory_space<vmem_shared>>
    tpu.enqueue_indirect_dma source(%dma_start3A_91 : memref<10240x32xf32, #tpu.memory_space<vmem_shared>>) target(%dma_start3A_85 : memref<128x32xf32, #tpu.memory_space<vmem>>) offsets(%dma_start3A_88 : memref<128xi32, #tpu.memory_space<vmem>>) semaphore(%arg11 : memref<!tpu.dma_semaphore, #tpu.memory_space<semaphore_mem>>)
    %dma_start3A_92 = arith.constant 6 : i32
    %dma_start3A_93 = arith.constant 6 : i32
    %dma_start3A_94 = arith.constant 0 : i32
    %dma_start3A_95 = arith.constant 0 : i32
    %dma_start3A_96 = tpu.memref_slice %arg8[%dma_start3A_93, %dma_start3A_94, %dma_start3A_95] : memref<16x128x32xf32, #tpu.memory_space<vmem>> -> memref<1x128x32xf32, #tpu.memory_space<vmem>>
    %dma_start3A_97 = tpu.memref_squeeze %dma_start3A_96 : memref<1x128x32xf32, #tpu.memory_space<vmem>> -> memref<128x32xf32, #tpu.memory_space<vmem>>
    %dma_start3A_98 = arith.constant 0 : i32
    %dma_start3A_99 = tpu.memref_slice %arg6[%dma_start3A_92, %dma_start3A_98] : memref<79x128xi32, #tpu.memory_space<vmem>> -> memref<1x128xi32, #tpu.memory_space<vmem>>
    %dma_start3A_100 = tpu.memref_squeeze %dma_start3A_99 : memref<1x128xi32, #tpu.memory_space<vmem>> -> memref<128xi32, #tpu.memory_space<vmem>>
    %dma_start3A_101 = arith.constant 0 : i32
    %dma_start3A_102 = arith.constant 0 : i32
    %dma_start3A_103 = tpu.memref_slice %arg10[%dma_start3A_101, %dma_start3A_102] : memref<10240x32xf32, #tpu.memory_space<vmem_shared>> -> memref<10240x32xf32, #tpu.memory_space<vmem_shared>>
    tpu.enqueue_indirect_dma source(%dma_start3A_103 : memref<10240x32xf32, #tpu.memory_space<vmem_shared>>) target(%dma_start3A_97 : memref<128x32xf32, #tpu.memory_space<vmem>>) offsets(%dma_start3A_100 : memref<128xi32, #tpu.memory_space<vmem>>) semaphore(%arg11 : memref<!tpu.dma_semaphore, #tpu.memory_space<semaphore_mem>>)
    %dma_start3A_104 = arith.constant 7 : i32
    %dma_start3A_105 = arith.constant 7 : i32
    %dma_start3A_106 = arith.constant 0 : i32
    %dma_start3A_107 = arith.constant 0 : i32
    %dma_start3A_108 = tpu.memref_slice %arg8[%dma_start3A_105, %dma_start3A_106, %dma_start3A_107] : memref<16x128x32xf32, #tpu.memory_space<vmem>> -> memref<1x128x32xf32, #tpu.memory_space<vmem>>
    %dma_start3A_109 = tpu.memref_squeeze %dma_start3A_108 : memref<1x128x32xf32, #tpu.memory_space<vmem>> -> memref<128x32xf32, #tpu.memory_space<vmem>>
    %dma_start3A_110 = arith.constant 0 : i32
    %dma_start3A_111 = tpu.memref_slice %arg6[%dma_start3A_104, %dma_start3A_110] : memref<79x128xi32, #tpu.memory_space<vmem>> -> memref<1x128xi32, #tpu.memory_space<vmem>>
    %dma_start3A_112 = tpu.memref_squeeze %dma_start3A_111 : memref<1x128xi32, #tpu.memory_space<vmem>> -> memref<128xi32, #tpu.memory_space<vmem>>
    %dma_start3A_113 = arith.constant 0 : i32
    %dma_start3A_114 = arith.constant 0 : i32
    %dma_start3A_115 = tpu.memref_slice %arg10[%dma_start3A_113, %dma_start3A_114] : memref<10240x32xf32, #tpu.memory_space<vmem_shared>> -> memref<10240x32xf32, #tpu.memory_space<vmem_shared>>
    tpu.enqueue_indirect_dma source(%dma_start3A_115 : memref<10240x32xf32, #tpu.memory_space<vmem_shared>>) target(%dma_start3A_109 : memref<128x32xf32, #tpu.memory_space<vmem>>) offsets(%dma_start3A_112 : memref<128xi32, #tpu.memory_space<vmem>>) semaphore(%arg11 : memref<!tpu.dma_semaphore, #tpu.memory_space<semaphore_mem>>)
    %while3A = arith.constant 0 : i32
    %while3A_116 = arith.constant 0 : i32
    %while3A_117 = arith.subi %add3A_16, %while3A_116 : i32
    %while3A_118 = arith.addi %while3A_116, %while3A_117 : i32
    %while3A_119 = arith.constant 1 : i32
    %while3A_120 = arith.divsi %while3A_117, %while3A_119 : i32
    %while3A_121 = arith.muli %while3A_120, %while3A_119 : i32
    %while3A_122 = arith.addi %while3A_116, %while3A_121 : i32
    %while3A_123 = arith.constant 1 : i32
    scf.for %while3A_141 = %while3A_116 to %while3A_122 step %while3A_123  : i32 {
      %rem3A = arith.constant 16 : i32
      %rem3A_142 = arith.remsi %while3A_141, %rem3A : i32
      %dma_wait3A = arith.constant 0 : i32
      %dma_wait3A_143 = arith.constant 0 : i32
      %dma_wait3A_144 = tpu.memref_slice %arg8[%rem3A_142, %dma_wait3A, %dma_wait3A_143] : memref<16x128x32xf32, #tpu.memory_space<vmem>> -> memref<1x128x32xf32, #tpu.memory_space<vmem>>
      %dma_wait3A_145 = tpu.memref_squeeze %dma_wait3A_144 : memref<1x128x32xf32, #tpu.memory_space<vmem>> -> memref<128x32xf32, #tpu.memory_space<vmem>>
      %dma_wait3A_146 = arith.constant 0 : i32
      %dma_wait3A_147 = tpu.memref_slice %arg6[%while3A_141, %dma_wait3A_146] : memref<79x128xi32, #tpu.memory_space<vmem>> -> memref<1x128xi32, #tpu.memory_space<vmem>>
      %dma_wait3A_148 = tpu.memref_squeeze %dma_wait3A_147 : memref<1x128xi32, #tpu.memory_space<vmem>> -> memref<128xi32, #tpu.memory_space<vmem>>
      %dma_wait3A_149 = arith.constant 0 : i32
      %dma_wait3A_150 = arith.constant 0 : i32
      %dma_wait3A_151 = tpu.memref_slice %arg10[%dma_wait3A_149, %dma_wait3A_150] : memref<10240x32xf32, #tpu.memory_space<vmem_shared>> -> memref<10240x32xf32, #tpu.memory_space<vmem_shared>>
      tpu.wait_indirect_dma semaphore(%arg11 : memref<!tpu.dma_semaphore, #tpu.memory_space<semaphore_mem>>) src(%dma_wait3A_151 : memref<10240x32xf32, #tpu.memory_space<vmem_shared>>) dst(%dma_wait3A_145 : memref<128x32xf32, #tpu.memory_space<vmem>>)
      %dma_start3A_152 = arith.constant 0 : i32
      %dma_start3A_153 = arith.constant 0 : i32
      %dma_start3A_154 = tpu.memref_slice %arg8[%rem3A_142, %dma_start3A_152, %dma_start3A_153] : memref<16x128x32xf32, #tpu.memory_space<vmem>> -> memref<1x128x32xf32, #tpu.memory_space<vmem>>
      %dma_start3A_155 = tpu.memref_squeeze %dma_start3A_154 : memref<1x128x32xf32, #tpu.memory_space<vmem>> -> memref<128x32xf32, #tpu.memory_space<vmem>>
      %dma_start3A_156 = arith.constant 0 : i32
      %dma_start3A_157 = tpu.memref_slice %arg7[%while3A_141, %dma_start3A_156] : memref<79x128xi32, #tpu.memory_space<vmem>> -> memref<1x128xi32, #tpu.memory_space<vmem>>
      %dma_start3A_158 = tpu.memref_squeeze %dma_start3A_157 : memref<1x128xi32, #tpu.memory_space<vmem>> -> memref<128xi32, #tpu.memory_space<vmem>>
      %dma_start3A_159 = arith.constant 0 : i32
      %dma_start3A_160 = arith.constant 0 : i32
      %dma_start3A_161 = tpu.memref_slice %arg9[%dma_start3A_159, %dma_start3A_160] : memref<10240x32xf32, #tpu.memory_space<vmem_shared>> -> memref<10240x32xf32, #tpu.memory_space<vmem_shared>>
      tpu.enqueue_indirect_dma source(%dma_start3A_155 : memref<128x32xf32, #tpu.memory_space<vmem>>) target(%dma_start3A_161 : memref<10240x32xf32, #tpu.memory_space<vmem_shared>>) offsets(%dma_start3A_158 : memref<128xi32, #tpu.memory_space<vmem>>) semaphore(%arg12 : memref<!tpu.dma_semaphore, #tpu.memory_space<semaphore_mem>>) {add = true}
      %ge3A = arith.constant 8 : i32
      %ge3A_162 = arith.cmpi sge, %while3A_141, %ge3A : i32
      %convert_element_type3A_163 = arith.extui %ge3A_162 : i1 to i32
      %cond3A_164 = arith.constant 0 : i32
      %cond3A_165 = arith.cmpi ne, %convert_element_type3A_163, %cond3A_164 : i32
      scf.if %cond3A_165 {
        %sub3A_172 = arith.constant 8 : i32
        %sub3A_173 = arith.subi %while3A_141, %sub3A_172 : i32
        %rem3A_174 = arith.constant 16 : i32
        %rem3A_175 = arith.remsi %sub3A_173, %rem3A_174 : i32
        %dma_wait3A_176 = arith.constant 0 : i32
        %dma_wait3A_177 = arith.constant 0 : i32
        %dma_wait3A_178 = tpu.memref_slice %arg8[%rem3A_175, %dma_wait3A_176, %dma_wait3A_177] : memref<16x128x32xf32, #tpu.memory_space<vmem>> -> memref<1x128x32xf32, #tpu.memory_space<vmem>>
        %dma_wait3A_179 = tpu.memref_squeeze %dma_wait3A_178 : memref<1x128x32xf32, #tpu.memory_space<vmem>> -> memref<128x32xf32, #tpu.memory_space<vmem>>
        %dma_wait3A_180 = arith.constant 0 : i32
        %dma_wait3A_181 = tpu.memref_slice %arg7[%sub3A_173, %dma_wait3A_180] : memref<79x128xi32, #tpu.memory_space<vmem>> -> memref<1x128xi32, #tpu.memory_space<vmem>>
        %dma_wait3A_182 = tpu.memref_squeeze %dma_wait3A_181 : memref<1x128xi32, #tpu.memory_space<vmem>> -> memref<128xi32, #tpu.memory_space<vmem>>
        %dma_wait3A_183 = arith.constant 0 : i32
        %dma_wait3A_184 = arith.constant 0 : i32
        %dma_wait3A_185 = tpu.memref_slice %arg9[%dma_wait3A_183, %dma_wait3A_184] : memref<10240x32xf32, #tpu.memory_space<vmem_shared>> -> memref<10240x32xf32, #tpu.memory_space<vmem_shared>>
        tpu.wait_indirect_dma semaphore(%arg12 : memref<!tpu.dma_semaphore, #tpu.memory_space<semaphore_mem>>) src(%dma_wait3A_179 : memref<128x32xf32, #tpu.memory_space<vmem>>) dst(%dma_wait3A_185 : memref<10240x32xf32, #tpu.memory_space<vmem_shared>>)
      } else {
      }
      %add3A_166 = arith.constant 8 : i32
      %add3A_167 = arith.addi %while3A_141, %add3A_166 : i32
      %lt3A_168 = arith.cmpi slt, %add3A_167, %add3A_16 : i32
      %convert_element_type3A_169 = arith.extui %lt3A_168 : i1 to i32
      %cond3A_170 = arith.constant 0 : i32
      %cond3A_171 = arith.cmpi ne, %convert_element_type3A_169, %cond3A_170 : i32
      scf.if %cond3A_171 {
        %add3A_172 = arith.constant 8 : i32
        %add3A_173 = arith.addi %while3A_141, %add3A_172 : i32
        %add3A_174 = arith.constant 8 : i32
        %add3A_175 = arith.addi %while3A_141, %add3A_174 : i32
        %rem3A_176 = arith.constant 16 : i32
        %rem3A_177 = arith.remsi %add3A_175, %rem3A_176 : i32
        %dma_start3A_178 = arith.constant 0 : i32
        %dma_start3A_179 = arith.constant 0 : i32
        %dma_start3A_180 = tpu.memref_slice %arg8[%rem3A_177, %dma_start3A_178, %dma_start3A_179] : memref<16x128x32xf32, #tpu.memory_space<vmem>> -> memref<1x128x32xf32, #tpu.memory_space<vmem>>
        %dma_start3A_181 = tpu.memref_squeeze %dma_start3A_180 : memref<1x128x32xf32, #tpu.memory_space<vmem>> -> memref<128x32xf32, #tpu.memory_space<vmem>>
        %dma_start3A_182 = arith.constant 0 : i32
        %dma_start3A_183 = tpu.memref_slice %arg6[%add3A_173, %dma_start3A_182] : memref<79x128xi32, #tpu.memory_space<vmem>> -> memref<1x128xi32, #tpu.memory_space<vmem>>
        %dma_start3A_184 = tpu.memref_squeeze %dma_start3A_183 : memref<1x128xi32, #tpu.memory_space<vmem>> -> memref<128xi32, #tpu.memory_space<vmem>>
        %dma_start3A_185 = arith.constant 0 : i32
        %dma_start3A_186 = arith.constant 0 : i32
        %dma_start3A_187 = tpu.memref_slice %arg10[%dma_start3A_185, %dma_start3A_186] : memref<10240x32xf32, #tpu.memory_space<vmem_shared>> -> memref<10240x32xf32, #tpu.memory_space<vmem_shared>>
        tpu.enqueue_indirect_dma source(%dma_start3A_187 : memref<10240x32xf32, #tpu.memory_space<vmem_shared>>) target(%dma_start3A_181 : memref<128x32xf32, #tpu.memory_space<vmem>>) offsets(%dma_start3A_184 : memref<128xi32, #tpu.memory_space<vmem>>) semaphore(%arg11 : memref<!tpu.dma_semaphore, #tpu.memory_space<semaphore_mem>>)
      } else {
      }
    }
    %while3A_124 = arith.constant 1 : i32
    scf.for %while3A_141 = %while3A_122 to %while3A_118 step %while3A_124  : i32 {
      %rem3A = arith.constant 16 : i32
      %rem3A_142 = arith.remsi %while3A_141, %rem3A : i32
      %dma_wait3A = arith.constant 0 : i32
      %dma_wait3A_143 = arith.constant 0 : i32
      %dma_wait3A_144 = tpu.memref_slice %arg8[%rem3A_142, %dma_wait3A, %dma_wait3A_143] : memref<16x128x32xf32, #tpu.memory_space<vmem>> -> memref<1x128x32xf32, #tpu.memory_space<vmem>>
      %dma_wait3A_145 = tpu.memref_squeeze %dma_wait3A_144 : memref<1x128x32xf32, #tpu.memory_space<vmem>> -> memref<128x32xf32, #tpu.memory_space<vmem>>
      %dma_wait3A_146 = arith.constant 0 : i32
      %dma_wait3A_147 = tpu.memref_slice %arg6[%while3A_141, %dma_wait3A_146] : memref<79x128xi32, #tpu.memory_space<vmem>> -> memref<1x128xi32, #tpu.memory_space<vmem>>
      %dma_wait3A_148 = tpu.memref_squeeze %dma_wait3A_147 : memref<1x128xi32, #tpu.memory_space<vmem>> -> memref<128xi32, #tpu.memory_space<vmem>>
      %dma_wait3A_149 = arith.constant 0 : i32
      %dma_wait3A_150 = arith.constant 0 : i32
      %dma_wait3A_151 = tpu.memref_slice %arg10[%dma_wait3A_149, %dma_wait3A_150] : memref<10240x32xf32, #tpu.memory_space<vmem_shared>> -> memref<10240x32xf32, #tpu.memory_space<vmem_shared>>
      tpu.wait_indirect_dma semaphore(%arg11 : memref<!tpu.dma_semaphore, #tpu.memory_space<semaphore_mem>>) src(%dma_wait3A_151 : memref<10240x32xf32, #tpu.memory_space<vmem_shared>>) dst(%dma_wait3A_145 : memref<128x32xf32, #tpu.memory_space<vmem>>)
      %dma_start3A_152 = arith.constant 0 : i32
      %dma_start3A_153 = arith.constant 0 : i32
      %dma_start3A_154 = tpu.memref_slice %arg8[%rem3A_142, %dma_start3A_152, %dma_start3A_153] : memref<16x128x32xf32, #tpu.memory_space<vmem>> -> memref<1x128x32xf32, #tpu.memory_space<vmem>>
      %dma_start3A_155 = tpu.memref_squeeze %dma_start3A_154 : memref<1x128x32xf32, #tpu.memory_space<vmem>> -> memref<128x32xf32, #tpu.memory_space<vmem>>
      %dma_start3A_156 = arith.constant 0 : i32
      %dma_start3A_157 = tpu.memref_slice %arg7[%while3A_141, %dma_start3A_156] : memref<79x128xi32, #tpu.memory_space<vmem>> -> memref<1x128xi32, #tpu.memory_space<vmem>>
      %dma_start3A_158 = tpu.memref_squeeze %dma_start3A_157 : memref<1x128xi32, #tpu.memory_space<vmem>> -> memref<128xi32, #tpu.memory_space<vmem>>
      %dma_start3A_159 = arith.constant 0 : i32
      %dma_start3A_160 = arith.constant 0 : i32
      %dma_start3A_161 = tpu.memref_slice %arg9[%dma_start3A_159, %dma_start3A_160] : memref<10240x32xf32, #tpu.memory_space<vmem_shared>> -> memref<10240x32xf32, #tpu.memory_space<vmem_shared>>
      tpu.enqueue_indirect_dma source(%dma_start3A_155 : memref<128x32xf32, #tpu.memory_space<vmem>>) target(%dma_start3A_161 : memref<10240x32xf32, #tpu.memory_space<vmem_shared>>) offsets(%dma_start3A_158 : memref<128xi32, #tpu.memory_space<vmem>>) semaphore(%arg12 : memref<!tpu.dma_semaphore, #tpu.memory_space<semaphore_mem>>) {add = true}
      %ge3A = arith.constant 8 : i32
      %ge3A_162 = arith.cmpi sge, %while3A_141, %ge3A : i32
      %convert_element_type3A_163 = arith.extui %ge3A_162 : i1 to i32
      %cond3A_164 = arith.constant 0 : i32
      %cond3A_165 = arith.cmpi ne, %convert_element_type3A_163, %cond3A_164 : i32
      scf.if %cond3A_165 {
        %sub3A_172 = arith.constant 8 : i32
        %sub3A_173 = arith.subi %while3A_141, %sub3A_172 : i32
        %rem3A_174 = arith.constant 16 : i32
        %rem3A_175 = arith.remsi %sub3A_173, %rem3A_174 : i32
        %dma_wait3A_176 = arith.constant 0 : i32
        %dma_wait3A_177 = arith.constant 0 : i32
        %dma_wait3A_178 = tpu.memref_slice %arg8[%rem3A_175, %dma_wait3A_176, %dma_wait3A_177] : memref<16x128x32xf32, #tpu.memory_space<vmem>> -> memref<1x128x32xf32, #tpu.memory_space<vmem>>
        %dma_wait3A_179 = tpu.memref_squeeze %dma_wait3A_178 : memref<1x128x32xf32, #tpu.memory_space<vmem>> -> memref<128x32xf32, #tpu.memory_space<vmem>>
        %dma_wait3A_180 = arith.constant 0 : i32
        %dma_wait3A_181 = tpu.memref_slice %arg7[%sub3A_173, %dma_wait3A_180] : memref<79x128xi32, #tpu.memory_space<vmem>> -> memref<1x128xi32, #tpu.memory_space<vmem>>
        %dma_wait3A_182 = tpu.memref_squeeze %dma_wait3A_181 : memref<1x128xi32, #tpu.memory_space<vmem>> -> memref<128xi32, #tpu.memory_space<vmem>>
        %dma_wait3A_183 = arith.constant 0 : i32
        %dma_wait3A_184 = arith.constant 0 : i32
        %dma_wait3A_185 = tpu.memref_slice %arg9[%dma_wait3A_183, %dma_wait3A_184] : memref<10240x32xf32, #tpu.memory_space<vmem_shared>> -> memref<10240x32xf32, #tpu.memory_space<vmem_shared>>
        tpu.wait_indirect_dma semaphore(%arg12 : memref<!tpu.dma_semaphore, #tpu.memory_space<semaphore_mem>>) src(%dma_wait3A_179 : memref<128x32xf32, #tpu.memory_space<vmem>>) dst(%dma_wait3A_185 : memref<10240x32xf32, #tpu.memory_space<vmem_shared>>)
      } else {
      }
      %add3A_166 = arith.constant 8 : i32
      %add3A_167 = arith.addi %while3A_141, %add3A_166 : i32
      %lt3A_168 = arith.cmpi slt, %add3A_167, %add3A_16 : i32
      %convert_element_type3A_169 = arith.extui %lt3A_168 : i1 to i32
      %cond3A_170 = arith.constant 0 : i32
      %cond3A_171 = arith.cmpi ne, %convert_element_type3A_169, %cond3A_170 : i32
      scf.if %cond3A_171 {
        %add3A_172 = arith.constant 8 : i32
        %add3A_173 = arith.addi %while3A_141, %add3A_172 : i32
        %add3A_174 = arith.constant 8 : i32
        %add3A_175 = arith.addi %while3A_141, %add3A_174 : i32
        %rem3A_176 = arith.constant 16 : i32
        %rem3A_177 = arith.remsi %add3A_175, %rem3A_176 : i32
        %dma_start3A_178 = arith.constant 0 : i32
        %dma_start3A_179 = arith.constant 0 : i32
        %dma_start3A_180 = tpu.memref_slice %arg8[%rem3A_177, %dma_start3A_178, %dma_start3A_179] : memref<16x128x32xf32, #tpu.memory_space<vmem>> -> memref<1x128x32xf32, #tpu.memory_space<vmem>>
        %dma_start3A_181 = tpu.memref_squeeze %dma_start3A_180 : memref<1x128x32xf32, #tpu.memory_space<vmem>> -> memref<128x32xf32, #tpu.memory_space<vmem>>
        %dma_start3A_182 = arith.constant 0 : i32
        %dma_start3A_183 = tpu.memref_slice %arg6[%add3A_173, %dma_start3A_182] : memref<79x128xi32, #tpu.memory_space<vmem>> -> memref<1x128xi32, #tpu.memory_space<vmem>>
        %dma_start3A_184 = tpu.memref_squeeze %dma_start3A_183 : memref<1x128xi32, #tpu.memory_space<vmem>> -> memref<128xi32, #tpu.memory_space<vmem>>
        %dma_start3A_185 = arith.constant 0 : i32
        %dma_start3A_186 = arith.constant 0 : i32
        %dma_start3A_187 = tpu.memref_slice %arg10[%dma_start3A_185, %dma_start3A_186] : memref<10240x32xf32, #tpu.memory_space<vmem_shared>> -> memref<10240x32xf32, #tpu.memory_space<vmem_shared>>
        tpu.enqueue_indirect_dma source(%dma_start3A_187 : memref<10240x32xf32, #tpu.memory_space<vmem_shared>>) target(%dma_start3A_181 : memref<128x32xf32, #tpu.memory_space<vmem>>) offsets(%dma_start3A_184 : memref<128xi32, #tpu.memory_space<vmem>>) semaphore(%arg11 : memref<!tpu.dma_semaphore, #tpu.memory_space<semaphore_mem>>)
      } else {
      }
    }
    %sub3A = arith.constant 8 : i32
    %sub3A_125 = arith.subi %add3A_16, %sub3A : i32
    %max3A = arith.constant 0 : i32
    %max3A_126 = arith.maxsi %sub3A_125, %max3A : i32
    %while3A_127 = arith.constant 0 : i32
    %while3A_128 = arith.subi %add3A_16, %max3A_126 : i32
    %while3A_129 = arith.addi %max3A_126, %while3A_128 : i32
    %while3A_130 = arith.constant 1 : i32
    %while3A_131 = arith.divsi %while3A_128, %while3A_130 : i32
    %while3A_132 = arith.muli %while3A_131, %while3A_130 : i32
    %while3A_133 = arith.addi %max3A_126, %while3A_132 : i32
    %while3A_134 = arith.constant 1 : i32
    scf.for %while3A_141 = %max3A_126 to %while3A_133 step %while3A_134  : i32 {
      %rem3A = arith.constant 16 : i32
      %rem3A_142 = arith.remsi %while3A_141, %rem3A : i32
      %dma_wait3A = arith.constant 0 : i32
      %dma_wait3A_143 = arith.constant 0 : i32
      %dma_wait3A_144 = tpu.memref_slice %arg8[%rem3A_142, %dma_wait3A, %dma_wait3A_143] : memref<16x128x32xf32, #tpu.memory_space<vmem>> -> memref<1x128x32xf32, #tpu.memory_space<vmem>>
      %dma_wait3A_145 = tpu.memref_squeeze %dma_wait3A_144 : memref<1x128x32xf32, #tpu.memory_space<vmem>> -> memref<128x32xf32, #tpu.memory_space<vmem>>
      %dma_wait3A_146 = arith.constant 0 : i32
      %dma_wait3A_147 = tpu.memref_slice %arg7[%while3A_141, %dma_wait3A_146] : memref<79x128xi32, #tpu.memory_space<vmem>> -> memref<1x128xi32, #tpu.memory_space<vmem>>
      %dma_wait3A_148 = tpu.memref_squeeze %dma_wait3A_147 : memref<1x128xi32, #tpu.memory_space<vmem>> -> memref<128xi32, #tpu.memory_space<vmem>>
      %dma_wait3A_149 = arith.constant 0 : i32
      %dma_wait3A_150 = arith.constant 0 : i32
      %dma_wait3A_151 = tpu.memref_slice %arg9[%dma_wait3A_149, %dma_wait3A_150] : memref<10240x32xf32, #tpu.memory_space<vmem_shared>> -> memref<10240x32xf32, #tpu.memory_space<vmem_shared>>
      tpu.wait_indirect_dma semaphore(%arg12 : memref<!tpu.dma_semaphore, #tpu.memory_space<semaphore_mem>>) src(%dma_wait3A_145 : memref<128x32xf32, #tpu.memory_space<vmem>>) dst(%dma_wait3A_151 : memref<10240x32xf32, #tpu.memory_space<vmem_shared>>)
    }
    %while3A_135 = arith.constant 1 : i32
    scf.for %while3A_141 = %while3A_133 to %while3A_129 step %while3A_135  : i32 {
      %rem3A = arith.constant 16 : i32
      %rem3A_142 = arith.remsi %while3A_141, %rem3A : i32
      %dma_wait3A = arith.constant 0 : i32
      %dma_wait3A_143 = arith.constant 0 : i32
      %dma_wait3A_144 = tpu.memref_slice %arg8[%rem3A_142, %dma_wait3A, %dma_wait3A_143] : memref<16x128x32xf32, #tpu.memory_space<vmem>> -> memref<1x128x32xf32, #tpu.memory_space<vmem>>
      %dma_wait3A_145 = tpu.memref_squeeze %dma_wait3A_144 : memref<1x128x32xf32, #tpu.memory_space<vmem>> -> memref<128x32xf32, #tpu.memory_space<vmem>>
      %dma_wait3A_146 = arith.constant 0 : i32
      %dma_wait3A_147 = tpu.memref_slice %arg7[%while3A_141, %dma_wait3A_146] : memref<79x128xi32, #tpu.memory_space<vmem>> -> memref<1x128xi32, #tpu.memory_space<vmem>>
      %dma_wait3A_148 = tpu.memref_squeeze %dma_wait3A_147 : memref<1x128xi32, #tpu.memory_space<vmem>> -> memref<128xi32, #tpu.memory_space<vmem>>
      %dma_wait3A_149 = arith.constant 0 : i32
      %dma_wait3A_150 = arith.constant 0 : i32
      %dma_wait3A_151 = tpu.memref_slice %arg9[%dma_wait3A_149, %dma_wait3A_150] : memref<10240x32xf32, #tpu.memory_space<vmem_shared>> -> memref<10240x32xf32, #tpu.memory_space<vmem_shared>>
      tpu.wait_indirect_dma semaphore(%arg12 : memref<!tpu.dma_semaphore, #tpu.memory_space<semaphore_mem>>) src(%dma_wait3A_145 : memref<128x32xf32, #tpu.memory_space<vmem>>) dst(%dma_wait3A_151 : memref<10240x32xf32, #tpu.memory_space<vmem_shared>>)
    }
    %barrier3A_136 = arith.constant 0 : index
    tpu.barrier barrier_id(%barrier3A_136)
    %mul3A_137 = arith.constant 640 : i32
    %mul3A_138 = arith.muli %arg1, %mul3A_137 : i32
    %mul3A_139 = arith.constant 640 : i32
    %mul3A_140 = arith.muli %arg1, %mul3A_139 : i32
    "tpu.region"() ({
      %run_scoped3A_141 = tpu.sem_alloc : memref<!tpu.dma_semaphore, #tpu.memory_space<semaphore_mem>>
      %dma_start3A_142 = arith.constant 0 : i32
      %dma_start3A_143 = tpu.memref_slice %arg5[%arg0, %mul3A_140, %dma_start3A_142] : memref<2x10240x32xf32, #tpu.memory_space<hbm>> -> memref<1x640x32xf32, #tpu.memory_space<hbm>>
      %dma_start3A_144 = tpu.memref_squeeze %dma_start3A_143 : memref<1x640x32xf32, #tpu.memory_space<hbm>> -> memref<640x32xf32, #tpu.memory_space<hbm>>
      %dma_start3A_145 = arith.constant 0 : i32
      %dma_start3A_146 = tpu.memref_slice %arg9[%mul3A_138, %dma_start3A_145] : memref<10240x32xf32, #tpu.memory_space<vmem_shared>> -> memref<640x32xf32, #tpu.memory_space<vmem_shared>>
      tpu.enqueue_dma source(%dma_start3A_146 : memref<640x32xf32, #tpu.memory_space<vmem_shared>>) target(%dma_start3A_144 : memref<640x32xf32, #tpu.memory_space<hbm>>) target_semaphore(%run_scoped3A_141 : memref<!tpu.dma_semaphore, #tpu.memory_space<semaphore_mem>>)
      %dma_wait3A = arith.constant 0 : i32
      %dma_wait3A_147 = tpu.memref_slice %arg5[%arg0, %mul3A_140, %dma_wait3A] : memref<2x10240x32xf32, #tpu.memory_space<hbm>> -> memref<1x640x32xf32, #tpu.memory_space<hbm>>
      %dma_wait3A_148 = tpu.memref_squeeze %dma_wait3A_147 : memref<1x640x32xf32, #tpu.memory_space<hbm>> -> memref<640x32xf32, #tpu.memory_space<hbm>>
      %dma_wait3A_149 = arith.constant 0 : i32
      %dma_wait3A_150 = tpu.memref_slice %arg9[%mul3A_138, %dma_wait3A_149] : memref<10240x32xf32, #tpu.memory_space<vmem_shared>> -> memref<640x32xf32, #tpu.memory_space<vmem_shared>>
      tpu.wait_dma2 semaphore(%run_scoped3A_141 : memref<!tpu.dma_semaphore, #tpu.memory_space<semaphore_mem>>) src(%dma_wait3A_150 : memref<640x32xf32, #tpu.memory_space<vmem_shared>>) dst(%dma_wait3A_148 : memref<640x32xf32, #tpu.memory_space<hbm>>)
      tpu.yield
    }) : () -> ()
    return
  }
}

#map = affine_map<(d0, d1) -> (0, 0, 0)>
#map1 = affine_map<(d0, d1) -> (0, 0)>
module attributes {stable_mosaic.version = 14 : i64} {
  func.func @_segsum_body(%arg0: i32, %arg1: i32, %arg2: memref<2x2500x128xi32, #tpu.memory_space<hbm>>, %arg3: memref<10240x32xf32, #tpu.memory_space<hbm>>, %arg4: memref<10240x32xf32, #tpu.memory_space<hbm>>, %arg5: memref<2x10240x32xf32, #tpu.memory_space<hbm>>, %arg6: memref<79x128xi32, #tpu.memory_space<vmem>>, %arg7: memref<79x128xi32, #tpu.memory_space<vmem>>, %arg8: memref<16x128x32xf32, #tpu.memory_space<vmem>>, %arg9: memref<10240x32xf32, #tpu.memory_space<vmem_shared>>, %arg10: memref<10240x32xf32, #tpu.memory_space<vmem_shared>>, %arg11: memref<!tpu.dma_semaphore, #tpu.memory_space<semaphore_mem>>, %arg12: memref<!tpu.dma_semaphore, #tpu.memory_space<semaphore_mem>>) attributes {dimension_semantics = [#tpu.dimension_semantics<core_parallel>, #tpu.dimension_semantics<subcore_parallel>], iteration_bounds = array<i64: 2, 16>, scalar_prefetch = 0 : i64, scratch_operands = 7 : i64, tpu.core_type = #tpu.core_type<sc_vector_subcore>, window_params = [{transform_indices = #map}, {transform_indices = #map1}, {transform_indices = #map1}, {transform_indices = #map}]} {
    %mul3A = arith.constant 16 : i32
    %mul3A_0 = arith.muli %arg0, %mul3A : i32
    %add3A = arith.addi %mul3A_0, %arg1 : i32
    %mul3A_1 = arith.constant 640 : i32
    %mul3A_2 = arith.muli %arg1, %mul3A_1 : i32
    %mul3A_3 = arith.constant 640 : i32
    %mul3A_4 = arith.muli %arg1, %mul3A_3 : i32
    "tpu.region"() ({
      %run_scoped3A_141 = tpu.sem_alloc : memref<!tpu.dma_semaphore, #tpu.memory_space<semaphore_mem>>
      %dma_start3A_142 = arith.constant 0 : i32
      %dma_start3A_143 = tpu.memref_slice %arg9[%mul3A_4, %dma_start3A_142] : memref<10240x32xf32, #tpu.memory_space<vmem_shared>> -> memref<640x32xf32, #tpu.memory_space<vmem_shared>>
      %dma_start3A_144 = arith.constant 0 : i32
      %dma_start3A_145 = tpu.memref_slice %arg4[%mul3A_2, %dma_start3A_144] : memref<10240x32xf32, #tpu.memory_space<hbm>> -> memref<640x32xf32, #tpu.memory_space<hbm>>
      tpu.enqueue_dma source(%dma_start3A_145 : memref<640x32xf32, #tpu.memory_space<hbm>>) target(%dma_start3A_143 : memref<640x32xf32, #tpu.memory_space<vmem_shared>>) target_semaphore(%run_scoped3A_141 : memref<!tpu.dma_semaphore, #tpu.memory_space<semaphore_mem>>)
      %dma_wait3A = arith.constant 0 : i32
      %dma_wait3A_146 = tpu.memref_slice %arg9[%mul3A_4, %dma_wait3A] : memref<10240x32xf32, #tpu.memory_space<vmem_shared>> -> memref<640x32xf32, #tpu.memory_space<vmem_shared>>
      %dma_wait3A_147 = arith.constant 0 : i32
      %dma_wait3A_148 = tpu.memref_slice %arg4[%mul3A_2, %dma_wait3A_147] : memref<10240x32xf32, #tpu.memory_space<hbm>> -> memref<640x32xf32, #tpu.memory_space<hbm>>
      tpu.wait_dma2 semaphore(%run_scoped3A_141 : memref<!tpu.dma_semaphore, #tpu.memory_space<semaphore_mem>>) src(%dma_wait3A_148 : memref<640x32xf32, #tpu.memory_space<hbm>>) dst(%dma_wait3A_146 : memref<640x32xf32, #tpu.memory_space<vmem_shared>>)
      tpu.yield
    }) : () -> ()
    %mul3A_5 = arith.constant 640 : i32
    %mul3A_6 = arith.muli %arg1, %mul3A_5 : i32
    %mul3A_7 = arith.constant 640 : i32
    %mul3A_8 = arith.muli %arg1, %mul3A_7 : i32
    "tpu.region"() ({
      %run_scoped3A_141 = tpu.sem_alloc : memref<!tpu.dma_semaphore, #tpu.memory_space<semaphore_mem>>
      %dma_start3A_142 = arith.constant 0 : i32
      %dma_start3A_143 = tpu.memref_slice %arg10[%mul3A_8, %dma_start3A_142] : memref<10240x32xf32, #tpu.memory_space<vmem_shared>> -> memref<640x32xf32, #tpu.memory_space<vmem_shared>>
      %dma_start3A_144 = arith.constant 0 : i32
      %dma_start3A_145 = tpu.memref_slice %arg3[%mul3A_6, %dma_start3A_144] : memref<10240x32xf32, #tpu.memory_space<hbm>> -> memref<640x32xf32, #tpu.memory_space<hbm>>
      tpu.enqueue_dma source(%dma_start3A_145 : memref<640x32xf32, #tpu.memory_space<hbm>>) target(%dma_start3A_143 : memref<640x32xf32, #tpu.memory_space<vmem_shared>>) target_semaphore(%run_scoped3A_141 : memref<!tpu.dma_semaphore, #tpu.memory_space<semaphore_mem>>)
      %dma_wait3A = arith.constant 0 : i32
      %dma_wait3A_146 = tpu.memref_slice %arg10[%mul3A_8, %dma_wait3A] : memref<10240x32xf32, #tpu.memory_space<vmem_shared>> -> memref<640x32xf32, #tpu.memory_space<vmem_shared>>
      %dma_wait3A_147 = arith.constant 0 : i32
      %dma_wait3A_148 = tpu.memref_slice %arg3[%mul3A_6, %dma_wait3A_147] : memref<10240x32xf32, #tpu.memory_space<hbm>> -> memref<640x32xf32, #tpu.memory_space<hbm>>
      tpu.wait_dma2 semaphore(%run_scoped3A_141 : memref<!tpu.dma_semaphore, #tpu.memory_space<semaphore_mem>>) src(%dma_wait3A_148 : memref<640x32xf32, #tpu.memory_space<hbm>>) dst(%dma_wait3A_146 : memref<640x32xf32, #tpu.memory_space<vmem_shared>>)
      tpu.yield
    }) : () -> ()
    %mul3A_9 = arith.constant 78 : i32
    %mul3A_10 = arith.muli %mul3A_9, %add3A : i32
    %min3A = arith.constant 4 : i32
    %min3A_11 = arith.minsi %add3A, %min3A : i32
    %add3A_12 = arith.addi %mul3A_10, %min3A_11 : i32
    %lt3A = arith.constant 4 : i32
    %lt3A_13 = arith.cmpi slt, %add3A, %lt3A : i32
    %jit3A = arith.constant 1 : i32
    %jit3A_14 = arith.constant 0 : i32
    %select_n3A = arith.select %lt3A_13, %jit3A, %jit3A_14 : i32
    %add3A_15 = arith.constant 78 : i32
    %add3A_16 = arith.addi %add3A_15, %select_n3A : i32
    %run_scoped3A = arith.constant 0 : i32
    "tpu.region"() ({
      %run_scoped3A_141 = tpu.sem_alloc : memref<!tpu.dma_semaphore, #tpu.memory_space<semaphore_mem>>
      %dma_start3A_142 = arith.constant 0 : i32
      %dma_start3A_143 = arith.constant 0 : i32
      %dma_start3A_144 = tpu.memref_slice %arg6[%dma_start3A_142, %dma_start3A_143] : memref<79x128xi32, #tpu.memory_space<vmem>> -> memref<78x128xi32, #tpu.memory_space<vmem>>
      %dma_start3A_145 = arith.constant 0 : i32
      %dma_start3A_146 = tpu.memref_slice %arg2[%run_scoped3A, %add3A_12, %dma_start3A_145] : memref<2x2500x128xi32, #tpu.memory_space<hbm>> -> memref<1x78x128xi32, #tpu.memory_space<hbm>>
      %dma_start3A_147 = tpu.memref_squeeze %dma_start3A_146 : memref<1x78x128xi32, #tpu.memory_space<hbm>> -> memref<78x128xi32, #tpu.memory_space<hbm>>
      %dma_start3A_148 = arith.constant 0 : i32
      %dma_start3A_149 = arith.constant 0 : i32
      %dma_start3A_150 = tpu.memref_slice %arg6[%dma_start3A_148, %dma_start3A_149] : memref<79x128xi32, #tpu.memory_space<vmem>> -> memref<78x128xi32, #tpu.memory_space<vmem>>
      %dma_start3A_151 = arith.constant 0 : i32
      %dma_start3A_152 = tpu.memref_slice %arg2[%run_scoped3A, %add3A_12, %dma_start3A_151] : memref<2x2500x128xi32, #tpu.memory_space<hbm>> -> memref<1x78x128xi32, #tpu.memory_space<hbm>>
      %dma_start3A_153 = tpu.memref_squeeze %dma_start3A_152 : memref<1x78x128xi32, #tpu.memory_space<hbm>> -> memref<78x128xi32, #tpu.memory_space<hbm>>
      tpu.enqueue_dma source(%dma_start3A_153 : memref<78x128xi32, #tpu.memory_space<hbm>>) target(%dma_start3A_150 : memref<78x128xi32, #tpu.memory_space<vmem>>) target_semaphore(%run_scoped3A_141 : memref<!tpu.dma_semaphore, #tpu.memory_space<semaphore_mem>>)
      %dma_wait3A = arith.constant 0 : i32
      %dma_wait3A_154 = arith.constant 0 : i32
      %dma_wait3A_155 = tpu.memref_slice %arg6[%dma_wait3A, %dma_wait3A_154] : memref<79x128xi32, #tpu.memory_space<vmem>> -> memref<78x128xi32, #tpu.memory_space<vmem>>
      %dma_wait3A_156 = arith.constant 0 : i32
      %dma_wait3A_157 = tpu.memref_slice %arg2[%run_scoped3A, %add3A_12, %dma_wait3A_156] : memref<2x2500x128xi32, #tpu.memory_space<hbm>> -> memref<1x78x128xi32, #tpu.memory_space<hbm>>
      %dma_wait3A_158 = tpu.memref_squeeze %dma_wait3A_157 : memref<1x78x128xi32, #tpu.memory_space<hbm>> -> memref<78x128xi32, #tpu.memory_space<hbm>>
      %dma_wait3A_159 = arith.constant 0 : i32
      %dma_wait3A_160 = arith.constant 0 : i32
      %dma_wait3A_161 = tpu.memref_slice %arg6[%dma_wait3A_159, %dma_wait3A_160] : memref<79x128xi32, #tpu.memory_space<vmem>> -> memref<78x128xi32, #tpu.memory_space<vmem>>
      %dma_wait3A_162 = arith.constant 0 : i32
      %dma_wait3A_163 = tpu.memref_slice %arg2[%run_scoped3A, %add3A_12, %dma_wait3A_162] : memref<2x2500x128xi32, #tpu.memory_space<hbm>> -> memref<1x78x128xi32, #tpu.memory_space<hbm>>
      %dma_wait3A_164 = tpu.memref_squeeze %dma_wait3A_163 : memref<1x78x128xi32, #tpu.memory_space<hbm>> -> memref<78x128xi32, #tpu.memory_space<hbm>>
      tpu.wait_dma2 semaphore(%run_scoped3A_141 : memref<!tpu.dma_semaphore, #tpu.memory_space<semaphore_mem>>) src(%dma_wait3A_164 : memref<78x128xi32, #tpu.memory_space<hbm>>) dst(%dma_wait3A_161 : memref<78x128xi32, #tpu.memory_space<vmem>>)
      tpu.yield
    }) : () -> ()
    %run_scoped3A_17 = arith.constant 1 : i32
    "tpu.region"() ({
      %run_scoped3A_141 = tpu.sem_alloc : memref<!tpu.dma_semaphore, #tpu.memory_space<semaphore_mem>>
      %dma_start3A_142 = arith.constant 0 : i32
      %dma_start3A_143 = arith.constant 0 : i32
      %dma_start3A_144 = tpu.memref_slice %arg7[%dma_start3A_142, %dma_start3A_143] : memref<79x128xi32, #tpu.memory_space<vmem>> -> memref<78x128xi32, #tpu.memory_space<vmem>>
      %dma_start3A_145 = arith.constant 0 : i32
      %dma_start3A_146 = tpu.memref_slice %arg2[%run_scoped3A_17, %add3A_12, %dma_start3A_145] : memref<2x2500x128xi32, #tpu.memory_space<hbm>> -> memref<1x78x128xi32, #tpu.memory_space<hbm>>
      %dma_start3A_147 = tpu.memref_squeeze %dma_start3A_146 : memref<1x78x128xi32, #tpu.memory_space<hbm>> -> memref<78x128xi32, #tpu.memory_space<hbm>>
      %dma_start3A_148 = arith.constant 0 : i32
      %dma_start3A_149 = arith.constant 0 : i32
      %dma_start3A_150 = tpu.memref_slice %arg7[%dma_start3A_148, %dma_start3A_149] : memref<79x128xi32, #tpu.memory_space<vmem>> -> memref<78x128xi32, #tpu.memory_space<vmem>>
      %dma_start3A_151 = arith.constant 0 : i32
      %dma_start3A_152 = tpu.memref_slice %arg2[%run_scoped3A_17, %add3A_12, %dma_start3A_151] : memref<2x2500x128xi32, #tpu.memory_space<hbm>> -> memref<1x78x128xi32, #tpu.memory_space<hbm>>
      %dma_start3A_153 = tpu.memref_squeeze %dma_start3A_152 : memref<1x78x128xi32, #tpu.memory_space<hbm>> -> memref<78x128xi32, #tpu.memory_space<hbm>>
      tpu.enqueue_dma source(%dma_start3A_153 : memref<78x128xi32, #tpu.memory_space<hbm>>) target(%dma_start3A_150 : memref<78x128xi32, #tpu.memory_space<vmem>>) target_semaphore(%run_scoped3A_141 : memref<!tpu.dma_semaphore, #tpu.memory_space<semaphore_mem>>)
      %dma_wait3A = arith.constant 0 : i32
      %dma_wait3A_154 = arith.constant 0 : i32
      %dma_wait3A_155 = tpu.memref_slice %arg7[%dma_wait3A, %dma_wait3A_154] : memref<79x128xi32, #tpu.memory_space<vmem>> -> memref<78x128xi32, #tpu.memory_space<vmem>>
      %dma_wait3A_156 = arith.constant 0 : i32
      %dma_wait3A_157 = tpu.memref_slice %arg2[%run_scoped3A_17, %add3A_12, %dma_wait3A_156] : memref<2x2500x128xi32, #tpu.memory_space<hbm>> -> memref<1x78x128xi32, #tpu.memory_space<hbm>>
      %dma_wait3A_158 = tpu.memref_squeeze %dma_wait3A_157 : memref<1x78x128xi32, #tpu.memory_space<hbm>> -> memref<78x128xi32, #tpu.memory_space<hbm>>
      %dma_wait3A_159 = arith.constant 0 : i32
      %dma_wait3A_160 = arith.constant 0 : i32
      %dma_wait3A_161 = tpu.memref_slice %arg7[%dma_wait3A_159, %dma_wait3A_160] : memref<79x128xi32, #tpu.memory_space<vmem>> -> memref<78x128xi32, #tpu.memory_space<vmem>>
      %dma_wait3A_162 = arith.constant 0 : i32
      %dma_wait3A_163 = tpu.memref_slice %arg2[%run_scoped3A_17, %add3A_12, %dma_wait3A_162] : memref<2x2500x128xi32, #tpu.memory_space<hbm>> -> memref<1x78x128xi32, #tpu.memory_space<hbm>>
      %dma_wait3A_164 = tpu.memref_squeeze %dma_wait3A_163 : memref<1x78x128xi32, #tpu.memory_space<hbm>> -> memref<78x128xi32, #tpu.memory_space<hbm>>
      tpu.wait_dma2 semaphore(%run_scoped3A_141 : memref<!tpu.dma_semaphore, #tpu.memory_space<semaphore_mem>>) src(%dma_wait3A_164 : memref<78x128xi32, #tpu.memory_space<hbm>>) dst(%dma_wait3A_161 : memref<78x128xi32, #tpu.memory_space<vmem>>)
      tpu.yield
    }) : () -> ()
    %lt3A_18 = arith.constant 4 : i32
    %lt3A_19 = arith.cmpi slt, %add3A, %lt3A_18 : i32
    %convert_element_type3A = arith.extui %lt3A_19 : i1 to i32
    %cond3A = arith.constant 0 : i32
    %cond3A_20 = arith.cmpi ne, %convert_element_type3A, %cond3A : i32
    scf.if %cond3A_20 {
      %add3A_141 = arith.constant 78 : i32
      %add3A_142 = arith.addi %add3A_12, %add3A_141 : i32
      %run_scoped3A_143 = arith.constant 0 : i32
      "tpu.region"() ({
        %run_scoped3A_147 = tpu.sem_alloc : memref<!tpu.dma_semaphore, #tpu.memory_space<semaphore_mem>>
        %dma_start3A_148 = arith.constant 78 : i32
        %dma_start3A_149 = arith.constant 0 : i32
        %dma_start3A_150 = tpu.memref_slice %arg6[%dma_start3A_148, %dma_start3A_149] : memref<79x128xi32, #tpu.memory_space<vmem>> -> memref<1x128xi32, #tpu.memory_space<vmem>>
        %dma_start3A_151 = arith.constant 0 : i32
        %dma_start3A_152 = tpu.memref_slice %arg2[%run_scoped3A_143, %add3A_142, %dma_start3A_151] : memref<2x2500x128xi32, #tpu.memory_space<hbm>> -> memref<1x1x128xi32, #tpu.memory_space<hbm>>
        %dma_start3A_153 = tpu.memref_squeeze %dma_start3A_152 : memref<1x1x128xi32, #tpu.memory_space<hbm>> -> memref<1x128xi32, #tpu.memory_space<hbm>>
        %dma_start3A_154 = arith.constant 78 : i32
        %dma_start3A_155 = arith.constant 0 : i32
        %dma_start3A_156 = tpu.memref_slice %arg6[%dma_start3A_154, %dma_start3A_155] : memref<79x128xi32, #tpu.memory_space<vmem>> -> memref<1x128xi32, #tpu.memory_space<vmem>>
        %dma_start3A_157 = arith.constant 0 : i32
        %dma_start3A_158 = tpu.memref_slice %arg2[%run_scoped3A_143, %add3A_142, %dma_start3A_157] : memref<2x2500x128xi32, #tpu.memory_space<hbm>> -> memref<1x1x128xi32, #tpu.memory_space<hbm>>
        %dma_start3A_159 = tpu.memref_squeeze %dma_start3A_158 : memref<1x1x128xi32, #tpu.memory_space<hbm>> -> memref<1x128xi32, #tpu.memory_space<hbm>>
        tpu.enqueue_dma source(%dma_start3A_159 : memref<1x128xi32, #tpu.memory_space<hbm>>) target(%dma_start3A_156 : memref<1x128xi32, #tpu.memory_space<vmem>>) target_semaphore(%run_scoped3A_147 : memref<!tpu.dma_semaphore, #tpu.memory_space<semaphore_mem>>)
        %dma_wait3A = arith.constant 78 : i32
        %dma_wait3A_160 = arith.constant 0 : i32
        %dma_wait3A_161 = tpu.memref_slice %arg6[%dma_wait3A, %dma_wait3A_160] : memref<79x128xi32, #tpu.memory_space<vmem>> -> memref<1x128xi32, #tpu.memory_space<vmem>>
        %dma_wait3A_162 = arith.constant 0 : i32
        %dma_wait3A_163 = tpu.memref_slice %arg2[%run_scoped3A_143, %add3A_142, %dma_wait3A_162] : memref<2x2500x128xi32, #tpu.memory_space<hbm>> -> memref<1x1x128xi32, #tpu.memory_space<hbm>>
        %dma_wait3A_164 = tpu.memref_squeeze %dma_wait3A_163 : memref<1x1x128xi32, #tpu.memory_space<hbm>> -> memref<1x128xi32, #tpu.memory_space<hbm>>
        %dma_wait3A_165 = arith.constant 78 : i32
        %dma_wait3A_166 = arith.constant 0 : i32
        %dma_wait3A_167 = tpu.memref_slice %arg6[%dma_wait3A_165, %dma_wait3A_166] : memref<79x128xi32, #tpu.memory_space<vmem>> -> memref<1x128xi32, #tpu.memory_space<vmem>>
        %dma_wait3A_168 = arith.constant 0 : i32
        %dma_wait3A_169 = tpu.memref_slice %arg2[%run_scoped3A_143, %add3A_142, %dma_wait3A_168] : memref<2x2500x128xi32, #tpu.memory_space<hbm>> -> memref<1x1x128xi32, #tpu.memory_space<hbm>>
        %dma_wait3A_170 = tpu.memref_squeeze %dma_wait3A_169 : memref<1x1x128xi32, #tpu.memory_space<hbm>> -> memref<1x128xi32, #tpu.memory_space<hbm>>
        tpu.wait_dma2 semaphore(%run_scoped3A_147 : memref<!tpu.dma_semaphore, #tpu.memory_space<semaphore_mem>>) src(%dma_wait3A_170 : memref<1x128xi32, #tpu.memory_space<hbm>>) dst(%dma_wait3A_167 : memref<1x128xi32, #tpu.memory_space<vmem>>)
        tpu.yield
      }) : () -> ()
      %add3A_144 = arith.constant 78 : i32
      %add3A_145 = arith.addi %add3A_12, %add3A_144 : i32
      %run_scoped3A_146 = arith.constant 1 : i32
      "tpu.region"() ({
        %run_scoped3A_147 = tpu.sem_alloc : memref<!tpu.dma_semaphore, #tpu.memory_space<semaphore_mem>>
        %dma_start3A_148 = arith.constant 78 : i32
        %dma_start3A_149 = arith.constant 0 : i32
        %dma_start3A_150 = tpu.memref_slice %arg7[%dma_start3A_148, %dma_start3A_149] : memref<79x128xi32, #tpu.memory_space<vmem>> -> memref<1x128xi32, #tpu.memory_space<vmem>>
        %dma_start3A_151 = arith.constant 0 : i32
        %dma_start3A_152 = tpu.memref_slice %arg2[%run_scoped3A_146, %add3A_145, %dma_start3A_151] : memref<2x2500x128xi32, #tpu.memory_space<hbm>> -> memref<1x1x128xi32, #tpu.memory_space<hbm>>
        %dma_start3A_153 = tpu.memref_squeeze %dma_start3A_152 : memref<1x1x128xi32, #tpu.memory_space<hbm>> -> memref<1x128xi32, #tpu.memory_space<hbm>>
        %dma_start3A_154 = arith.constant 78 : i32
        %dma_start3A_155 = arith.constant 0 : i32
        %dma_start3A_156 = tpu.memref_slice %arg7[%dma_start3A_154, %dma_start3A_155] : memref<79x128xi32, #tpu.memory_space<vmem>> -> memref<1x128xi32, #tpu.memory_space<vmem>>
        %dma_start3A_157 = arith.constant 0 : i32
        %dma_start3A_158 = tpu.memref_slice %arg2[%run_scoped3A_146, %add3A_145, %dma_start3A_157] : memref<2x2500x128xi32, #tpu.memory_space<hbm>> -> memref<1x1x128xi32, #tpu.memory_space<hbm>>
        %dma_start3A_159 = tpu.memref_squeeze %dma_start3A_158 : memref<1x1x128xi32, #tpu.memory_space<hbm>> -> memref<1x128xi32, #tpu.memory_space<hbm>>
        tpu.enqueue_dma source(%dma_start3A_159 : memref<1x128xi32, #tpu.memory_space<hbm>>) target(%dma_start3A_156 : memref<1x128xi32, #tpu.memory_space<vmem>>) target_semaphore(%run_scoped3A_147 : memref<!tpu.dma_semaphore, #tpu.memory_space<semaphore_mem>>)
        %dma_wait3A = arith.constant 78 : i32
        %dma_wait3A_160 = arith.constant 0 : i32
        %dma_wait3A_161 = tpu.memref_slice %arg7[%dma_wait3A, %dma_wait3A_160] : memref<79x128xi32, #tpu.memory_space<vmem>> -> memref<1x128xi32, #tpu.memory_space<vmem>>
        %dma_wait3A_162 = arith.constant 0 : i32
        %dma_wait3A_163 = tpu.memref_slice %arg2[%run_scoped3A_146, %add3A_145, %dma_wait3A_162] : memref<2x2500x128xi32, #tpu.memory_space<hbm>> -> memref<1x1x128xi32, #tpu.memory_space<hbm>>
        %dma_wait3A_164 = tpu.memref_squeeze %dma_wait3A_163 : memref<1x1x128xi32, #tpu.memory_space<hbm>> -> memref<1x128xi32, #tpu.memory_space<hbm>>
        %dma_wait3A_165 = arith.constant 78 : i32
        %dma_wait3A_166 = arith.constant 0 : i32
        %dma_wait3A_167 = tpu.memref_slice %arg7[%dma_wait3A_165, %dma_wait3A_166] : memref<79x128xi32, #tpu.memory_space<vmem>> -> memref<1x128xi32, #tpu.memory_space<vmem>>
        %dma_wait3A_168 = arith.constant 0 : i32
        %dma_wait3A_169 = tpu.memref_slice %arg2[%run_scoped3A_146, %add3A_145, %dma_wait3A_168] : memref<2x2500x128xi32, #tpu.memory_space<hbm>> -> memref<1x1x128xi32, #tpu.memory_space<hbm>>
        %dma_wait3A_170 = tpu.memref_squeeze %dma_wait3A_169 : memref<1x1x128xi32, #tpu.memory_space<hbm>> -> memref<1x128xi32, #tpu.memory_space<hbm>>
        tpu.wait_dma2 semaphore(%run_scoped3A_147 : memref<!tpu.dma_semaphore, #tpu.memory_space<semaphore_mem>>) src(%dma_wait3A_170 : memref<1x128xi32, #tpu.memory_space<hbm>>) dst(%dma_wait3A_167 : memref<1x128xi32, #tpu.memory_space<vmem>>)
        tpu.yield
      }) : () -> ()
    } else {
    }
    %barrier3A = arith.constant 0 : index
    tpu.barrier barrier_id(%barrier3A)
    %dma_start3A = arith.constant 0 : i32
    %dma_start3A_21 = arith.constant 0 : i32
    %dma_start3A_22 = arith.constant 0 : i32
    %dma_start3A_23 = arith.constant 0 : i32
    %dma_start3A_24 = tpu.memref_slice %arg8[%dma_start3A_21, %dma_start3A_22, %dma_start3A_23] : memref<16x128x32xf32, #tpu.memory_space<vmem>> -> memref<1x128x32xf32, #tpu.memory_space<vmem>>
    %dma_start3A_25 = tpu.memref_squeeze %dma_start3A_24 : memref<1x128x32xf32, #tpu.memory_space<vmem>> -> memref<128x32xf32, #tpu.memory_space<vmem>>
    %dma_start3A_26 = arith.constant 0 : i32
    %dma_start3A_27 = tpu.memref_slice %arg6[%dma_start3A, %dma_start3A_26] : memref<79x128xi32, #tpu.memory_space<vmem>> -> memref<1x128xi32, #tpu.memory_space<vmem>>
    %dma_start3A_28 = tpu.memref_squeeze %dma_start3A_27 : memref<1x128xi32, #tpu.memory_space<vmem>> -> memref<128xi32, #tpu.memory_space<vmem>>
    %dma_start3A_29 = arith.constant 0 : i32
    %dma_start3A_30 = arith.constant 0 : i32
    %dma_start3A_31 = tpu.memref_slice %arg10[%dma_start3A_29, %dma_start3A_30] : memref<10240x32xf32, #tpu.memory_space<vmem_shared>> -> memref<10240x32xf32, #tpu.memory_space<vmem_shared>>
    tpu.enqueue_indirect_dma source(%dma_start3A_31 : memref<10240x32xf32, #tpu.memory_space<vmem_shared>>) target(%dma_start3A_25 : memref<128x32xf32, #tpu.memory_space<vmem>>) offsets(%dma_start3A_28 : memref<128xi32, #tpu.memory_space<vmem>>) semaphore(%arg11 : memref<!tpu.dma_semaphore, #tpu.memory_space<semaphore_mem>>)
    %dma_start3A_32 = arith.constant 1 : i32
    %dma_start3A_33 = arith.constant 1 : i32
    %dma_start3A_34 = arith.constant 0 : i32
    %dma_start3A_35 = arith.constant 0 : i32
    %dma_start3A_36 = tpu.memref_slice %arg8[%dma_start3A_33, %dma_start3A_34, %dma_start3A_35] : memref<16x128x32xf32, #tpu.memory_space<vmem>> -> memref<1x128x32xf32, #tpu.memory_space<vmem>>
    %dma_start3A_37 = tpu.memref_squeeze %dma_start3A_36 : memref<1x128x32xf32, #tpu.memory_space<vmem>> -> memref<128x32xf32, #tpu.memory_space<vmem>>
    %dma_start3A_38 = arith.constant 0 : i32
    %dma_start3A_39 = tpu.memref_slice %arg6[%dma_start3A_32, %dma_start3A_38] : memref<79x128xi32, #tpu.memory_space<vmem>> -> memref<1x128xi32, #tpu.memory_space<vmem>>
    %dma_start3A_40 = tpu.memref_squeeze %dma_start3A_39 : memref<1x128xi32, #tpu.memory_space<vmem>> -> memref<128xi32, #tpu.memory_space<vmem>>
    %dma_start3A_41 = arith.constant 0 : i32
    %dma_start3A_42 = arith.constant 0 : i32
    %dma_start3A_43 = tpu.memref_slice %arg10[%dma_start3A_41, %dma_start3A_42] : memref<10240x32xf32, #tpu.memory_space<vmem_shared>> -> memref<10240x32xf32, #tpu.memory_space<vmem_shared>>
    tpu.enqueue_indirect_dma source(%dma_start3A_43 : memref<10240x32xf32, #tpu.memory_space<vmem_shared>>) target(%dma_start3A_37 : memref<128x32xf32, #tpu.memory_space<vmem>>) offsets(%dma_start3A_40 : memref<128xi32, #tpu.memory_space<vmem>>) semaphore(%arg11 : memref<!tpu.dma_semaphore, #tpu.memory_space<semaphore_mem>>)
    %dma_start3A_44 = arith.constant 2 : i32
    %dma_start3A_45 = arith.constant 2 : i32
    %dma_start3A_46 = arith.constant 0 : i32
    %dma_start3A_47 = arith.constant 0 : i32
    %dma_start3A_48 = tpu.memref_slice %arg8[%dma_start3A_45, %dma_start3A_46, %dma_start3A_47] : memref<16x128x32xf32, #tpu.memory_space<vmem>> -> memref<1x128x32xf32, #tpu.memory_space<vmem>>
    %dma_start3A_49 = tpu.memref_squeeze %dma_start3A_48 : memref<1x128x32xf32, #tpu.memory_space<vmem>> -> memref<128x32xf32, #tpu.memory_space<vmem>>
    %dma_start3A_50 = arith.constant 0 : i32
    %dma_start3A_51 = tpu.memref_slice %arg6[%dma_start3A_44, %dma_start3A_50] : memref<79x128xi32, #tpu.memory_space<vmem>> -> memref<1x128xi32, #tpu.memory_space<vmem>>
    %dma_start3A_52 = tpu.memref_squeeze %dma_start3A_51 : memref<1x128xi32, #tpu.memory_space<vmem>> -> memref<128xi32, #tpu.memory_space<vmem>>
    %dma_start3A_53 = arith.constant 0 : i32
    %dma_start3A_54 = arith.constant 0 : i32
    %dma_start3A_55 = tpu.memref_slice %arg10[%dma_start3A_53, %dma_start3A_54] : memref<10240x32xf32, #tpu.memory_space<vmem_shared>> -> memref<10240x32xf32, #tpu.memory_space<vmem_shared>>
    tpu.enqueue_indirect_dma source(%dma_start3A_55 : memref<10240x32xf32, #tpu.memory_space<vmem_shared>>) target(%dma_start3A_49 : memref<128x32xf32, #tpu.memory_space<vmem>>) offsets(%dma_start3A_52 : memref<128xi32, #tpu.memory_space<vmem>>) semaphore(%arg11 : memref<!tpu.dma_semaphore, #tpu.memory_space<semaphore_mem>>)
    %dma_start3A_56 = arith.constant 3 : i32
    %dma_start3A_57 = arith.constant 3 : i32
    %dma_start3A_58 = arith.constant 0 : i32
    %dma_start3A_59 = arith.constant 0 : i32
    %dma_start3A_60 = tpu.memref_slice %arg8[%dma_start3A_57, %dma_start3A_58, %dma_start3A_59] : memref<16x128x32xf32, #tpu.memory_space<vmem>> -> memref<1x128x32xf32, #tpu.memory_space<vmem>>
    %dma_start3A_61 = tpu.memref_squeeze %dma_start3A_60 : memref<1x128x32xf32, #tpu.memory_space<vmem>> -> memref<128x32xf32, #tpu.memory_space<vmem>>
    %dma_start3A_62 = arith.constant 0 : i32
    %dma_start3A_63 = tpu.memref_slice %arg6[%dma_start3A_56, %dma_start3A_62] : memref<79x128xi32, #tpu.memory_space<vmem>> -> memref<1x128xi32, #tpu.memory_space<vmem>>
    %dma_start3A_64 = tpu.memref_squeeze %dma_start3A_63 : memref<1x128xi32, #tpu.memory_space<vmem>> -> memref<128xi32, #tpu.memory_space<vmem>>
    %dma_start3A_65 = arith.constant 0 : i32
    %dma_start3A_66 = arith.constant 0 : i32
    %dma_start3A_67 = tpu.memref_slice %arg10[%dma_start3A_65, %dma_start3A_66] : memref<10240x32xf32, #tpu.memory_space<vmem_shared>> -> memref<10240x32xf32, #tpu.memory_space<vmem_shared>>
    tpu.enqueue_indirect_dma source(%dma_start3A_67 : memref<10240x32xf32, #tpu.memory_space<vmem_shared>>) target(%dma_start3A_61 : memref<128x32xf32, #tpu.memory_space<vmem>>) offsets(%dma_start3A_64 : memref<128xi32, #tpu.memory_space<vmem>>) semaphore(%arg11 : memref<!tpu.dma_semaphore, #tpu.memory_space<semaphore_mem>>)
    %dma_start3A_68 = arith.constant 4 : i32
    %dma_start3A_69 = arith.constant 4 : i32
    %dma_start3A_70 = arith.constant 0 : i32
    %dma_start3A_71 = arith.constant 0 : i32
    %dma_start3A_72 = tpu.memref_slice %arg8[%dma_start3A_69, %dma_start3A_70, %dma_start3A_71] : memref<16x128x32xf32, #tpu.memory_space<vmem>> -> memref<1x128x32xf32, #tpu.memory_space<vmem>>
    %dma_start3A_73 = tpu.memref_squeeze %dma_start3A_72 : memref<1x128x32xf32, #tpu.memory_space<vmem>> -> memref<128x32xf32, #tpu.memory_space<vmem>>
    %dma_start3A_74 = arith.constant 0 : i32
    %dma_start3A_75 = tpu.memref_slice %arg6[%dma_start3A_68, %dma_start3A_74] : memref<79x128xi32, #tpu.memory_space<vmem>> -> memref<1x128xi32, #tpu.memory_space<vmem>>
    %dma_start3A_76 = tpu.memref_squeeze %dma_start3A_75 : memref<1x128xi32, #tpu.memory_space<vmem>> -> memref<128xi32, #tpu.memory_space<vmem>>
    %dma_start3A_77 = arith.constant 0 : i32
    %dma_start3A_78 = arith.constant 0 : i32
    %dma_start3A_79 = tpu.memref_slice %arg10[%dma_start3A_77, %dma_start3A_78] : memref<10240x32xf32, #tpu.memory_space<vmem_shared>> -> memref<10240x32xf32, #tpu.memory_space<vmem_shared>>
    tpu.enqueue_indirect_dma source(%dma_start3A_79 : memref<10240x32xf32, #tpu.memory_space<vmem_shared>>) target(%dma_start3A_73 : memref<128x32xf32, #tpu.memory_space<vmem>>) offsets(%dma_start3A_76 : memref<128xi32, #tpu.memory_space<vmem>>) semaphore(%arg11 : memref<!tpu.dma_semaphore, #tpu.memory_space<semaphore_mem>>)
    %dma_start3A_80 = arith.constant 5 : i32
    %dma_start3A_81 = arith.constant 5 : i32
    %dma_start3A_82 = arith.constant 0 : i32
    %dma_start3A_83 = arith.constant 0 : i32
    %dma_start3A_84 = tpu.memref_slice %arg8[%dma_start3A_81, %dma_start3A_82, %dma_start3A_83] : memref<16x128x32xf32, #tpu.memory_space<vmem>> -> memref<1x128x32xf32, #tpu.memory_space<vmem>>
    %dma_start3A_85 = tpu.memref_squeeze %dma_start3A_84 : memref<1x128x32xf32, #tpu.memory_space<vmem>> -> memref<128x32xf32, #tpu.memory_space<vmem>>
    %dma_start3A_86 = arith.constant 0 : i32
    %dma_start3A_87 = tpu.memref_slice %arg6[%dma_start3A_80, %dma_start3A_86] : memref<79x128xi32, #tpu.memory_space<vmem>> -> memref<1x128xi32, #tpu.memory_space<vmem>>
    %dma_start3A_88 = tpu.memref_squeeze %dma_start3A_87 : memref<1x128xi32, #tpu.memory_space<vmem>> -> memref<128xi32, #tpu.memory_space<vmem>>
    %dma_start3A_89 = arith.constant 0 : i32
    %dma_start3A_90 = arith.constant 0 : i32
    %dma_start3A_91 = tpu.memref_slice %arg10[%dma_start3A_89, %dma_start3A_90] : memref<10240x32xf32, #tpu.memory_space<vmem_shared>> -> memref<10240x32xf32, #tpu.memory_space<vmem_shared>>
    tpu.enqueue_indirect_dma source(%dma_start3A_91 : memref<10240x32xf32, #tpu.memory_space<vmem_shared>>) target(%dma_start3A_85 : memref<128x32xf32, #tpu.memory_space<vmem>>) offsets(%dma_start3A_88 : memref<128xi32, #tpu.memory_space<vmem>>) semaphore(%arg11 : memref<!tpu.dma_semaphore, #tpu.memory_space<semaphore_mem>>)
    %dma_start3A_92 = arith.constant 6 : i32
    %dma_start3A_93 = arith.constant 6 : i32
    %dma_start3A_94 = arith.constant 0 : i32
    %dma_start3A_95 = arith.constant 0 : i32
    %dma_start3A_96 = tpu.memref_slice %arg8[%dma_start3A_93, %dma_start3A_94, %dma_start3A_95] : memref<16x128x32xf32, #tpu.memory_space<vmem>> -> memref<1x128x32xf32, #tpu.memory_space<vmem>>
    %dma_start3A_97 = tpu.memref_squeeze %dma_start3A_96 : memref<1x128x32xf32, #tpu.memory_space<vmem>> -> memref<128x32xf32, #tpu.memory_space<vmem>>
    %dma_start3A_98 = arith.constant 0 : i32
    %dma_start3A_99 = tpu.memref_slice %arg6[%dma_start3A_92, %dma_start3A_98] : memref<79x128xi32, #tpu.memory_space<vmem>> -> memref<1x128xi32, #tpu.memory_space<vmem>>
    %dma_start3A_100 = tpu.memref_squeeze %dma_start3A_99 : memref<1x128xi32, #tpu.memory_space<vmem>> -> memref<128xi32, #tpu.memory_space<vmem>>
    %dma_start3A_101 = arith.constant 0 : i32
    %dma_start3A_102 = arith.constant 0 : i32
    %dma_start3A_103 = tpu.memref_slice %arg10[%dma_start3A_101, %dma_start3A_102] : memref<10240x32xf32, #tpu.memory_space<vmem_shared>> -> memref<10240x32xf32, #tpu.memory_space<vmem_shared>>
    tpu.enqueue_indirect_dma source(%dma_start3A_103 : memref<10240x32xf32, #tpu.memory_space<vmem_shared>>) target(%dma_start3A_97 : memref<128x32xf32, #tpu.memory_space<vmem>>) offsets(%dma_start3A_100 : memref<128xi32, #tpu.memory_space<vmem>>) semaphore(%arg11 : memref<!tpu.dma_semaphore, #tpu.memory_space<semaphore_mem>>)
    %dma_start3A_104 = arith.constant 7 : i32
    %dma_start3A_105 = arith.constant 7 : i32
    %dma_start3A_106 = arith.constant 0 : i32
    %dma_start3A_107 = arith.constant 0 : i32
    %dma_start3A_108 = tpu.memref_slice %arg8[%dma_start3A_105, %dma_start3A_106, %dma_start3A_107] : memref<16x128x32xf32, #tpu.memory_space<vmem>> -> memref<1x128x32xf32, #tpu.memory_space<vmem>>
    %dma_start3A_109 = tpu.memref_squeeze %dma_start3A_108 : memref<1x128x32xf32, #tpu.memory_space<vmem>> -> memref<128x32xf32, #tpu.memory_space<vmem>>
    %dma_start3A_110 = arith.constant 0 : i32
    %dma_start3A_111 = tpu.memref_slice %arg6[%dma_start3A_104, %dma_start3A_110] : memref<79x128xi32, #tpu.memory_space<vmem>> -> memref<1x128xi32, #tpu.memory_space<vmem>>
    %dma_start3A_112 = tpu.memref_squeeze %dma_start3A_111 : memref<1x128xi32, #tpu.memory_space<vmem>> -> memref<128xi32, #tpu.memory_space<vmem>>
    %dma_start3A_113 = arith.constant 0 : i32
    %dma_start3A_114 = arith.constant 0 : i32
    %dma_start3A_115 = tpu.memref_slice %arg10[%dma_start3A_113, %dma_start3A_114] : memref<10240x32xf32, #tpu.memory_space<vmem_shared>> -> memref<10240x32xf32, #tpu.memory_space<vmem_shared>>
    tpu.enqueue_indirect_dma source(%dma_start3A_115 : memref<10240x32xf32, #tpu.memory_space<vmem_shared>>) target(%dma_start3A_109 : memref<128x32xf32, #tpu.memory_space<vmem>>) offsets(%dma_start3A_112 : memref<128xi32, #tpu.memory_space<vmem>>) semaphore(%arg11 : memref<!tpu.dma_semaphore, #tpu.memory_space<semaphore_mem>>)
    %while3A = arith.constant 0 : i32
    %while3A_116 = arith.constant 0 : i32
    %while3A_117 = arith.subi %add3A_16, %while3A_116 : i32
    %while3A_118 = arith.addi %while3A_116, %while3A_117 : i32
    %while3A_119 = arith.constant 1 : i32
    %while3A_120 = arith.divsi %while3A_117, %while3A_119 : i32
    %while3A_121 = arith.muli %while3A_120, %while3A_119 : i32
    %while3A_122 = arith.addi %while3A_116, %while3A_121 : i32
    %while3A_123 = arith.constant 1 : i32
    scf.for %while3A_141 = %while3A_116 to %while3A_122 step %while3A_123  : i32 {
      %rem3A = arith.constant 16 : i32
      %rem3A_142 = arith.remsi %while3A_141, %rem3A : i32
      %dma_wait3A = arith.constant 0 : i32
      %dma_wait3A_143 = arith.constant 0 : i32
      %dma_wait3A_144 = tpu.memref_slice %arg8[%rem3A_142, %dma_wait3A, %dma_wait3A_143] : memref<16x128x32xf32, #tpu.memory_space<vmem>> -> memref<1x128x32xf32, #tpu.memory_space<vmem>>
      %dma_wait3A_145 = tpu.memref_squeeze %dma_wait3A_144 : memref<1x128x32xf32, #tpu.memory_space<vmem>> -> memref<128x32xf32, #tpu.memory_space<vmem>>
      %dma_wait3A_146 = arith.constant 0 : i32
      %dma_wait3A_147 = tpu.memref_slice %arg6[%while3A_141, %dma_wait3A_146] : memref<79x128xi32, #tpu.memory_space<vmem>> -> memref<1x128xi32, #tpu.memory_space<vmem>>
      %dma_wait3A_148 = tpu.memref_squeeze %dma_wait3A_147 : memref<1x128xi32, #tpu.memory_space<vmem>> -> memref<128xi32, #tpu.memory_space<vmem>>
      %dma_wait3A_149 = arith.constant 0 : i32
      %dma_wait3A_150 = arith.constant 0 : i32
      %dma_wait3A_151 = tpu.memref_slice %arg10[%dma_wait3A_149, %dma_wait3A_150] : memref<10240x32xf32, #tpu.memory_space<vmem_shared>> -> memref<10240x32xf32, #tpu.memory_space<vmem_shared>>
      tpu.wait_indirect_dma semaphore(%arg11 : memref<!tpu.dma_semaphore, #tpu.memory_space<semaphore_mem>>) src(%dma_wait3A_151 : memref<10240x32xf32, #tpu.memory_space<vmem_shared>>) dst(%dma_wait3A_145 : memref<128x32xf32, #tpu.memory_space<vmem>>)
      %dma_start3A_152 = arith.constant 0 : i32
      %dma_start3A_153 = arith.constant 0 : i32
      %dma_start3A_154 = tpu.memref_slice %arg8[%rem3A_142, %dma_start3A_152, %dma_start3A_153] : memref<16x128x32xf32, #tpu.memory_space<vmem>> -> memref<1x128x32xf32, #tpu.memory_space<vmem>>
      %dma_start3A_155 = tpu.memref_squeeze %dma_start3A_154 : memref<1x128x32xf32, #tpu.memory_space<vmem>> -> memref<128x32xf32, #tpu.memory_space<vmem>>
      %dma_start3A_156 = arith.constant 0 : i32
      %dma_start3A_157 = tpu.memref_slice %arg7[%while3A_141, %dma_start3A_156] : memref<79x128xi32, #tpu.memory_space<vmem>> -> memref<1x128xi32, #tpu.memory_space<vmem>>
      %dma_start3A_158 = tpu.memref_squeeze %dma_start3A_157 : memref<1x128xi32, #tpu.memory_space<vmem>> -> memref<128xi32, #tpu.memory_space<vmem>>
      %dma_start3A_159 = arith.constant 0 : i32
      %dma_start3A_160 = arith.constant 0 : i32
      %dma_start3A_161 = tpu.memref_slice %arg9[%dma_start3A_159, %dma_start3A_160] : memref<10240x32xf32, #tpu.memory_space<vmem_shared>> -> memref<10240x32xf32, #tpu.memory_space<vmem_shared>>
      tpu.enqueue_indirect_dma source(%dma_start3A_155 : memref<128x32xf32, #tpu.memory_space<vmem>>) target(%dma_start3A_161 : memref<10240x32xf32, #tpu.memory_space<vmem_shared>>) offsets(%dma_start3A_158 : memref<128xi32, #tpu.memory_space<vmem>>) semaphore(%arg12 : memref<!tpu.dma_semaphore, #tpu.memory_space<semaphore_mem>>) {add = true}
      %ge3A = arith.constant 8 : i32
      %ge3A_162 = arith.cmpi sge, %while3A_141, %ge3A : i32
      %convert_element_type3A_163 = arith.extui %ge3A_162 : i1 to i32
      %cond3A_164 = arith.constant 0 : i32
      %cond3A_165 = arith.cmpi ne, %convert_element_type3A_163, %cond3A_164 : i32
      scf.if %cond3A_165 {
        %sub3A_172 = arith.constant 8 : i32
        %sub3A_173 = arith.subi %while3A_141, %sub3A_172 : i32
        %rem3A_174 = arith.constant 16 : i32
        %rem3A_175 = arith.remsi %sub3A_173, %rem3A_174 : i32
        %dma_wait3A_176 = arith.constant 0 : i32
        %dma_wait3A_177 = arith.constant 0 : i32
        %dma_wait3A_178 = tpu.memref_slice %arg8[%rem3A_175, %dma_wait3A_176, %dma_wait3A_177] : memref<16x128x32xf32, #tpu.memory_space<vmem>> -> memref<1x128x32xf32, #tpu.memory_space<vmem>>
        %dma_wait3A_179 = tpu.memref_squeeze %dma_wait3A_178 : memref<1x128x32xf32, #tpu.memory_space<vmem>> -> memref<128x32xf32, #tpu.memory_space<vmem>>
        %dma_wait3A_180 = arith.constant 0 : i32
        %dma_wait3A_181 = tpu.memref_slice %arg7[%sub3A_173, %dma_wait3A_180] : memref<79x128xi32, #tpu.memory_space<vmem>> -> memref<1x128xi32, #tpu.memory_space<vmem>>
        %dma_wait3A_182 = tpu.memref_squeeze %dma_wait3A_181 : memref<1x128xi32, #tpu.memory_space<vmem>> -> memref<128xi32, #tpu.memory_space<vmem>>
        %dma_wait3A_183 = arith.constant 0 : i32
        %dma_wait3A_184 = arith.constant 0 : i32
        %dma_wait3A_185 = tpu.memref_slice %arg9[%dma_wait3A_183, %dma_wait3A_184] : memref<10240x32xf32, #tpu.memory_space<vmem_shared>> -> memref<10240x32xf32, #tpu.memory_space<vmem_shared>>
        tpu.wait_indirect_dma semaphore(%arg12 : memref<!tpu.dma_semaphore, #tpu.memory_space<semaphore_mem>>) src(%dma_wait3A_179 : memref<128x32xf32, #tpu.memory_space<vmem>>) dst(%dma_wait3A_185 : memref<10240x32xf32, #tpu.memory_space<vmem_shared>>)
      } else {
      }
      %add3A_166 = arith.constant 8 : i32
      %add3A_167 = arith.addi %while3A_141, %add3A_166 : i32
      %lt3A_168 = arith.cmpi slt, %add3A_167, %add3A_16 : i32
      %convert_element_type3A_169 = arith.extui %lt3A_168 : i1 to i32
      %cond3A_170 = arith.constant 0 : i32
      %cond3A_171 = arith.cmpi ne, %convert_element_type3A_169, %cond3A_170 : i32
      scf.if %cond3A_171 {
        %add3A_172 = arith.constant 8 : i32
        %add3A_173 = arith.addi %while3A_141, %add3A_172 : i32
        %add3A_174 = arith.constant 8 : i32
        %add3A_175 = arith.addi %while3A_141, %add3A_174 : i32
        %rem3A_176 = arith.constant 16 : i32
        %rem3A_177 = arith.remsi %add3A_175, %rem3A_176 : i32
        %dma_start3A_178 = arith.constant 0 : i32
        %dma_start3A_179 = arith.constant 0 : i32
        %dma_start3A_180 = tpu.memref_slice %arg8[%rem3A_177, %dma_start3A_178, %dma_start3A_179] : memref<16x128x32xf32, #tpu.memory_space<vmem>> -> memref<1x128x32xf32, #tpu.memory_space<vmem>>
        %dma_start3A_181 = tpu.memref_squeeze %dma_start3A_180 : memref<1x128x32xf32, #tpu.memory_space<vmem>> -> memref<128x32xf32, #tpu.memory_space<vmem>>
        %dma_start3A_182 = arith.constant 0 : i32
        %dma_start3A_183 = tpu.memref_slice %arg6[%add3A_173, %dma_start3A_182] : memref<79x128xi32, #tpu.memory_space<vmem>> -> memref<1x128xi32, #tpu.memory_space<vmem>>
        %dma_start3A_184 = tpu.memref_squeeze %dma_start3A_183 : memref<1x128xi32, #tpu.memory_space<vmem>> -> memref<128xi32, #tpu.memory_space<vmem>>
        %dma_start3A_185 = arith.constant 0 : i32
        %dma_start3A_186 = arith.constant 0 : i32
        %dma_start3A_187 = tpu.memref_slice %arg10[%dma_start3A_185, %dma_start3A_186] : memref<10240x32xf32, #tpu.memory_space<vmem_shared>> -> memref<10240x32xf32, #tpu.memory_space<vmem_shared>>
        tpu.enqueue_indirect_dma source(%dma_start3A_187 : memref<10240x32xf32, #tpu.memory_space<vmem_shared>>) target(%dma_start3A_181 : memref<128x32xf32, #tpu.memory_space<vmem>>) offsets(%dma_start3A_184 : memref<128xi32, #tpu.memory_space<vmem>>) semaphore(%arg11 : memref<!tpu.dma_semaphore, #tpu.memory_space<semaphore_mem>>)
      } else {
      }
    }
    %while3A_124 = arith.constant 1 : i32
    scf.for %while3A_141 = %while3A_122 to %while3A_118 step %while3A_124  : i32 {
      %rem3A = arith.constant 16 : i32
      %rem3A_142 = arith.remsi %while3A_141, %rem3A : i32
      %dma_wait3A = arith.constant 0 : i32
      %dma_wait3A_143 = arith.constant 0 : i32
      %dma_wait3A_144 = tpu.memref_slice %arg8[%rem3A_142, %dma_wait3A, %dma_wait3A_143] : memref<16x128x32xf32, #tpu.memory_space<vmem>> -> memref<1x128x32xf32, #tpu.memory_space<vmem>>
      %dma_wait3A_145 = tpu.memref_squeeze %dma_wait3A_144 : memref<1x128x32xf32, #tpu.memory_space<vmem>> -> memref<128x32xf32, #tpu.memory_space<vmem>>
      %dma_wait3A_146 = arith.constant 0 : i32
      %dma_wait3A_147 = tpu.memref_slice %arg6[%while3A_141, %dma_wait3A_146] : memref<79x128xi32, #tpu.memory_space<vmem>> -> memref<1x128xi32, #tpu.memory_space<vmem>>
      %dma_wait3A_148 = tpu.memref_squeeze %dma_wait3A_147 : memref<1x128xi32, #tpu.memory_space<vmem>> -> memref<128xi32, #tpu.memory_space<vmem>>
      %dma_wait3A_149 = arith.constant 0 : i32
      %dma_wait3A_150 = arith.constant 0 : i32
      %dma_wait3A_151 = tpu.memref_slice %arg10[%dma_wait3A_149, %dma_wait3A_150] : memref<10240x32xf32, #tpu.memory_space<vmem_shared>> -> memref<10240x32xf32, #tpu.memory_space<vmem_shared>>
      tpu.wait_indirect_dma semaphore(%arg11 : memref<!tpu.dma_semaphore, #tpu.memory_space<semaphore_mem>>) src(%dma_wait3A_151 : memref<10240x32xf32, #tpu.memory_space<vmem_shared>>) dst(%dma_wait3A_145 : memref<128x32xf32, #tpu.memory_space<vmem>>)
      %dma_start3A_152 = arith.constant 0 : i32
      %dma_start3A_153 = arith.constant 0 : i32
      %dma_start3A_154 = tpu.memref_slice %arg8[%rem3A_142, %dma_start3A_152, %dma_start3A_153] : memref<16x128x32xf32, #tpu.memory_space<vmem>> -> memref<1x128x32xf32, #tpu.memory_space<vmem>>
      %dma_start3A_155 = tpu.memref_squeeze %dma_start3A_154 : memref<1x128x32xf32, #tpu.memory_space<vmem>> -> memref<128x32xf32, #tpu.memory_space<vmem>>
      %dma_start3A_156 = arith.constant 0 : i32
      %dma_start3A_157 = tpu.memref_slice %arg7[%while3A_141, %dma_start3A_156] : memref<79x128xi32, #tpu.memory_space<vmem>> -> memref<1x128xi32, #tpu.memory_space<vmem>>
      %dma_start3A_158 = tpu.memref_squeeze %dma_start3A_157 : memref<1x128xi32, #tpu.memory_space<vmem>> -> memref<128xi32, #tpu.memory_space<vmem>>
      %dma_start3A_159 = arith.constant 0 : i32
      %dma_start3A_160 = arith.constant 0 : i32
      %dma_start3A_161 = tpu.memref_slice %arg9[%dma_start3A_159, %dma_start3A_160] : memref<10240x32xf32, #tpu.memory_space<vmem_shared>> -> memref<10240x32xf32, #tpu.memory_space<vmem_shared>>
      tpu.enqueue_indirect_dma source(%dma_start3A_155 : memref<128x32xf32, #tpu.memory_space<vmem>>) target(%dma_start3A_161 : memref<10240x32xf32, #tpu.memory_space<vmem_shared>>) offsets(%dma_start3A_158 : memref<128xi32, #tpu.memory_space<vmem>>) semaphore(%arg12 : memref<!tpu.dma_semaphore, #tpu.memory_space<semaphore_mem>>) {add = true}
      %ge3A = arith.constant 8 : i32
      %ge3A_162 = arith.cmpi sge, %while3A_141, %ge3A : i32
      %convert_element_type3A_163 = arith.extui %ge3A_162 : i1 to i32
      %cond3A_164 = arith.constant 0 : i32
      %cond3A_165 = arith.cmpi ne, %convert_element_type3A_163, %cond3A_164 : i32
      scf.if %cond3A_165 {
        %sub3A_172 = arith.constant 8 : i32
        %sub3A_173 = arith.subi %while3A_141, %sub3A_172 : i32
        %rem3A_174 = arith.constant 16 : i32
        %rem3A_175 = arith.remsi %sub3A_173, %rem3A_174 : i32
        %dma_wait3A_176 = arith.constant 0 : i32
        %dma_wait3A_177 = arith.constant 0 : i32
        %dma_wait3A_178 = tpu.memref_slice %arg8[%rem3A_175, %dma_wait3A_176, %dma_wait3A_177] : memref<16x128x32xf32, #tpu.memory_space<vmem>> -> memref<1x128x32xf32, #tpu.memory_space<vmem>>
        %dma_wait3A_179 = tpu.memref_squeeze %dma_wait3A_178 : memref<1x128x32xf32, #tpu.memory_space<vmem>> -> memref<128x32xf32, #tpu.memory_space<vmem>>
        %dma_wait3A_180 = arith.constant 0 : i32
        %dma_wait3A_181 = tpu.memref_slice %arg7[%sub3A_173, %dma_wait3A_180] : memref<79x128xi32, #tpu.memory_space<vmem>> -> memref<1x128xi32, #tpu.memory_space<vmem>>
        %dma_wait3A_182 = tpu.memref_squeeze %dma_wait3A_181 : memref<1x128xi32, #tpu.memory_space<vmem>> -> memref<128xi32, #tpu.memory_space<vmem>>
        %dma_wait3A_183 = arith.constant 0 : i32
        %dma_wait3A_184 = arith.constant 0 : i32
        %dma_wait3A_185 = tpu.memref_slice %arg9[%dma_wait3A_183, %dma_wait3A_184] : memref<10240x32xf32, #tpu.memory_space<vmem_shared>> -> memref<10240x32xf32, #tpu.memory_space<vmem_shared>>
        tpu.wait_indirect_dma semaphore(%arg12 : memref<!tpu.dma_semaphore, #tpu.memory_space<semaphore_mem>>) src(%dma_wait3A_179 : memref<128x32xf32, #tpu.memory_space<vmem>>) dst(%dma_wait3A_185 : memref<10240x32xf32, #tpu.memory_space<vmem_shared>>)
      } else {
      }
      %add3A_166 = arith.constant 8 : i32
      %add3A_167 = arith.addi %while3A_141, %add3A_166 : i32
      %lt3A_168 = arith.cmpi slt, %add3A_167, %add3A_16 : i32
      %convert_element_type3A_169 = arith.extui %lt3A_168 : i1 to i32
      %cond3A_170 = arith.constant 0 : i32
      %cond3A_171 = arith.cmpi ne, %convert_element_type3A_169, %cond3A_170 : i32
      scf.if %cond3A_171 {
        %add3A_172 = arith.constant 8 : i32
        %add3A_173 = arith.addi %while3A_141, %add3A_172 : i32
        %add3A_174 = arith.constant 8 : i32
        %add3A_175 = arith.addi %while3A_141, %add3A_174 : i32
        %rem3A_176 = arith.constant 16 : i32
        %rem3A_177 = arith.remsi %add3A_175, %rem3A_176 : i32
        %dma_start3A_178 = arith.constant 0 : i32
        %dma_start3A_179 = arith.constant 0 : i32
        %dma_start3A_180 = tpu.memref_slice %arg8[%rem3A_177, %dma_start3A_178, %dma_start3A_179] : memref<16x128x32xf32, #tpu.memory_space<vmem>> -> memref<1x128x32xf32, #tpu.memory_space<vmem>>
        %dma_start3A_181 = tpu.memref_squeeze %dma_start3A_180 : memref<1x128x32xf32, #tpu.memory_space<vmem>> -> memref<128x32xf32, #tpu.memory_space<vmem>>
        %dma_start3A_182 = arith.constant 0 : i32
        %dma_start3A_183 = tpu.memref_slice %arg6[%add3A_173, %dma_start3A_182] : memref<79x128xi32, #tpu.memory_space<vmem>> -> memref<1x128xi32, #tpu.memory_space<vmem>>
        %dma_start3A_184 = tpu.memref_squeeze %dma_start3A_183 : memref<1x128xi32, #tpu.memory_space<vmem>> -> memref<128xi32, #tpu.memory_space<vmem>>
        %dma_start3A_185 = arith.constant 0 : i32
        %dma_start3A_186 = arith.constant 0 : i32
        %dma_start3A_187 = tpu.memref_slice %arg10[%dma_start3A_185, %dma_start3A_186] : memref<10240x32xf32, #tpu.memory_space<vmem_shared>> -> memref<10240x32xf32, #tpu.memory_space<vmem_shared>>
        tpu.enqueue_indirect_dma source(%dma_start3A_187 : memref<10240x32xf32, #tpu.memory_space<vmem_shared>>) target(%dma_start3A_181 : memref<128x32xf32, #tpu.memory_space<vmem>>) offsets(%dma_start3A_184 : memref<128xi32, #tpu.memory_space<vmem>>) semaphore(%arg11 : memref<!tpu.dma_semaphore, #tpu.memory_space<semaphore_mem>>)
      } else {
      }
    }
    %sub3A = arith.constant 8 : i32
    %sub3A_125 = arith.subi %add3A_16, %sub3A : i32
    %max3A = arith.constant 0 : i32
    %max3A_126 = arith.maxsi %sub3A_125, %max3A : i32
    %while3A_127 = arith.constant 0 : i32
    %while3A_128 = arith.subi %add3A_16, %max3A_126 : i32
    %while3A_129 = arith.addi %max3A_126, %while3A_128 : i32
    %while3A_130 = arith.constant 1 : i32
    %while3A_131 = arith.divsi %while3A_128, %while3A_130 : i32
    %while3A_132 = arith.muli %while3A_131, %while3A_130 : i32
    %while3A_133 = arith.addi %max3A_126, %while3A_132 : i32
    %while3A_134 = arith.constant 1 : i32
    scf.for %while3A_141 = %max3A_126 to %while3A_133 step %while3A_134  : i32 {
      %rem3A = arith.constant 16 : i32
      %rem3A_142 = arith.remsi %while3A_141, %rem3A : i32
      %dma_wait3A = arith.constant 0 : i32
      %dma_wait3A_143 = arith.constant 0 : i32
      %dma_wait3A_144 = tpu.memref_slice %arg8[%rem3A_142, %dma_wait3A, %dma_wait3A_143] : memref<16x128x32xf32, #tpu.memory_space<vmem>> -> memref<1x128x32xf32, #tpu.memory_space<vmem>>
      %dma_wait3A_145 = tpu.memref_squeeze %dma_wait3A_144 : memref<1x128x32xf32, #tpu.memory_space<vmem>> -> memref<128x32xf32, #tpu.memory_space<vmem>>
      %dma_wait3A_146 = arith.constant 0 : i32
      %dma_wait3A_147 = tpu.memref_slice %arg7[%while3A_141, %dma_wait3A_146] : memref<79x128xi32, #tpu.memory_space<vmem>> -> memref<1x128xi32, #tpu.memory_space<vmem>>
      %dma_wait3A_148 = tpu.memref_squeeze %dma_wait3A_147 : memref<1x128xi32, #tpu.memory_space<vmem>> -> memref<128xi32, #tpu.memory_space<vmem>>
      %dma_wait3A_149 = arith.constant 0 : i32
      %dma_wait3A_150 = arith.constant 0 : i32
      %dma_wait3A_151 = tpu.memref_slice %arg9[%dma_wait3A_149, %dma_wait3A_150] : memref<10240x32xf32, #tpu.memory_space<vmem_shared>> -> memref<10240x32xf32, #tpu.memory_space<vmem_shared>>
      tpu.wait_indirect_dma semaphore(%arg12 : memref<!tpu.dma_semaphore, #tpu.memory_space<semaphore_mem>>) src(%dma_wait3A_145 : memref<128x32xf32, #tpu.memory_space<vmem>>) dst(%dma_wait3A_151 : memref<10240x32xf32, #tpu.memory_space<vmem_shared>>)
    }
    %while3A_135 = arith.constant 1 : i32
    scf.for %while3A_141 = %while3A_133 to %while3A_129 step %while3A_135  : i32 {
      %rem3A = arith.constant 16 : i32
      %rem3A_142 = arith.remsi %while3A_141, %rem3A : i32
      %dma_wait3A = arith.constant 0 : i32
      %dma_wait3A_143 = arith.constant 0 : i32
      %dma_wait3A_144 = tpu.memref_slice %arg8[%rem3A_142, %dma_wait3A, %dma_wait3A_143] : memref<16x128x32xf32, #tpu.memory_space<vmem>> -> memref<1x128x32xf32, #tpu.memory_space<vmem>>
      %dma_wait3A_145 = tpu.memref_squeeze %dma_wait3A_144 : memref<1x128x32xf32, #tpu.memory_space<vmem>> -> memref<128x32xf32, #tpu.memory_space<vmem>>
      %dma_wait3A_146 = arith.constant 0 : i32
      %dma_wait3A_147 = tpu.memref_slice %arg7[%while3A_141, %dma_wait3A_146] : memref<79x128xi32, #tpu.memory_space<vmem>> -> memref<1x128xi32, #tpu.memory_space<vmem>>
      %dma_wait3A_148 = tpu.memref_squeeze %dma_wait3A_147 : memref<1x128xi32, #tpu.memory_space<vmem>> -> memref<128xi32, #tpu.memory_space<vmem>>
      %dma_wait3A_149 = arith.constant 0 : i32
      %dma_wait3A_150 = arith.constant 0 : i32
      %dma_wait3A_151 = tpu.memref_slice %arg9[%dma_wait3A_149, %dma_wait3A_150] : memref<10240x32xf32, #tpu.memory_space<vmem_shared>> -> memref<10240x32xf32, #tpu.memory_space<vmem_shared>>
      tpu.wait_indirect_dma semaphore(%arg12 : memref<!tpu.dma_semaphore, #tpu.memory_space<semaphore_mem>>) src(%dma_wait3A_145 : memref<128x32xf32, #tpu.memory_space<vmem>>) dst(%dma_wait3A_151 : memref<10240x32xf32, #tpu.memory_space<vmem_shared>>)
    }
    %barrier3A_136 = arith.constant 0 : index
    tpu.barrier barrier_id(%barrier3A_136)
    %mul3A_137 = arith.constant 640 : i32
    %mul3A_138 = arith.muli %arg1, %mul3A_137 : i32
    %mul3A_139 = arith.constant 640 : i32
    %mul3A_140 = arith.muli %arg1, %mul3A_139 : i32
    "tpu.region"() ({
      %run_scoped3A_141 = tpu.sem_alloc : memref<!tpu.dma_semaphore, #tpu.memory_space<semaphore_mem>>
      %dma_start3A_142 = arith.constant 0 : i32
      %dma_start3A_143 = tpu.memref_slice %arg5[%arg0, %mul3A_140, %dma_start3A_142] : memref<2x10240x32xf32, #tpu.memory_space<hbm>> -> memref<1x640x32xf32, #tpu.memory_space<hbm>>
      %dma_start3A_144 = tpu.memref_squeeze %dma_start3A_143 : memref<1x640x32xf32, #tpu.memory_space<hbm>> -> memref<640x32xf32, #tpu.memory_space<hbm>>
      %dma_start3A_145 = arith.constant 0 : i32
      %dma_start3A_146 = tpu.memref_slice %arg9[%mul3A_138, %dma_start3A_145] : memref<10240x32xf32, #tpu.memory_space<vmem_shared>> -> memref<640x32xf32, #tpu.memory_space<vmem_shared>>
      tpu.enqueue_dma source(%dma_start3A_146 : memref<640x32xf32, #tpu.memory_space<vmem_shared>>) target(%dma_start3A_144 : memref<640x32xf32, #tpu.memory_space<hbm>>) target_semaphore(%run_scoped3A_141 : memref<!tpu.dma_semaphore, #tpu.memory_space<semaphore_mem>>)
      %dma_wait3A = arith.constant 0 : i32
      %dma_wait3A_147 = tpu.memref_slice %arg5[%arg0, %mul3A_140, %dma_wait3A] : memref<2x10240x32xf32, #tpu.memory_space<hbm>> -> memref<1x640x32xf32, #tpu.memory_space<hbm>>
      %dma_wait3A_148 = tpu.memref_squeeze %dma_wait3A_147 : memref<1x640x32xf32, #tpu.memory_space<hbm>> -> memref<640x32xf32, #tpu.memory_space<hbm>>
      %dma_wait3A_149 = arith.constant 0 : i32
      %dma_wait3A_150 = tpu.memref_slice %arg9[%mul3A_138, %dma_wait3A_149] : memref<10240x32xf32, #tpu.memory_space<vmem_shared>> -> memref<640x32xf32, #tpu.memory_space<vmem_shared>>
      tpu.wait_dma2 semaphore(%run_scoped3A_141 : memref<!tpu.dma_semaphore, #tpu.memory_space<semaphore_mem>>) src(%dma_wait3A_150 : memref<640x32xf32, #tpu.memory_space<vmem_shared>>) dst(%dma_wait3A_148 : memref<640x32xf32, #tpu.memory_space<hbm>>)
      tpu.yield
    }) : () -> ()
    return
  }
}

#map = affine_map<(d0, d1) -> (0, 0, 0)>
#map1 = affine_map<(d0, d1) -> (0, 0)>
module attributes {stable_mosaic.version = 14 : i64} {
  func.func @_segsum_body(%arg0: i32, %arg1: i32, %arg2: memref<2x2500x128xi32, #tpu.memory_space<hbm>>, %arg3: memref<10240x32xf32, #tpu.memory_space<hbm>>, %arg4: memref<10240x32xf32, #tpu.memory_space<hbm>>, %arg5: memref<2x10240x32xf32, #tpu.memory_space<hbm>>, %arg6: memref<79x128xi32, #tpu.memory_space<vmem>>, %arg7: memref<79x128xi32, #tpu.memory_space<vmem>>, %arg8: memref<16x128x32xf32, #tpu.memory_space<vmem>>, %arg9: memref<10240x32xf32, #tpu.memory_space<vmem_shared>>, %arg10: memref<10240x32xf32, #tpu.memory_space<vmem_shared>>, %arg11: memref<!tpu.dma_semaphore, #tpu.memory_space<semaphore_mem>>, %arg12: memref<!tpu.dma_semaphore, #tpu.memory_space<semaphore_mem>>) attributes {dimension_semantics = [#tpu.dimension_semantics<core_parallel>, #tpu.dimension_semantics<subcore_parallel>], iteration_bounds = array<i64: 2, 16>, scalar_prefetch = 0 : i64, scratch_operands = 7 : i64, tpu.core_type = #tpu.core_type<sc_vector_subcore>, window_params = [{transform_indices = #map}, {transform_indices = #map1}, {transform_indices = #map1}, {transform_indices = #map}]} {
    %mul3A = arith.constant 16 : i32
    %mul3A_0 = arith.muli %arg0, %mul3A : i32
    %add3A = arith.addi %mul3A_0, %arg1 : i32
    %mul3A_1 = arith.constant 640 : i32
    %mul3A_2 = arith.muli %arg1, %mul3A_1 : i32
    %mul3A_3 = arith.constant 640 : i32
    %mul3A_4 = arith.muli %arg1, %mul3A_3 : i32
    "tpu.region"() ({
      %run_scoped3A_141 = tpu.sem_alloc : memref<!tpu.dma_semaphore, #tpu.memory_space<semaphore_mem>>
      %dma_start3A_142 = arith.constant 0 : i32
      %dma_start3A_143 = tpu.memref_slice %arg9[%mul3A_4, %dma_start3A_142] : memref<10240x32xf32, #tpu.memory_space<vmem_shared>> -> memref<640x32xf32, #tpu.memory_space<vmem_shared>>
      %dma_start3A_144 = arith.constant 0 : i32
      %dma_start3A_145 = tpu.memref_slice %arg4[%mul3A_2, %dma_start3A_144] : memref<10240x32xf32, #tpu.memory_space<hbm>> -> memref<640x32xf32, #tpu.memory_space<hbm>>
      tpu.enqueue_dma source(%dma_start3A_145 : memref<640x32xf32, #tpu.memory_space<hbm>>) target(%dma_start3A_143 : memref<640x32xf32, #tpu.memory_space<vmem_shared>>) target_semaphore(%run_scoped3A_141 : memref<!tpu.dma_semaphore, #tpu.memory_space<semaphore_mem>>)
      %dma_wait3A = arith.constant 0 : i32
      %dma_wait3A_146 = tpu.memref_slice %arg9[%mul3A_4, %dma_wait3A] : memref<10240x32xf32, #tpu.memory_space<vmem_shared>> -> memref<640x32xf32, #tpu.memory_space<vmem_shared>>
      %dma_wait3A_147 = arith.constant 0 : i32
      %dma_wait3A_148 = tpu.memref_slice %arg4[%mul3A_2, %dma_wait3A_147] : memref<10240x32xf32, #tpu.memory_space<hbm>> -> memref<640x32xf32, #tpu.memory_space<hbm>>
      tpu.wait_dma2 semaphore(%run_scoped3A_141 : memref<!tpu.dma_semaphore, #tpu.memory_space<semaphore_mem>>) src(%dma_wait3A_148 : memref<640x32xf32, #tpu.memory_space<hbm>>) dst(%dma_wait3A_146 : memref<640x32xf32, #tpu.memory_space<vmem_shared>>)
      tpu.yield
    }) : () -> ()
    %mul3A_5 = arith.constant 640 : i32
    %mul3A_6 = arith.muli %arg1, %mul3A_5 : i32
    %mul3A_7 = arith.constant 640 : i32
    %mul3A_8 = arith.muli %arg1, %mul3A_7 : i32
    "tpu.region"() ({
      %run_scoped3A_141 = tpu.sem_alloc : memref<!tpu.dma_semaphore, #tpu.memory_space<semaphore_mem>>
      %dma_start3A_142 = arith.constant 0 : i32
      %dma_start3A_143 = tpu.memref_slice %arg10[%mul3A_8, %dma_start3A_142] : memref<10240x32xf32, #tpu.memory_space<vmem_shared>> -> memref<640x32xf32, #tpu.memory_space<vmem_shared>>
      %dma_start3A_144 = arith.constant 0 : i32
      %dma_start3A_145 = tpu.memref_slice %arg3[%mul3A_6, %dma_start3A_144] : memref<10240x32xf32, #tpu.memory_space<hbm>> -> memref<640x32xf32, #tpu.memory_space<hbm>>
      tpu.enqueue_dma source(%dma_start3A_145 : memref<640x32xf32, #tpu.memory_space<hbm>>) target(%dma_start3A_143 : memref<640x32xf32, #tpu.memory_space<vmem_shared>>) target_semaphore(%run_scoped3A_141 : memref<!tpu.dma_semaphore, #tpu.memory_space<semaphore_mem>>)
      %dma_wait3A = arith.constant 0 : i32
      %dma_wait3A_146 = tpu.memref_slice %arg10[%mul3A_8, %dma_wait3A] : memref<10240x32xf32, #tpu.memory_space<vmem_shared>> -> memref<640x32xf32, #tpu.memory_space<vmem_shared>>
      %dma_wait3A_147 = arith.constant 0 : i32
      %dma_wait3A_148 = tpu.memref_slice %arg3[%mul3A_6, %dma_wait3A_147] : memref<10240x32xf32, #tpu.memory_space<hbm>> -> memref<640x32xf32, #tpu.memory_space<hbm>>
      tpu.wait_dma2 semaphore(%run_scoped3A_141 : memref<!tpu.dma_semaphore, #tpu.memory_space<semaphore_mem>>) src(%dma_wait3A_148 : memref<640x32xf32, #tpu.memory_space<hbm>>) dst(%dma_wait3A_146 : memref<640x32xf32, #tpu.memory_space<vmem_shared>>)
      tpu.yield
    }) : () -> ()
    %mul3A_9 = arith.constant 78 : i32
    %mul3A_10 = arith.muli %mul3A_9, %add3A : i32
    %min3A = arith.constant 4 : i32
    %min3A_11 = arith.minsi %add3A, %min3A : i32
    %add3A_12 = arith.addi %mul3A_10, %min3A_11 : i32
    %lt3A = arith.constant 4 : i32
    %lt3A_13 = arith.cmpi slt, %add3A, %lt3A : i32
    %jit3A = arith.constant 1 : i32
    %jit3A_14 = arith.constant 0 : i32
    %select_n3A = arith.select %lt3A_13, %jit3A, %jit3A_14 : i32
    %add3A_15 = arith.constant 78 : i32
    %add3A_16 = arith.addi %add3A_15, %select_n3A : i32
    %run_scoped3A = arith.constant 0 : i32
    "tpu.region"() ({
      %run_scoped3A_141 = tpu.sem_alloc : memref<!tpu.dma_semaphore, #tpu.memory_space<semaphore_mem>>
      %dma_start3A_142 = arith.constant 0 : i32
      %dma_start3A_143 = arith.constant 0 : i32
      %dma_start3A_144 = tpu.memref_slice %arg6[%dma_start3A_142, %dma_start3A_143] : memref<79x128xi32, #tpu.memory_space<vmem>> -> memref<78x128xi32, #tpu.memory_space<vmem>>
      %dma_start3A_145 = arith.constant 0 : i32
      %dma_start3A_146 = tpu.memref_slice %arg2[%run_scoped3A, %add3A_12, %dma_start3A_145] : memref<2x2500x128xi32, #tpu.memory_space<hbm>> -> memref<1x78x128xi32, #tpu.memory_space<hbm>>
      %dma_start3A_147 = tpu.memref_squeeze %dma_start3A_146 : memref<1x78x128xi32, #tpu.memory_space<hbm>> -> memref<78x128xi32, #tpu.memory_space<hbm>>
      %dma_start3A_148 = arith.constant 0 : i32
      %dma_start3A_149 = arith.constant 0 : i32
      %dma_start3A_150 = tpu.memref_slice %arg6[%dma_start3A_148, %dma_start3A_149] : memref<79x128xi32, #tpu.memory_space<vmem>> -> memref<78x128xi32, #tpu.memory_space<vmem>>
      %dma_start3A_151 = arith.constant 0 : i32
      %dma_start3A_152 = tpu.memref_slice %arg2[%run_scoped3A, %add3A_12, %dma_start3A_151] : memref<2x2500x128xi32, #tpu.memory_space<hbm>> -> memref<1x78x128xi32, #tpu.memory_space<hbm>>
      %dma_start3A_153 = tpu.memref_squeeze %dma_start3A_152 : memref<1x78x128xi32, #tpu.memory_space<hbm>> -> memref<78x128xi32, #tpu.memory_space<hbm>>
      tpu.enqueue_dma source(%dma_start3A_153 : memref<78x128xi32, #tpu.memory_space<hbm>>) target(%dma_start3A_150 : memref<78x128xi32, #tpu.memory_space<vmem>>) target_semaphore(%run_scoped3A_141 : memref<!tpu.dma_semaphore, #tpu.memory_space<semaphore_mem>>)
      %dma_wait3A = arith.constant 0 : i32
      %dma_wait3A_154 = arith.constant 0 : i32
      %dma_wait3A_155 = tpu.memref_slice %arg6[%dma_wait3A, %dma_wait3A_154] : memref<79x128xi32, #tpu.memory_space<vmem>> -> memref<78x128xi32, #tpu.memory_space<vmem>>
      %dma_wait3A_156 = arith.constant 0 : i32
      %dma_wait3A_157 = tpu.memref_slice %arg2[%run_scoped3A, %add3A_12, %dma_wait3A_156] : memref<2x2500x128xi32, #tpu.memory_space<hbm>> -> memref<1x78x128xi32, #tpu.memory_space<hbm>>
      %dma_wait3A_158 = tpu.memref_squeeze %dma_wait3A_157 : memref<1x78x128xi32, #tpu.memory_space<hbm>> -> memref<78x128xi32, #tpu.memory_space<hbm>>
      %dma_wait3A_159 = arith.constant 0 : i32
      %dma_wait3A_160 = arith.constant 0 : i32
      %dma_wait3A_161 = tpu.memref_slice %arg6[%dma_wait3A_159, %dma_wait3A_160] : memref<79x128xi32, #tpu.memory_space<vmem>> -> memref<78x128xi32, #tpu.memory_space<vmem>>
      %dma_wait3A_162 = arith.constant 0 : i32
      %dma_wait3A_163 = tpu.memref_slice %arg2[%run_scoped3A, %add3A_12, %dma_wait3A_162] : memref<2x2500x128xi32, #tpu.memory_space<hbm>> -> memref<1x78x128xi32, #tpu.memory_space<hbm>>
      %dma_wait3A_164 = tpu.memref_squeeze %dma_wait3A_163 : memref<1x78x128xi32, #tpu.memory_space<hbm>> -> memref<78x128xi32, #tpu.memory_space<hbm>>
      tpu.wait_dma2 semaphore(%run_scoped3A_141 : memref<!tpu.dma_semaphore, #tpu.memory_space<semaphore_mem>>) src(%dma_wait3A_164 : memref<78x128xi32, #tpu.memory_space<hbm>>) dst(%dma_wait3A_161 : memref<78x128xi32, #tpu.memory_space<vmem>>)
      tpu.yield
    }) : () -> ()
    %run_scoped3A_17 = arith.constant 1 : i32
    "tpu.region"() ({
      %run_scoped3A_141 = tpu.sem_alloc : memref<!tpu.dma_semaphore, #tpu.memory_space<semaphore_mem>>
      %dma_start3A_142 = arith.constant 0 : i32
      %dma_start3A_143 = arith.constant 0 : i32
      %dma_start3A_144 = tpu.memref_slice %arg7[%dma_start3A_142, %dma_start3A_143] : memref<79x128xi32, #tpu.memory_space<vmem>> -> memref<78x128xi32, #tpu.memory_space<vmem>>
      %dma_start3A_145 = arith.constant 0 : i32
      %dma_start3A_146 = tpu.memref_slice %arg2[%run_scoped3A_17, %add3A_12, %dma_start3A_145] : memref<2x2500x128xi32, #tpu.memory_space<hbm>> -> memref<1x78x128xi32, #tpu.memory_space<hbm>>
      %dma_start3A_147 = tpu.memref_squeeze %dma_start3A_146 : memref<1x78x128xi32, #tpu.memory_space<hbm>> -> memref<78x128xi32, #tpu.memory_space<hbm>>
      %dma_start3A_148 = arith.constant 0 : i32
      %dma_start3A_149 = arith.constant 0 : i32
      %dma_start3A_150 = tpu.memref_slice %arg7[%dma_start3A_148, %dma_start3A_149] : memref<79x128xi32, #tpu.memory_space<vmem>> -> memref<78x128xi32, #tpu.memory_space<vmem>>
      %dma_start3A_151 = arith.constant 0 : i32
      %dma_start3A_152 = tpu.memref_slice %arg2[%run_scoped3A_17, %add3A_12, %dma_start3A_151] : memref<2x2500x128xi32, #tpu.memory_space<hbm>> -> memref<1x78x128xi32, #tpu.memory_space<hbm>>
      %dma_start3A_153 = tpu.memref_squeeze %dma_start3A_152 : memref<1x78x128xi32, #tpu.memory_space<hbm>> -> memref<78x128xi32, #tpu.memory_space<hbm>>
      tpu.enqueue_dma source(%dma_start3A_153 : memref<78x128xi32, #tpu.memory_space<hbm>>) target(%dma_start3A_150 : memref<78x128xi32, #tpu.memory_space<vmem>>) target_semaphore(%run_scoped3A_141 : memref<!tpu.dma_semaphore, #tpu.memory_space<semaphore_mem>>)
      %dma_wait3A = arith.constant 0 : i32
      %dma_wait3A_154 = arith.constant 0 : i32
      %dma_wait3A_155 = tpu.memref_slice %arg7[%dma_wait3A, %dma_wait3A_154] : memref<79x128xi32, #tpu.memory_space<vmem>> -> memref<78x128xi32, #tpu.memory_space<vmem>>
      %dma_wait3A_156 = arith.constant 0 : i32
      %dma_wait3A_157 = tpu.memref_slice %arg2[%run_scoped3A_17, %add3A_12, %dma_wait3A_156] : memref<2x2500x128xi32, #tpu.memory_space<hbm>> -> memref<1x78x128xi32, #tpu.memory_space<hbm>>
      %dma_wait3A_158 = tpu.memref_squeeze %dma_wait3A_157 : memref<1x78x128xi32, #tpu.memory_space<hbm>> -> memref<78x128xi32, #tpu.memory_space<hbm>>
      %dma_wait3A_159 = arith.constant 0 : i32
      %dma_wait3A_160 = arith.constant 0 : i32
      %dma_wait3A_161 = tpu.memref_slice %arg7[%dma_wait3A_159, %dma_wait3A_160] : memref<79x128xi32, #tpu.memory_space<vmem>> -> memref<78x128xi32, #tpu.memory_space<vmem>>
      %dma_wait3A_162 = arith.constant 0 : i32
      %dma_wait3A_163 = tpu.memref_slice %arg2[%run_scoped3A_17, %add3A_12, %dma_wait3A_162] : memref<2x2500x128xi32, #tpu.memory_space<hbm>> -> memref<1x78x128xi32, #tpu.memory_space<hbm>>
      %dma_wait3A_164 = tpu.memref_squeeze %dma_wait3A_163 : memref<1x78x128xi32, #tpu.memory_space<hbm>> -> memref<78x128xi32, #tpu.memory_space<hbm>>
      tpu.wait_dma2 semaphore(%run_scoped3A_141 : memref<!tpu.dma_semaphore, #tpu.memory_space<semaphore_mem>>) src(%dma_wait3A_164 : memref<78x128xi32, #tpu.memory_space<hbm>>) dst(%dma_wait3A_161 : memref<78x128xi32, #tpu.memory_space<vmem>>)
      tpu.yield
    }) : () -> ()
    %lt3A_18 = arith.constant 4 : i32
    %lt3A_19 = arith.cmpi slt, %add3A, %lt3A_18 : i32
    %convert_element_type3A = arith.extui %lt3A_19 : i1 to i32
    %cond3A = arith.constant 0 : i32
    %cond3A_20 = arith.cmpi ne, %convert_element_type3A, %cond3A : i32
    scf.if %cond3A_20 {
      %add3A_141 = arith.constant 78 : i32
      %add3A_142 = arith.addi %add3A_12, %add3A_141 : i32
      %run_scoped3A_143 = arith.constant 0 : i32
      "tpu.region"() ({
        %run_scoped3A_147 = tpu.sem_alloc : memref<!tpu.dma_semaphore, #tpu.memory_space<semaphore_mem>>
        %dma_start3A_148 = arith.constant 78 : i32
        %dma_start3A_149 = arith.constant 0 : i32
        %dma_start3A_150 = tpu.memref_slice %arg6[%dma_start3A_148, %dma_start3A_149] : memref<79x128xi32, #tpu.memory_space<vmem>> -> memref<1x128xi32, #tpu.memory_space<vmem>>
        %dma_start3A_151 = arith.constant 0 : i32
        %dma_start3A_152 = tpu.memref_slice %arg2[%run_scoped3A_143, %add3A_142, %dma_start3A_151] : memref<2x2500x128xi32, #tpu.memory_space<hbm>> -> memref<1x1x128xi32, #tpu.memory_space<hbm>>
        %dma_start3A_153 = tpu.memref_squeeze %dma_start3A_152 : memref<1x1x128xi32, #tpu.memory_space<hbm>> -> memref<1x128xi32, #tpu.memory_space<hbm>>
        %dma_start3A_154 = arith.constant 78 : i32
        %dma_start3A_155 = arith.constant 0 : i32
        %dma_start3A_156 = tpu.memref_slice %arg6[%dma_start3A_154, %dma_start3A_155] : memref<79x128xi32, #tpu.memory_space<vmem>> -> memref<1x128xi32, #tpu.memory_space<vmem>>
        %dma_start3A_157 = arith.constant 0 : i32
        %dma_start3A_158 = tpu.memref_slice %arg2[%run_scoped3A_143, %add3A_142, %dma_start3A_157] : memref<2x2500x128xi32, #tpu.memory_space<hbm>> -> memref<1x1x128xi32, #tpu.memory_space<hbm>>
        %dma_start3A_159 = tpu.memref_squeeze %dma_start3A_158 : memref<1x1x128xi32, #tpu.memory_space<hbm>> -> memref<1x128xi32, #tpu.memory_space<hbm>>
        tpu.enqueue_dma source(%dma_start3A_159 : memref<1x128xi32, #tpu.memory_space<hbm>>) target(%dma_start3A_156 : memref<1x128xi32, #tpu.memory_space<vmem>>) target_semaphore(%run_scoped3A_147 : memref<!tpu.dma_semaphore, #tpu.memory_space<semaphore_mem>>)
        %dma_wait3A = arith.constant 78 : i32
        %dma_wait3A_160 = arith.constant 0 : i32
        %dma_wait3A_161 = tpu.memref_slice %arg6[%dma_wait3A, %dma_wait3A_160] : memref<79x128xi32, #tpu.memory_space<vmem>> -> memref<1x128xi32, #tpu.memory_space<vmem>>
        %dma_wait3A_162 = arith.constant 0 : i32
        %dma_wait3A_163 = tpu.memref_slice %arg2[%run_scoped3A_143, %add3A_142, %dma_wait3A_162] : memref<2x2500x128xi32, #tpu.memory_space<hbm>> -> memref<1x1x128xi32, #tpu.memory_space<hbm>>
        %dma_wait3A_164 = tpu.memref_squeeze %dma_wait3A_163 : memref<1x1x128xi32, #tpu.memory_space<hbm>> -> memref<1x128xi32, #tpu.memory_space<hbm>>
        %dma_wait3A_165 = arith.constant 78 : i32
        %dma_wait3A_166 = arith.constant 0 : i32
        %dma_wait3A_167 = tpu.memref_slice %arg6[%dma_wait3A_165, %dma_wait3A_166] : memref<79x128xi32, #tpu.memory_space<vmem>> -> memref<1x128xi32, #tpu.memory_space<vmem>>
        %dma_wait3A_168 = arith.constant 0 : i32
        %dma_wait3A_169 = tpu.memref_slice %arg2[%run_scoped3A_143, %add3A_142, %dma_wait3A_168] : memref<2x2500x128xi32, #tpu.memory_space<hbm>> -> memref<1x1x128xi32, #tpu.memory_space<hbm>>
        %dma_wait3A_170 = tpu.memref_squeeze %dma_wait3A_169 : memref<1x1x128xi32, #tpu.memory_space<hbm>> -> memref<1x128xi32, #tpu.memory_space<hbm>>
        tpu.wait_dma2 semaphore(%run_scoped3A_147 : memref<!tpu.dma_semaphore, #tpu.memory_space<semaphore_mem>>) src(%dma_wait3A_170 : memref<1x128xi32, #tpu.memory_space<hbm>>) dst(%dma_wait3A_167 : memref<1x128xi32, #tpu.memory_space<vmem>>)
        tpu.yield
      }) : () -> ()
      %add3A_144 = arith.constant 78 : i32
      %add3A_145 = arith.addi %add3A_12, %add3A_144 : i32
      %run_scoped3A_146 = arith.constant 1 : i32
      "tpu.region"() ({
        %run_scoped3A_147 = tpu.sem_alloc : memref<!tpu.dma_semaphore, #tpu.memory_space<semaphore_mem>>
        %dma_start3A_148 = arith.constant 78 : i32
        %dma_start3A_149 = arith.constant 0 : i32
        %dma_start3A_150 = tpu.memref_slice %arg7[%dma_start3A_148, %dma_start3A_149] : memref<79x128xi32, #tpu.memory_space<vmem>> -> memref<1x128xi32, #tpu.memory_space<vmem>>
        %dma_start3A_151 = arith.constant 0 : i32
        %dma_start3A_152 = tpu.memref_slice %arg2[%run_scoped3A_146, %add3A_145, %dma_start3A_151] : memref<2x2500x128xi32, #tpu.memory_space<hbm>> -> memref<1x1x128xi32, #tpu.memory_space<hbm>>
        %dma_start3A_153 = tpu.memref_squeeze %dma_start3A_152 : memref<1x1x128xi32, #tpu.memory_space<hbm>> -> memref<1x128xi32, #tpu.memory_space<hbm>>
        %dma_start3A_154 = arith.constant 78 : i32
        %dma_start3A_155 = arith.constant 0 : i32
        %dma_start3A_156 = tpu.memref_slice %arg7[%dma_start3A_154, %dma_start3A_155] : memref<79x128xi32, #tpu.memory_space<vmem>> -> memref<1x128xi32, #tpu.memory_space<vmem>>
        %dma_start3A_157 = arith.constant 0 : i32
        %dma_start3A_158 = tpu.memref_slice %arg2[%run_scoped3A_146, %add3A_145, %dma_start3A_157] : memref<2x2500x128xi32, #tpu.memory_space<hbm>> -> memref<1x1x128xi32, #tpu.memory_space<hbm>>
        %dma_start3A_159 = tpu.memref_squeeze %dma_start3A_158 : memref<1x1x128xi32, #tpu.memory_space<hbm>> -> memref<1x128xi32, #tpu.memory_space<hbm>>
        tpu.enqueue_dma source(%dma_start3A_159 : memref<1x128xi32, #tpu.memory_space<hbm>>) target(%dma_start3A_156 : memref<1x128xi32, #tpu.memory_space<vmem>>) target_semaphore(%run_scoped3A_147 : memref<!tpu.dma_semaphore, #tpu.memory_space<semaphore_mem>>)
        %dma_wait3A = arith.constant 78 : i32
        %dma_wait3A_160 = arith.constant 0 : i32
        %dma_wait3A_161 = tpu.memref_slice %arg7[%dma_wait3A, %dma_wait3A_160] : memref<79x128xi32, #tpu.memory_space<vmem>> -> memref<1x128xi32, #tpu.memory_space<vmem>>
        %dma_wait3A_162 = arith.constant 0 : i32
        %dma_wait3A_163 = tpu.memref_slice %arg2[%run_scoped3A_146, %add3A_145, %dma_wait3A_162] : memref<2x2500x128xi32, #tpu.memory_space<hbm>> -> memref<1x1x128xi32, #tpu.memory_space<hbm>>
        %dma_wait3A_164 = tpu.memref_squeeze %dma_wait3A_163 : memref<1x1x128xi32, #tpu.memory_space<hbm>> -> memref<1x128xi32, #tpu.memory_space<hbm>>
        %dma_wait3A_165 = arith.constant 78 : i32
        %dma_wait3A_166 = arith.constant 0 : i32
        %dma_wait3A_167 = tpu.memref_slice %arg7[%dma_wait3A_165, %dma_wait3A_166] : memref<79x128xi32, #tpu.memory_space<vmem>> -> memref<1x128xi32, #tpu.memory_space<vmem>>
        %dma_wait3A_168 = arith.constant 0 : i32
        %dma_wait3A_169 = tpu.memref_slice %arg2[%run_scoped3A_146, %add3A_145, %dma_wait3A_168] : memref<2x2500x128xi32, #tpu.memory_space<hbm>> -> memref<1x1x128xi32, #tpu.memory_space<hbm>>
        %dma_wait3A_170 = tpu.memref_squeeze %dma_wait3A_169 : memref<1x1x128xi32, #tpu.memory_space<hbm>> -> memref<1x128xi32, #tpu.memory_space<hbm>>
        tpu.wait_dma2 semaphore(%run_scoped3A_147 : memref<!tpu.dma_semaphore, #tpu.memory_space<semaphore_mem>>) src(%dma_wait3A_170 : memref<1x128xi32, #tpu.memory_space<hbm>>) dst(%dma_wait3A_167 : memref<1x128xi32, #tpu.memory_space<vmem>>)
        tpu.yield
      }) : () -> ()
    } else {
    }
    %barrier3A = arith.constant 0 : index
    tpu.barrier barrier_id(%barrier3A)
    %dma_start3A = arith.constant 0 : i32
    %dma_start3A_21 = arith.constant 0 : i32
    %dma_start3A_22 = arith.constant 0 : i32
    %dma_start3A_23 = arith.constant 0 : i32
    %dma_start3A_24 = tpu.memref_slice %arg8[%dma_start3A_21, %dma_start3A_22, %dma_start3A_23] : memref<16x128x32xf32, #tpu.memory_space<vmem>> -> memref<1x128x32xf32, #tpu.memory_space<vmem>>
    %dma_start3A_25 = tpu.memref_squeeze %dma_start3A_24 : memref<1x128x32xf32, #tpu.memory_space<vmem>> -> memref<128x32xf32, #tpu.memory_space<vmem>>
    %dma_start3A_26 = arith.constant 0 : i32
    %dma_start3A_27 = tpu.memref_slice %arg6[%dma_start3A, %dma_start3A_26] : memref<79x128xi32, #tpu.memory_space<vmem>> -> memref<1x128xi32, #tpu.memory_space<vmem>>
    %dma_start3A_28 = tpu.memref_squeeze %dma_start3A_27 : memref<1x128xi32, #tpu.memory_space<vmem>> -> memref<128xi32, #tpu.memory_space<vmem>>
    %dma_start3A_29 = arith.constant 0 : i32
    %dma_start3A_30 = arith.constant 0 : i32
    %dma_start3A_31 = tpu.memref_slice %arg10[%dma_start3A_29, %dma_start3A_30] : memref<10240x32xf32, #tpu.memory_space<vmem_shared>> -> memref<10240x32xf32, #tpu.memory_space<vmem_shared>>
    tpu.enqueue_indirect_dma source(%dma_start3A_31 : memref<10240x32xf32, #tpu.memory_space<vmem_shared>>) target(%dma_start3A_25 : memref<128x32xf32, #tpu.memory_space<vmem>>) offsets(%dma_start3A_28 : memref<128xi32, #tpu.memory_space<vmem>>) semaphore(%arg11 : memref<!tpu.dma_semaphore, #tpu.memory_space<semaphore_mem>>)
    %dma_start3A_32 = arith.constant 1 : i32
    %dma_start3A_33 = arith.constant 1 : i32
    %dma_start3A_34 = arith.constant 0 : i32
    %dma_start3A_35 = arith.constant 0 : i32
    %dma_start3A_36 = tpu.memref_slice %arg8[%dma_start3A_33, %dma_start3A_34, %dma_start3A_35] : memref<16x128x32xf32, #tpu.memory_space<vmem>> -> memref<1x128x32xf32, #tpu.memory_space<vmem>>
    %dma_start3A_37 = tpu.memref_squeeze %dma_start3A_36 : memref<1x128x32xf32, #tpu.memory_space<vmem>> -> memref<128x32xf32, #tpu.memory_space<vmem>>
    %dma_start3A_38 = arith.constant 0 : i32
    %dma_start3A_39 = tpu.memref_slice %arg6[%dma_start3A_32, %dma_start3A_38] : memref<79x128xi32, #tpu.memory_space<vmem>> -> memref<1x128xi32, #tpu.memory_space<vmem>>
    %dma_start3A_40 = tpu.memref_squeeze %dma_start3A_39 : memref<1x128xi32, #tpu.memory_space<vmem>> -> memref<128xi32, #tpu.memory_space<vmem>>
    %dma_start3A_41 = arith.constant 0 : i32
    %dma_start3A_42 = arith.constant 0 : i32
    %dma_start3A_43 = tpu.memref_slice %arg10[%dma_start3A_41, %dma_start3A_42] : memref<10240x32xf32, #tpu.memory_space<vmem_shared>> -> memref<10240x32xf32, #tpu.memory_space<vmem_shared>>
    tpu.enqueue_indirect_dma source(%dma_start3A_43 : memref<10240x32xf32, #tpu.memory_space<vmem_shared>>) target(%dma_start3A_37 : memref<128x32xf32, #tpu.memory_space<vmem>>) offsets(%dma_start3A_40 : memref<128xi32, #tpu.memory_space<vmem>>) semaphore(%arg11 : memref<!tpu.dma_semaphore, #tpu.memory_space<semaphore_mem>>)
    %dma_start3A_44 = arith.constant 2 : i32
    %dma_start3A_45 = arith.constant 2 : i32
    %dma_start3A_46 = arith.constant 0 : i32
    %dma_start3A_47 = arith.constant 0 : i32
    %dma_start3A_48 = tpu.memref_slice %arg8[%dma_start3A_45, %dma_start3A_46, %dma_start3A_47] : memref<16x128x32xf32, #tpu.memory_space<vmem>> -> memref<1x128x32xf32, #tpu.memory_space<vmem>>
    %dma_start3A_49 = tpu.memref_squeeze %dma_start3A_48 : memref<1x128x32xf32, #tpu.memory_space<vmem>> -> memref<128x32xf32, #tpu.memory_space<vmem>>
    %dma_start3A_50 = arith.constant 0 : i32
    %dma_start3A_51 = tpu.memref_slice %arg6[%dma_start3A_44, %dma_start3A_50] : memref<79x128xi32, #tpu.memory_space<vmem>> -> memref<1x128xi32, #tpu.memory_space<vmem>>
    %dma_start3A_52 = tpu.memref_squeeze %dma_start3A_51 : memref<1x128xi32, #tpu.memory_space<vmem>> -> memref<128xi32, #tpu.memory_space<vmem>>
    %dma_start3A_53 = arith.constant 0 : i32
    %dma_start3A_54 = arith.constant 0 : i32
    %dma_start3A_55 = tpu.memref_slice %arg10[%dma_start3A_53, %dma_start3A_54] : memref<10240x32xf32, #tpu.memory_space<vmem_shared>> -> memref<10240x32xf32, #tpu.memory_space<vmem_shared>>
    tpu.enqueue_indirect_dma source(%dma_start3A_55 : memref<10240x32xf32, #tpu.memory_space<vmem_shared>>) target(%dma_start3A_49 : memref<128x32xf32, #tpu.memory_space<vmem>>) offsets(%dma_start3A_52 : memref<128xi32, #tpu.memory_space<vmem>>) semaphore(%arg11 : memref<!tpu.dma_semaphore, #tpu.memory_space<semaphore_mem>>)
    %dma_start3A_56 = arith.constant 3 : i32
    %dma_start3A_57 = arith.constant 3 : i32
    %dma_start3A_58 = arith.constant 0 : i32
    %dma_start3A_59 = arith.constant 0 : i32
    %dma_start3A_60 = tpu.memref_slice %arg8[%dma_start3A_57, %dma_start3A_58, %dma_start3A_59] : memref<16x128x32xf32, #tpu.memory_space<vmem>> -> memref<1x128x32xf32, #tpu.memory_space<vmem>>
    %dma_start3A_61 = tpu.memref_squeeze %dma_start3A_60 : memref<1x128x32xf32, #tpu.memory_space<vmem>> -> memref<128x32xf32, #tpu.memory_space<vmem>>
    %dma_start3A_62 = arith.constant 0 : i32
    %dma_start3A_63 = tpu.memref_slice %arg6[%dma_start3A_56, %dma_start3A_62] : memref<79x128xi32, #tpu.memory_space<vmem>> -> memref<1x128xi32, #tpu.memory_space<vmem>>
    %dma_start3A_64 = tpu.memref_squeeze %dma_start3A_63 : memref<1x128xi32, #tpu.memory_space<vmem>> -> memref<128xi32, #tpu.memory_space<vmem>>
    %dma_start3A_65 = arith.constant 0 : i32
    %dma_start3A_66 = arith.constant 0 : i32
    %dma_start3A_67 = tpu.memref_slice %arg10[%dma_start3A_65, %dma_start3A_66] : memref<10240x32xf32, #tpu.memory_space<vmem_shared>> -> memref<10240x32xf32, #tpu.memory_space<vmem_shared>>
    tpu.enqueue_indirect_dma source(%dma_start3A_67 : memref<10240x32xf32, #tpu.memory_space<vmem_shared>>) target(%dma_start3A_61 : memref<128x32xf32, #tpu.memory_space<vmem>>) offsets(%dma_start3A_64 : memref<128xi32, #tpu.memory_space<vmem>>) semaphore(%arg11 : memref<!tpu.dma_semaphore, #tpu.memory_space<semaphore_mem>>)
    %dma_start3A_68 = arith.constant 4 : i32
    %dma_start3A_69 = arith.constant 4 : i32
    %dma_start3A_70 = arith.constant 0 : i32
    %dma_start3A_71 = arith.constant 0 : i32
    %dma_start3A_72 = tpu.memref_slice %arg8[%dma_start3A_69, %dma_start3A_70, %dma_start3A_71] : memref<16x128x32xf32, #tpu.memory_space<vmem>> -> memref<1x128x32xf32, #tpu.memory_space<vmem>>
    %dma_start3A_73 = tpu.memref_squeeze %dma_start3A_72 : memref<1x128x32xf32, #tpu.memory_space<vmem>> -> memref<128x32xf32, #tpu.memory_space<vmem>>
    %dma_start3A_74 = arith.constant 0 : i32
    %dma_start3A_75 = tpu.memref_slice %arg6[%dma_start3A_68, %dma_start3A_74] : memref<79x128xi32, #tpu.memory_space<vmem>> -> memref<1x128xi32, #tpu.memory_space<vmem>>
    %dma_start3A_76 = tpu.memref_squeeze %dma_start3A_75 : memref<1x128xi32, #tpu.memory_space<vmem>> -> memref<128xi32, #tpu.memory_space<vmem>>
    %dma_start3A_77 = arith.constant 0 : i32
    %dma_start3A_78 = arith.constant 0 : i32
    %dma_start3A_79 = tpu.memref_slice %arg10[%dma_start3A_77, %dma_start3A_78] : memref<10240x32xf32, #tpu.memory_space<vmem_shared>> -> memref<10240x32xf32, #tpu.memory_space<vmem_shared>>
    tpu.enqueue_indirect_dma source(%dma_start3A_79 : memref<10240x32xf32, #tpu.memory_space<vmem_shared>>) target(%dma_start3A_73 : memref<128x32xf32, #tpu.memory_space<vmem>>) offsets(%dma_start3A_76 : memref<128xi32, #tpu.memory_space<vmem>>) semaphore(%arg11 : memref<!tpu.dma_semaphore, #tpu.memory_space<semaphore_mem>>)
    %dma_start3A_80 = arith.constant 5 : i32
    %dma_start3A_81 = arith.constant 5 : i32
    %dma_start3A_82 = arith.constant 0 : i32
    %dma_start3A_83 = arith.constant 0 : i32
    %dma_start3A_84 = tpu.memref_slice %arg8[%dma_start3A_81, %dma_start3A_82, %dma_start3A_83] : memref<16x128x32xf32, #tpu.memory_space<vmem>> -> memref<1x128x32xf32, #tpu.memory_space<vmem>>
    %dma_start3A_85 = tpu.memref_squeeze %dma_start3A_84 : memref<1x128x32xf32, #tpu.memory_space<vmem>> -> memref<128x32xf32, #tpu.memory_space<vmem>>
    %dma_start3A_86 = arith.constant 0 : i32
    %dma_start3A_87 = tpu.memref_slice %arg6[%dma_start3A_80, %dma_start3A_86] : memref<79x128xi32, #tpu.memory_space<vmem>> -> memref<1x128xi32, #tpu.memory_space<vmem>>
    %dma_start3A_88 = tpu.memref_squeeze %dma_start3A_87 : memref<1x128xi32, #tpu.memory_space<vmem>> -> memref<128xi32, #tpu.memory_space<vmem>>
    %dma_start3A_89 = arith.constant 0 : i32
    %dma_start3A_90 = arith.constant 0 : i32
    %dma_start3A_91 = tpu.memref_slice %arg10[%dma_start3A_89, %dma_start3A_90] : memref<10240x32xf32, #tpu.memory_space<vmem_shared>> -> memref<10240x32xf32, #tpu.memory_space<vmem_shared>>
    tpu.enqueue_indirect_dma source(%dma_start3A_91 : memref<10240x32xf32, #tpu.memory_space<vmem_shared>>) target(%dma_start3A_85 : memref<128x32xf32, #tpu.memory_space<vmem>>) offsets(%dma_start3A_88 : memref<128xi32, #tpu.memory_space<vmem>>) semaphore(%arg11 : memref<!tpu.dma_semaphore, #tpu.memory_space<semaphore_mem>>)
    %dma_start3A_92 = arith.constant 6 : i32
    %dma_start3A_93 = arith.constant 6 : i32
    %dma_start3A_94 = arith.constant 0 : i32
    %dma_start3A_95 = arith.constant 0 : i32
    %dma_start3A_96 = tpu.memref_slice %arg8[%dma_start3A_93, %dma_start3A_94, %dma_start3A_95] : memref<16x128x32xf32, #tpu.memory_space<vmem>> -> memref<1x128x32xf32, #tpu.memory_space<vmem>>
    %dma_start3A_97 = tpu.memref_squeeze %dma_start3A_96 : memref<1x128x32xf32, #tpu.memory_space<vmem>> -> memref<128x32xf32, #tpu.memory_space<vmem>>
    %dma_start3A_98 = arith.constant 0 : i32
    %dma_start3A_99 = tpu.memref_slice %arg6[%dma_start3A_92, %dma_start3A_98] : memref<79x128xi32, #tpu.memory_space<vmem>> -> memref<1x128xi32, #tpu.memory_space<vmem>>
    %dma_start3A_100 = tpu.memref_squeeze %dma_start3A_99 : memref<1x128xi32, #tpu.memory_space<vmem>> -> memref<128xi32, #tpu.memory_space<vmem>>
    %dma_start3A_101 = arith.constant 0 : i32
    %dma_start3A_102 = arith.constant 0 : i32
    %dma_start3A_103 = tpu.memref_slice %arg10[%dma_start3A_101, %dma_start3A_102] : memref<10240x32xf32, #tpu.memory_space<vmem_shared>> -> memref<10240x32xf32, #tpu.memory_space<vmem_shared>>
    tpu.enqueue_indirect_dma source(%dma_start3A_103 : memref<10240x32xf32, #tpu.memory_space<vmem_shared>>) target(%dma_start3A_97 : memref<128x32xf32, #tpu.memory_space<vmem>>) offsets(%dma_start3A_100 : memref<128xi32, #tpu.memory_space<vmem>>) semaphore(%arg11 : memref<!tpu.dma_semaphore, #tpu.memory_space<semaphore_mem>>)
    %dma_start3A_104 = arith.constant 7 : i32
    %dma_start3A_105 = arith.constant 7 : i32
    %dma_start3A_106 = arith.constant 0 : i32
    %dma_start3A_107 = arith.constant 0 : i32
    %dma_start3A_108 = tpu.memref_slice %arg8[%dma_start3A_105, %dma_start3A_106, %dma_start3A_107] : memref<16x128x32xf32, #tpu.memory_space<vmem>> -> memref<1x128x32xf32, #tpu.memory_space<vmem>>
    %dma_start3A_109 = tpu.memref_squeeze %dma_start3A_108 : memref<1x128x32xf32, #tpu.memory_space<vmem>> -> memref<128x32xf32, #tpu.memory_space<vmem>>
    %dma_start3A_110 = arith.constant 0 : i32
    %dma_start3A_111 = tpu.memref_slice %arg6[%dma_start3A_104, %dma_start3A_110] : memref<79x128xi32, #tpu.memory_space<vmem>> -> memref<1x128xi32, #tpu.memory_space<vmem>>
    %dma_start3A_112 = tpu.memref_squeeze %dma_start3A_111 : memref<1x128xi32, #tpu.memory_space<vmem>> -> memref<128xi32, #tpu.memory_space<vmem>>
    %dma_start3A_113 = arith.constant 0 : i32
    %dma_start3A_114 = arith.constant 0 : i32
    %dma_start3A_115 = tpu.memref_slice %arg10[%dma_start3A_113, %dma_start3A_114] : memref<10240x32xf32, #tpu.memory_space<vmem_shared>> -> memref<10240x32xf32, #tpu.memory_space<vmem_shared>>
    tpu.enqueue_indirect_dma source(%dma_start3A_115 : memref<10240x32xf32, #tpu.memory_space<vmem_shared>>) target(%dma_start3A_109 : memref<128x32xf32, #tpu.memory_space<vmem>>) offsets(%dma_start3A_112 : memref<128xi32, #tpu.memory_space<vmem>>) semaphore(%arg11 : memref<!tpu.dma_semaphore, #tpu.memory_space<semaphore_mem>>)
    %while3A = arith.constant 0 : i32
    %while3A_116 = arith.constant 0 : i32
    %while3A_117 = arith.subi %add3A_16, %while3A_116 : i32
    %while3A_118 = arith.addi %while3A_116, %while3A_117 : i32
    %while3A_119 = arith.constant 1 : i32
    %while3A_120 = arith.divsi %while3A_117, %while3A_119 : i32
    %while3A_121 = arith.muli %while3A_120, %while3A_119 : i32
    %while3A_122 = arith.addi %while3A_116, %while3A_121 : i32
    %while3A_123 = arith.constant 1 : i32
    scf.for %while3A_141 = %while3A_116 to %while3A_122 step %while3A_123  : i32 {
      %rem3A = arith.constant 16 : i32
      %rem3A_142 = arith.remsi %while3A_141, %rem3A : i32
      %dma_wait3A = arith.constant 0 : i32
      %dma_wait3A_143 = arith.constant 0 : i32
      %dma_wait3A_144 = tpu.memref_slice %arg8[%rem3A_142, %dma_wait3A, %dma_wait3A_143] : memref<16x128x32xf32, #tpu.memory_space<vmem>> -> memref<1x128x32xf32, #tpu.memory_space<vmem>>
      %dma_wait3A_145 = tpu.memref_squeeze %dma_wait3A_144 : memref<1x128x32xf32, #tpu.memory_space<vmem>> -> memref<128x32xf32, #tpu.memory_space<vmem>>
      %dma_wait3A_146 = arith.constant 0 : i32
      %dma_wait3A_147 = tpu.memref_slice %arg6[%while3A_141, %dma_wait3A_146] : memref<79x128xi32, #tpu.memory_space<vmem>> -> memref<1x128xi32, #tpu.memory_space<vmem>>
      %dma_wait3A_148 = tpu.memref_squeeze %dma_wait3A_147 : memref<1x128xi32, #tpu.memory_space<vmem>> -> memref<128xi32, #tpu.memory_space<vmem>>
      %dma_wait3A_149 = arith.constant 0 : i32
      %dma_wait3A_150 = arith.constant 0 : i32
      %dma_wait3A_151 = tpu.memref_slice %arg10[%dma_wait3A_149, %dma_wait3A_150] : memref<10240x32xf32, #tpu.memory_space<vmem_shared>> -> memref<10240x32xf32, #tpu.memory_space<vmem_shared>>
      tpu.wait_indirect_dma semaphore(%arg11 : memref<!tpu.dma_semaphore, #tpu.memory_space<semaphore_mem>>) src(%dma_wait3A_151 : memref<10240x32xf32, #tpu.memory_space<vmem_shared>>) dst(%dma_wait3A_145 : memref<128x32xf32, #tpu.memory_space<vmem>>)
      %dma_start3A_152 = arith.constant 0 : i32
      %dma_start3A_153 = arith.constant 0 : i32
      %dma_start3A_154 = tpu.memref_slice %arg8[%rem3A_142, %dma_start3A_152, %dma_start3A_153] : memref<16x128x32xf32, #tpu.memory_space<vmem>> -> memref<1x128x32xf32, #tpu.memory_space<vmem>>
      %dma_start3A_155 = tpu.memref_squeeze %dma_start3A_154 : memref<1x128x32xf32, #tpu.memory_space<vmem>> -> memref<128x32xf32, #tpu.memory_space<vmem>>
      %dma_start3A_156 = arith.constant 0 : i32
      %dma_start3A_157 = tpu.memref_slice %arg7[%while3A_141, %dma_start3A_156] : memref<79x128xi32, #tpu.memory_space<vmem>> -> memref<1x128xi32, #tpu.memory_space<vmem>>
      %dma_start3A_158 = tpu.memref_squeeze %dma_start3A_157 : memref<1x128xi32, #tpu.memory_space<vmem>> -> memref<128xi32, #tpu.memory_space<vmem>>
      %dma_start3A_159 = arith.constant 0 : i32
      %dma_start3A_160 = arith.constant 0 : i32
      %dma_start3A_161 = tpu.memref_slice %arg9[%dma_start3A_159, %dma_start3A_160] : memref<10240x32xf32, #tpu.memory_space<vmem_shared>> -> memref<10240x32xf32, #tpu.memory_space<vmem_shared>>
      tpu.enqueue_indirect_dma source(%dma_start3A_155 : memref<128x32xf32, #tpu.memory_space<vmem>>) target(%dma_start3A_161 : memref<10240x32xf32, #tpu.memory_space<vmem_shared>>) offsets(%dma_start3A_158 : memref<128xi32, #tpu.memory_space<vmem>>) semaphore(%arg12 : memref<!tpu.dma_semaphore, #tpu.memory_space<semaphore_mem>>) {add = true}
      %ge3A = arith.constant 8 : i32
      %ge3A_162 = arith.cmpi sge, %while3A_141, %ge3A : i32
      %convert_element_type3A_163 = arith.extui %ge3A_162 : i1 to i32
      %cond3A_164 = arith.constant 0 : i32
      %cond3A_165 = arith.cmpi ne, %convert_element_type3A_163, %cond3A_164 : i32
      scf.if %cond3A_165 {
        %sub3A_172 = arith.constant 8 : i32
        %sub3A_173 = arith.subi %while3A_141, %sub3A_172 : i32
        %rem3A_174 = arith.constant 16 : i32
        %rem3A_175 = arith.remsi %sub3A_173, %rem3A_174 : i32
        %dma_wait3A_176 = arith.constant 0 : i32
        %dma_wait3A_177 = arith.constant 0 : i32
        %dma_wait3A_178 = tpu.memref_slice %arg8[%rem3A_175, %dma_wait3A_176, %dma_wait3A_177] : memref<16x128x32xf32, #tpu.memory_space<vmem>> -> memref<1x128x32xf32, #tpu.memory_space<vmem>>
        %dma_wait3A_179 = tpu.memref_squeeze %dma_wait3A_178 : memref<1x128x32xf32, #tpu.memory_space<vmem>> -> memref<128x32xf32, #tpu.memory_space<vmem>>
        %dma_wait3A_180 = arith.constant 0 : i32
        %dma_wait3A_181 = tpu.memref_slice %arg7[%sub3A_173, %dma_wait3A_180] : memref<79x128xi32, #tpu.memory_space<vmem>> -> memref<1x128xi32, #tpu.memory_space<vmem>>
        %dma_wait3A_182 = tpu.memref_squeeze %dma_wait3A_181 : memref<1x128xi32, #tpu.memory_space<vmem>> -> memref<128xi32, #tpu.memory_space<vmem>>
        %dma_wait3A_183 = arith.constant 0 : i32
        %dma_wait3A_184 = arith.constant 0 : i32
        %dma_wait3A_185 = tpu.memref_slice %arg9[%dma_wait3A_183, %dma_wait3A_184] : memref<10240x32xf32, #tpu.memory_space<vmem_shared>> -> memref<10240x32xf32, #tpu.memory_space<vmem_shared>>
        tpu.wait_indirect_dma semaphore(%arg12 : memref<!tpu.dma_semaphore, #tpu.memory_space<semaphore_mem>>) src(%dma_wait3A_179 : memref<128x32xf32, #tpu.memory_space<vmem>>) dst(%dma_wait3A_185 : memref<10240x32xf32, #tpu.memory_space<vmem_shared>>)
      } else {
      }
      %add3A_166 = arith.constant 8 : i32
      %add3A_167 = arith.addi %while3A_141, %add3A_166 : i32
      %lt3A_168 = arith.cmpi slt, %add3A_167, %add3A_16 : i32
      %convert_element_type3A_169 = arith.extui %lt3A_168 : i1 to i32
      %cond3A_170 = arith.constant 0 : i32
      %cond3A_171 = arith.cmpi ne, %convert_element_type3A_169, %cond3A_170 : i32
      scf.if %cond3A_171 {
        %add3A_172 = arith.constant 8 : i32
        %add3A_173 = arith.addi %while3A_141, %add3A_172 : i32
        %add3A_174 = arith.constant 8 : i32
        %add3A_175 = arith.addi %while3A_141, %add3A_174 : i32
        %rem3A_176 = arith.constant 16 : i32
        %rem3A_177 = arith.remsi %add3A_175, %rem3A_176 : i32
        %dma_start3A_178 = arith.constant 0 : i32
        %dma_start3A_179 = arith.constant 0 : i32
        %dma_start3A_180 = tpu.memref_slice %arg8[%rem3A_177, %dma_start3A_178, %dma_start3A_179] : memref<16x128x32xf32, #tpu.memory_space<vmem>> -> memref<1x128x32xf32, #tpu.memory_space<vmem>>
        %dma_start3A_181 = tpu.memref_squeeze %dma_start3A_180 : memref<1x128x32xf32, #tpu.memory_space<vmem>> -> memref<128x32xf32, #tpu.memory_space<vmem>>
        %dma_start3A_182 = arith.constant 0 : i32
        %dma_start3A_183 = tpu.memref_slice %arg6[%add3A_173, %dma_start3A_182] : memref<79x128xi32, #tpu.memory_space<vmem>> -> memref<1x128xi32, #tpu.memory_space<vmem>>
        %dma_start3A_184 = tpu.memref_squeeze %dma_start3A_183 : memref<1x128xi32, #tpu.memory_space<vmem>> -> memref<128xi32, #tpu.memory_space<vmem>>
        %dma_start3A_185 = arith.constant 0 : i32
        %dma_start3A_186 = arith.constant 0 : i32
        %dma_start3A_187 = tpu.memref_slice %arg10[%dma_start3A_185, %dma_start3A_186] : memref<10240x32xf32, #tpu.memory_space<vmem_shared>> -> memref<10240x32xf32, #tpu.memory_space<vmem_shared>>
        tpu.enqueue_indirect_dma source(%dma_start3A_187 : memref<10240x32xf32, #tpu.memory_space<vmem_shared>>) target(%dma_start3A_181 : memref<128x32xf32, #tpu.memory_space<vmem>>) offsets(%dma_start3A_184 : memref<128xi32, #tpu.memory_space<vmem>>) semaphore(%arg11 : memref<!tpu.dma_semaphore, #tpu.memory_space<semaphore_mem>>)
      } else {
      }
    }
    %while3A_124 = arith.constant 1 : i32
    scf.for %while3A_141 = %while3A_122 to %while3A_118 step %while3A_124  : i32 {
      %rem3A = arith.constant 16 : i32
      %rem3A_142 = arith.remsi %while3A_141, %rem3A : i32
      %dma_wait3A = arith.constant 0 : i32
      %dma_wait3A_143 = arith.constant 0 : i32
      %dma_wait3A_144 = tpu.memref_slice %arg8[%rem3A_142, %dma_wait3A, %dma_wait3A_143] : memref<16x128x32xf32, #tpu.memory_space<vmem>> -> memref<1x128x32xf32, #tpu.memory_space<vmem>>
      %dma_wait3A_145 = tpu.memref_squeeze %dma_wait3A_144 : memref<1x128x32xf32, #tpu.memory_space<vmem>> -> memref<128x32xf32, #tpu.memory_space<vmem>>
      %dma_wait3A_146 = arith.constant 0 : i32
      %dma_wait3A_147 = tpu.memref_slice %arg6[%while3A_141, %dma_wait3A_146] : memref<79x128xi32, #tpu.memory_space<vmem>> -> memref<1x128xi32, #tpu.memory_space<vmem>>
      %dma_wait3A_148 = tpu.memref_squeeze %dma_wait3A_147 : memref<1x128xi32, #tpu.memory_space<vmem>> -> memref<128xi32, #tpu.memory_space<vmem>>
      %dma_wait3A_149 = arith.constant 0 : i32
      %dma_wait3A_150 = arith.constant 0 : i32
      %dma_wait3A_151 = tpu.memref_slice %arg10[%dma_wait3A_149, %dma_wait3A_150] : memref<10240x32xf32, #tpu.memory_space<vmem_shared>> -> memref<10240x32xf32, #tpu.memory_space<vmem_shared>>
      tpu.wait_indirect_dma semaphore(%arg11 : memref<!tpu.dma_semaphore, #tpu.memory_space<semaphore_mem>>) src(%dma_wait3A_151 : memref<10240x32xf32, #tpu.memory_space<vmem_shared>>) dst(%dma_wait3A_145 : memref<128x32xf32, #tpu.memory_space<vmem>>)
      %dma_start3A_152 = arith.constant 0 : i32
      %dma_start3A_153 = arith.constant 0 : i32
      %dma_start3A_154 = tpu.memref_slice %arg8[%rem3A_142, %dma_start3A_152, %dma_start3A_153] : memref<16x128x32xf32, #tpu.memory_space<vmem>> -> memref<1x128x32xf32, #tpu.memory_space<vmem>>
      %dma_start3A_155 = tpu.memref_squeeze %dma_start3A_154 : memref<1x128x32xf32, #tpu.memory_space<vmem>> -> memref<128x32xf32, #tpu.memory_space<vmem>>
      %dma_start3A_156 = arith.constant 0 : i32
      %dma_start3A_157 = tpu.memref_slice %arg7[%while3A_141, %dma_start3A_156] : memref<79x128xi32, #tpu.memory_space<vmem>> -> memref<1x128xi32, #tpu.memory_space<vmem>>
      %dma_start3A_158 = tpu.memref_squeeze %dma_start3A_157 : memref<1x128xi32, #tpu.memory_space<vmem>> -> memref<128xi32, #tpu.memory_space<vmem>>
      %dma_start3A_159 = arith.constant 0 : i32
      %dma_start3A_160 = arith.constant 0 : i32
      %dma_start3A_161 = tpu.memref_slice %arg9[%dma_start3A_159, %dma_start3A_160] : memref<10240x32xf32, #tpu.memory_space<vmem_shared>> -> memref<10240x32xf32, #tpu.memory_space<vmem_shared>>
      tpu.enqueue_indirect_dma source(%dma_start3A_155 : memref<128x32xf32, #tpu.memory_space<vmem>>) target(%dma_start3A_161 : memref<10240x32xf32, #tpu.memory_space<vmem_shared>>) offsets(%dma_start3A_158 : memref<128xi32, #tpu.memory_space<vmem>>) semaphore(%arg12 : memref<!tpu.dma_semaphore, #tpu.memory_space<semaphore_mem>>) {add = true}
      %ge3A = arith.constant 8 : i32
      %ge3A_162 = arith.cmpi sge, %while3A_141, %ge3A : i32
      %convert_element_type3A_163 = arith.extui %ge3A_162 : i1 to i32
      %cond3A_164 = arith.constant 0 : i32
      %cond3A_165 = arith.cmpi ne, %convert_element_type3A_163, %cond3A_164 : i32
      scf.if %cond3A_165 {
        %sub3A_172 = arith.constant 8 : i32
        %sub3A_173 = arith.subi %while3A_141, %sub3A_172 : i32
        %rem3A_174 = arith.constant 16 : i32
        %rem3A_175 = arith.remsi %sub3A_173, %rem3A_174 : i32
        %dma_wait3A_176 = arith.constant 0 : i32
        %dma_wait3A_177 = arith.constant 0 : i32
        %dma_wait3A_178 = tpu.memref_slice %arg8[%rem3A_175, %dma_wait3A_176, %dma_wait3A_177] : memref<16x128x32xf32, #tpu.memory_space<vmem>> -> memref<1x128x32xf32, #tpu.memory_space<vmem>>
        %dma_wait3A_179 = tpu.memref_squeeze %dma_wait3A_178 : memref<1x128x32xf32, #tpu.memory_space<vmem>> -> memref<128x32xf32, #tpu.memory_space<vmem>>
        %dma_wait3A_180 = arith.constant 0 : i32
        %dma_wait3A_181 = tpu.memref_slice %arg7[%sub3A_173, %dma_wait3A_180] : memref<79x128xi32, #tpu.memory_space<vmem>> -> memref<1x128xi32, #tpu.memory_space<vmem>>
        %dma_wait3A_182 = tpu.memref_squeeze %dma_wait3A_181 : memref<1x128xi32, #tpu.memory_space<vmem>> -> memref<128xi32, #tpu.memory_space<vmem>>
        %dma_wait3A_183 = arith.constant 0 : i32
        %dma_wait3A_184 = arith.constant 0 : i32
        %dma_wait3A_185 = tpu.memref_slice %arg9[%dma_wait3A_183, %dma_wait3A_184] : memref<10240x32xf32, #tpu.memory_space<vmem_shared>> -> memref<10240x32xf32, #tpu.memory_space<vmem_shared>>
        tpu.wait_indirect_dma semaphore(%arg12 : memref<!tpu.dma_semaphore, #tpu.memory_space<semaphore_mem>>) src(%dma_wait3A_179 : memref<128x32xf32, #tpu.memory_space<vmem>>) dst(%dma_wait3A_185 : memref<10240x32xf32, #tpu.memory_space<vmem_shared>>)
      } else {
      }
      %add3A_166 = arith.constant 8 : i32
      %add3A_167 = arith.addi %while3A_141, %add3A_166 : i32
      %lt3A_168 = arith.cmpi slt, %add3A_167, %add3A_16 : i32
      %convert_element_type3A_169 = arith.extui %lt3A_168 : i1 to i32
      %cond3A_170 = arith.constant 0 : i32
      %cond3A_171 = arith.cmpi ne, %convert_element_type3A_169, %cond3A_170 : i32
      scf.if %cond3A_171 {
        %add3A_172 = arith.constant 8 : i32
        %add3A_173 = arith.addi %while3A_141, %add3A_172 : i32
        %add3A_174 = arith.constant 8 : i32
        %add3A_175 = arith.addi %while3A_141, %add3A_174 : i32
        %rem3A_176 = arith.constant 16 : i32
        %rem3A_177 = arith.remsi %add3A_175, %rem3A_176 : i32
        %dma_start3A_178 = arith.constant 0 : i32
        %dma_start3A_179 = arith.constant 0 : i32
        %dma_start3A_180 = tpu.memref_slice %arg8[%rem3A_177, %dma_start3A_178, %dma_start3A_179] : memref<16x128x32xf32, #tpu.memory_space<vmem>> -> memref<1x128x32xf32, #tpu.memory_space<vmem>>
        %dma_start3A_181 = tpu.memref_squeeze %dma_start3A_180 : memref<1x128x32xf32, #tpu.memory_space<vmem>> -> memref<128x32xf32, #tpu.memory_space<vmem>>
        %dma_start3A_182 = arith.constant 0 : i32
        %dma_start3A_183 = tpu.memref_slice %arg6[%add3A_173, %dma_start3A_182] : memref<79x128xi32, #tpu.memory_space<vmem>> -> memref<1x128xi32, #tpu.memory_space<vmem>>
        %dma_start3A_184 = tpu.memref_squeeze %dma_start3A_183 : memref<1x128xi32, #tpu.memory_space<vmem>> -> memref<128xi32, #tpu.memory_space<vmem>>
        %dma_start3A_185 = arith.constant 0 : i32
        %dma_start3A_186 = arith.constant 0 : i32
        %dma_start3A_187 = tpu.memref_slice %arg10[%dma_start3A_185, %dma_start3A_186] : memref<10240x32xf32, #tpu.memory_space<vmem_shared>> -> memref<10240x32xf32, #tpu.memory_space<vmem_shared>>
        tpu.enqueue_indirect_dma source(%dma_start3A_187 : memref<10240x32xf32, #tpu.memory_space<vmem_shared>>) target(%dma_start3A_181 : memref<128x32xf32, #tpu.memory_space<vmem>>) offsets(%dma_start3A_184 : memref<128xi32, #tpu.memory_space<vmem>>) semaphore(%arg11 : memref<!tpu.dma_semaphore, #tpu.memory_space<semaphore_mem>>)
      } else {
      }
    }
    %sub3A = arith.constant 8 : i32
    %sub3A_125 = arith.subi %add3A_16, %sub3A : i32
    %max3A = arith.constant 0 : i32
    %max3A_126 = arith.maxsi %sub3A_125, %max3A : i32
    %while3A_127 = arith.constant 0 : i32
    %while3A_128 = arith.subi %add3A_16, %max3A_126 : i32
    %while3A_129 = arith.addi %max3A_126, %while3A_128 : i32
    %while3A_130 = arith.constant 1 : i32
    %while3A_131 = arith.divsi %while3A_128, %while3A_130 : i32
    %while3A_132 = arith.muli %while3A_131, %while3A_130 : i32
    %while3A_133 = arith.addi %max3A_126, %while3A_132 : i32
    %while3A_134 = arith.constant 1 : i32
    scf.for %while3A_141 = %max3A_126 to %while3A_133 step %while3A_134  : i32 {
      %rem3A = arith.constant 16 : i32
      %rem3A_142 = arith.remsi %while3A_141, %rem3A : i32
      %dma_wait3A = arith.constant 0 : i32
      %dma_wait3A_143 = arith.constant 0 : i32
      %dma_wait3A_144 = tpu.memref_slice %arg8[%rem3A_142, %dma_wait3A, %dma_wait3A_143] : memref<16x128x32xf32, #tpu.memory_space<vmem>> -> memref<1x128x32xf32, #tpu.memory_space<vmem>>
      %dma_wait3A_145 = tpu.memref_squeeze %dma_wait3A_144 : memref<1x128x32xf32, #tpu.memory_space<vmem>> -> memref<128x32xf32, #tpu.memory_space<vmem>>
      %dma_wait3A_146 = arith.constant 0 : i32
      %dma_wait3A_147 = tpu.memref_slice %arg7[%while3A_141, %dma_wait3A_146] : memref<79x128xi32, #tpu.memory_space<vmem>> -> memref<1x128xi32, #tpu.memory_space<vmem>>
      %dma_wait3A_148 = tpu.memref_squeeze %dma_wait3A_147 : memref<1x128xi32, #tpu.memory_space<vmem>> -> memref<128xi32, #tpu.memory_space<vmem>>
      %dma_wait3A_149 = arith.constant 0 : i32
      %dma_wait3A_150 = arith.constant 0 : i32
      %dma_wait3A_151 = tpu.memref_slice %arg9[%dma_wait3A_149, %dma_wait3A_150] : memref<10240x32xf32, #tpu.memory_space<vmem_shared>> -> memref<10240x32xf32, #tpu.memory_space<vmem_shared>>
      tpu.wait_indirect_dma semaphore(%arg12 : memref<!tpu.dma_semaphore, #tpu.memory_space<semaphore_mem>>) src(%dma_wait3A_145 : memref<128x32xf32, #tpu.memory_space<vmem>>) dst(%dma_wait3A_151 : memref<10240x32xf32, #tpu.memory_space<vmem_shared>>)
    }
    %while3A_135 = arith.constant 1 : i32
    scf.for %while3A_141 = %while3A_133 to %while3A_129 step %while3A_135  : i32 {
      %rem3A = arith.constant 16 : i32
      %rem3A_142 = arith.remsi %while3A_141, %rem3A : i32
      %dma_wait3A = arith.constant 0 : i32
      %dma_wait3A_143 = arith.constant 0 : i32
      %dma_wait3A_144 = tpu.memref_slice %arg8[%rem3A_142, %dma_wait3A, %dma_wait3A_143] : memref<16x128x32xf32, #tpu.memory_space<vmem>> -> memref<1x128x32xf32, #tpu.memory_space<vmem>>
      %dma_wait3A_145 = tpu.memref_squeeze %dma_wait3A_144 : memref<1x128x32xf32, #tpu.memory_space<vmem>> -> memref<128x32xf32, #tpu.memory_space<vmem>>
      %dma_wait3A_146 = arith.constant 0 : i32
      %dma_wait3A_147 = tpu.memref_slice %arg7[%while3A_141, %dma_wait3A_146] : memref<79x128xi32, #tpu.memory_space<vmem>> -> memref<1x128xi32, #tpu.memory_space<vmem>>
      %dma_wait3A_148 = tpu.memref_squeeze %dma_wait3A_147 : memref<1x128xi32, #tpu.memory_space<vmem>> -> memref<128xi32, #tpu.memory_space<vmem>>
      %dma_wait3A_149 = arith.constant 0 : i32
      %dma_wait3A_150 = arith.constant 0 : i32
      %dma_wait3A_151 = tpu.memref_slice %arg9[%dma_wait3A_149, %dma_wait3A_150] : memref<10240x32xf32, #tpu.memory_space<vmem_shared>> -> memref<10240x32xf32, #tpu.memory_space<vmem_shared>>
      tpu.wait_indirect_dma semaphore(%arg12 : memref<!tpu.dma_semaphore, #tpu.memory_space<semaphore_mem>>) src(%dma_wait3A_145 : memref<128x32xf32, #tpu.memory_space<vmem>>) dst(%dma_wait3A_151 : memref<10240x32xf32, #tpu.memory_space<vmem_shared>>)
    }
    %barrier3A_136 = arith.constant 0 : index
    tpu.barrier barrier_id(%barrier3A_136)
    %mul3A_137 = arith.constant 640 : i32
    %mul3A_138 = arith.muli %arg1, %mul3A_137 : i32
    %mul3A_139 = arith.constant 640 : i32
    %mul3A_140 = arith.muli %arg1, %mul3A_139 : i32
    "tpu.region"() ({
      %run_scoped3A_141 = tpu.sem_alloc : memref<!tpu.dma_semaphore, #tpu.memory_space<semaphore_mem>>
      %dma_start3A_142 = arith.constant 0 : i32
      %dma_start3A_143 = tpu.memref_slice %arg5[%arg0, %mul3A_140, %dma_start3A_142] : memref<2x10240x32xf32, #tpu.memory_space<hbm>> -> memref<1x640x32xf32, #tpu.memory_space<hbm>>
      %dma_start3A_144 = tpu.memref_squeeze %dma_start3A_143 : memref<1x640x32xf32, #tpu.memory_space<hbm>> -> memref<640x32xf32, #tpu.memory_space<hbm>>
      %dma_start3A_145 = arith.constant 0 : i32
      %dma_start3A_146 = tpu.memref_slice %arg9[%mul3A_138, %dma_start3A_145] : memref<10240x32xf32, #tpu.memory_space<vmem_shared>> -> memref<640x32xf32, #tpu.memory_space<vmem_shared>>
      tpu.enqueue_dma source(%dma_start3A_146 : memref<640x32xf32, #tpu.memory_space<vmem_shared>>) target(%dma_start3A_144 : memref<640x32xf32, #tpu.memory_space<hbm>>) target_semaphore(%run_scoped3A_141 : memref<!tpu.dma_semaphore, #tpu.memory_space<semaphore_mem>>)
      %dma_wait3A = arith.constant 0 : i32
      %dma_wait3A_147 = tpu.memref_slice %arg5[%arg0, %mul3A_140, %dma_wait3A] : memref<2x10240x32xf32, #tpu.memory_space<hbm>> -> memref<1x640x32xf32, #tpu.memory_space<hbm>>
      %dma_wait3A_148 = tpu.memref_squeeze %dma_wait3A_147 : memref<1x640x32xf32, #tpu.memory_space<hbm>> -> memref<640x32xf32, #tpu.memory_space<hbm>>
      %dma_wait3A_149 = arith.constant 0 : i32
      %dma_wait3A_150 = tpu.memref_slice %arg9[%mul3A_138, %dma_wait3A_149] : memref<10240x32xf32, #tpu.memory_space<vmem_shared>> -> memref<640x32xf32, #tpu.memory_space<vmem_shared>>
      tpu.wait_dma2 semaphore(%run_scoped3A_141 : memref<!tpu.dma_semaphore, #tpu.memory_space<semaphore_mem>>) src(%dma_wait3A_150 : memref<640x32xf32, #tpu.memory_space<vmem_shared>>) dst(%dma_wait3A_148 : memref<640x32xf32, #tpu.memory_space<hbm>>)
      tpu.yield
    }) : () -> ()
    return
  }
}

#map = affine_map<(d0, d1) -> (0, 0, 0)>
#map1 = affine_map<(d0, d1) -> (0, 0)>
module attributes {stable_mosaic.version = 14 : i64} {
  func.func @_segsum_body(%arg0: i32, %arg1: i32, %arg2: memref<2x2500x128xi32, #tpu.memory_space<hbm>>, %arg3: memref<10240x32xf32, #tpu.memory_space<hbm>>, %arg4: memref<10240x32xf32, #tpu.memory_space<hbm>>, %arg5: memref<2x10240x32xf32, #tpu.memory_space<hbm>>, %arg6: memref<79x128xi32, #tpu.memory_space<vmem>>, %arg7: memref<79x128xi32, #tpu.memory_space<vmem>>, %arg8: memref<16x128x32xf32, #tpu.memory_space<vmem>>, %arg9: memref<10240x32xf32, #tpu.memory_space<vmem_shared>>, %arg10: memref<10240x32xf32, #tpu.memory_space<vmem_shared>>, %arg11: memref<!tpu.dma_semaphore, #tpu.memory_space<semaphore_mem>>, %arg12: memref<!tpu.dma_semaphore, #tpu.memory_space<semaphore_mem>>) attributes {dimension_semantics = [#tpu.dimension_semantics<core_parallel>, #tpu.dimension_semantics<subcore_parallel>], iteration_bounds = array<i64: 2, 16>, scalar_prefetch = 0 : i64, scratch_operands = 7 : i64, tpu.core_type = #tpu.core_type<sc_vector_subcore>, window_params = [{transform_indices = #map}, {transform_indices = #map1}, {transform_indices = #map1}, {transform_indices = #map}]} {
    %mul3A = arith.constant 16 : i32
    %mul3A_0 = arith.muli %arg0, %mul3A : i32
    %add3A = arith.addi %mul3A_0, %arg1 : i32
    %mul3A_1 = arith.constant 640 : i32
    %mul3A_2 = arith.muli %arg1, %mul3A_1 : i32
    %mul3A_3 = arith.constant 640 : i32
    %mul3A_4 = arith.muli %arg1, %mul3A_3 : i32
    "tpu.region"() ({
      %run_scoped3A_141 = tpu.sem_alloc : memref<!tpu.dma_semaphore, #tpu.memory_space<semaphore_mem>>
      %dma_start3A_142 = arith.constant 0 : i32
      %dma_start3A_143 = tpu.memref_slice %arg9[%mul3A_4, %dma_start3A_142] : memref<10240x32xf32, #tpu.memory_space<vmem_shared>> -> memref<640x32xf32, #tpu.memory_space<vmem_shared>>
      %dma_start3A_144 = arith.constant 0 : i32
      %dma_start3A_145 = tpu.memref_slice %arg4[%mul3A_2, %dma_start3A_144] : memref<10240x32xf32, #tpu.memory_space<hbm>> -> memref<640x32xf32, #tpu.memory_space<hbm>>
      tpu.enqueue_dma source(%dma_start3A_145 : memref<640x32xf32, #tpu.memory_space<hbm>>) target(%dma_start3A_143 : memref<640x32xf32, #tpu.memory_space<vmem_shared>>) target_semaphore(%run_scoped3A_141 : memref<!tpu.dma_semaphore, #tpu.memory_space<semaphore_mem>>)
      %dma_wait3A = arith.constant 0 : i32
      %dma_wait3A_146 = tpu.memref_slice %arg9[%mul3A_4, %dma_wait3A] : memref<10240x32xf32, #tpu.memory_space<vmem_shared>> -> memref<640x32xf32, #tpu.memory_space<vmem_shared>>
      %dma_wait3A_147 = arith.constant 0 : i32
      %dma_wait3A_148 = tpu.memref_slice %arg4[%mul3A_2, %dma_wait3A_147] : memref<10240x32xf32, #tpu.memory_space<hbm>> -> memref<640x32xf32, #tpu.memory_space<hbm>>
      tpu.wait_dma2 semaphore(%run_scoped3A_141 : memref<!tpu.dma_semaphore, #tpu.memory_space<semaphore_mem>>) src(%dma_wait3A_148 : memref<640x32xf32, #tpu.memory_space<hbm>>) dst(%dma_wait3A_146 : memref<640x32xf32, #tpu.memory_space<vmem_shared>>)
      tpu.yield
    }) : () -> ()
    %mul3A_5 = arith.constant 640 : i32
    %mul3A_6 = arith.muli %arg1, %mul3A_5 : i32
    %mul3A_7 = arith.constant 640 : i32
    %mul3A_8 = arith.muli %arg1, %mul3A_7 : i32
    "tpu.region"() ({
      %run_scoped3A_141 = tpu.sem_alloc : memref<!tpu.dma_semaphore, #tpu.memory_space<semaphore_mem>>
      %dma_start3A_142 = arith.constant 0 : i32
      %dma_start3A_143 = tpu.memref_slice %arg10[%mul3A_8, %dma_start3A_142] : memref<10240x32xf32, #tpu.memory_space<vmem_shared>> -> memref<640x32xf32, #tpu.memory_space<vmem_shared>>
      %dma_start3A_144 = arith.constant 0 : i32
      %dma_start3A_145 = tpu.memref_slice %arg3[%mul3A_6, %dma_start3A_144] : memref<10240x32xf32, #tpu.memory_space<hbm>> -> memref<640x32xf32, #tpu.memory_space<hbm>>
      tpu.enqueue_dma source(%dma_start3A_145 : memref<640x32xf32, #tpu.memory_space<hbm>>) target(%dma_start3A_143 : memref<640x32xf32, #tpu.memory_space<vmem_shared>>) target_semaphore(%run_scoped3A_141 : memref<!tpu.dma_semaphore, #tpu.memory_space<semaphore_mem>>)
      %dma_wait3A = arith.constant 0 : i32
      %dma_wait3A_146 = tpu.memref_slice %arg10[%mul3A_8, %dma_wait3A] : memref<10240x32xf32, #tpu.memory_space<vmem_shared>> -> memref<640x32xf32, #tpu.memory_space<vmem_shared>>
      %dma_wait3A_147 = arith.constant 0 : i32
      %dma_wait3A_148 = tpu.memref_slice %arg3[%mul3A_6, %dma_wait3A_147] : memref<10240x32xf32, #tpu.memory_space<hbm>> -> memref<640x32xf32, #tpu.memory_space<hbm>>
      tpu.wait_dma2 semaphore(%run_scoped3A_141 : memref<!tpu.dma_semaphore, #tpu.memory_space<semaphore_mem>>) src(%dma_wait3A_148 : memref<640x32xf32, #tpu.memory_space<hbm>>) dst(%dma_wait3A_146 : memref<640x32xf32, #tpu.memory_space<vmem_shared>>)
      tpu.yield
    }) : () -> ()
    %mul3A_9 = arith.constant 78 : i32
    %mul3A_10 = arith.muli %mul3A_9, %add3A : i32
    %min3A = arith.constant 4 : i32
    %min3A_11 = arith.minsi %add3A, %min3A : i32
    %add3A_12 = arith.addi %mul3A_10, %min3A_11 : i32
    %lt3A = arith.constant 4 : i32
    %lt3A_13 = arith.cmpi slt, %add3A, %lt3A : i32
    %jit3A = arith.constant 1 : i32
    %jit3A_14 = arith.constant 0 : i32
    %select_n3A = arith.select %lt3A_13, %jit3A, %jit3A_14 : i32
    %add3A_15 = arith.constant 78 : i32
    %add3A_16 = arith.addi %add3A_15, %select_n3A : i32
    %run_scoped3A = arith.constant 0 : i32
    "tpu.region"() ({
      %run_scoped3A_141 = tpu.sem_alloc : memref<!tpu.dma_semaphore, #tpu.memory_space<semaphore_mem>>
      %dma_start3A_142 = arith.constant 0 : i32
      %dma_start3A_143 = arith.constant 0 : i32
      %dma_start3A_144 = tpu.memref_slice %arg6[%dma_start3A_142, %dma_start3A_143] : memref<79x128xi32, #tpu.memory_space<vmem>> -> memref<78x128xi32, #tpu.memory_space<vmem>>
      %dma_start3A_145 = arith.constant 0 : i32
      %dma_start3A_146 = tpu.memref_slice %arg2[%run_scoped3A, %add3A_12, %dma_start3A_145] : memref<2x2500x128xi32, #tpu.memory_space<hbm>> -> memref<1x78x128xi32, #tpu.memory_space<hbm>>
      %dma_start3A_147 = tpu.memref_squeeze %dma_start3A_146 : memref<1x78x128xi32, #tpu.memory_space<hbm>> -> memref<78x128xi32, #tpu.memory_space<hbm>>
      %dma_start3A_148 = arith.constant 0 : i32
      %dma_start3A_149 = arith.constant 0 : i32
      %dma_start3A_150 = tpu.memref_slice %arg6[%dma_start3A_148, %dma_start3A_149] : memref<79x128xi32, #tpu.memory_space<vmem>> -> memref<78x128xi32, #tpu.memory_space<vmem>>
      %dma_start3A_151 = arith.constant 0 : i32
      %dma_start3A_152 = tpu.memref_slice %arg2[%run_scoped3A, %add3A_12, %dma_start3A_151] : memref<2x2500x128xi32, #tpu.memory_space<hbm>> -> memref<1x78x128xi32, #tpu.memory_space<hbm>>
      %dma_start3A_153 = tpu.memref_squeeze %dma_start3A_152 : memref<1x78x128xi32, #tpu.memory_space<hbm>> -> memref<78x128xi32, #tpu.memory_space<hbm>>
      tpu.enqueue_dma source(%dma_start3A_153 : memref<78x128xi32, #tpu.memory_space<hbm>>) target(%dma_start3A_150 : memref<78x128xi32, #tpu.memory_space<vmem>>) target_semaphore(%run_scoped3A_141 : memref<!tpu.dma_semaphore, #tpu.memory_space<semaphore_mem>>)
      %dma_wait3A = arith.constant 0 : i32
      %dma_wait3A_154 = arith.constant 0 : i32
      %dma_wait3A_155 = tpu.memref_slice %arg6[%dma_wait3A, %dma_wait3A_154] : memref<79x128xi32, #tpu.memory_space<vmem>> -> memref<78x128xi32, #tpu.memory_space<vmem>>
      %dma_wait3A_156 = arith.constant 0 : i32
      %dma_wait3A_157 = tpu.memref_slice %arg2[%run_scoped3A, %add3A_12, %dma_wait3A_156] : memref<2x2500x128xi32, #tpu.memory_space<hbm>> -> memref<1x78x128xi32, #tpu.memory_space<hbm>>
      %dma_wait3A_158 = tpu.memref_squeeze %dma_wait3A_157 : memref<1x78x128xi32, #tpu.memory_space<hbm>> -> memref<78x128xi32, #tpu.memory_space<hbm>>
      %dma_wait3A_159 = arith.constant 0 : i32
      %dma_wait3A_160 = arith.constant 0 : i32
      %dma_wait3A_161 = tpu.memref_slice %arg6[%dma_wait3A_159, %dma_wait3A_160] : memref<79x128xi32, #tpu.memory_space<vmem>> -> memref<78x128xi32, #tpu.memory_space<vmem>>
      %dma_wait3A_162 = arith.constant 0 : i32
      %dma_wait3A_163 = tpu.memref_slice %arg2[%run_scoped3A, %add3A_12, %dma_wait3A_162] : memref<2x2500x128xi32, #tpu.memory_space<hbm>> -> memref<1x78x128xi32, #tpu.memory_space<hbm>>
      %dma_wait3A_164 = tpu.memref_squeeze %dma_wait3A_163 : memref<1x78x128xi32, #tpu.memory_space<hbm>> -> memref<78x128xi32, #tpu.memory_space<hbm>>
      tpu.wait_dma2 semaphore(%run_scoped3A_141 : memref<!tpu.dma_semaphore, #tpu.memory_space<semaphore_mem>>) src(%dma_wait3A_164 : memref<78x128xi32, #tpu.memory_space<hbm>>) dst(%dma_wait3A_161 : memref<78x128xi32, #tpu.memory_space<vmem>>)
      tpu.yield
    }) : () -> ()
    %run_scoped3A_17 = arith.constant 1 : i32
    "tpu.region"() ({
      %run_scoped3A_141 = tpu.sem_alloc : memref<!tpu.dma_semaphore, #tpu.memory_space<semaphore_mem>>
      %dma_start3A_142 = arith.constant 0 : i32
      %dma_start3A_143 = arith.constant 0 : i32
      %dma_start3A_144 = tpu.memref_slice %arg7[%dma_start3A_142, %dma_start3A_143] : memref<79x128xi32, #tpu.memory_space<vmem>> -> memref<78x128xi32, #tpu.memory_space<vmem>>
      %dma_start3A_145 = arith.constant 0 : i32
      %dma_start3A_146 = tpu.memref_slice %arg2[%run_scoped3A_17, %add3A_12, %dma_start3A_145] : memref<2x2500x128xi32, #tpu.memory_space<hbm>> -> memref<1x78x128xi32, #tpu.memory_space<hbm>>
      %dma_start3A_147 = tpu.memref_squeeze %dma_start3A_146 : memref<1x78x128xi32, #tpu.memory_space<hbm>> -> memref<78x128xi32, #tpu.memory_space<hbm>>
      %dma_start3A_148 = arith.constant 0 : i32
      %dma_start3A_149 = arith.constant 0 : i32
      %dma_start3A_150 = tpu.memref_slice %arg7[%dma_start3A_148, %dma_start3A_149] : memref<79x128xi32, #tpu.memory_space<vmem>> -> memref<78x128xi32, #tpu.memory_space<vmem>>
      %dma_start3A_151 = arith.constant 0 : i32
      %dma_start3A_152 = tpu.memref_slice %arg2[%run_scoped3A_17, %add3A_12, %dma_start3A_151] : memref<2x2500x128xi32, #tpu.memory_space<hbm>> -> memref<1x78x128xi32, #tpu.memory_space<hbm>>
      %dma_start3A_153 = tpu.memref_squeeze %dma_start3A_152 : memref<1x78x128xi32, #tpu.memory_space<hbm>> -> memref<78x128xi32, #tpu.memory_space<hbm>>
      tpu.enqueue_dma source(%dma_start3A_153 : memref<78x128xi32, #tpu.memory_space<hbm>>) target(%dma_start3A_150 : memref<78x128xi32, #tpu.memory_space<vmem>>) target_semaphore(%run_scoped3A_141 : memref<!tpu.dma_semaphore, #tpu.memory_space<semaphore_mem>>)
      %dma_wait3A = arith.constant 0 : i32
      %dma_wait3A_154 = arith.constant 0 : i32
      %dma_wait3A_155 = tpu.memref_slice %arg7[%dma_wait3A, %dma_wait3A_154] : memref<79x128xi32, #tpu.memory_space<vmem>> -> memref<78x128xi32, #tpu.memory_space<vmem>>
      %dma_wait3A_156 = arith.constant 0 : i32
      %dma_wait3A_157 = tpu.memref_slice %arg2[%run_scoped3A_17, %add3A_12, %dma_wait3A_156] : memref<2x2500x128xi32, #tpu.memory_space<hbm>> -> memref<1x78x128xi32, #tpu.memory_space<hbm>>
      %dma_wait3A_158 = tpu.memref_squeeze %dma_wait3A_157 : memref<1x78x128xi32, #tpu.memory_space<hbm>> -> memref<78x128xi32, #tpu.memory_space<hbm>>
      %dma_wait3A_159 = arith.constant 0 : i32
      %dma_wait3A_160 = arith.constant 0 : i32
      %dma_wait3A_161 = tpu.memref_slice %arg7[%dma_wait3A_159, %dma_wait3A_160] : memref<79x128xi32, #tpu.memory_space<vmem>> -> memref<78x128xi32, #tpu.memory_space<vmem>>
      %dma_wait3A_162 = arith.constant 0 : i32
      %dma_wait3A_163 = tpu.memref_slice %arg2[%run_scoped3A_17, %add3A_12, %dma_wait3A_162] : memref<2x2500x128xi32, #tpu.memory_space<hbm>> -> memref<1x78x128xi32, #tpu.memory_space<hbm>>
      %dma_wait3A_164 = tpu.memref_squeeze %dma_wait3A_163 : memref<1x78x128xi32, #tpu.memory_space<hbm>> -> memref<78x128xi32, #tpu.memory_space<hbm>>
      tpu.wait_dma2 semaphore(%run_scoped3A_141 : memref<!tpu.dma_semaphore, #tpu.memory_space<semaphore_mem>>) src(%dma_wait3A_164 : memref<78x128xi32, #tpu.memory_space<hbm>>) dst(%dma_wait3A_161 : memref<78x128xi32, #tpu.memory_space<vmem>>)
      tpu.yield
    }) : () -> ()
    %lt3A_18 = arith.constant 4 : i32
    %lt3A_19 = arith.cmpi slt, %add3A, %lt3A_18 : i32
    %convert_element_type3A = arith.extui %lt3A_19 : i1 to i32
    %cond3A = arith.constant 0 : i32
    %cond3A_20 = arith.cmpi ne, %convert_element_type3A, %cond3A : i32
    scf.if %cond3A_20 {
      %add3A_141 = arith.constant 78 : i32
      %add3A_142 = arith.addi %add3A_12, %add3A_141 : i32
      %run_scoped3A_143 = arith.constant 0 : i32
      "tpu.region"() ({
        %run_scoped3A_147 = tpu.sem_alloc : memref<!tpu.dma_semaphore, #tpu.memory_space<semaphore_mem>>
        %dma_start3A_148 = arith.constant 78 : i32
        %dma_start3A_149 = arith.constant 0 : i32
        %dma_start3A_150 = tpu.memref_slice %arg6[%dma_start3A_148, %dma_start3A_149] : memref<79x128xi32, #tpu.memory_space<vmem>> -> memref<1x128xi32, #tpu.memory_space<vmem>>
        %dma_start3A_151 = arith.constant 0 : i32
        %dma_start3A_152 = tpu.memref_slice %arg2[%run_scoped3A_143, %add3A_142, %dma_start3A_151] : memref<2x2500x128xi32, #tpu.memory_space<hbm>> -> memref<1x1x128xi32, #tpu.memory_space<hbm>>
        %dma_start3A_153 = tpu.memref_squeeze %dma_start3A_152 : memref<1x1x128xi32, #tpu.memory_space<hbm>> -> memref<1x128xi32, #tpu.memory_space<hbm>>
        %dma_start3A_154 = arith.constant 78 : i32
        %dma_start3A_155 = arith.constant 0 : i32
        %dma_start3A_156 = tpu.memref_slice %arg6[%dma_start3A_154, %dma_start3A_155] : memref<79x128xi32, #tpu.memory_space<vmem>> -> memref<1x128xi32, #tpu.memory_space<vmem>>
        %dma_start3A_157 = arith.constant 0 : i32
        %dma_start3A_158 = tpu.memref_slice %arg2[%run_scoped3A_143, %add3A_142, %dma_start3A_157] : memref<2x2500x128xi32, #tpu.memory_space<hbm>> -> memref<1x1x128xi32, #tpu.memory_space<hbm>>
        %dma_start3A_159 = tpu.memref_squeeze %dma_start3A_158 : memref<1x1x128xi32, #tpu.memory_space<hbm>> -> memref<1x128xi32, #tpu.memory_space<hbm>>
        tpu.enqueue_dma source(%dma_start3A_159 : memref<1x128xi32, #tpu.memory_space<hbm>>) target(%dma_start3A_156 : memref<1x128xi32, #tpu.memory_space<vmem>>) target_semaphore(%run_scoped3A_147 : memref<!tpu.dma_semaphore, #tpu.memory_space<semaphore_mem>>)
        %dma_wait3A = arith.constant 78 : i32
        %dma_wait3A_160 = arith.constant 0 : i32
        %dma_wait3A_161 = tpu.memref_slice %arg6[%dma_wait3A, %dma_wait3A_160] : memref<79x128xi32, #tpu.memory_space<vmem>> -> memref<1x128xi32, #tpu.memory_space<vmem>>
        %dma_wait3A_162 = arith.constant 0 : i32
        %dma_wait3A_163 = tpu.memref_slice %arg2[%run_scoped3A_143, %add3A_142, %dma_wait3A_162] : memref<2x2500x128xi32, #tpu.memory_space<hbm>> -> memref<1x1x128xi32, #tpu.memory_space<hbm>>
        %dma_wait3A_164 = tpu.memref_squeeze %dma_wait3A_163 : memref<1x1x128xi32, #tpu.memory_space<hbm>> -> memref<1x128xi32, #tpu.memory_space<hbm>>
        %dma_wait3A_165 = arith.constant 78 : i32
        %dma_wait3A_166 = arith.constant 0 : i32
        %dma_wait3A_167 = tpu.memref_slice %arg6[%dma_wait3A_165, %dma_wait3A_166] : memref<79x128xi32, #tpu.memory_space<vmem>> -> memref<1x128xi32, #tpu.memory_space<vmem>>
        %dma_wait3A_168 = arith.constant 0 : i32
        %dma_wait3A_169 = tpu.memref_slice %arg2[%run_scoped3A_143, %add3A_142, %dma_wait3A_168] : memref<2x2500x128xi32, #tpu.memory_space<hbm>> -> memref<1x1x128xi32, #tpu.memory_space<hbm>>
        %dma_wait3A_170 = tpu.memref_squeeze %dma_wait3A_169 : memref<1x1x128xi32, #tpu.memory_space<hbm>> -> memref<1x128xi32, #tpu.memory_space<hbm>>
        tpu.wait_dma2 semaphore(%run_scoped3A_147 : memref<!tpu.dma_semaphore, #tpu.memory_space<semaphore_mem>>) src(%dma_wait3A_170 : memref<1x128xi32, #tpu.memory_space<hbm>>) dst(%dma_wait3A_167 : memref<1x128xi32, #tpu.memory_space<vmem>>)
        tpu.yield
      }) : () -> ()
      %add3A_144 = arith.constant 78 : i32
      %add3A_145 = arith.addi %add3A_12, %add3A_144 : i32
      %run_scoped3A_146 = arith.constant 1 : i32
      "tpu.region"() ({
        %run_scoped3A_147 = tpu.sem_alloc : memref<!tpu.dma_semaphore, #tpu.memory_space<semaphore_mem>>
        %dma_start3A_148 = arith.constant 78 : i32
        %dma_start3A_149 = arith.constant 0 : i32
        %dma_start3A_150 = tpu.memref_slice %arg7[%dma_start3A_148, %dma_start3A_149] : memref<79x128xi32, #tpu.memory_space<vmem>> -> memref<1x128xi32, #tpu.memory_space<vmem>>
        %dma_start3A_151 = arith.constant 0 : i32
        %dma_start3A_152 = tpu.memref_slice %arg2[%run_scoped3A_146, %add3A_145, %dma_start3A_151] : memref<2x2500x128xi32, #tpu.memory_space<hbm>> -> memref<1x1x128xi32, #tpu.memory_space<hbm>>
        %dma_start3A_153 = tpu.memref_squeeze %dma_start3A_152 : memref<1x1x128xi32, #tpu.memory_space<hbm>> -> memref<1x128xi32, #tpu.memory_space<hbm>>
        %dma_start3A_154 = arith.constant 78 : i32
        %dma_start3A_155 = arith.constant 0 : i32
        %dma_start3A_156 = tpu.memref_slice %arg7[%dma_start3A_154, %dma_start3A_155] : memref<79x128xi32, #tpu.memory_space<vmem>> -> memref<1x128xi32, #tpu.memory_space<vmem>>
        %dma_start3A_157 = arith.constant 0 : i32
        %dma_start3A_158 = tpu.memref_slice %arg2[%run_scoped3A_146, %add3A_145, %dma_start3A_157] : memref<2x2500x128xi32, #tpu.memory_space<hbm>> -> memref<1x1x128xi32, #tpu.memory_space<hbm>>
        %dma_start3A_159 = tpu.memref_squeeze %dma_start3A_158 : memref<1x1x128xi32, #tpu.memory_space<hbm>> -> memref<1x128xi32, #tpu.memory_space<hbm>>
        tpu.enqueue_dma source(%dma_start3A_159 : memref<1x128xi32, #tpu.memory_space<hbm>>) target(%dma_start3A_156 : memref<1x128xi32, #tpu.memory_space<vmem>>) target_semaphore(%run_scoped3A_147 : memref<!tpu.dma_semaphore, #tpu.memory_space<semaphore_mem>>)
        %dma_wait3A = arith.constant 78 : i32
        %dma_wait3A_160 = arith.constant 0 : i32
        %dma_wait3A_161 = tpu.memref_slice %arg7[%dma_wait3A, %dma_wait3A_160] : memref<79x128xi32, #tpu.memory_space<vmem>> -> memref<1x128xi32, #tpu.memory_space<vmem>>
        %dma_wait3A_162 = arith.constant 0 : i32
        %dma_wait3A_163 = tpu.memref_slice %arg2[%run_scoped3A_146, %add3A_145, %dma_wait3A_162] : memref<2x2500x128xi32, #tpu.memory_space<hbm>> -> memref<1x1x128xi32, #tpu.memory_space<hbm>>
        %dma_wait3A_164 = tpu.memref_squeeze %dma_wait3A_163 : memref<1x1x128xi32, #tpu.memory_space<hbm>> -> memref<1x128xi32, #tpu.memory_space<hbm>>
        %dma_wait3A_165 = arith.constant 78 : i32
        %dma_wait3A_166 = arith.constant 0 : i32
        %dma_wait3A_167 = tpu.memref_slice %arg7[%dma_wait3A_165, %dma_wait3A_166] : memref<79x128xi32, #tpu.memory_space<vmem>> -> memref<1x128xi32, #tpu.memory_space<vmem>>
        %dma_wait3A_168 = arith.constant 0 : i32
        %dma_wait3A_169 = tpu.memref_slice %arg2[%run_scoped3A_146, %add3A_145, %dma_wait3A_168] : memref<2x2500x128xi32, #tpu.memory_space<hbm>> -> memref<1x1x128xi32, #tpu.memory_space<hbm>>
        %dma_wait3A_170 = tpu.memref_squeeze %dma_wait3A_169 : memref<1x1x128xi32, #tpu.memory_space<hbm>> -> memref<1x128xi32, #tpu.memory_space<hbm>>
        tpu.wait_dma2 semaphore(%run_scoped3A_147 : memref<!tpu.dma_semaphore, #tpu.memory_space<semaphore_mem>>) src(%dma_wait3A_170 : memref<1x128xi32, #tpu.memory_space<hbm>>) dst(%dma_wait3A_167 : memref<1x128xi32, #tpu.memory_space<vmem>>)
        tpu.yield
      }) : () -> ()
    } else {
    }
    %barrier3A = arith.constant 0 : index
    tpu.barrier barrier_id(%barrier3A)
    %dma_start3A = arith.constant 0 : i32
    %dma_start3A_21 = arith.constant 0 : i32
    %dma_start3A_22 = arith.constant 0 : i32
    %dma_start3A_23 = arith.constant 0 : i32
    %dma_start3A_24 = tpu.memref_slice %arg8[%dma_start3A_21, %dma_start3A_22, %dma_start3A_23] : memref<16x128x32xf32, #tpu.memory_space<vmem>> -> memref<1x128x32xf32, #tpu.memory_space<vmem>>
    %dma_start3A_25 = tpu.memref_squeeze %dma_start3A_24 : memref<1x128x32xf32, #tpu.memory_space<vmem>> -> memref<128x32xf32, #tpu.memory_space<vmem>>
    %dma_start3A_26 = arith.constant 0 : i32
    %dma_start3A_27 = tpu.memref_slice %arg6[%dma_start3A, %dma_start3A_26] : memref<79x128xi32, #tpu.memory_space<vmem>> -> memref<1x128xi32, #tpu.memory_space<vmem>>
    %dma_start3A_28 = tpu.memref_squeeze %dma_start3A_27 : memref<1x128xi32, #tpu.memory_space<vmem>> -> memref<128xi32, #tpu.memory_space<vmem>>
    %dma_start3A_29 = arith.constant 0 : i32
    %dma_start3A_30 = arith.constant 0 : i32
    %dma_start3A_31 = tpu.memref_slice %arg10[%dma_start3A_29, %dma_start3A_30] : memref<10240x32xf32, #tpu.memory_space<vmem_shared>> -> memref<10240x32xf32, #tpu.memory_space<vmem_shared>>
    tpu.enqueue_indirect_dma source(%dma_start3A_31 : memref<10240x32xf32, #tpu.memory_space<vmem_shared>>) target(%dma_start3A_25 : memref<128x32xf32, #tpu.memory_space<vmem>>) offsets(%dma_start3A_28 : memref<128xi32, #tpu.memory_space<vmem>>) semaphore(%arg11 : memref<!tpu.dma_semaphore, #tpu.memory_space<semaphore_mem>>)
    %dma_start3A_32 = arith.constant 1 : i32
    %dma_start3A_33 = arith.constant 1 : i32
    %dma_start3A_34 = arith.constant 0 : i32
    %dma_start3A_35 = arith.constant 0 : i32
    %dma_start3A_36 = tpu.memref_slice %arg8[%dma_start3A_33, %dma_start3A_34, %dma_start3A_35] : memref<16x128x32xf32, #tpu.memory_space<vmem>> -> memref<1x128x32xf32, #tpu.memory_space<vmem>>
    %dma_start3A_37 = tpu.memref_squeeze %dma_start3A_36 : memref<1x128x32xf32, #tpu.memory_space<vmem>> -> memref<128x32xf32, #tpu.memory_space<vmem>>
    %dma_start3A_38 = arith.constant 0 : i32
    %dma_start3A_39 = tpu.memref_slice %arg6[%dma_start3A_32, %dma_start3A_38] : memref<79x128xi32, #tpu.memory_space<vmem>> -> memref<1x128xi32, #tpu.memory_space<vmem>>
    %dma_start3A_40 = tpu.memref_squeeze %dma_start3A_39 : memref<1x128xi32, #tpu.memory_space<vmem>> -> memref<128xi32, #tpu.memory_space<vmem>>
    %dma_start3A_41 = arith.constant 0 : i32
    %dma_start3A_42 = arith.constant 0 : i32
    %dma_start3A_43 = tpu.memref_slice %arg10[%dma_start3A_41, %dma_start3A_42] : memref<10240x32xf32, #tpu.memory_space<vmem_shared>> -> memref<10240x32xf32, #tpu.memory_space<vmem_shared>>
    tpu.enqueue_indirect_dma source(%dma_start3A_43 : memref<10240x32xf32, #tpu.memory_space<vmem_shared>>) target(%dma_start3A_37 : memref<128x32xf32, #tpu.memory_space<vmem>>) offsets(%dma_start3A_40 : memref<128xi32, #tpu.memory_space<vmem>>) semaphore(%arg11 : memref<!tpu.dma_semaphore, #tpu.memory_space<semaphore_mem>>)
    %dma_start3A_44 = arith.constant 2 : i32
    %dma_start3A_45 = arith.constant 2 : i32
    %dma_start3A_46 = arith.constant 0 : i32
    %dma_start3A_47 = arith.constant 0 : i32
    %dma_start3A_48 = tpu.memref_slice %arg8[%dma_start3A_45, %dma_start3A_46, %dma_start3A_47] : memref<16x128x32xf32, #tpu.memory_space<vmem>> -> memref<1x128x32xf32, #tpu.memory_space<vmem>>
    %dma_start3A_49 = tpu.memref_squeeze %dma_start3A_48 : memref<1x128x32xf32, #tpu.memory_space<vmem>> -> memref<128x32xf32, #tpu.memory_space<vmem>>
    %dma_start3A_50 = arith.constant 0 : i32
    %dma_start3A_51 = tpu.memref_slice %arg6[%dma_start3A_44, %dma_start3A_50] : memref<79x128xi32, #tpu.memory_space<vmem>> -> memref<1x128xi32, #tpu.memory_space<vmem>>
    %dma_start3A_52 = tpu.memref_squeeze %dma_start3A_51 : memref<1x128xi32, #tpu.memory_space<vmem>> -> memref<128xi32, #tpu.memory_space<vmem>>
    %dma_start3A_53 = arith.constant 0 : i32
    %dma_start3A_54 = arith.constant 0 : i32
    %dma_start3A_55 = tpu.memref_slice %arg10[%dma_start3A_53, %dma_start3A_54] : memref<10240x32xf32, #tpu.memory_space<vmem_shared>> -> memref<10240x32xf32, #tpu.memory_space<vmem_shared>>
    tpu.enqueue_indirect_dma source(%dma_start3A_55 : memref<10240x32xf32, #tpu.memory_space<vmem_shared>>) target(%dma_start3A_49 : memref<128x32xf32, #tpu.memory_space<vmem>>) offsets(%dma_start3A_52 : memref<128xi32, #tpu.memory_space<vmem>>) semaphore(%arg11 : memref<!tpu.dma_semaphore, #tpu.memory_space<semaphore_mem>>)
    %dma_start3A_56 = arith.constant 3 : i32
    %dma_start3A_57 = arith.constant 3 : i32
    %dma_start3A_58 = arith.constant 0 : i32
    %dma_start3A_59 = arith.constant 0 : i32
    %dma_start3A_60 = tpu.memref_slice %arg8[%dma_start3A_57, %dma_start3A_58, %dma_start3A_59] : memref<16x128x32xf32, #tpu.memory_space<vmem>> -> memref<1x128x32xf32, #tpu.memory_space<vmem>>
    %dma_start3A_61 = tpu.memref_squeeze %dma_start3A_60 : memref<1x128x32xf32, #tpu.memory_space<vmem>> -> memref<128x32xf32, #tpu.memory_space<vmem>>
    %dma_start3A_62 = arith.constant 0 : i32
    %dma_start3A_63 = tpu.memref_slice %arg6[%dma_start3A_56, %dma_start3A_62] : memref<79x128xi32, #tpu.memory_space<vmem>> -> memref<1x128xi32, #tpu.memory_space<vmem>>
    %dma_start3A_64 = tpu.memref_squeeze %dma_start3A_63 : memref<1x128xi32, #tpu.memory_space<vmem>> -> memref<128xi32, #tpu.memory_space<vmem>>
    %dma_start3A_65 = arith.constant 0 : i32
    %dma_start3A_66 = arith.constant 0 : i32
    %dma_start3A_67 = tpu.memref_slice %arg10[%dma_start3A_65, %dma_start3A_66] : memref<10240x32xf32, #tpu.memory_space<vmem_shared>> -> memref<10240x32xf32, #tpu.memory_space<vmem_shared>>
    tpu.enqueue_indirect_dma source(%dma_start3A_67 : memref<10240x32xf32, #tpu.memory_space<vmem_shared>>) target(%dma_start3A_61 : memref<128x32xf32, #tpu.memory_space<vmem>>) offsets(%dma_start3A_64 : memref<128xi32, #tpu.memory_space<vmem>>) semaphore(%arg11 : memref<!tpu.dma_semaphore, #tpu.memory_space<semaphore_mem>>)
    %dma_start3A_68 = arith.constant 4 : i32
    %dma_start3A_69 = arith.constant 4 : i32
    %dma_start3A_70 = arith.constant 0 : i32
    %dma_start3A_71 = arith.constant 0 : i32
    %dma_start3A_72 = tpu.memref_slice %arg8[%dma_start3A_69, %dma_start3A_70, %dma_start3A_71] : memref<16x128x32xf32, #tpu.memory_space<vmem>> -> memref<1x128x32xf32, #tpu.memory_space<vmem>>
    %dma_start3A_73 = tpu.memref_squeeze %dma_start3A_72 : memref<1x128x32xf32, #tpu.memory_space<vmem>> -> memref<128x32xf32, #tpu.memory_space<vmem>>
    %dma_start3A_74 = arith.constant 0 : i32
    %dma_start3A_75 = tpu.memref_slice %arg6[%dma_start3A_68, %dma_start3A_74] : memref<79x128xi32, #tpu.memory_space<vmem>> -> memref<1x128xi32, #tpu.memory_space<vmem>>
    %dma_start3A_76 = tpu.memref_squeeze %dma_start3A_75 : memref<1x128xi32, #tpu.memory_space<vmem>> -> memref<128xi32, #tpu.memory_space<vmem>>
    %dma_start3A_77 = arith.constant 0 : i32
    %dma_start3A_78 = arith.constant 0 : i32
    %dma_start3A_79 = tpu.memref_slice %arg10[%dma_start3A_77, %dma_start3A_78] : memref<10240x32xf32, #tpu.memory_space<vmem_shared>> -> memref<10240x32xf32, #tpu.memory_space<vmem_shared>>
    tpu.enqueue_indirect_dma source(%dma_start3A_79 : memref<10240x32xf32, #tpu.memory_space<vmem_shared>>) target(%dma_start3A_73 : memref<128x32xf32, #tpu.memory_space<vmem>>) offsets(%dma_start3A_76 : memref<128xi32, #tpu.memory_space<vmem>>) semaphore(%arg11 : memref<!tpu.dma_semaphore, #tpu.memory_space<semaphore_mem>>)
    %dma_start3A_80 = arith.constant 5 : i32
    %dma_start3A_81 = arith.constant 5 : i32
    %dma_start3A_82 = arith.constant 0 : i32
    %dma_start3A_83 = arith.constant 0 : i32
    %dma_start3A_84 = tpu.memref_slice %arg8[%dma_start3A_81, %dma_start3A_82, %dma_start3A_83] : memref<16x128x32xf32, #tpu.memory_space<vmem>> -> memref<1x128x32xf32, #tpu.memory_space<vmem>>
    %dma_start3A_85 = tpu.memref_squeeze %dma_start3A_84 : memref<1x128x32xf32, #tpu.memory_space<vmem>> -> memref<128x32xf32, #tpu.memory_space<vmem>>
    %dma_start3A_86 = arith.constant 0 : i32
    %dma_start3A_87 = tpu.memref_slice %arg6[%dma_start3A_80, %dma_start3A_86] : memref<79x128xi32, #tpu.memory_space<vmem>> -> memref<1x128xi32, #tpu.memory_space<vmem>>
    %dma_start3A_88 = tpu.memref_squeeze %dma_start3A_87 : memref<1x128xi32, #tpu.memory_space<vmem>> -> memref<128xi32, #tpu.memory_space<vmem>>
    %dma_start3A_89 = arith.constant 0 : i32
    %dma_start3A_90 = arith.constant 0 : i32
    %dma_start3A_91 = tpu.memref_slice %arg10[%dma_start3A_89, %dma_start3A_90] : memref<10240x32xf32, #tpu.memory_space<vmem_shared>> -> memref<10240x32xf32, #tpu.memory_space<vmem_shared>>
    tpu.enqueue_indirect_dma source(%dma_start3A_91 : memref<10240x32xf32, #tpu.memory_space<vmem_shared>>) target(%dma_start3A_85 : memref<128x32xf32, #tpu.memory_space<vmem>>) offsets(%dma_start3A_88 : memref<128xi32, #tpu.memory_space<vmem>>) semaphore(%arg11 : memref<!tpu.dma_semaphore, #tpu.memory_space<semaphore_mem>>)
    %dma_start3A_92 = arith.constant 6 : i32
    %dma_start3A_93 = arith.constant 6 : i32
    %dma_start3A_94 = arith.constant 0 : i32
    %dma_start3A_95 = arith.constant 0 : i32
    %dma_start3A_96 = tpu.memref_slice %arg8[%dma_start3A_93, %dma_start3A_94, %dma_start3A_95] : memref<16x128x32xf32, #tpu.memory_space<vmem>> -> memref<1x128x32xf32, #tpu.memory_space<vmem>>
    %dma_start3A_97 = tpu.memref_squeeze %dma_start3A_96 : memref<1x128x32xf32, #tpu.memory_space<vmem>> -> memref<128x32xf32, #tpu.memory_space<vmem>>
    %dma_start3A_98 = arith.constant 0 : i32
    %dma_start3A_99 = tpu.memref_slice %arg6[%dma_start3A_92, %dma_start3A_98] : memref<79x128xi32, #tpu.memory_space<vmem>> -> memref<1x128xi32, #tpu.memory_space<vmem>>
    %dma_start3A_100 = tpu.memref_squeeze %dma_start3A_99 : memref<1x128xi32, #tpu.memory_space<vmem>> -> memref<128xi32, #tpu.memory_space<vmem>>
    %dma_start3A_101 = arith.constant 0 : i32
    %dma_start3A_102 = arith.constant 0 : i32
    %dma_start3A_103 = tpu.memref_slice %arg10[%dma_start3A_101, %dma_start3A_102] : memref<10240x32xf32, #tpu.memory_space<vmem_shared>> -> memref<10240x32xf32, #tpu.memory_space<vmem_shared>>
    tpu.enqueue_indirect_dma source(%dma_start3A_103 : memref<10240x32xf32, #tpu.memory_space<vmem_shared>>) target(%dma_start3A_97 : memref<128x32xf32, #tpu.memory_space<vmem>>) offsets(%dma_start3A_100 : memref<128xi32, #tpu.memory_space<vmem>>) semaphore(%arg11 : memref<!tpu.dma_semaphore, #tpu.memory_space<semaphore_mem>>)
    %dma_start3A_104 = arith.constant 7 : i32
    %dma_start3A_105 = arith.constant 7 : i32
    %dma_start3A_106 = arith.constant 0 : i32
    %dma_start3A_107 = arith.constant 0 : i32
    %dma_start3A_108 = tpu.memref_slice %arg8[%dma_start3A_105, %dma_start3A_106, %dma_start3A_107] : memref<16x128x32xf32, #tpu.memory_space<vmem>> -> memref<1x128x32xf32, #tpu.memory_space<vmem>>
    %dma_start3A_109 = tpu.memref_squeeze %dma_start3A_108 : memref<1x128x32xf32, #tpu.memory_space<vmem>> -> memref<128x32xf32, #tpu.memory_space<vmem>>
    %dma_start3A_110 = arith.constant 0 : i32
    %dma_start3A_111 = tpu.memref_slice %arg6[%dma_start3A_104, %dma_start3A_110] : memref<79x128xi32, #tpu.memory_space<vmem>> -> memref<1x128xi32, #tpu.memory_space<vmem>>
    %dma_start3A_112 = tpu.memref_squeeze %dma_start3A_111 : memref<1x128xi32, #tpu.memory_space<vmem>> -> memref<128xi32, #tpu.memory_space<vmem>>
    %dma_start3A_113 = arith.constant 0 : i32
    %dma_start3A_114 = arith.constant 0 : i32
    %dma_start3A_115 = tpu.memref_slice %arg10[%dma_start3A_113, %dma_start3A_114] : memref<10240x32xf32, #tpu.memory_space<vmem_shared>> -> memref<10240x32xf32, #tpu.memory_space<vmem_shared>>
    tpu.enqueue_indirect_dma source(%dma_start3A_115 : memref<10240x32xf32, #tpu.memory_space<vmem_shared>>) target(%dma_start3A_109 : memref<128x32xf32, #tpu.memory_space<vmem>>) offsets(%dma_start3A_112 : memref<128xi32, #tpu.memory_space<vmem>>) semaphore(%arg11 : memref<!tpu.dma_semaphore, #tpu.memory_space<semaphore_mem>>)
    %while3A = arith.constant 0 : i32
    %while3A_116 = arith.constant 0 : i32
    %while3A_117 = arith.subi %add3A_16, %while3A_116 : i32
    %while3A_118 = arith.addi %while3A_116, %while3A_117 : i32
    %while3A_119 = arith.constant 1 : i32
    %while3A_120 = arith.divsi %while3A_117, %while3A_119 : i32
    %while3A_121 = arith.muli %while3A_120, %while3A_119 : i32
    %while3A_122 = arith.addi %while3A_116, %while3A_121 : i32
    %while3A_123 = arith.constant 1 : i32
    scf.for %while3A_141 = %while3A_116 to %while3A_122 step %while3A_123  : i32 {
      %rem3A = arith.constant 16 : i32
      %rem3A_142 = arith.remsi %while3A_141, %rem3A : i32
      %dma_wait3A = arith.constant 0 : i32
      %dma_wait3A_143 = arith.constant 0 : i32
      %dma_wait3A_144 = tpu.memref_slice %arg8[%rem3A_142, %dma_wait3A, %dma_wait3A_143] : memref<16x128x32xf32, #tpu.memory_space<vmem>> -> memref<1x128x32xf32, #tpu.memory_space<vmem>>
      %dma_wait3A_145 = tpu.memref_squeeze %dma_wait3A_144 : memref<1x128x32xf32, #tpu.memory_space<vmem>> -> memref<128x32xf32, #tpu.memory_space<vmem>>
      %dma_wait3A_146 = arith.constant 0 : i32
      %dma_wait3A_147 = tpu.memref_slice %arg6[%while3A_141, %dma_wait3A_146] : memref<79x128xi32, #tpu.memory_space<vmem>> -> memref<1x128xi32, #tpu.memory_space<vmem>>
      %dma_wait3A_148 = tpu.memref_squeeze %dma_wait3A_147 : memref<1x128xi32, #tpu.memory_space<vmem>> -> memref<128xi32, #tpu.memory_space<vmem>>
      %dma_wait3A_149 = arith.constant 0 : i32
      %dma_wait3A_150 = arith.constant 0 : i32
      %dma_wait3A_151 = tpu.memref_slice %arg10[%dma_wait3A_149, %dma_wait3A_150] : memref<10240x32xf32, #tpu.memory_space<vmem_shared>> -> memref<10240x32xf32, #tpu.memory_space<vmem_shared>>
      tpu.wait_indirect_dma semaphore(%arg11 : memref<!tpu.dma_semaphore, #tpu.memory_space<semaphore_mem>>) src(%dma_wait3A_151 : memref<10240x32xf32, #tpu.memory_space<vmem_shared>>) dst(%dma_wait3A_145 : memref<128x32xf32, #tpu.memory_space<vmem>>)
      %dma_start3A_152 = arith.constant 0 : i32
      %dma_start3A_153 = arith.constant 0 : i32
      %dma_start3A_154 = tpu.memref_slice %arg8[%rem3A_142, %dma_start3A_152, %dma_start3A_153] : memref<16x128x32xf32, #tpu.memory_space<vmem>> -> memref<1x128x32xf32, #tpu.memory_space<vmem>>
      %dma_start3A_155 = tpu.memref_squeeze %dma_start3A_154 : memref<1x128x32xf32, #tpu.memory_space<vmem>> -> memref<128x32xf32, #tpu.memory_space<vmem>>
      %dma_start3A_156 = arith.constant 0 : i32
      %dma_start3A_157 = tpu.memref_slice %arg7[%while3A_141, %dma_start3A_156] : memref<79x128xi32, #tpu.memory_space<vmem>> -> memref<1x128xi32, #tpu.memory_space<vmem>>
      %dma_start3A_158 = tpu.memref_squeeze %dma_start3A_157 : memref<1x128xi32, #tpu.memory_space<vmem>> -> memref<128xi32, #tpu.memory_space<vmem>>
      %dma_start3A_159 = arith.constant 0 : i32
      %dma_start3A_160 = arith.constant 0 : i32
      %dma_start3A_161 = tpu.memref_slice %arg9[%dma_start3A_159, %dma_start3A_160] : memref<10240x32xf32, #tpu.memory_space<vmem_shared>> -> memref<10240x32xf32, #tpu.memory_space<vmem_shared>>
      tpu.enqueue_indirect_dma source(%dma_start3A_155 : memref<128x32xf32, #tpu.memory_space<vmem>>) target(%dma_start3A_161 : memref<10240x32xf32, #tpu.memory_space<vmem_shared>>) offsets(%dma_start3A_158 : memref<128xi32, #tpu.memory_space<vmem>>) semaphore(%arg12 : memref<!tpu.dma_semaphore, #tpu.memory_space<semaphore_mem>>) {add = true}
      %ge3A = arith.constant 8 : i32
      %ge3A_162 = arith.cmpi sge, %while3A_141, %ge3A : i32
      %convert_element_type3A_163 = arith.extui %ge3A_162 : i1 to i32
      %cond3A_164 = arith.constant 0 : i32
      %cond3A_165 = arith.cmpi ne, %convert_element_type3A_163, %cond3A_164 : i32
      scf.if %cond3A_165 {
        %sub3A_172 = arith.constant 8 : i32
        %sub3A_173 = arith.subi %while3A_141, %sub3A_172 : i32
        %rem3A_174 = arith.constant 16 : i32
        %rem3A_175 = arith.remsi %sub3A_173, %rem3A_174 : i32
        %dma_wait3A_176 = arith.constant 0 : i32
        %dma_wait3A_177 = arith.constant 0 : i32
        %dma_wait3A_178 = tpu.memref_slice %arg8[%rem3A_175, %dma_wait3A_176, %dma_wait3A_177] : memref<16x128x32xf32, #tpu.memory_space<vmem>> -> memref<1x128x32xf32, #tpu.memory_space<vmem>>
        %dma_wait3A_179 = tpu.memref_squeeze %dma_wait3A_178 : memref<1x128x32xf32, #tpu.memory_space<vmem>> -> memref<128x32xf32, #tpu.memory_space<vmem>>
        %dma_wait3A_180 = arith.constant 0 : i32
        %dma_wait3A_181 = tpu.memref_slice %arg7[%sub3A_173, %dma_wait3A_180] : memref<79x128xi32, #tpu.memory_space<vmem>> -> memref<1x128xi32, #tpu.memory_space<vmem>>
        %dma_wait3A_182 = tpu.memref_squeeze %dma_wait3A_181 : memref<1x128xi32, #tpu.memory_space<vmem>> -> memref<128xi32, #tpu.memory_space<vmem>>
        %dma_wait3A_183 = arith.constant 0 : i32
        %dma_wait3A_184 = arith.constant 0 : i32
        %dma_wait3A_185 = tpu.memref_slice %arg9[%dma_wait3A_183, %dma_wait3A_184] : memref<10240x32xf32, #tpu.memory_space<vmem_shared>> -> memref<10240x32xf32, #tpu.memory_space<vmem_shared>>
        tpu.wait_indirect_dma semaphore(%arg12 : memref<!tpu.dma_semaphore, #tpu.memory_space<semaphore_mem>>) src(%dma_wait3A_179 : memref<128x32xf32, #tpu.memory_space<vmem>>) dst(%dma_wait3A_185 : memref<10240x32xf32, #tpu.memory_space<vmem_shared>>)
      } else {
      }
      %add3A_166 = arith.constant 8 : i32
      %add3A_167 = arith.addi %while3A_141, %add3A_166 : i32
      %lt3A_168 = arith.cmpi slt, %add3A_167, %add3A_16 : i32
      %convert_element_type3A_169 = arith.extui %lt3A_168 : i1 to i32
      %cond3A_170 = arith.constant 0 : i32
      %cond3A_171 = arith.cmpi ne, %convert_element_type3A_169, %cond3A_170 : i32
      scf.if %cond3A_171 {
        %add3A_172 = arith.constant 8 : i32
        %add3A_173 = arith.addi %while3A_141, %add3A_172 : i32
        %add3A_174 = arith.constant 8 : i32
        %add3A_175 = arith.addi %while3A_141, %add3A_174 : i32
        %rem3A_176 = arith.constant 16 : i32
        %rem3A_177 = arith.remsi %add3A_175, %rem3A_176 : i32
        %dma_start3A_178 = arith.constant 0 : i32
        %dma_start3A_179 = arith.constant 0 : i32
        %dma_start3A_180 = tpu.memref_slice %arg8[%rem3A_177, %dma_start3A_178, %dma_start3A_179] : memref<16x128x32xf32, #tpu.memory_space<vmem>> -> memref<1x128x32xf32, #tpu.memory_space<vmem>>
        %dma_start3A_181 = tpu.memref_squeeze %dma_start3A_180 : memref<1x128x32xf32, #tpu.memory_space<vmem>> -> memref<128x32xf32, #tpu.memory_space<vmem>>
        %dma_start3A_182 = arith.constant 0 : i32
        %dma_start3A_183 = tpu.memref_slice %arg6[%add3A_173, %dma_start3A_182] : memref<79x128xi32, #tpu.memory_space<vmem>> -> memref<1x128xi32, #tpu.memory_space<vmem>>
        %dma_start3A_184 = tpu.memref_squeeze %dma_start3A_183 : memref<1x128xi32, #tpu.memory_space<vmem>> -> memref<128xi32, #tpu.memory_space<vmem>>
        %dma_start3A_185 = arith.constant 0 : i32
        %dma_start3A_186 = arith.constant 0 : i32
        %dma_start3A_187 = tpu.memref_slice %arg10[%dma_start3A_185, %dma_start3A_186] : memref<10240x32xf32, #tpu.memory_space<vmem_shared>> -> memref<10240x32xf32, #tpu.memory_space<vmem_shared>>
        tpu.enqueue_indirect_dma source(%dma_start3A_187 : memref<10240x32xf32, #tpu.memory_space<vmem_shared>>) target(%dma_start3A_181 : memref<128x32xf32, #tpu.memory_space<vmem>>) offsets(%dma_start3A_184 : memref<128xi32, #tpu.memory_space<vmem>>) semaphore(%arg11 : memref<!tpu.dma_semaphore, #tpu.memory_space<semaphore_mem>>)
      } else {
      }
    }
    %while3A_124 = arith.constant 1 : i32
    scf.for %while3A_141 = %while3A_122 to %while3A_118 step %while3A_124  : i32 {
      %rem3A = arith.constant 16 : i32
      %rem3A_142 = arith.remsi %while3A_141, %rem3A : i32
      %dma_wait3A = arith.constant 0 : i32
      %dma_wait3A_143 = arith.constant 0 : i32
      %dma_wait3A_144 = tpu.memref_slice %arg8[%rem3A_142, %dma_wait3A, %dma_wait3A_143] : memref<16x128x32xf32, #tpu.memory_space<vmem>> -> memref<1x128x32xf32, #tpu.memory_space<vmem>>
      %dma_wait3A_145 = tpu.memref_squeeze %dma_wait3A_144 : memref<1x128x32xf32, #tpu.memory_space<vmem>> -> memref<128x32xf32, #tpu.memory_space<vmem>>
      %dma_wait3A_146 = arith.constant 0 : i32
      %dma_wait3A_147 = tpu.memref_slice %arg6[%while3A_141, %dma_wait3A_146] : memref<79x128xi32, #tpu.memory_space<vmem>> -> memref<1x128xi32, #tpu.memory_space<vmem>>
      %dma_wait3A_148 = tpu.memref_squeeze %dma_wait3A_147 : memref<1x128xi32, #tpu.memory_space<vmem>> -> memref<128xi32, #tpu.memory_space<vmem>>
      %dma_wait3A_149 = arith.constant 0 : i32
      %dma_wait3A_150 = arith.constant 0 : i32
      %dma_wait3A_151 = tpu.memref_slice %arg10[%dma_wait3A_149, %dma_wait3A_150] : memref<10240x32xf32, #tpu.memory_space<vmem_shared>> -> memref<10240x32xf32, #tpu.memory_space<vmem_shared>>
      tpu.wait_indirect_dma semaphore(%arg11 : memref<!tpu.dma_semaphore, #tpu.memory_space<semaphore_mem>>) src(%dma_wait3A_151 : memref<10240x32xf32, #tpu.memory_space<vmem_shared>>) dst(%dma_wait3A_145 : memref<128x32xf32, #tpu.memory_space<vmem>>)
      %dma_start3A_152 = arith.constant 0 : i32
      %dma_start3A_153 = arith.constant 0 : i32
      %dma_start3A_154 = tpu.memref_slice %arg8[%rem3A_142, %dma_start3A_152, %dma_start3A_153] : memref<16x128x32xf32, #tpu.memory_space<vmem>> -> memref<1x128x32xf32, #tpu.memory_space<vmem>>
      %dma_start3A_155 = tpu.memref_squeeze %dma_start3A_154 : memref<1x128x32xf32, #tpu.memory_space<vmem>> -> memref<128x32xf32, #tpu.memory_space<vmem>>
      %dma_start3A_156 = arith.constant 0 : i32
      %dma_start3A_157 = tpu.memref_slice %arg7[%while3A_141, %dma_start3A_156] : memref<79x128xi32, #tpu.memory_space<vmem>> -> memref<1x128xi32, #tpu.memory_space<vmem>>
      %dma_start3A_158 = tpu.memref_squeeze %dma_start3A_157 : memref<1x128xi32, #tpu.memory_space<vmem>> -> memref<128xi32, #tpu.memory_space<vmem>>
      %dma_start3A_159 = arith.constant 0 : i32
      %dma_start3A_160 = arith.constant 0 : i32
      %dma_start3A_161 = tpu.memref_slice %arg9[%dma_start3A_159, %dma_start3A_160] : memref<10240x32xf32, #tpu.memory_space<vmem_shared>> -> memref<10240x32xf32, #tpu.memory_space<vmem_shared>>
      tpu.enqueue_indirect_dma source(%dma_start3A_155 : memref<128x32xf32, #tpu.memory_space<vmem>>) target(%dma_start3A_161 : memref<10240x32xf32, #tpu.memory_space<vmem_shared>>) offsets(%dma_start3A_158 : memref<128xi32, #tpu.memory_space<vmem>>) semaphore(%arg12 : memref<!tpu.dma_semaphore, #tpu.memory_space<semaphore_mem>>) {add = true}
      %ge3A = arith.constant 8 : i32
      %ge3A_162 = arith.cmpi sge, %while3A_141, %ge3A : i32
      %convert_element_type3A_163 = arith.extui %ge3A_162 : i1 to i32
      %cond3A_164 = arith.constant 0 : i32
      %cond3A_165 = arith.cmpi ne, %convert_element_type3A_163, %cond3A_164 : i32
      scf.if %cond3A_165 {
        %sub3A_172 = arith.constant 8 : i32
        %sub3A_173 = arith.subi %while3A_141, %sub3A_172 : i32
        %rem3A_174 = arith.constant 16 : i32
        %rem3A_175 = arith.remsi %sub3A_173, %rem3A_174 : i32
        %dma_wait3A_176 = arith.constant 0 : i32
        %dma_wait3A_177 = arith.constant 0 : i32
        %dma_wait3A_178 = tpu.memref_slice %arg8[%rem3A_175, %dma_wait3A_176, %dma_wait3A_177] : memref<16x128x32xf32, #tpu.memory_space<vmem>> -> memref<1x128x32xf32, #tpu.memory_space<vmem>>
        %dma_wait3A_179 = tpu.memref_squeeze %dma_wait3A_178 : memref<1x128x32xf32, #tpu.memory_space<vmem>> -> memref<128x32xf32, #tpu.memory_space<vmem>>
        %dma_wait3A_180 = arith.constant 0 : i32
        %dma_wait3A_181 = tpu.memref_slice %arg7[%sub3A_173, %dma_wait3A_180] : memref<79x128xi32, #tpu.memory_space<vmem>> -> memref<1x128xi32, #tpu.memory_space<vmem>>
        %dma_wait3A_182 = tpu.memref_squeeze %dma_wait3A_181 : memref<1x128xi32, #tpu.memory_space<vmem>> -> memref<128xi32, #tpu.memory_space<vmem>>
        %dma_wait3A_183 = arith.constant 0 : i32
        %dma_wait3A_184 = arith.constant 0 : i32
        %dma_wait3A_185 = tpu.memref_slice %arg9[%dma_wait3A_183, %dma_wait3A_184] : memref<10240x32xf32, #tpu.memory_space<vmem_shared>> -> memref<10240x32xf32, #tpu.memory_space<vmem_shared>>
        tpu.wait_indirect_dma semaphore(%arg12 : memref<!tpu.dma_semaphore, #tpu.memory_space<semaphore_mem>>) src(%dma_wait3A_179 : memref<128x32xf32, #tpu.memory_space<vmem>>) dst(%dma_wait3A_185 : memref<10240x32xf32, #tpu.memory_space<vmem_shared>>)
      } else {
      }
      %add3A_166 = arith.constant 8 : i32
      %add3A_167 = arith.addi %while3A_141, %add3A_166 : i32
      %lt3A_168 = arith.cmpi slt, %add3A_167, %add3A_16 : i32
      %convert_element_type3A_169 = arith.extui %lt3A_168 : i1 to i32
      %cond3A_170 = arith.constant 0 : i32
      %cond3A_171 = arith.cmpi ne, %convert_element_type3A_169, %cond3A_170 : i32
      scf.if %cond3A_171 {
        %add3A_172 = arith.constant 8 : i32
        %add3A_173 = arith.addi %while3A_141, %add3A_172 : i32
        %add3A_174 = arith.constant 8 : i32
        %add3A_175 = arith.addi %while3A_141, %add3A_174 : i32
        %rem3A_176 = arith.constant 16 : i32
        %rem3A_177 = arith.remsi %add3A_175, %rem3A_176 : i32
        %dma_start3A_178 = arith.constant 0 : i32
        %dma_start3A_179 = arith.constant 0 : i32
        %dma_start3A_180 = tpu.memref_slice %arg8[%rem3A_177, %dma_start3A_178, %dma_start3A_179] : memref<16x128x32xf32, #tpu.memory_space<vmem>> -> memref<1x128x32xf32, #tpu.memory_space<vmem>>
        %dma_start3A_181 = tpu.memref_squeeze %dma_start3A_180 : memref<1x128x32xf32, #tpu.memory_space<vmem>> -> memref<128x32xf32, #tpu.memory_space<vmem>>
        %dma_start3A_182 = arith.constant 0 : i32
        %dma_start3A_183 = tpu.memref_slice %arg6[%add3A_173, %dma_start3A_182] : memref<79x128xi32, #tpu.memory_space<vmem>> -> memref<1x128xi32, #tpu.memory_space<vmem>>
        %dma_start3A_184 = tpu.memref_squeeze %dma_start3A_183 : memref<1x128xi32, #tpu.memory_space<vmem>> -> memref<128xi32, #tpu.memory_space<vmem>>
        %dma_start3A_185 = arith.constant 0 : i32
        %dma_start3A_186 = arith.constant 0 : i32
        %dma_start3A_187 = tpu.memref_slice %arg10[%dma_start3A_185, %dma_start3A_186] : memref<10240x32xf32, #tpu.memory_space<vmem_shared>> -> memref<10240x32xf32, #tpu.memory_space<vmem_shared>>
        tpu.enqueue_indirect_dma source(%dma_start3A_187 : memref<10240x32xf32, #tpu.memory_space<vmem_shared>>) target(%dma_start3A_181 : memref<128x32xf32, #tpu.memory_space<vmem>>) offsets(%dma_start3A_184 : memref<128xi32, #tpu.memory_space<vmem>>) semaphore(%arg11 : memref<!tpu.dma_semaphore, #tpu.memory_space<semaphore_mem>>)
      } else {
      }
    }
    %sub3A = arith.constant 8 : i32
    %sub3A_125 = arith.subi %add3A_16, %sub3A : i32
    %max3A = arith.constant 0 : i32
    %max3A_126 = arith.maxsi %sub3A_125, %max3A : i32
    %while3A_127 = arith.constant 0 : i32
    %while3A_128 = arith.subi %add3A_16, %max3A_126 : i32
    %while3A_129 = arith.addi %max3A_126, %while3A_128 : i32
    %while3A_130 = arith.constant 1 : i32
    %while3A_131 = arith.divsi %while3A_128, %while3A_130 : i32
    %while3A_132 = arith.muli %while3A_131, %while3A_130 : i32
    %while3A_133 = arith.addi %max3A_126, %while3A_132 : i32
    %while3A_134 = arith.constant 1 : i32
    scf.for %while3A_141 = %max3A_126 to %while3A_133 step %while3A_134  : i32 {
      %rem3A = arith.constant 16 : i32
      %rem3A_142 = arith.remsi %while3A_141, %rem3A : i32
      %dma_wait3A = arith.constant 0 : i32
      %dma_wait3A_143 = arith.constant 0 : i32
      %dma_wait3A_144 = tpu.memref_slice %arg8[%rem3A_142, %dma_wait3A, %dma_wait3A_143] : memref<16x128x32xf32, #tpu.memory_space<vmem>> -> memref<1x128x32xf32, #tpu.memory_space<vmem>>
      %dma_wait3A_145 = tpu.memref_squeeze %dma_wait3A_144 : memref<1x128x32xf32, #tpu.memory_space<vmem>> -> memref<128x32xf32, #tpu.memory_space<vmem>>
      %dma_wait3A_146 = arith.constant 0 : i32
      %dma_wait3A_147 = tpu.memref_slice %arg7[%while3A_141, %dma_wait3A_146] : memref<79x128xi32, #tpu.memory_space<vmem>> -> memref<1x128xi32, #tpu.memory_space<vmem>>
      %dma_wait3A_148 = tpu.memref_squeeze %dma_wait3A_147 : memref<1x128xi32, #tpu.memory_space<vmem>> -> memref<128xi32, #tpu.memory_space<vmem>>
      %dma_wait3A_149 = arith.constant 0 : i32
      %dma_wait3A_150 = arith.constant 0 : i32
      %dma_wait3A_151 = tpu.memref_slice %arg9[%dma_wait3A_149, %dma_wait3A_150] : memref<10240x32xf32, #tpu.memory_space<vmem_shared>> -> memref<10240x32xf32, #tpu.memory_space<vmem_shared>>
      tpu.wait_indirect_dma semaphore(%arg12 : memref<!tpu.dma_semaphore, #tpu.memory_space<semaphore_mem>>) src(%dma_wait3A_145 : memref<128x32xf32, #tpu.memory_space<vmem>>) dst(%dma_wait3A_151 : memref<10240x32xf32, #tpu.memory_space<vmem_shared>>)
    }
    %while3A_135 = arith.constant 1 : i32
    scf.for %while3A_141 = %while3A_133 to %while3A_129 step %while3A_135  : i32 {
      %rem3A = arith.constant 16 : i32
      %rem3A_142 = arith.remsi %while3A_141, %rem3A : i32
      %dma_wait3A = arith.constant 0 : i32
      %dma_wait3A_143 = arith.constant 0 : i32
      %dma_wait3A_144 = tpu.memref_slice %arg8[%rem3A_142, %dma_wait3A, %dma_wait3A_143] : memref<16x128x32xf32, #tpu.memory_space<vmem>> -> memref<1x128x32xf32, #tpu.memory_space<vmem>>
      %dma_wait3A_145 = tpu.memref_squeeze %dma_wait3A_144 : memref<1x128x32xf32, #tpu.memory_space<vmem>> -> memref<128x32xf32, #tpu.memory_space<vmem>>
      %dma_wait3A_146 = arith.constant 0 : i32
      %dma_wait3A_147 = tpu.memref_slice %arg7[%while3A_141, %dma_wait3A_146] : memref<79x128xi32, #tpu.memory_space<vmem>> -> memref<1x128xi32, #tpu.memory_space<vmem>>
      %dma_wait3A_148 = tpu.memref_squeeze %dma_wait3A_147 : memref<1x128xi32, #tpu.memory_space<vmem>> -> memref<128xi32, #tpu.memory_space<vmem>>
      %dma_wait3A_149 = arith.constant 0 : i32
      %dma_wait3A_150 = arith.constant 0 : i32
      %dma_wait3A_151 = tpu.memref_slice %arg9[%dma_wait3A_149, %dma_wait3A_150] : memref<10240x32xf32, #tpu.memory_space<vmem_shared>> -> memref<10240x32xf32, #tpu.memory_space<vmem_shared>>
      tpu.wait_indirect_dma semaphore(%arg12 : memref<!tpu.dma_semaphore, #tpu.memory_space<semaphore_mem>>) src(%dma_wait3A_145 : memref<128x32xf32, #tpu.memory_space<vmem>>) dst(%dma_wait3A_151 : memref<10240x32xf32, #tpu.memory_space<vmem_shared>>)
    }
    %barrier3A_136 = arith.constant 0 : index
    tpu.barrier barrier_id(%barrier3A_136)
    %mul3A_137 = arith.constant 640 : i32
    %mul3A_138 = arith.muli %arg1, %mul3A_137 : i32
    %mul3A_139 = arith.constant 640 : i32
    %mul3A_140 = arith.muli %arg1, %mul3A_139 : i32
    "tpu.region"() ({
      %run_scoped3A_141 = tpu.sem_alloc : memref<!tpu.dma_semaphore, #tpu.memory_space<semaphore_mem>>
      %dma_start3A_142 = arith.constant 0 : i32
      %dma_start3A_143 = tpu.memref_slice %arg5[%arg0, %mul3A_140, %dma_start3A_142] : memref<2x10240x32xf32, #tpu.memory_space<hbm>> -> memref<1x640x32xf32, #tpu.memory_space<hbm>>
      %dma_start3A_144 = tpu.memref_squeeze %dma_start3A_143 : memref<1x640x32xf32, #tpu.memory_space<hbm>> -> memref<640x32xf32, #tpu.memory_space<hbm>>
      %dma_start3A_145 = arith.constant 0 : i32
      %dma_start3A_146 = tpu.memref_slice %arg9[%mul3A_138, %dma_start3A_145] : memref<10240x32xf32, #tpu.memory_space<vmem_shared>> -> memref<640x32xf32, #tpu.memory_space<vmem_shared>>
      tpu.enqueue_dma source(%dma_start3A_146 : memref<640x32xf32, #tpu.memory_space<vmem_shared>>) target(%dma_start3A_144 : memref<640x32xf32, #tpu.memory_space<hbm>>) target_semaphore(%run_scoped3A_141 : memref<!tpu.dma_semaphore, #tpu.memory_space<semaphore_mem>>)
      %dma_wait3A = arith.constant 0 : i32
      %dma_wait3A_147 = tpu.memref_slice %arg5[%arg0, %mul3A_140, %dma_wait3A] : memref<2x10240x32xf32, #tpu.memory_space<hbm>> -> memref<1x640x32xf32, #tpu.memory_space<hbm>>
      %dma_wait3A_148 = tpu.memref_squeeze %dma_wait3A_147 : memref<1x640x32xf32, #tpu.memory_space<hbm>> -> memref<640x32xf32, #tpu.memory_space<hbm>>
      %dma_wait3A_149 = arith.constant 0 : i32
      %dma_wait3A_150 = tpu.memref_slice %arg9[%mul3A_138, %dma_wait3A_149] : memref<10240x32xf32, #tpu.memory_space<vmem_shared>> -> memref<640x32xf32, #tpu.memory_space<vmem_shared>>
      tpu.wait_dma2 semaphore(%run_scoped3A_141 : memref<!tpu.dma_semaphore, #tpu.memory_space<semaphore_mem>>) src(%dma_wait3A_150 : memref<640x32xf32, #tpu.memory_space<vmem_shared>>) dst(%dma_wait3A_148 : memref<640x32xf32, #tpu.memory_space<hbm>>)
      tpu.yield
    }) : () -> ()
    return
  }
}

#map = affine_map<(d0, d1) -> (0, 0, 0)>
#map1 = affine_map<(d0, d1) -> (0, 0)>
module attributes {stable_mosaic.version = 14 : i64} {
  func.func @_segsum_body(%arg0: i32, %arg1: i32, %arg2: memref<2x2500x128xi32, #tpu.memory_space<hbm>>, %arg3: memref<10240x32xf32, #tpu.memory_space<hbm>>, %arg4: memref<10240x32xf32, #tpu.memory_space<hbm>>, %arg5: memref<2x10240x32xf32, #tpu.memory_space<hbm>>, %arg6: memref<79x128xi32, #tpu.memory_space<vmem>>, %arg7: memref<79x128xi32, #tpu.memory_space<vmem>>, %arg8: memref<16x128x32xf32, #tpu.memory_space<vmem>>, %arg9: memref<10240x32xf32, #tpu.memory_space<vmem_shared>>, %arg10: memref<10240x32xf32, #tpu.memory_space<vmem_shared>>, %arg11: memref<!tpu.dma_semaphore, #tpu.memory_space<semaphore_mem>>, %arg12: memref<!tpu.dma_semaphore, #tpu.memory_space<semaphore_mem>>) attributes {dimension_semantics = [#tpu.dimension_semantics<core_parallel>, #tpu.dimension_semantics<subcore_parallel>], iteration_bounds = array<i64: 2, 16>, scalar_prefetch = 0 : i64, scratch_operands = 7 : i64, tpu.core_type = #tpu.core_type<sc_vector_subcore>, window_params = [{transform_indices = #map}, {transform_indices = #map1}, {transform_indices = #map1}, {transform_indices = #map}]} {
    %mul3A = arith.constant 16 : i32
    %mul3A_0 = arith.muli %arg0, %mul3A : i32
    %add3A = arith.addi %mul3A_0, %arg1 : i32
    %mul3A_1 = arith.constant 640 : i32
    %mul3A_2 = arith.muli %arg1, %mul3A_1 : i32
    %mul3A_3 = arith.constant 640 : i32
    %mul3A_4 = arith.muli %arg1, %mul3A_3 : i32
    "tpu.region"() ({
      %run_scoped3A_141 = tpu.sem_alloc : memref<!tpu.dma_semaphore, #tpu.memory_space<semaphore_mem>>
      %dma_start3A_142 = arith.constant 0 : i32
      %dma_start3A_143 = tpu.memref_slice %arg9[%mul3A_4, %dma_start3A_142] : memref<10240x32xf32, #tpu.memory_space<vmem_shared>> -> memref<640x32xf32, #tpu.memory_space<vmem_shared>>
      %dma_start3A_144 = arith.constant 0 : i32
      %dma_start3A_145 = tpu.memref_slice %arg4[%mul3A_2, %dma_start3A_144] : memref<10240x32xf32, #tpu.memory_space<hbm>> -> memref<640x32xf32, #tpu.memory_space<hbm>>
      tpu.enqueue_dma source(%dma_start3A_145 : memref<640x32xf32, #tpu.memory_space<hbm>>) target(%dma_start3A_143 : memref<640x32xf32, #tpu.memory_space<vmem_shared>>) target_semaphore(%run_scoped3A_141 : memref<!tpu.dma_semaphore, #tpu.memory_space<semaphore_mem>>)
      %dma_wait3A = arith.constant 0 : i32
      %dma_wait3A_146 = tpu.memref_slice %arg9[%mul3A_4, %dma_wait3A] : memref<10240x32xf32, #tpu.memory_space<vmem_shared>> -> memref<640x32xf32, #tpu.memory_space<vmem_shared>>
      %dma_wait3A_147 = arith.constant 0 : i32
      %dma_wait3A_148 = tpu.memref_slice %arg4[%mul3A_2, %dma_wait3A_147] : memref<10240x32xf32, #tpu.memory_space<hbm>> -> memref<640x32xf32, #tpu.memory_space<hbm>>
      tpu.wait_dma2 semaphore(%run_scoped3A_141 : memref<!tpu.dma_semaphore, #tpu.memory_space<semaphore_mem>>) src(%dma_wait3A_148 : memref<640x32xf32, #tpu.memory_space<hbm>>) dst(%dma_wait3A_146 : memref<640x32xf32, #tpu.memory_space<vmem_shared>>)
      tpu.yield
    }) : () -> ()
    %mul3A_5 = arith.constant 640 : i32
    %mul3A_6 = arith.muli %arg1, %mul3A_5 : i32
    %mul3A_7 = arith.constant 640 : i32
    %mul3A_8 = arith.muli %arg1, %mul3A_7 : i32
    "tpu.region"() ({
      %run_scoped3A_141 = tpu.sem_alloc : memref<!tpu.dma_semaphore, #tpu.memory_space<semaphore_mem>>
      %dma_start3A_142 = arith.constant 0 : i32
      %dma_start3A_143 = tpu.memref_slice %arg10[%mul3A_8, %dma_start3A_142] : memref<10240x32xf32, #tpu.memory_space<vmem_shared>> -> memref<640x32xf32, #tpu.memory_space<vmem_shared>>
      %dma_start3A_144 = arith.constant 0 : i32
      %dma_start3A_145 = tpu.memref_slice %arg3[%mul3A_6, %dma_start3A_144] : memref<10240x32xf32, #tpu.memory_space<hbm>> -> memref<640x32xf32, #tpu.memory_space<hbm>>
      tpu.enqueue_dma source(%dma_start3A_145 : memref<640x32xf32, #tpu.memory_space<hbm>>) target(%dma_start3A_143 : memref<640x32xf32, #tpu.memory_space<vmem_shared>>) target_semaphore(%run_scoped3A_141 : memref<!tpu.dma_semaphore, #tpu.memory_space<semaphore_mem>>)
      %dma_wait3A = arith.constant 0 : i32
      %dma_wait3A_146 = tpu.memref_slice %arg10[%mul3A_8, %dma_wait3A] : memref<10240x32xf32, #tpu.memory_space<vmem_shared>> -> memref<640x32xf32, #tpu.memory_space<vmem_shared>>
      %dma_wait3A_147 = arith.constant 0 : i32
      %dma_wait3A_148 = tpu.memref_slice %arg3[%mul3A_6, %dma_wait3A_147] : memref<10240x32xf32, #tpu.memory_space<hbm>> -> memref<640x32xf32, #tpu.memory_space<hbm>>
      tpu.wait_dma2 semaphore(%run_scoped3A_141 : memref<!tpu.dma_semaphore, #tpu.memory_space<semaphore_mem>>) src(%dma_wait3A_148 : memref<640x32xf32, #tpu.memory_space<hbm>>) dst(%dma_wait3A_146 : memref<640x32xf32, #tpu.memory_space<vmem_shared>>)
      tpu.yield
    }) : () -> ()
    %mul3A_9 = arith.constant 78 : i32
    %mul3A_10 = arith.muli %mul3A_9, %add3A : i32
    %min3A = arith.constant 4 : i32
    %min3A_11 = arith.minsi %add3A, %min3A : i32
    %add3A_12 = arith.addi %mul3A_10, %min3A_11 : i32
    %lt3A = arith.constant 4 : i32
    %lt3A_13 = arith.cmpi slt, %add3A, %lt3A : i32
    %jit3A = arith.constant 1 : i32
    %jit3A_14 = arith.constant 0 : i32
    %select_n3A = arith.select %lt3A_13, %jit3A, %jit3A_14 : i32
    %add3A_15 = arith.constant 78 : i32
    %add3A_16 = arith.addi %add3A_15, %select_n3A : i32
    %run_scoped3A = arith.constant 0 : i32
    "tpu.region"() ({
      %run_scoped3A_141 = tpu.sem_alloc : memref<!tpu.dma_semaphore, #tpu.memory_space<semaphore_mem>>
      %dma_start3A_142 = arith.constant 0 : i32
      %dma_start3A_143 = arith.constant 0 : i32
      %dma_start3A_144 = tpu.memref_slice %arg6[%dma_start3A_142, %dma_start3A_143] : memref<79x128xi32, #tpu.memory_space<vmem>> -> memref<78x128xi32, #tpu.memory_space<vmem>>
      %dma_start3A_145 = arith.constant 0 : i32
      %dma_start3A_146 = tpu.memref_slice %arg2[%run_scoped3A, %add3A_12, %dma_start3A_145] : memref<2x2500x128xi32, #tpu.memory_space<hbm>> -> memref<1x78x128xi32, #tpu.memory_space<hbm>>
      %dma_start3A_147 = tpu.memref_squeeze %dma_start3A_146 : memref<1x78x128xi32, #tpu.memory_space<hbm>> -> memref<78x128xi32, #tpu.memory_space<hbm>>
      %dma_start3A_148 = arith.constant 0 : i32
      %dma_start3A_149 = arith.constant 0 : i32
      %dma_start3A_150 = tpu.memref_slice %arg6[%dma_start3A_148, %dma_start3A_149] : memref<79x128xi32, #tpu.memory_space<vmem>> -> memref<78x128xi32, #tpu.memory_space<vmem>>
      %dma_start3A_151 = arith.constant 0 : i32
      %dma_start3A_152 = tpu.memref_slice %arg2[%run_scoped3A, %add3A_12, %dma_start3A_151] : memref<2x2500x128xi32, #tpu.memory_space<hbm>> -> memref<1x78x128xi32, #tpu.memory_space<hbm>>
      %dma_start3A_153 = tpu.memref_squeeze %dma_start3A_152 : memref<1x78x128xi32, #tpu.memory_space<hbm>> -> memref<78x128xi32, #tpu.memory_space<hbm>>
      tpu.enqueue_dma source(%dma_start3A_153 : memref<78x128xi32, #tpu.memory_space<hbm>>) target(%dma_start3A_150 : memref<78x128xi32, #tpu.memory_space<vmem>>) target_semaphore(%run_scoped3A_141 : memref<!tpu.dma_semaphore, #tpu.memory_space<semaphore_mem>>)
      %dma_wait3A = arith.constant 0 : i32
      %dma_wait3A_154 = arith.constant 0 : i32
      %dma_wait3A_155 = tpu.memref_slice %arg6[%dma_wait3A, %dma_wait3A_154] : memref<79x128xi32, #tpu.memory_space<vmem>> -> memref<78x128xi32, #tpu.memory_space<vmem>>
      %dma_wait3A_156 = arith.constant 0 : i32
      %dma_wait3A_157 = tpu.memref_slice %arg2[%run_scoped3A, %add3A_12, %dma_wait3A_156] : memref<2x2500x128xi32, #tpu.memory_space<hbm>> -> memref<1x78x128xi32, #tpu.memory_space<hbm>>
      %dma_wait3A_158 = tpu.memref_squeeze %dma_wait3A_157 : memref<1x78x128xi32, #tpu.memory_space<hbm>> -> memref<78x128xi32, #tpu.memory_space<hbm>>
      %dma_wait3A_159 = arith.constant 0 : i32
      %dma_wait3A_160 = arith.constant 0 : i32
      %dma_wait3A_161 = tpu.memref_slice %arg6[%dma_wait3A_159, %dma_wait3A_160] : memref<79x128xi32, #tpu.memory_space<vmem>> -> memref<78x128xi32, #tpu.memory_space<vmem>>
      %dma_wait3A_162 = arith.constant 0 : i32
      %dma_wait3A_163 = tpu.memref_slice %arg2[%run_scoped3A, %add3A_12, %dma_wait3A_162] : memref<2x2500x128xi32, #tpu.memory_space<hbm>> -> memref<1x78x128xi32, #tpu.memory_space<hbm>>
      %dma_wait3A_164 = tpu.memref_squeeze %dma_wait3A_163 : memref<1x78x128xi32, #tpu.memory_space<hbm>> -> memref<78x128xi32, #tpu.memory_space<hbm>>
      tpu.wait_dma2 semaphore(%run_scoped3A_141 : memref<!tpu.dma_semaphore, #tpu.memory_space<semaphore_mem>>) src(%dma_wait3A_164 : memref<78x128xi32, #tpu.memory_space<hbm>>) dst(%dma_wait3A_161 : memref<78x128xi32, #tpu.memory_space<vmem>>)
      tpu.yield
    }) : () -> ()
    %run_scoped3A_17 = arith.constant 1 : i32
    "tpu.region"() ({
      %run_scoped3A_141 = tpu.sem_alloc : memref<!tpu.dma_semaphore, #tpu.memory_space<semaphore_mem>>
      %dma_start3A_142 = arith.constant 0 : i32
      %dma_start3A_143 = arith.constant 0 : i32
      %dma_start3A_144 = tpu.memref_slice %arg7[%dma_start3A_142, %dma_start3A_143] : memref<79x128xi32, #tpu.memory_space<vmem>> -> memref<78x128xi32, #tpu.memory_space<vmem>>
      %dma_start3A_145 = arith.constant 0 : i32
      %dma_start3A_146 = tpu.memref_slice %arg2[%run_scoped3A_17, %add3A_12, %dma_start3A_145] : memref<2x2500x128xi32, #tpu.memory_space<hbm>> -> memref<1x78x128xi32, #tpu.memory_space<hbm>>
      %dma_start3A_147 = tpu.memref_squeeze %dma_start3A_146 : memref<1x78x128xi32, #tpu.memory_space<hbm>> -> memref<78x128xi32, #tpu.memory_space<hbm>>
      %dma_start3A_148 = arith.constant 0 : i32
      %dma_start3A_149 = arith.constant 0 : i32
      %dma_start3A_150 = tpu.memref_slice %arg7[%dma_start3A_148, %dma_start3A_149] : memref<79x128xi32, #tpu.memory_space<vmem>> -> memref<78x128xi32, #tpu.memory_space<vmem>>
      %dma_start3A_151 = arith.constant 0 : i32
      %dma_start3A_152 = tpu.memref_slice %arg2[%run_scoped3A_17, %add3A_12, %dma_start3A_151] : memref<2x2500x128xi32, #tpu.memory_space<hbm>> -> memref<1x78x128xi32, #tpu.memory_space<hbm>>
      %dma_start3A_153 = tpu.memref_squeeze %dma_start3A_152 : memref<1x78x128xi32, #tpu.memory_space<hbm>> -> memref<78x128xi32, #tpu.memory_space<hbm>>
      tpu.enqueue_dma source(%dma_start3A_153 : memref<78x128xi32, #tpu.memory_space<hbm>>) target(%dma_start3A_150 : memref<78x128xi32, #tpu.memory_space<vmem>>) target_semaphore(%run_scoped3A_141 : memref<!tpu.dma_semaphore, #tpu.memory_space<semaphore_mem>>)
      %dma_wait3A = arith.constant 0 : i32
      %dma_wait3A_154 = arith.constant 0 : i32
      %dma_wait3A_155 = tpu.memref_slice %arg7[%dma_wait3A, %dma_wait3A_154] : memref<79x128xi32, #tpu.memory_space<vmem>> -> memref<78x128xi32, #tpu.memory_space<vmem>>
      %dma_wait3A_156 = arith.constant 0 : i32
      %dma_wait3A_157 = tpu.memref_slice %arg2[%run_scoped3A_17, %add3A_12, %dma_wait3A_156] : memref<2x2500x128xi32, #tpu.memory_space<hbm>> -> memref<1x78x128xi32, #tpu.memory_space<hbm>>
      %dma_wait3A_158 = tpu.memref_squeeze %dma_wait3A_157 : memref<1x78x128xi32, #tpu.memory_space<hbm>> -> memref<78x128xi32, #tpu.memory_space<hbm>>
      %dma_wait3A_159 = arith.constant 0 : i32
      %dma_wait3A_160 = arith.constant 0 : i32
      %dma_wait3A_161 = tpu.memref_slice %arg7[%dma_wait3A_159, %dma_wait3A_160] : memref<79x128xi32, #tpu.memory_space<vmem>> -> memref<78x128xi32, #tpu.memory_space<vmem>>
      %dma_wait3A_162 = arith.constant 0 : i32
      %dma_wait3A_163 = tpu.memref_slice %arg2[%run_scoped3A_17, %add3A_12, %dma_wait3A_162] : memref<2x2500x128xi32, #tpu.memory_space<hbm>> -> memref<1x78x128xi32, #tpu.memory_space<hbm>>
      %dma_wait3A_164 = tpu.memref_squeeze %dma_wait3A_163 : memref<1x78x128xi32, #tpu.memory_space<hbm>> -> memref<78x128xi32, #tpu.memory_space<hbm>>
      tpu.wait_dma2 semaphore(%run_scoped3A_141 : memref<!tpu.dma_semaphore, #tpu.memory_space<semaphore_mem>>) src(%dma_wait3A_164 : memref<78x128xi32, #tpu.memory_space<hbm>>) dst(%dma_wait3A_161 : memref<78x128xi32, #tpu.memory_space<vmem>>)
      tpu.yield
    }) : () -> ()
    %lt3A_18 = arith.constant 4 : i32
    %lt3A_19 = arith.cmpi slt, %add3A, %lt3A_18 : i32
    %convert_element_type3A = arith.extui %lt3A_19 : i1 to i32
    %cond3A = arith.constant 0 : i32
    %cond3A_20 = arith.cmpi ne, %convert_element_type3A, %cond3A : i32
    scf.if %cond3A_20 {
      %add3A_141 = arith.constant 78 : i32
      %add3A_142 = arith.addi %add3A_12, %add3A_141 : i32
      %run_scoped3A_143 = arith.constant 0 : i32
      "tpu.region"() ({
        %run_scoped3A_147 = tpu.sem_alloc : memref<!tpu.dma_semaphore, #tpu.memory_space<semaphore_mem>>
        %dma_start3A_148 = arith.constant 78 : i32
        %dma_start3A_149 = arith.constant 0 : i32
        %dma_start3A_150 = tpu.memref_slice %arg6[%dma_start3A_148, %dma_start3A_149] : memref<79x128xi32, #tpu.memory_space<vmem>> -> memref<1x128xi32, #tpu.memory_space<vmem>>
        %dma_start3A_151 = arith.constant 0 : i32
        %dma_start3A_152 = tpu.memref_slice %arg2[%run_scoped3A_143, %add3A_142, %dma_start3A_151] : memref<2x2500x128xi32, #tpu.memory_space<hbm>> -> memref<1x1x128xi32, #tpu.memory_space<hbm>>
        %dma_start3A_153 = tpu.memref_squeeze %dma_start3A_152 : memref<1x1x128xi32, #tpu.memory_space<hbm>> -> memref<1x128xi32, #tpu.memory_space<hbm>>
        %dma_start3A_154 = arith.constant 78 : i32
        %dma_start3A_155 = arith.constant 0 : i32
        %dma_start3A_156 = tpu.memref_slice %arg6[%dma_start3A_154, %dma_start3A_155] : memref<79x128xi32, #tpu.memory_space<vmem>> -> memref<1x128xi32, #tpu.memory_space<vmem>>
        %dma_start3A_157 = arith.constant 0 : i32
        %dma_start3A_158 = tpu.memref_slice %arg2[%run_scoped3A_143, %add3A_142, %dma_start3A_157] : memref<2x2500x128xi32, #tpu.memory_space<hbm>> -> memref<1x1x128xi32, #tpu.memory_space<hbm>>
        %dma_start3A_159 = tpu.memref_squeeze %dma_start3A_158 : memref<1x1x128xi32, #tpu.memory_space<hbm>> -> memref<1x128xi32, #tpu.memory_space<hbm>>
        tpu.enqueue_dma source(%dma_start3A_159 : memref<1x128xi32, #tpu.memory_space<hbm>>) target(%dma_start3A_156 : memref<1x128xi32, #tpu.memory_space<vmem>>) target_semaphore(%run_scoped3A_147 : memref<!tpu.dma_semaphore, #tpu.memory_space<semaphore_mem>>)
        %dma_wait3A = arith.constant 78 : i32
        %dma_wait3A_160 = arith.constant 0 : i32
        %dma_wait3A_161 = tpu.memref_slice %arg6[%dma_wait3A, %dma_wait3A_160] : memref<79x128xi32, #tpu.memory_space<vmem>> -> memref<1x128xi32, #tpu.memory_space<vmem>>
        %dma_wait3A_162 = arith.constant 0 : i32
        %dma_wait3A_163 = tpu.memref_slice %arg2[%run_scoped3A_143, %add3A_142, %dma_wait3A_162] : memref<2x2500x128xi32, #tpu.memory_space<hbm>> -> memref<1x1x128xi32, #tpu.memory_space<hbm>>
        %dma_wait3A_164 = tpu.memref_squeeze %dma_wait3A_163 : memref<1x1x128xi32, #tpu.memory_space<hbm>> -> memref<1x128xi32, #tpu.memory_space<hbm>>
        %dma_wait3A_165 = arith.constant 78 : i32
        %dma_wait3A_166 = arith.constant 0 : i32
        %dma_wait3A_167 = tpu.memref_slice %arg6[%dma_wait3A_165, %dma_wait3A_166] : memref<79x128xi32, #tpu.memory_space<vmem>> -> memref<1x128xi32, #tpu.memory_space<vmem>>
        %dma_wait3A_168 = arith.constant 0 : i32
        %dma_wait3A_169 = tpu.memref_slice %arg2[%run_scoped3A_143, %add3A_142, %dma_wait3A_168] : memref<2x2500x128xi32, #tpu.memory_space<hbm>> -> memref<1x1x128xi32, #tpu.memory_space<hbm>>
        %dma_wait3A_170 = tpu.memref_squeeze %dma_wait3A_169 : memref<1x1x128xi32, #tpu.memory_space<hbm>> -> memref<1x128xi32, #tpu.memory_space<hbm>>
        tpu.wait_dma2 semaphore(%run_scoped3A_147 : memref<!tpu.dma_semaphore, #tpu.memory_space<semaphore_mem>>) src(%dma_wait3A_170 : memref<1x128xi32, #tpu.memory_space<hbm>>) dst(%dma_wait3A_167 : memref<1x128xi32, #tpu.memory_space<vmem>>)
        tpu.yield
      }) : () -> ()
      %add3A_144 = arith.constant 78 : i32
      %add3A_145 = arith.addi %add3A_12, %add3A_144 : i32
      %run_scoped3A_146 = arith.constant 1 : i32
      "tpu.region"() ({
        %run_scoped3A_147 = tpu.sem_alloc : memref<!tpu.dma_semaphore, #tpu.memory_space<semaphore_mem>>
        %dma_start3A_148 = arith.constant 78 : i32
        %dma_start3A_149 = arith.constant 0 : i32
        %dma_start3A_150 = tpu.memref_slice %arg7[%dma_start3A_148, %dma_start3A_149] : memref<79x128xi32, #tpu.memory_space<vmem>> -> memref<1x128xi32, #tpu.memory_space<vmem>>
        %dma_start3A_151 = arith.constant 0 : i32
        %dma_start3A_152 = tpu.memref_slice %arg2[%run_scoped3A_146, %add3A_145, %dma_start3A_151] : memref<2x2500x128xi32, #tpu.memory_space<hbm>> -> memref<1x1x128xi32, #tpu.memory_space<hbm>>
        %dma_start3A_153 = tpu.memref_squeeze %dma_start3A_152 : memref<1x1x128xi32, #tpu.memory_space<hbm>> -> memref<1x128xi32, #tpu.memory_space<hbm>>
        %dma_start3A_154 = arith.constant 78 : i32
        %dma_start3A_155 = arith.constant 0 : i32
        %dma_start3A_156 = tpu.memref_slice %arg7[%dma_start3A_154, %dma_start3A_155] : memref<79x128xi32, #tpu.memory_space<vmem>> -> memref<1x128xi32, #tpu.memory_space<vmem>>
        %dma_start3A_157 = arith.constant 0 : i32
        %dma_start3A_158 = tpu.memref_slice %arg2[%run_scoped3A_146, %add3A_145, %dma_start3A_157] : memref<2x2500x128xi32, #tpu.memory_space<hbm>> -> memref<1x1x128xi32, #tpu.memory_space<hbm>>
        %dma_start3A_159 = tpu.memref_squeeze %dma_start3A_158 : memref<1x1x128xi32, #tpu.memory_space<hbm>> -> memref<1x128xi32, #tpu.memory_space<hbm>>
        tpu.enqueue_dma source(%dma_start3A_159 : memref<1x128xi32, #tpu.memory_space<hbm>>) target(%dma_start3A_156 : memref<1x128xi32, #tpu.memory_space<vmem>>) target_semaphore(%run_scoped3A_147 : memref<!tpu.dma_semaphore, #tpu.memory_space<semaphore_mem>>)
        %dma_wait3A = arith.constant 78 : i32
        %dma_wait3A_160 = arith.constant 0 : i32
        %dma_wait3A_161 = tpu.memref_slice %arg7[%dma_wait3A, %dma_wait3A_160] : memref<79x128xi32, #tpu.memory_space<vmem>> -> memref<1x128xi32, #tpu.memory_space<vmem>>
        %dma_wait3A_162 = arith.constant 0 : i32
        %dma_wait3A_163 = tpu.memref_slice %arg2[%run_scoped3A_146, %add3A_145, %dma_wait3A_162] : memref<2x2500x128xi32, #tpu.memory_space<hbm>> -> memref<1x1x128xi32, #tpu.memory_space<hbm>>
        %dma_wait3A_164 = tpu.memref_squeeze %dma_wait3A_163 : memref<1x1x128xi32, #tpu.memory_space<hbm>> -> memref<1x128xi32, #tpu.memory_space<hbm>>
        %dma_wait3A_165 = arith.constant 78 : i32
        %dma_wait3A_166 = arith.constant 0 : i32
        %dma_wait3A_167 = tpu.memref_slice %arg7[%dma_wait3A_165, %dma_wait3A_166] : memref<79x128xi32, #tpu.memory_space<vmem>> -> memref<1x128xi32, #tpu.memory_space<vmem>>
        %dma_wait3A_168 = arith.constant 0 : i32
        %dma_wait3A_169 = tpu.memref_slice %arg2[%run_scoped3A_146, %add3A_145, %dma_wait3A_168] : memref<2x2500x128xi32, #tpu.memory_space<hbm>> -> memref<1x1x128xi32, #tpu.memory_space<hbm>>
        %dma_wait3A_170 = tpu.memref_squeeze %dma_wait3A_169 : memref<1x1x128xi32, #tpu.memory_space<hbm>> -> memref<1x128xi32, #tpu.memory_space<hbm>>
        tpu.wait_dma2 semaphore(%run_scoped3A_147 : memref<!tpu.dma_semaphore, #tpu.memory_space<semaphore_mem>>) src(%dma_wait3A_170 : memref<1x128xi32, #tpu.memory_space<hbm>>) dst(%dma_wait3A_167 : memref<1x128xi32, #tpu.memory_space<vmem>>)
        tpu.yield
      }) : () -> ()
    } else {
    }
    %barrier3A = arith.constant 0 : index
    tpu.barrier barrier_id(%barrier3A)
    %dma_start3A = arith.constant 0 : i32
    %dma_start3A_21 = arith.constant 0 : i32
    %dma_start3A_22 = arith.constant 0 : i32
    %dma_start3A_23 = arith.constant 0 : i32
    %dma_start3A_24 = tpu.memref_slice %arg8[%dma_start3A_21, %dma_start3A_22, %dma_start3A_23] : memref<16x128x32xf32, #tpu.memory_space<vmem>> -> memref<1x128x32xf32, #tpu.memory_space<vmem>>
    %dma_start3A_25 = tpu.memref_squeeze %dma_start3A_24 : memref<1x128x32xf32, #tpu.memory_space<vmem>> -> memref<128x32xf32, #tpu.memory_space<vmem>>
    %dma_start3A_26 = arith.constant 0 : i32
    %dma_start3A_27 = tpu.memref_slice %arg6[%dma_start3A, %dma_start3A_26] : memref<79x128xi32, #tpu.memory_space<vmem>> -> memref<1x128xi32, #tpu.memory_space<vmem>>
    %dma_start3A_28 = tpu.memref_squeeze %dma_start3A_27 : memref<1x128xi32, #tpu.memory_space<vmem>> -> memref<128xi32, #tpu.memory_space<vmem>>
    %dma_start3A_29 = arith.constant 0 : i32
    %dma_start3A_30 = arith.constant 0 : i32
    %dma_start3A_31 = tpu.memref_slice %arg10[%dma_start3A_29, %dma_start3A_30] : memref<10240x32xf32, #tpu.memory_space<vmem_shared>> -> memref<10240x32xf32, #tpu.memory_space<vmem_shared>>
    tpu.enqueue_indirect_dma source(%dma_start3A_31 : memref<10240x32xf32, #tpu.memory_space<vmem_shared>>) target(%dma_start3A_25 : memref<128x32xf32, #tpu.memory_space<vmem>>) offsets(%dma_start3A_28 : memref<128xi32, #tpu.memory_space<vmem>>) semaphore(%arg11 : memref<!tpu.dma_semaphore, #tpu.memory_space<semaphore_mem>>)
    %dma_start3A_32 = arith.constant 1 : i32
    %dma_start3A_33 = arith.constant 1 : i32
    %dma_start3A_34 = arith.constant 0 : i32
    %dma_start3A_35 = arith.constant 0 : i32
    %dma_start3A_36 = tpu.memref_slice %arg8[%dma_start3A_33, %dma_start3A_34, %dma_start3A_35] : memref<16x128x32xf32, #tpu.memory_space<vmem>> -> memref<1x128x32xf32, #tpu.memory_space<vmem>>
    %dma_start3A_37 = tpu.memref_squeeze %dma_start3A_36 : memref<1x128x32xf32, #tpu.memory_space<vmem>> -> memref<128x32xf32, #tpu.memory_space<vmem>>
    %dma_start3A_38 = arith.constant 0 : i32
    %dma_start3A_39 = tpu.memref_slice %arg6[%dma_start3A_32, %dma_start3A_38] : memref<79x128xi32, #tpu.memory_space<vmem>> -> memref<1x128xi32, #tpu.memory_space<vmem>>
    %dma_start3A_40 = tpu.memref_squeeze %dma_start3A_39 : memref<1x128xi32, #tpu.memory_space<vmem>> -> memref<128xi32, #tpu.memory_space<vmem>>
    %dma_start3A_41 = arith.constant 0 : i32
    %dma_start3A_42 = arith.constant 0 : i32
    %dma_start3A_43 = tpu.memref_slice %arg10[%dma_start3A_41, %dma_start3A_42] : memref<10240x32xf32, #tpu.memory_space<vmem_shared>> -> memref<10240x32xf32, #tpu.memory_space<vmem_shared>>
    tpu.enqueue_indirect_dma source(%dma_start3A_43 : memref<10240x32xf32, #tpu.memory_space<vmem_shared>>) target(%dma_start3A_37 : memref<128x32xf32, #tpu.memory_space<vmem>>) offsets(%dma_start3A_40 : memref<128xi32, #tpu.memory_space<vmem>>) semaphore(%arg11 : memref<!tpu.dma_semaphore, #tpu.memory_space<semaphore_mem>>)
    %dma_start3A_44 = arith.constant 2 : i32
    %dma_start3A_45 = arith.constant 2 : i32
    %dma_start3A_46 = arith.constant 0 : i32
    %dma_start3A_47 = arith.constant 0 : i32
    %dma_start3A_48 = tpu.memref_slice %arg8[%dma_start3A_45, %dma_start3A_46, %dma_start3A_47] : memref<16x128x32xf32, #tpu.memory_space<vmem>> -> memref<1x128x32xf32, #tpu.memory_space<vmem>>
    %dma_start3A_49 = tpu.memref_squeeze %dma_start3A_48 : memref<1x128x32xf32, #tpu.memory_space<vmem>> -> memref<128x32xf32, #tpu.memory_space<vmem>>
    %dma_start3A_50 = arith.constant 0 : i32
    %dma_start3A_51 = tpu.memref_slice %arg6[%dma_start3A_44, %dma_start3A_50] : memref<79x128xi32, #tpu.memory_space<vmem>> -> memref<1x128xi32, #tpu.memory_space<vmem>>
    %dma_start3A_52 = tpu.memref_squeeze %dma_start3A_51 : memref<1x128xi32, #tpu.memory_space<vmem>> -> memref<128xi32, #tpu.memory_space<vmem>>
    %dma_start3A_53 = arith.constant 0 : i32
    %dma_start3A_54 = arith.constant 0 : i32
    %dma_start3A_55 = tpu.memref_slice %arg10[%dma_start3A_53, %dma_start3A_54] : memref<10240x32xf32, #tpu.memory_space<vmem_shared>> -> memref<10240x32xf32, #tpu.memory_space<vmem_shared>>
    tpu.enqueue_indirect_dma source(%dma_start3A_55 : memref<10240x32xf32, #tpu.memory_space<vmem_shared>>) target(%dma_start3A_49 : memref<128x32xf32, #tpu.memory_space<vmem>>) offsets(%dma_start3A_52 : memref<128xi32, #tpu.memory_space<vmem>>) semaphore(%arg11 : memref<!tpu.dma_semaphore, #tpu.memory_space<semaphore_mem>>)
    %dma_start3A_56 = arith.constant 3 : i32
    %dma_start3A_57 = arith.constant 3 : i32
    %dma_start3A_58 = arith.constant 0 : i32
    %dma_start3A_59 = arith.constant 0 : i32
    %dma_start3A_60 = tpu.memref_slice %arg8[%dma_start3A_57, %dma_start3A_58, %dma_start3A_59] : memref<16x128x32xf32, #tpu.memory_space<vmem>> -> memref<1x128x32xf32, #tpu.memory_space<vmem>>
    %dma_start3A_61 = tpu.memref_squeeze %dma_start3A_60 : memref<1x128x32xf32, #tpu.memory_space<vmem>> -> memref<128x32xf32, #tpu.memory_space<vmem>>
    %dma_start3A_62 = arith.constant 0 : i32
    %dma_start3A_63 = tpu.memref_slice %arg6[%dma_start3A_56, %dma_start3A_62] : memref<79x128xi32, #tpu.memory_space<vmem>> -> memref<1x128xi32, #tpu.memory_space<vmem>>
    %dma_start3A_64 = tpu.memref_squeeze %dma_start3A_63 : memref<1x128xi32, #tpu.memory_space<vmem>> -> memref<128xi32, #tpu.memory_space<vmem>>
    %dma_start3A_65 = arith.constant 0 : i32
    %dma_start3A_66 = arith.constant 0 : i32
    %dma_start3A_67 = tpu.memref_slice %arg10[%dma_start3A_65, %dma_start3A_66] : memref<10240x32xf32, #tpu.memory_space<vmem_shared>> -> memref<10240x32xf32, #tpu.memory_space<vmem_shared>>
    tpu.enqueue_indirect_dma source(%dma_start3A_67 : memref<10240x32xf32, #tpu.memory_space<vmem_shared>>) target(%dma_start3A_61 : memref<128x32xf32, #tpu.memory_space<vmem>>) offsets(%dma_start3A_64 : memref<128xi32, #tpu.memory_space<vmem>>) semaphore(%arg11 : memref<!tpu.dma_semaphore, #tpu.memory_space<semaphore_mem>>)
    %dma_start3A_68 = arith.constant 4 : i32
    %dma_start3A_69 = arith.constant 4 : i32
    %dma_start3A_70 = arith.constant 0 : i32
    %dma_start3A_71 = arith.constant 0 : i32
    %dma_start3A_72 = tpu.memref_slice %arg8[%dma_start3A_69, %dma_start3A_70, %dma_start3A_71] : memref<16x128x32xf32, #tpu.memory_space<vmem>> -> memref<1x128x32xf32, #tpu.memory_space<vmem>>
    %dma_start3A_73 = tpu.memref_squeeze %dma_start3A_72 : memref<1x128x32xf32, #tpu.memory_space<vmem>> -> memref<128x32xf32, #tpu.memory_space<vmem>>
    %dma_start3A_74 = arith.constant 0 : i32
    %dma_start3A_75 = tpu.memref_slice %arg6[%dma_start3A_68, %dma_start3A_74] : memref<79x128xi32, #tpu.memory_space<vmem>> -> memref<1x128xi32, #tpu.memory_space<vmem>>
    %dma_start3A_76 = tpu.memref_squeeze %dma_start3A_75 : memref<1x128xi32, #tpu.memory_space<vmem>> -> memref<128xi32, #tpu.memory_space<vmem>>
    %dma_start3A_77 = arith.constant 0 : i32
    %dma_start3A_78 = arith.constant 0 : i32
    %dma_start3A_79 = tpu.memref_slice %arg10[%dma_start3A_77, %dma_start3A_78] : memref<10240x32xf32, #tpu.memory_space<vmem_shared>> -> memref<10240x32xf32, #tpu.memory_space<vmem_shared>>
    tpu.enqueue_indirect_dma source(%dma_start3A_79 : memref<10240x32xf32, #tpu.memory_space<vmem_shared>>) target(%dma_start3A_73 : memref<128x32xf32, #tpu.memory_space<vmem>>) offsets(%dma_start3A_76 : memref<128xi32, #tpu.memory_space<vmem>>) semaphore(%arg11 : memref<!tpu.dma_semaphore, #tpu.memory_space<semaphore_mem>>)
    %dma_start3A_80 = arith.constant 5 : i32
    %dma_start3A_81 = arith.constant 5 : i32
    %dma_start3A_82 = arith.constant 0 : i32
    %dma_start3A_83 = arith.constant 0 : i32
    %dma_start3A_84 = tpu.memref_slice %arg8[%dma_start3A_81, %dma_start3A_82, %dma_start3A_83] : memref<16x128x32xf32, #tpu.memory_space<vmem>> -> memref<1x128x32xf32, #tpu.memory_space<vmem>>
    %dma_start3A_85 = tpu.memref_squeeze %dma_start3A_84 : memref<1x128x32xf32, #tpu.memory_space<vmem>> -> memref<128x32xf32, #tpu.memory_space<vmem>>
    %dma_start3A_86 = arith.constant 0 : i32
    %dma_start3A_87 = tpu.memref_slice %arg6[%dma_start3A_80, %dma_start3A_86] : memref<79x128xi32, #tpu.memory_space<vmem>> -> memref<1x128xi32, #tpu.memory_space<vmem>>
    %dma_start3A_88 = tpu.memref_squeeze %dma_start3A_87 : memref<1x128xi32, #tpu.memory_space<vmem>> -> memref<128xi32, #tpu.memory_space<vmem>>
    %dma_start3A_89 = arith.constant 0 : i32
    %dma_start3A_90 = arith.constant 0 : i32
    %dma_start3A_91 = tpu.memref_slice %arg10[%dma_start3A_89, %dma_start3A_90] : memref<10240x32xf32, #tpu.memory_space<vmem_shared>> -> memref<10240x32xf32, #tpu.memory_space<vmem_shared>>
    tpu.enqueue_indirect_dma source(%dma_start3A_91 : memref<10240x32xf32, #tpu.memory_space<vmem_shared>>) target(%dma_start3A_85 : memref<128x32xf32, #tpu.memory_space<vmem>>) offsets(%dma_start3A_88 : memref<128xi32, #tpu.memory_space<vmem>>) semaphore(%arg11 : memref<!tpu.dma_semaphore, #tpu.memory_space<semaphore_mem>>)
    %dma_start3A_92 = arith.constant 6 : i32
    %dma_start3A_93 = arith.constant 6 : i32
    %dma_start3A_94 = arith.constant 0 : i32
    %dma_start3A_95 = arith.constant 0 : i32
    %dma_start3A_96 = tpu.memref_slice %arg8[%dma_start3A_93, %dma_start3A_94, %dma_start3A_95] : memref<16x128x32xf32, #tpu.memory_space<vmem>> -> memref<1x128x32xf32, #tpu.memory_space<vmem>>
    %dma_start3A_97 = tpu.memref_squeeze %dma_start3A_96 : memref<1x128x32xf32, #tpu.memory_space<vmem>> -> memref<128x32xf32, #tpu.memory_space<vmem>>
    %dma_start3A_98 = arith.constant 0 : i32
    %dma_start3A_99 = tpu.memref_slice %arg6[%dma_start3A_92, %dma_start3A_98] : memref<79x128xi32, #tpu.memory_space<vmem>> -> memref<1x128xi32, #tpu.memory_space<vmem>>
    %dma_start3A_100 = tpu.memref_squeeze %dma_start3A_99 : memref<1x128xi32, #tpu.memory_space<vmem>> -> memref<128xi32, #tpu.memory_space<vmem>>
    %dma_start3A_101 = arith.constant 0 : i32
    %dma_start3A_102 = arith.constant 0 : i32
    %dma_start3A_103 = tpu.memref_slice %arg10[%dma_start3A_101, %dma_start3A_102] : memref<10240x32xf32, #tpu.memory_space<vmem_shared>> -> memref<10240x32xf32, #tpu.memory_space<vmem_shared>>
    tpu.enqueue_indirect_dma source(%dma_start3A_103 : memref<10240x32xf32, #tpu.memory_space<vmem_shared>>) target(%dma_start3A_97 : memref<128x32xf32, #tpu.memory_space<vmem>>) offsets(%dma_start3A_100 : memref<128xi32, #tpu.memory_space<vmem>>) semaphore(%arg11 : memref<!tpu.dma_semaphore, #tpu.memory_space<semaphore_mem>>)
    %dma_start3A_104 = arith.constant 7 : i32
    %dma_start3A_105 = arith.constant 7 : i32
    %dma_start3A_106 = arith.constant 0 : i32
    %dma_start3A_107 = arith.constant 0 : i32
    %dma_start3A_108 = tpu.memref_slice %arg8[%dma_start3A_105, %dma_start3A_106, %dma_start3A_107] : memref<16x128x32xf32, #tpu.memory_space<vmem>> -> memref<1x128x32xf32, #tpu.memory_space<vmem>>
    %dma_start3A_109 = tpu.memref_squeeze %dma_start3A_108 : memref<1x128x32xf32, #tpu.memory_space<vmem>> -> memref<128x32xf32, #tpu.memory_space<vmem>>
    %dma_start3A_110 = arith.constant 0 : i32
    %dma_start3A_111 = tpu.memref_slice %arg6[%dma_start3A_104, %dma_start3A_110] : memref<79x128xi32, #tpu.memory_space<vmem>> -> memref<1x128xi32, #tpu.memory_space<vmem>>
    %dma_start3A_112 = tpu.memref_squeeze %dma_start3A_111 : memref<1x128xi32, #tpu.memory_space<vmem>> -> memref<128xi32, #tpu.memory_space<vmem>>
    %dma_start3A_113 = arith.constant 0 : i32
    %dma_start3A_114 = arith.constant 0 : i32
    %dma_start3A_115 = tpu.memref_slice %arg10[%dma_start3A_113, %dma_start3A_114] : memref<10240x32xf32, #tpu.memory_space<vmem_shared>> -> memref<10240x32xf32, #tpu.memory_space<vmem_shared>>
    tpu.enqueue_indirect_dma source(%dma_start3A_115 : memref<10240x32xf32, #tpu.memory_space<vmem_shared>>) target(%dma_start3A_109 : memref<128x32xf32, #tpu.memory_space<vmem>>) offsets(%dma_start3A_112 : memref<128xi32, #tpu.memory_space<vmem>>) semaphore(%arg11 : memref<!tpu.dma_semaphore, #tpu.memory_space<semaphore_mem>>)
    %while3A = arith.constant 0 : i32
    %while3A_116 = arith.constant 0 : i32
    %while3A_117 = arith.subi %add3A_16, %while3A_116 : i32
    %while3A_118 = arith.addi %while3A_116, %while3A_117 : i32
    %while3A_119 = arith.constant 1 : i32
    %while3A_120 = arith.divsi %while3A_117, %while3A_119 : i32
    %while3A_121 = arith.muli %while3A_120, %while3A_119 : i32
    %while3A_122 = arith.addi %while3A_116, %while3A_121 : i32
    %while3A_123 = arith.constant 1 : i32
    scf.for %while3A_141 = %while3A_116 to %while3A_122 step %while3A_123  : i32 {
      %rem3A = arith.constant 16 : i32
      %rem3A_142 = arith.remsi %while3A_141, %rem3A : i32
      %dma_wait3A = arith.constant 0 : i32
      %dma_wait3A_143 = arith.constant 0 : i32
      %dma_wait3A_144 = tpu.memref_slice %arg8[%rem3A_142, %dma_wait3A, %dma_wait3A_143] : memref<16x128x32xf32, #tpu.memory_space<vmem>> -> memref<1x128x32xf32, #tpu.memory_space<vmem>>
      %dma_wait3A_145 = tpu.memref_squeeze %dma_wait3A_144 : memref<1x128x32xf32, #tpu.memory_space<vmem>> -> memref<128x32xf32, #tpu.memory_space<vmem>>
      %dma_wait3A_146 = arith.constant 0 : i32
      %dma_wait3A_147 = tpu.memref_slice %arg6[%while3A_141, %dma_wait3A_146] : memref<79x128xi32, #tpu.memory_space<vmem>> -> memref<1x128xi32, #tpu.memory_space<vmem>>
      %dma_wait3A_148 = tpu.memref_squeeze %dma_wait3A_147 : memref<1x128xi32, #tpu.memory_space<vmem>> -> memref<128xi32, #tpu.memory_space<vmem>>
      %dma_wait3A_149 = arith.constant 0 : i32
      %dma_wait3A_150 = arith.constant 0 : i32
      %dma_wait3A_151 = tpu.memref_slice %arg10[%dma_wait3A_149, %dma_wait3A_150] : memref<10240x32xf32, #tpu.memory_space<vmem_shared>> -> memref<10240x32xf32, #tpu.memory_space<vmem_shared>>
      tpu.wait_indirect_dma semaphore(%arg11 : memref<!tpu.dma_semaphore, #tpu.memory_space<semaphore_mem>>) src(%dma_wait3A_151 : memref<10240x32xf32, #tpu.memory_space<vmem_shared>>) dst(%dma_wait3A_145 : memref<128x32xf32, #tpu.memory_space<vmem>>)
      %dma_start3A_152 = arith.constant 0 : i32
      %dma_start3A_153 = arith.constant 0 : i32
      %dma_start3A_154 = tpu.memref_slice %arg8[%rem3A_142, %dma_start3A_152, %dma_start3A_153] : memref<16x128x32xf32, #tpu.memory_space<vmem>> -> memref<1x128x32xf32, #tpu.memory_space<vmem>>
      %dma_start3A_155 = tpu.memref_squeeze %dma_start3A_154 : memref<1x128x32xf32, #tpu.memory_space<vmem>> -> memref<128x32xf32, #tpu.memory_space<vmem>>
      %dma_start3A_156 = arith.constant 0 : i32
      %dma_start3A_157 = tpu.memref_slice %arg7[%while3A_141, %dma_start3A_156] : memref<79x128xi32, #tpu.memory_space<vmem>> -> memref<1x128xi32, #tpu.memory_space<vmem>>
      %dma_start3A_158 = tpu.memref_squeeze %dma_start3A_157 : memref<1x128xi32, #tpu.memory_space<vmem>> -> memref<128xi32, #tpu.memory_space<vmem>>
      %dma_start3A_159 = arith.constant 0 : i32
      %dma_start3A_160 = arith.constant 0 : i32
      %dma_start3A_161 = tpu.memref_slice %arg9[%dma_start3A_159, %dma_start3A_160] : memref<10240x32xf32, #tpu.memory_space<vmem_shared>> -> memref<10240x32xf32, #tpu.memory_space<vmem_shared>>
      tpu.enqueue_indirect_dma source(%dma_start3A_155 : memref<128x32xf32, #tpu.memory_space<vmem>>) target(%dma_start3A_161 : memref<10240x32xf32, #tpu.memory_space<vmem_shared>>) offsets(%dma_start3A_158 : memref<128xi32, #tpu.memory_space<vmem>>) semaphore(%arg12 : memref<!tpu.dma_semaphore, #tpu.memory_space<semaphore_mem>>) {add = true}
      %ge3A = arith.constant 8 : i32
      %ge3A_162 = arith.cmpi sge, %while3A_141, %ge3A : i32
      %convert_element_type3A_163 = arith.extui %ge3A_162 : i1 to i32
      %cond3A_164 = arith.constant 0 : i32
      %cond3A_165 = arith.cmpi ne, %convert_element_type3A_163, %cond3A_164 : i32
      scf.if %cond3A_165 {
        %sub3A_172 = arith.constant 8 : i32
        %sub3A_173 = arith.subi %while3A_141, %sub3A_172 : i32
        %rem3A_174 = arith.constant 16 : i32
        %rem3A_175 = arith.remsi %sub3A_173, %rem3A_174 : i32
        %dma_wait3A_176 = arith.constant 0 : i32
        %dma_wait3A_177 = arith.constant 0 : i32
        %dma_wait3A_178 = tpu.memref_slice %arg8[%rem3A_175, %dma_wait3A_176, %dma_wait3A_177] : memref<16x128x32xf32, #tpu.memory_space<vmem>> -> memref<1x128x32xf32, #tpu.memory_space<vmem>>
        %dma_wait3A_179 = tpu.memref_squeeze %dma_wait3A_178 : memref<1x128x32xf32, #tpu.memory_space<vmem>> -> memref<128x32xf32, #tpu.memory_space<vmem>>
        %dma_wait3A_180 = arith.constant 0 : i32
        %dma_wait3A_181 = tpu.memref_slice %arg7[%sub3A_173, %dma_wait3A_180] : memref<79x128xi32, #tpu.memory_space<vmem>> -> memref<1x128xi32, #tpu.memory_space<vmem>>
        %dma_wait3A_182 = tpu.memref_squeeze %dma_wait3A_181 : memref<1x128xi32, #tpu.memory_space<vmem>> -> memref<128xi32, #tpu.memory_space<vmem>>
        %dma_wait3A_183 = arith.constant 0 : i32
        %dma_wait3A_184 = arith.constant 0 : i32
        %dma_wait3A_185 = tpu.memref_slice %arg9[%dma_wait3A_183, %dma_wait3A_184] : memref<10240x32xf32, #tpu.memory_space<vmem_shared>> -> memref<10240x32xf32, #tpu.memory_space<vmem_shared>>
        tpu.wait_indirect_dma semaphore(%arg12 : memref<!tpu.dma_semaphore, #tpu.memory_space<semaphore_mem>>) src(%dma_wait3A_179 : memref<128x32xf32, #tpu.memory_space<vmem>>) dst(%dma_wait3A_185 : memref<10240x32xf32, #tpu.memory_space<vmem_shared>>)
      } else {
      }
      %add3A_166 = arith.constant 8 : i32
      %add3A_167 = arith.addi %while3A_141, %add3A_166 : i32
      %lt3A_168 = arith.cmpi slt, %add3A_167, %add3A_16 : i32
      %convert_element_type3A_169 = arith.extui %lt3A_168 : i1 to i32
      %cond3A_170 = arith.constant 0 : i32
      %cond3A_171 = arith.cmpi ne, %convert_element_type3A_169, %cond3A_170 : i32
      scf.if %cond3A_171 {
        %add3A_172 = arith.constant 8 : i32
        %add3A_173 = arith.addi %while3A_141, %add3A_172 : i32
        %add3A_174 = arith.constant 8 : i32
        %add3A_175 = arith.addi %while3A_141, %add3A_174 : i32
        %rem3A_176 = arith.constant 16 : i32
        %rem3A_177 = arith.remsi %add3A_175, %rem3A_176 : i32
        %dma_start3A_178 = arith.constant 0 : i32
        %dma_start3A_179 = arith.constant 0 : i32
        %dma_start3A_180 = tpu.memref_slice %arg8[%rem3A_177, %dma_start3A_178, %dma_start3A_179] : memref<16x128x32xf32, #tpu.memory_space<vmem>> -> memref<1x128x32xf32, #tpu.memory_space<vmem>>
        %dma_start3A_181 = tpu.memref_squeeze %dma_start3A_180 : memref<1x128x32xf32, #tpu.memory_space<vmem>> -> memref<128x32xf32, #tpu.memory_space<vmem>>
        %dma_start3A_182 = arith.constant 0 : i32
        %dma_start3A_183 = tpu.memref_slice %arg6[%add3A_173, %dma_start3A_182] : memref<79x128xi32, #tpu.memory_space<vmem>> -> memref<1x128xi32, #tpu.memory_space<vmem>>
        %dma_start3A_184 = tpu.memref_squeeze %dma_start3A_183 : memref<1x128xi32, #tpu.memory_space<vmem>> -> memref<128xi32, #tpu.memory_space<vmem>>
        %dma_start3A_185 = arith.constant 0 : i32
        %dma_start3A_186 = arith.constant 0 : i32
        %dma_start3A_187 = tpu.memref_slice %arg10[%dma_start3A_185, %dma_start3A_186] : memref<10240x32xf32, #tpu.memory_space<vmem_shared>> -> memref<10240x32xf32, #tpu.memory_space<vmem_shared>>
        tpu.enqueue_indirect_dma source(%dma_start3A_187 : memref<10240x32xf32, #tpu.memory_space<vmem_shared>>) target(%dma_start3A_181 : memref<128x32xf32, #tpu.memory_space<vmem>>) offsets(%dma_start3A_184 : memref<128xi32, #tpu.memory_space<vmem>>) semaphore(%arg11 : memref<!tpu.dma_semaphore, #tpu.memory_space<semaphore_mem>>)
      } else {
      }
    }
    %while3A_124 = arith.constant 1 : i32
    scf.for %while3A_141 = %while3A_122 to %while3A_118 step %while3A_124  : i32 {
      %rem3A = arith.constant 16 : i32
      %rem3A_142 = arith.remsi %while3A_141, %rem3A : i32
      %dma_wait3A = arith.constant 0 : i32
      %dma_wait3A_143 = arith.constant 0 : i32
      %dma_wait3A_144 = tpu.memref_slice %arg8[%rem3A_142, %dma_wait3A, %dma_wait3A_143] : memref<16x128x32xf32, #tpu.memory_space<vmem>> -> memref<1x128x32xf32, #tpu.memory_space<vmem>>
      %dma_wait3A_145 = tpu.memref_squeeze %dma_wait3A_144 : memref<1x128x32xf32, #tpu.memory_space<vmem>> -> memref<128x32xf32, #tpu.memory_space<vmem>>
      %dma_wait3A_146 = arith.constant 0 : i32
      %dma_wait3A_147 = tpu.memref_slice %arg6[%while3A_141, %dma_wait3A_146] : memref<79x128xi32, #tpu.memory_space<vmem>> -> memref<1x128xi32, #tpu.memory_space<vmem>>
      %dma_wait3A_148 = tpu.memref_squeeze %dma_wait3A_147 : memref<1x128xi32, #tpu.memory_space<vmem>> -> memref<128xi32, #tpu.memory_space<vmem>>
      %dma_wait3A_149 = arith.constant 0 : i32
      %dma_wait3A_150 = arith.constant 0 : i32
      %dma_wait3A_151 = tpu.memref_slice %arg10[%dma_wait3A_149, %dma_wait3A_150] : memref<10240x32xf32, #tpu.memory_space<vmem_shared>> -> memref<10240x32xf32, #tpu.memory_space<vmem_shared>>
      tpu.wait_indirect_dma semaphore(%arg11 : memref<!tpu.dma_semaphore, #tpu.memory_space<semaphore_mem>>) src(%dma_wait3A_151 : memref<10240x32xf32, #tpu.memory_space<vmem_shared>>) dst(%dma_wait3A_145 : memref<128x32xf32, #tpu.memory_space<vmem>>)
      %dma_start3A_152 = arith.constant 0 : i32
      %dma_start3A_153 = arith.constant 0 : i32
      %dma_start3A_154 = tpu.memref_slice %arg8[%rem3A_142, %dma_start3A_152, %dma_start3A_153] : memref<16x128x32xf32, #tpu.memory_space<vmem>> -> memref<1x128x32xf32, #tpu.memory_space<vmem>>
      %dma_start3A_155 = tpu.memref_squeeze %dma_start3A_154 : memref<1x128x32xf32, #tpu.memory_space<vmem>> -> memref<128x32xf32, #tpu.memory_space<vmem>>
      %dma_start3A_156 = arith.constant 0 : i32
      %dma_start3A_157 = tpu.memref_slice %arg7[%while3A_141, %dma_start3A_156] : memref<79x128xi32, #tpu.memory_space<vmem>> -> memref<1x128xi32, #tpu.memory_space<vmem>>
      %dma_start3A_158 = tpu.memref_squeeze %dma_start3A_157 : memref<1x128xi32, #tpu.memory_space<vmem>> -> memref<128xi32, #tpu.memory_space<vmem>>
      %dma_start3A_159 = arith.constant 0 : i32
      %dma_start3A_160 = arith.constant 0 : i32
      %dma_start3A_161 = tpu.memref_slice %arg9[%dma_start3A_159, %dma_start3A_160] : memref<10240x32xf32, #tpu.memory_space<vmem_shared>> -> memref<10240x32xf32, #tpu.memory_space<vmem_shared>>
      tpu.enqueue_indirect_dma source(%dma_start3A_155 : memref<128x32xf32, #tpu.memory_space<vmem>>) target(%dma_start3A_161 : memref<10240x32xf32, #tpu.memory_space<vmem_shared>>) offsets(%dma_start3A_158 : memref<128xi32, #tpu.memory_space<vmem>>) semaphore(%arg12 : memref<!tpu.dma_semaphore, #tpu.memory_space<semaphore_mem>>) {add = true}
      %ge3A = arith.constant 8 : i32
      %ge3A_162 = arith.cmpi sge, %while3A_141, %ge3A : i32
      %convert_element_type3A_163 = arith.extui %ge3A_162 : i1 to i32
      %cond3A_164 = arith.constant 0 : i32
      %cond3A_165 = arith.cmpi ne, %convert_element_type3A_163, %cond3A_164 : i32
      scf.if %cond3A_165 {
        %sub3A_172 = arith.constant 8 : i32
        %sub3A_173 = arith.subi %while3A_141, %sub3A_172 : i32
        %rem3A_174 = arith.constant 16 : i32
        %rem3A_175 = arith.remsi %sub3A_173, %rem3A_174 : i32
        %dma_wait3A_176 = arith.constant 0 : i32
        %dma_wait3A_177 = arith.constant 0 : i32
        %dma_wait3A_178 = tpu.memref_slice %arg8[%rem3A_175, %dma_wait3A_176, %dma_wait3A_177] : memref<16x128x32xf32, #tpu.memory_space<vmem>> -> memref<1x128x32xf32, #tpu.memory_space<vmem>>
        %dma_wait3A_179 = tpu.memref_squeeze %dma_wait3A_178 : memref<1x128x32xf32, #tpu.memory_space<vmem>> -> memref<128x32xf32, #tpu.memory_space<vmem>>
        %dma_wait3A_180 = arith.constant 0 : i32
        %dma_wait3A_181 = tpu.memref_slice %arg7[%sub3A_173, %dma_wait3A_180] : memref<79x128xi32, #tpu.memory_space<vmem>> -> memref<1x128xi32, #tpu.memory_space<vmem>>
        %dma_wait3A_182 = tpu.memref_squeeze %dma_wait3A_181 : memref<1x128xi32, #tpu.memory_space<vmem>> -> memref<128xi32, #tpu.memory_space<vmem>>
        %dma_wait3A_183 = arith.constant 0 : i32
        %dma_wait3A_184 = arith.constant 0 : i32
        %dma_wait3A_185 = tpu.memref_slice %arg9[%dma_wait3A_183, %dma_wait3A_184] : memref<10240x32xf32, #tpu.memory_space<vmem_shared>> -> memref<10240x32xf32, #tpu.memory_space<vmem_shared>>
        tpu.wait_indirect_dma semaphore(%arg12 : memref<!tpu.dma_semaphore, #tpu.memory_space<semaphore_mem>>) src(%dma_wait3A_179 : memref<128x32xf32, #tpu.memory_space<vmem>>) dst(%dma_wait3A_185 : memref<10240x32xf32, #tpu.memory_space<vmem_shared>>)
      } else {
      }
      %add3A_166 = arith.constant 8 : i32
      %add3A_167 = arith.addi %while3A_141, %add3A_166 : i32
      %lt3A_168 = arith.cmpi slt, %add3A_167, %add3A_16 : i32
      %convert_element_type3A_169 = arith.extui %lt3A_168 : i1 to i32
      %cond3A_170 = arith.constant 0 : i32
      %cond3A_171 = arith.cmpi ne, %convert_element_type3A_169, %cond3A_170 : i32
      scf.if %cond3A_171 {
        %add3A_172 = arith.constant 8 : i32
        %add3A_173 = arith.addi %while3A_141, %add3A_172 : i32
        %add3A_174 = arith.constant 8 : i32
        %add3A_175 = arith.addi %while3A_141, %add3A_174 : i32
        %rem3A_176 = arith.constant 16 : i32
        %rem3A_177 = arith.remsi %add3A_175, %rem3A_176 : i32
        %dma_start3A_178 = arith.constant 0 : i32
        %dma_start3A_179 = arith.constant 0 : i32
        %dma_start3A_180 = tpu.memref_slice %arg8[%rem3A_177, %dma_start3A_178, %dma_start3A_179] : memref<16x128x32xf32, #tpu.memory_space<vmem>> -> memref<1x128x32xf32, #tpu.memory_space<vmem>>
        %dma_start3A_181 = tpu.memref_squeeze %dma_start3A_180 : memref<1x128x32xf32, #tpu.memory_space<vmem>> -> memref<128x32xf32, #tpu.memory_space<vmem>>
        %dma_start3A_182 = arith.constant 0 : i32
        %dma_start3A_183 = tpu.memref_slice %arg6[%add3A_173, %dma_start3A_182] : memref<79x128xi32, #tpu.memory_space<vmem>> -> memref<1x128xi32, #tpu.memory_space<vmem>>
        %dma_start3A_184 = tpu.memref_squeeze %dma_start3A_183 : memref<1x128xi32, #tpu.memory_space<vmem>> -> memref<128xi32, #tpu.memory_space<vmem>>
        %dma_start3A_185 = arith.constant 0 : i32
        %dma_start3A_186 = arith.constant 0 : i32
        %dma_start3A_187 = tpu.memref_slice %arg10[%dma_start3A_185, %dma_start3A_186] : memref<10240x32xf32, #tpu.memory_space<vmem_shared>> -> memref<10240x32xf32, #tpu.memory_space<vmem_shared>>
        tpu.enqueue_indirect_dma source(%dma_start3A_187 : memref<10240x32xf32, #tpu.memory_space<vmem_shared>>) target(%dma_start3A_181 : memref<128x32xf32, #tpu.memory_space<vmem>>) offsets(%dma_start3A_184 : memref<128xi32, #tpu.memory_space<vmem>>) semaphore(%arg11 : memref<!tpu.dma_semaphore, #tpu.memory_space<semaphore_mem>>)
      } else {
      }
    }
    %sub3A = arith.constant 8 : i32
    %sub3A_125 = arith.subi %add3A_16, %sub3A : i32
    %max3A = arith.constant 0 : i32
    %max3A_126 = arith.maxsi %sub3A_125, %max3A : i32
    %while3A_127 = arith.constant 0 : i32
    %while3A_128 = arith.subi %add3A_16, %max3A_126 : i32
    %while3A_129 = arith.addi %max3A_126, %while3A_128 : i32
    %while3A_130 = arith.constant 1 : i32
    %while3A_131 = arith.divsi %while3A_128, %while3A_130 : i32
    %while3A_132 = arith.muli %while3A_131, %while3A_130 : i32
    %while3A_133 = arith.addi %max3A_126, %while3A_132 : i32
    %while3A_134 = arith.constant 1 : i32
    scf.for %while3A_141 = %max3A_126 to %while3A_133 step %while3A_134  : i32 {
      %rem3A = arith.constant 16 : i32
      %rem3A_142 = arith.remsi %while3A_141, %rem3A : i32
      %dma_wait3A = arith.constant 0 : i32
      %dma_wait3A_143 = arith.constant 0 : i32
      %dma_wait3A_144 = tpu.memref_slice %arg8[%rem3A_142, %dma_wait3A, %dma_wait3A_143] : memref<16x128x32xf32, #tpu.memory_space<vmem>> -> memref<1x128x32xf32, #tpu.memory_space<vmem>>
      %dma_wait3A_145 = tpu.memref_squeeze %dma_wait3A_144 : memref<1x128x32xf32, #tpu.memory_space<vmem>> -> memref<128x32xf32, #tpu.memory_space<vmem>>
      %dma_wait3A_146 = arith.constant 0 : i32
      %dma_wait3A_147 = tpu.memref_slice %arg7[%while3A_141, %dma_wait3A_146] : memref<79x128xi32, #tpu.memory_space<vmem>> -> memref<1x128xi32, #tpu.memory_space<vmem>>
      %dma_wait3A_148 = tpu.memref_squeeze %dma_wait3A_147 : memref<1x128xi32, #tpu.memory_space<vmem>> -> memref<128xi32, #tpu.memory_space<vmem>>
      %dma_wait3A_149 = arith.constant 0 : i32
      %dma_wait3A_150 = arith.constant 0 : i32
      %dma_wait3A_151 = tpu.memref_slice %arg9[%dma_wait3A_149, %dma_wait3A_150] : memref<10240x32xf32, #tpu.memory_space<vmem_shared>> -> memref<10240x32xf32, #tpu.memory_space<vmem_shared>>
      tpu.wait_indirect_dma semaphore(%arg12 : memref<!tpu.dma_semaphore, #tpu.memory_space<semaphore_mem>>) src(%dma_wait3A_145 : memref<128x32xf32, #tpu.memory_space<vmem>>) dst(%dma_wait3A_151 : memref<10240x32xf32, #tpu.memory_space<vmem_shared>>)
    }
    %while3A_135 = arith.constant 1 : i32
    scf.for %while3A_141 = %while3A_133 to %while3A_129 step %while3A_135  : i32 {
      %rem3A = arith.constant 16 : i32
      %rem3A_142 = arith.remsi %while3A_141, %rem3A : i32
      %dma_wait3A = arith.constant 0 : i32
      %dma_wait3A_143 = arith.constant 0 : i32
      %dma_wait3A_144 = tpu.memref_slice %arg8[%rem3A_142, %dma_wait3A, %dma_wait3A_143] : memref<16x128x32xf32, #tpu.memory_space<vmem>> -> memref<1x128x32xf32, #tpu.memory_space<vmem>>
      %dma_wait3A_145 = tpu.memref_squeeze %dma_wait3A_144 : memref<1x128x32xf32, #tpu.memory_space<vmem>> -> memref<128x32xf32, #tpu.memory_space<vmem>>
      %dma_wait3A_146 = arith.constant 0 : i32
      %dma_wait3A_147 = tpu.memref_slice %arg7[%while3A_141, %dma_wait3A_146] : memref<79x128xi32, #tpu.memory_space<vmem>> -> memref<1x128xi32, #tpu.memory_space<vmem>>
      %dma_wait3A_148 = tpu.memref_squeeze %dma_wait3A_147 : memref<1x128xi32, #tpu.memory_space<vmem>> -> memref<128xi32, #tpu.memory_space<vmem>>
      %dma_wait3A_149 = arith.constant 0 : i32
      %dma_wait3A_150 = arith.constant 0 : i32
      %dma_wait3A_151 = tpu.memref_slice %arg9[%dma_wait3A_149, %dma_wait3A_150] : memref<10240x32xf32, #tpu.memory_space<vmem_shared>> -> memref<10240x32xf32, #tpu.memory_space<vmem_shared>>
      tpu.wait_indirect_dma semaphore(%arg12 : memref<!tpu.dma_semaphore, #tpu.memory_space<semaphore_mem>>) src(%dma_wait3A_145 : memref<128x32xf32, #tpu.memory_space<vmem>>) dst(%dma_wait3A_151 : memref<10240x32xf32, #tpu.memory_space<vmem_shared>>)
    }
    %barrier3A_136 = arith.constant 0 : index
    tpu.barrier barrier_id(%barrier3A_136)
    %mul3A_137 = arith.constant 640 : i32
    %mul3A_138 = arith.muli %arg1, %mul3A_137 : i32
    %mul3A_139 = arith.constant 640 : i32
    %mul3A_140 = arith.muli %arg1, %mul3A_139 : i32
    "tpu.region"() ({
      %run_scoped3A_141 = tpu.sem_alloc : memref<!tpu.dma_semaphore, #tpu.memory_space<semaphore_mem>>
      %dma_start3A_142 = arith.constant 0 : i32
      %dma_start3A_143 = tpu.memref_slice %arg5[%arg0, %mul3A_140, %dma_start3A_142] : memref<2x10240x32xf32, #tpu.memory_space<hbm>> -> memref<1x640x32xf32, #tpu.memory_space<hbm>>
      %dma_start3A_144 = tpu.memref_squeeze %dma_start3A_143 : memref<1x640x32xf32, #tpu.memory_space<hbm>> -> memref<640x32xf32, #tpu.memory_space<hbm>>
      %dma_start3A_145 = arith.constant 0 : i32
      %dma_start3A_146 = tpu.memref_slice %arg9[%mul3A_138, %dma_start3A_145] : memref<10240x32xf32, #tpu.memory_space<vmem_shared>> -> memref<640x32xf32, #tpu.memory_space<vmem_shared>>
      tpu.enqueue_dma source(%dma_start3A_146 : memref<640x32xf32, #tpu.memory_space<vmem_shared>>) target(%dma_start3A_144 : memref<640x32xf32, #tpu.memory_space<hbm>>) target_semaphore(%run_scoped3A_141 : memref<!tpu.dma_semaphore, #tpu.memory_space<semaphore_mem>>)
      %dma_wait3A = arith.constant 0 : i32
      %dma_wait3A_147 = tpu.memref_slice %arg5[%arg0, %mul3A_140, %dma_wait3A] : memref<2x10240x32xf32, #tpu.memory_space<hbm>> -> memref<1x640x32xf32, #tpu.memory_space<hbm>>
      %dma_wait3A_148 = tpu.memref_squeeze %dma_wait3A_147 : memref<1x640x32xf32, #tpu.memory_space<hbm>> -> memref<640x32xf32, #tpu.memory_space<hbm>>
      %dma_wait3A_149 = arith.constant 0 : i32
      %dma_wait3A_150 = tpu.memref_slice %arg9[%mul3A_138, %dma_wait3A_149] : memref<10240x32xf32, #tpu.memory_space<vmem_shared>> -> memref<640x32xf32, #tpu.memory_space<vmem_shared>>
      tpu.wait_dma2 semaphore(%run_scoped3A_141 : memref<!tpu.dma_semaphore, #tpu.memory_space<semaphore_mem>>) src(%dma_wait3A_150 : memref<640x32xf32, #tpu.memory_space<vmem_shared>>) dst(%dma_wait3A_148 : memref<640x32xf32, #tpu.memory_space<hbm>>)
      tpu.yield
    }) : () -> ()
    return
  }
}

#map = affine_map<(d0, d1) -> (0, 0, 0)>
#map1 = affine_map<(d0, d1) -> (0, 0)>
module attributes {stable_mosaic.version = 14 : i64} {
  func.func @_segsum_body(%arg0: i32, %arg1: i32, %arg2: memref<2x160x128xi32, #tpu.memory_space<hbm>>, %arg3: memref<10240x32xf32, #tpu.memory_space<hbm>>, %arg4: memref<10240x32xf32, #tpu.memory_space<hbm>>, %arg5: memref<2x10240x32xf32, #tpu.memory_space<hbm>>, %arg6: memref<5x128xi32, #tpu.memory_space<vmem>>, %arg7: memref<5x128xi32, #tpu.memory_space<vmem>>, %arg8: memref<16x128x32xf32, #tpu.memory_space<vmem>>, %arg9: memref<10240x32xf32, #tpu.memory_space<vmem_shared>>, %arg10: memref<10240x32xf32, #tpu.memory_space<vmem_shared>>, %arg11: memref<!tpu.dma_semaphore, #tpu.memory_space<semaphore_mem>>, %arg12: memref<!tpu.dma_semaphore, #tpu.memory_space<semaphore_mem>>) attributes {dimension_semantics = [#tpu.dimension_semantics<core_parallel>, #tpu.dimension_semantics<subcore_parallel>], iteration_bounds = array<i64: 2, 16>, scalar_prefetch = 0 : i64, scratch_operands = 7 : i64, tpu.core_type = #tpu.core_type<sc_vector_subcore>, window_params = [{transform_indices = #map}, {transform_indices = #map1}, {transform_indices = #map1}, {transform_indices = #map}]} {
    %mul3A = arith.constant 16 : i32
    %mul3A_0 = arith.muli %arg0, %mul3A : i32
    %add3A = arith.addi %mul3A_0, %arg1 : i32
    %eq3A = arith.constant 0 : i32
    %eq3A_1 = arith.cmpi eq, %arg1, %eq3A : i32
    %convert_element_type3A = arith.extui %eq3A_1 : i1 to i32
    %cond3A = arith.constant 0 : i32
    %cond3A_2 = arith.cmpi ne, %convert_element_type3A, %cond3A : i32
    scf.if %cond3A_2 {
      "tpu.region"() ({
        %run_scoped3A_91 = tpu.sem_alloc : memref<!tpu.dma_semaphore, #tpu.memory_space<semaphore_mem>>
        %dma_start3A_92 = arith.constant 0 : i32
        %dma_start3A_93 = arith.constant 0 : i32
        %dma_start3A_94 = tpu.memref_slice %arg9[%dma_start3A_92, %dma_start3A_93] : memref<10240x32xf32, #tpu.memory_space<vmem_shared>> -> memref<640x32xf32, #tpu.memory_space<vmem_shared>>
        %dma_start3A_95 = arith.constant 0 : i32
        %dma_start3A_96 = arith.constant 0 : i32
        %dma_start3A_97 = tpu.memref_slice %arg4[%dma_start3A_95, %dma_start3A_96] : memref<10240x32xf32, #tpu.memory_space<hbm>> -> memref<640x32xf32, #tpu.memory_space<hbm>>
        tpu.enqueue_dma source(%dma_start3A_97 : memref<640x32xf32, #tpu.memory_space<hbm>>) target(%dma_start3A_94 : memref<640x32xf32, #tpu.memory_space<vmem_shared>>) target_semaphore(%run_scoped3A_91 : memref<!tpu.dma_semaphore, #tpu.memory_space<semaphore_mem>>)
        %dma_wait3A = arith.constant 0 : i32
        %dma_wait3A_98 = arith.constant 0 : i32
        %dma_wait3A_99 = tpu.memref_slice %arg9[%dma_wait3A, %dma_wait3A_98] : memref<10240x32xf32, #tpu.memory_space<vmem_shared>> -> memref<640x32xf32, #tpu.memory_space<vmem_shared>>
        %dma_wait3A_100 = arith.constant 0 : i32
        %dma_wait3A_101 = arith.constant 0 : i32
        %dma_wait3A_102 = tpu.memref_slice %arg4[%dma_wait3A_100, %dma_wait3A_101] : memref<10240x32xf32, #tpu.memory_space<hbm>> -> memref<640x32xf32, #tpu.memory_space<hbm>>
        tpu.wait_dma2 semaphore(%run_scoped3A_91 : memref<!tpu.dma_semaphore, #tpu.memory_space<semaphore_mem>>) src(%dma_wait3A_102 : memref<640x32xf32, #tpu.memory_space<hbm>>) dst(%dma_wait3A_99 : memref<640x32xf32, #tpu.memory_space<vmem_shared>>)
        tpu.yield
      }) : () -> ()
    } else {
    }
    %mul3A_3 = arith.constant 640 : i32
    %mul3A_4 = arith.muli %arg1, %mul3A_3 : i32
    %mul3A_5 = arith.constant 640 : i32
    %mul3A_6 = arith.muli %arg1, %mul3A_5 : i32
    "tpu.region"() ({
      %run_scoped3A_91 = tpu.sem_alloc : memref<!tpu.dma_semaphore, #tpu.memory_space<semaphore_mem>>
      %dma_start3A_92 = arith.constant 0 : i32
      %dma_start3A_93 = tpu.memref_slice %arg10[%mul3A_6, %dma_start3A_92] : memref<10240x32xf32, #tpu.memory_space<vmem_shared>> -> memref<640x32xf32, #tpu.memory_space<vmem_shared>>
      %dma_start3A_94 = arith.constant 0 : i32
      %dma_start3A_95 = tpu.memref_slice %arg3[%mul3A_4, %dma_start3A_94] : memref<10240x32xf32, #tpu.memory_space<hbm>> -> memref<640x32xf32, #tpu.memory_space<hbm>>
      tpu.enqueue_dma source(%dma_start3A_95 : memref<640x32xf32, #tpu.memory_space<hbm>>) target(%dma_start3A_93 : memref<640x32xf32, #tpu.memory_space<vmem_shared>>) target_semaphore(%run_scoped3A_91 : memref<!tpu.dma_semaphore, #tpu.memory_space<semaphore_mem>>)
      %dma_wait3A = arith.constant 0 : i32
      %dma_wait3A_96 = tpu.memref_slice %arg10[%mul3A_6, %dma_wait3A] : memref<10240x32xf32, #tpu.memory_space<vmem_shared>> -> memref<640x32xf32, #tpu.memory_space<vmem_shared>>
      %dma_wait3A_97 = arith.constant 0 : i32
      %dma_wait3A_98 = tpu.memref_slice %arg3[%mul3A_4, %dma_wait3A_97] : memref<10240x32xf32, #tpu.memory_space<hbm>> -> memref<640x32xf32, #tpu.memory_space<hbm>>
      tpu.wait_dma2 semaphore(%run_scoped3A_91 : memref<!tpu.dma_semaphore, #tpu.memory_space<semaphore_mem>>) src(%dma_wait3A_98 : memref<640x32xf32, #tpu.memory_space<hbm>>) dst(%dma_wait3A_96 : memref<640x32xf32, #tpu.memory_space<vmem_shared>>)
      tpu.yield
    }) : () -> ()
    %mul3A_7 = arith.constant 5 : i32
    %mul3A_8 = arith.muli %mul3A_7, %add3A : i32
    %run_scoped3A = arith.constant 0 : i32
    "tpu.region"() ({
      %run_scoped3A_91 = tpu.sem_alloc : memref<!tpu.dma_semaphore, #tpu.memory_space<semaphore_mem>>
      %dma_start3A_92 = arith.constant 0 : i32
      %dma_start3A_93 = arith.constant 0 : i32
      %dma_start3A_94 = tpu.memref_slice %arg6[%dma_start3A_92, %dma_start3A_93] : memref<5x128xi32, #tpu.memory_space<vmem>> -> memref<5x128xi32, #tpu.memory_space<vmem>>
      %dma_start3A_95 = arith.constant 0 : i32
      %dma_start3A_96 = tpu.memref_slice %arg2[%run_scoped3A, %mul3A_8, %dma_start3A_95] : memref<2x160x128xi32, #tpu.memory_space<hbm>> -> memref<1x5x128xi32, #tpu.memory_space<hbm>>
      %dma_start3A_97 = tpu.memref_squeeze %dma_start3A_96 : memref<1x5x128xi32, #tpu.memory_space<hbm>> -> memref<5x128xi32, #tpu.memory_space<hbm>>
      %dma_start3A_98 = arith.constant 0 : i32
      %dma_start3A_99 = arith.constant 0 : i32
      %dma_start3A_100 = tpu.memref_slice %arg6[%dma_start3A_98, %dma_start3A_99] : memref<5x128xi32, #tpu.memory_space<vmem>> -> memref<5x128xi32, #tpu.memory_space<vmem>>
      %dma_start3A_101 = arith.constant 0 : i32
      %dma_start3A_102 = tpu.memref_slice %arg2[%run_scoped3A, %mul3A_8, %dma_start3A_101] : memref<2x160x128xi32, #tpu.memory_space<hbm>> -> memref<1x5x128xi32, #tpu.memory_space<hbm>>
      %dma_start3A_103 = tpu.memref_squeeze %dma_start3A_102 : memref<1x5x128xi32, #tpu.memory_space<hbm>> -> memref<5x128xi32, #tpu.memory_space<hbm>>
      tpu.enqueue_dma source(%dma_start3A_103 : memref<5x128xi32, #tpu.memory_space<hbm>>) target(%dma_start3A_100 : memref<5x128xi32, #tpu.memory_space<vmem>>) target_semaphore(%run_scoped3A_91 : memref<!tpu.dma_semaphore, #tpu.memory_space<semaphore_mem>>)
      %dma_wait3A = arith.constant 0 : i32
      %dma_wait3A_104 = arith.constant 0 : i32
      %dma_wait3A_105 = tpu.memref_slice %arg6[%dma_wait3A, %dma_wait3A_104] : memref<5x128xi32, #tpu.memory_space<vmem>> -> memref<5x128xi32, #tpu.memory_space<vmem>>
      %dma_wait3A_106 = arith.constant 0 : i32
      %dma_wait3A_107 = tpu.memref_slice %arg2[%run_scoped3A, %mul3A_8, %dma_wait3A_106] : memref<2x160x128xi32, #tpu.memory_space<hbm>> -> memref<1x5x128xi32, #tpu.memory_space<hbm>>
      %dma_wait3A_108 = tpu.memref_squeeze %dma_wait3A_107 : memref<1x5x128xi32, #tpu.memory_space<hbm>> -> memref<5x128xi32, #tpu.memory_space<hbm>>
      %dma_wait3A_109 = arith.constant 0 : i32
      %dma_wait3A_110 = arith.constant 0 : i32
      %dma_wait3A_111 = tpu.memref_slice %arg6[%dma_wait3A_109, %dma_wait3A_110] : memref<5x128xi32, #tpu.memory_space<vmem>> -> memref<5x128xi32, #tpu.memory_space<vmem>>
      %dma_wait3A_112 = arith.constant 0 : i32
      %dma_wait3A_113 = tpu.memref_slice %arg2[%run_scoped3A, %mul3A_8, %dma_wait3A_112] : memref<2x160x128xi32, #tpu.memory_space<hbm>> -> memref<1x5x128xi32, #tpu.memory_space<hbm>>
      %dma_wait3A_114 = tpu.memref_squeeze %dma_wait3A_113 : memref<1x5x128xi32, #tpu.memory_space<hbm>> -> memref<5x128xi32, #tpu.memory_space<hbm>>
      tpu.wait_dma2 semaphore(%run_scoped3A_91 : memref<!tpu.dma_semaphore, #tpu.memory_space<semaphore_mem>>) src(%dma_wait3A_114 : memref<5x128xi32, #tpu.memory_space<hbm>>) dst(%dma_wait3A_111 : memref<5x128xi32, #tpu.memory_space<vmem>>)
      tpu.yield
    }) : () -> ()
    %run_scoped3A_9 = arith.constant 1 : i32
    "tpu.region"() ({
      %run_scoped3A_91 = tpu.sem_alloc : memref<!tpu.dma_semaphore, #tpu.memory_space<semaphore_mem>>
      %dma_start3A_92 = arith.constant 0 : i32
      %dma_start3A_93 = arith.constant 0 : i32
      %dma_start3A_94 = tpu.memref_slice %arg7[%dma_start3A_92, %dma_start3A_93] : memref<5x128xi32, #tpu.memory_space<vmem>> -> memref<5x128xi32, #tpu.memory_space<vmem>>
      %dma_start3A_95 = arith.constant 0 : i32
      %dma_start3A_96 = tpu.memref_slice %arg2[%run_scoped3A_9, %mul3A_8, %dma_start3A_95] : memref<2x160x128xi32, #tpu.memory_space<hbm>> -> memref<1x5x128xi32, #tpu.memory_space<hbm>>
      %dma_start3A_97 = tpu.memref_squeeze %dma_start3A_96 : memref<1x5x128xi32, #tpu.memory_space<hbm>> -> memref<5x128xi32, #tpu.memory_space<hbm>>
      %dma_start3A_98 = arith.constant 0 : i32
      %dma_start3A_99 = arith.constant 0 : i32
      %dma_start3A_100 = tpu.memref_slice %arg7[%dma_start3A_98, %dma_start3A_99] : memref<5x128xi32, #tpu.memory_space<vmem>> -> memref<5x128xi32, #tpu.memory_space<vmem>>
      %dma_start3A_101 = arith.constant 0 : i32
      %dma_start3A_102 = tpu.memref_slice %arg2[%run_scoped3A_9, %mul3A_8, %dma_start3A_101] : memref<2x160x128xi32, #tpu.memory_space<hbm>> -> memref<1x5x128xi32, #tpu.memory_space<hbm>>
      %dma_start3A_103 = tpu.memref_squeeze %dma_start3A_102 : memref<1x5x128xi32, #tpu.memory_space<hbm>> -> memref<5x128xi32, #tpu.memory_space<hbm>>
      tpu.enqueue_dma source(%dma_start3A_103 : memref<5x128xi32, #tpu.memory_space<hbm>>) target(%dma_start3A_100 : memref<5x128xi32, #tpu.memory_space<vmem>>) target_semaphore(%run_scoped3A_91 : memref<!tpu.dma_semaphore, #tpu.memory_space<semaphore_mem>>)
      %dma_wait3A = arith.constant 0 : i32
      %dma_wait3A_104 = arith.constant 0 : i32
      %dma_wait3A_105 = tpu.memref_slice %arg7[%dma_wait3A, %dma_wait3A_104] : memref<5x128xi32, #tpu.memory_space<vmem>> -> memref<5x128xi32, #tpu.memory_space<vmem>>
      %dma_wait3A_106 = arith.constant 0 : i32
      %dma_wait3A_107 = tpu.memref_slice %arg2[%run_scoped3A_9, %mul3A_8, %dma_wait3A_106] : memref<2x160x128xi32, #tpu.memory_space<hbm>> -> memref<1x5x128xi32, #tpu.memory_space<hbm>>
      %dma_wait3A_108 = tpu.memref_squeeze %dma_wait3A_107 : memref<1x5x128xi32, #tpu.memory_space<hbm>> -> memref<5x128xi32, #tpu.memory_space<hbm>>
      %dma_wait3A_109 = arith.constant 0 : i32
      %dma_wait3A_110 = arith.constant 0 : i32
      %dma_wait3A_111 = tpu.memref_slice %arg7[%dma_wait3A_109, %dma_wait3A_110] : memref<5x128xi32, #tpu.memory_space<vmem>> -> memref<5x128xi32, #tpu.memory_space<vmem>>
      %dma_wait3A_112 = arith.constant 0 : i32
      %dma_wait3A_113 = tpu.memref_slice %arg2[%run_scoped3A_9, %mul3A_8, %dma_wait3A_112] : memref<2x160x128xi32, #tpu.memory_space<hbm>> -> memref<1x5x128xi32, #tpu.memory_space<hbm>>
      %dma_wait3A_114 = tpu.memref_squeeze %dma_wait3A_113 : memref<1x5x128xi32, #tpu.memory_space<hbm>> -> memref<5x128xi32, #tpu.memory_space<hbm>>
      tpu.wait_dma2 semaphore(%run_scoped3A_91 : memref<!tpu.dma_semaphore, #tpu.memory_space<semaphore_mem>>) src(%dma_wait3A_114 : memref<5x128xi32, #tpu.memory_space<hbm>>) dst(%dma_wait3A_111 : memref<5x128xi32, #tpu.memory_space<vmem>>)
      tpu.yield
    }) : () -> ()
    %barrier3A = arith.constant 0 : index
    tpu.barrier barrier_id(%barrier3A)
    %dma_start3A = arith.constant 0 : i32
    %dma_start3A_10 = arith.constant 0 : i32
    %dma_start3A_11 = arith.constant 0 : i32
    %dma_start3A_12 = arith.constant 0 : i32
    %dma_start3A_13 = tpu.memref_slice %arg8[%dma_start3A_10, %dma_start3A_11, %dma_start3A_12] : memref<16x128x32xf32, #tpu.memory_space<vmem>> -> memref<1x128x32xf32, #tpu.memory_space<vmem>>
    %dma_start3A_14 = tpu.memref_squeeze %dma_start3A_13 : memref<1x128x32xf32, #tpu.memory_space<vmem>> -> memref<128x32xf32, #tpu.memory_space<vmem>>
    %dma_start3A_15 = arith.constant 0 : i32
    %dma_start3A_16 = tpu.memref_slice %arg6[%dma_start3A, %dma_start3A_15] : memref<5x128xi32, #tpu.memory_space<vmem>> -> memref<1x128xi32, #tpu.memory_space<vmem>>
    %dma_start3A_17 = tpu.memref_squeeze %dma_start3A_16 : memref<1x128xi32, #tpu.memory_space<vmem>> -> memref<128xi32, #tpu.memory_space<vmem>>
    %dma_start3A_18 = arith.constant 0 : i32
    %dma_start3A_19 = arith.constant 0 : i32
    %dma_start3A_20 = tpu.memref_slice %arg10[%dma_start3A_18, %dma_start3A_19] : memref<10240x32xf32, #tpu.memory_space<vmem_shared>> -> memref<10240x32xf32, #tpu.memory_space<vmem_shared>>
    tpu.enqueue_indirect_dma source(%dma_start3A_20 : memref<10240x32xf32, #tpu.memory_space<vmem_shared>>) target(%dma_start3A_14 : memref<128x32xf32, #tpu.memory_space<vmem>>) offsets(%dma_start3A_17 : memref<128xi32, #tpu.memory_space<vmem>>) semaphore(%arg11 : memref<!tpu.dma_semaphore, #tpu.memory_space<semaphore_mem>>)
    %dma_start3A_21 = arith.constant 1 : i32
    %dma_start3A_22 = arith.constant 1 : i32
    %dma_start3A_23 = arith.constant 0 : i32
    %dma_start3A_24 = arith.constant 0 : i32
    %dma_start3A_25 = tpu.memref_slice %arg8[%dma_start3A_22, %dma_start3A_23, %dma_start3A_24] : memref<16x128x32xf32, #tpu.memory_space<vmem>> -> memref<1x128x32xf32, #tpu.memory_space<vmem>>
    %dma_start3A_26 = tpu.memref_squeeze %dma_start3A_25 : memref<1x128x32xf32, #tpu.memory_space<vmem>> -> memref<128x32xf32, #tpu.memory_space<vmem>>
    %dma_start3A_27 = arith.constant 0 : i32
    %dma_start3A_28 = tpu.memref_slice %arg6[%dma_start3A_21, %dma_start3A_27] : memref<5x128xi32, #tpu.memory_space<vmem>> -> memref<1x128xi32, #tpu.memory_space<vmem>>
    %dma_start3A_29 = tpu.memref_squeeze %dma_start3A_28 : memref<1x128xi32, #tpu.memory_space<vmem>> -> memref<128xi32, #tpu.memory_space<vmem>>
    %dma_start3A_30 = arith.constant 0 : i32
    %dma_start3A_31 = arith.constant 0 : i32
    %dma_start3A_32 = tpu.memref_slice %arg10[%dma_start3A_30, %dma_start3A_31] : memref<10240x32xf32, #tpu.memory_space<vmem_shared>> -> memref<10240x32xf32, #tpu.memory_space<vmem_shared>>
    tpu.enqueue_indirect_dma source(%dma_start3A_32 : memref<10240x32xf32, #tpu.memory_space<vmem_shared>>) target(%dma_start3A_26 : memref<128x32xf32, #tpu.memory_space<vmem>>) offsets(%dma_start3A_29 : memref<128xi32, #tpu.memory_space<vmem>>) semaphore(%arg11 : memref<!tpu.dma_semaphore, #tpu.memory_space<semaphore_mem>>)
    %dma_start3A_33 = arith.constant 2 : i32
    %dma_start3A_34 = arith.constant 2 : i32
    %dma_start3A_35 = arith.constant 0 : i32
    %dma_start3A_36 = arith.constant 0 : i32
    %dma_start3A_37 = tpu.memref_slice %arg8[%dma_start3A_34, %dma_start3A_35, %dma_start3A_36] : memref<16x128x32xf32, #tpu.memory_space<vmem>> -> memref<1x128x32xf32, #tpu.memory_space<vmem>>
    %dma_start3A_38 = tpu.memref_squeeze %dma_start3A_37 : memref<1x128x32xf32, #tpu.memory_space<vmem>> -> memref<128x32xf32, #tpu.memory_space<vmem>>
    %dma_start3A_39 = arith.constant 0 : i32
    %dma_start3A_40 = tpu.memref_slice %arg6[%dma_start3A_33, %dma_start3A_39] : memref<5x128xi32, #tpu.memory_space<vmem>> -> memref<1x128xi32, #tpu.memory_space<vmem>>
    %dma_start3A_41 = tpu.memref_squeeze %dma_start3A_40 : memref<1x128xi32, #tpu.memory_space<vmem>> -> memref<128xi32, #tpu.memory_space<vmem>>
    %dma_start3A_42 = arith.constant 0 : i32
    %dma_start3A_43 = arith.constant 0 : i32
    %dma_start3A_44 = tpu.memref_slice %arg10[%dma_start3A_42, %dma_start3A_43] : memref<10240x32xf32, #tpu.memory_space<vmem_shared>> -> memref<10240x32xf32, #tpu.memory_space<vmem_shared>>
    tpu.enqueue_indirect_dma source(%dma_start3A_44 : memref<10240x32xf32, #tpu.memory_space<vmem_shared>>) target(%dma_start3A_38 : memref<128x32xf32, #tpu.memory_space<vmem>>) offsets(%dma_start3A_41 : memref<128xi32, #tpu.memory_space<vmem>>) semaphore(%arg11 : memref<!tpu.dma_semaphore, #tpu.memory_space<semaphore_mem>>)
    %dma_start3A_45 = arith.constant 3 : i32
    %dma_start3A_46 = arith.constant 3 : i32
    %dma_start3A_47 = arith.constant 0 : i32
    %dma_start3A_48 = arith.constant 0 : i32
    %dma_start3A_49 = tpu.memref_slice %arg8[%dma_start3A_46, %dma_start3A_47, %dma_start3A_48] : memref<16x128x32xf32, #tpu.memory_space<vmem>> -> memref<1x128x32xf32, #tpu.memory_space<vmem>>
    %dma_start3A_50 = tpu.memref_squeeze %dma_start3A_49 : memref<1x128x32xf32, #tpu.memory_space<vmem>> -> memref<128x32xf32, #tpu.memory_space<vmem>>
    %dma_start3A_51 = arith.constant 0 : i32
    %dma_start3A_52 = tpu.memref_slice %arg6[%dma_start3A_45, %dma_start3A_51] : memref<5x128xi32, #tpu.memory_space<vmem>> -> memref<1x128xi32, #tpu.memory_space<vmem>>
    %dma_start3A_53 = tpu.memref_squeeze %dma_start3A_52 : memref<1x128xi32, #tpu.memory_space<vmem>> -> memref<128xi32, #tpu.memory_space<vmem>>
    %dma_start3A_54 = arith.constant 0 : i32
    %dma_start3A_55 = arith.constant 0 : i32
    %dma_start3A_56 = tpu.memref_slice %arg10[%dma_start3A_54, %dma_start3A_55] : memref<10240x32xf32, #tpu.memory_space<vmem_shared>> -> memref<10240x32xf32, #tpu.memory_space<vmem_shared>>
    tpu.enqueue_indirect_dma source(%dma_start3A_56 : memref<10240x32xf32, #tpu.memory_space<vmem_shared>>) target(%dma_start3A_50 : memref<128x32xf32, #tpu.memory_space<vmem>>) offsets(%dma_start3A_53 : memref<128xi32, #tpu.memory_space<vmem>>) semaphore(%arg11 : memref<!tpu.dma_semaphore, #tpu.memory_space<semaphore_mem>>)
    %dma_start3A_57 = arith.constant 4 : i32
    %dma_start3A_58 = arith.constant 4 : i32
    %dma_start3A_59 = arith.constant 0 : i32
    %dma_start3A_60 = arith.constant 0 : i32
    %dma_start3A_61 = tpu.memref_slice %arg8[%dma_start3A_58, %dma_start3A_59, %dma_start3A_60] : memref<16x128x32xf32, #tpu.memory_space<vmem>> -> memref<1x128x32xf32, #tpu.memory_space<vmem>>
    %dma_start3A_62 = tpu.memref_squeeze %dma_start3A_61 : memref<1x128x32xf32, #tpu.memory_space<vmem>> -> memref<128x32xf32, #tpu.memory_space<vmem>>
    %dma_start3A_63 = arith.constant 0 : i32
    %dma_start3A_64 = tpu.memref_slice %arg6[%dma_start3A_57, %dma_start3A_63] : memref<5x128xi32, #tpu.memory_space<vmem>> -> memref<1x128xi32, #tpu.memory_space<vmem>>
    %dma_start3A_65 = tpu.memref_squeeze %dma_start3A_64 : memref<1x128xi32, #tpu.memory_space<vmem>> -> memref<128xi32, #tpu.memory_space<vmem>>
    %dma_start3A_66 = arith.constant 0 : i32
    %dma_start3A_67 = arith.constant 0 : i32
    %dma_start3A_68 = tpu.memref_slice %arg10[%dma_start3A_66, %dma_start3A_67] : memref<10240x32xf32, #tpu.memory_space<vmem_shared>> -> memref<10240x32xf32, #tpu.memory_space<vmem_shared>>
    tpu.enqueue_indirect_dma source(%dma_start3A_68 : memref<10240x32xf32, #tpu.memory_space<vmem_shared>>) target(%dma_start3A_62 : memref<128x32xf32, #tpu.memory_space<vmem>>) offsets(%dma_start3A_65 : memref<128xi32, #tpu.memory_space<vmem>>) semaphore(%arg11 : memref<!tpu.dma_semaphore, #tpu.memory_space<semaphore_mem>>)
    %scan3A = arith.constant 0 : i32
    %scan3A_69 = arith.constant 0 : i32
    %scan3A_70 = arith.constant 5 : i32
    %scan3A_71 = arith.addi %scan3A_69, %scan3A_70 : i32
    %scan3A_72 = arith.constant 1 : i32
    scf.for %scan3A_91 = %scan3A_69 to %scan3A_71 step %scan3A_72  : i32 {
      %rem3A = arith.constant 16 : i32
      %rem3A_92 = arith.remsi %scan3A_91, %rem3A : i32
      %dma_wait3A = arith.constant 0 : i32
      %dma_wait3A_93 = arith.constant 0 : i32
      %dma_wait3A_94 = tpu.memref_slice %arg8[%rem3A_92, %dma_wait3A, %dma_wait3A_93] : memref<16x128x32xf32, #tpu.memory_space<vmem>> -> memref<1x128x32xf32, #tpu.memory_space<vmem>>
      %dma_wait3A_95 = tpu.memref_squeeze %dma_wait3A_94 : memref<1x128x32xf32, #tpu.memory_space<vmem>> -> memref<128x32xf32, #tpu.memory_space<vmem>>
      %dma_wait3A_96 = arith.constant 0 : i32
      %dma_wait3A_97 = tpu.memref_slice %arg6[%scan3A_91, %dma_wait3A_96] : memref<5x128xi32, #tpu.memory_space<vmem>> -> memref<1x128xi32, #tpu.memory_space<vmem>>
      %dma_wait3A_98 = tpu.memref_squeeze %dma_wait3A_97 : memref<1x128xi32, #tpu.memory_space<vmem>> -> memref<128xi32, #tpu.memory_space<vmem>>
      %dma_wait3A_99 = arith.constant 0 : i32
      %dma_wait3A_100 = arith.constant 0 : i32
      %dma_wait3A_101 = tpu.memref_slice %arg10[%dma_wait3A_99, %dma_wait3A_100] : memref<10240x32xf32, #tpu.memory_space<vmem_shared>> -> memref<10240x32xf32, #tpu.memory_space<vmem_shared>>
      tpu.wait_indirect_dma semaphore(%arg11 : memref<!tpu.dma_semaphore, #tpu.memory_space<semaphore_mem>>) src(%dma_wait3A_101 : memref<10240x32xf32, #tpu.memory_space<vmem_shared>>) dst(%dma_wait3A_95 : memref<128x32xf32, #tpu.memory_space<vmem>>)
      %dma_start3A_102 = arith.constant 0 : i32
      %dma_start3A_103 = arith.constant 0 : i32
      %dma_start3A_104 = tpu.memref_slice %arg8[%rem3A_92, %dma_start3A_102, %dma_start3A_103] : memref<16x128x32xf32, #tpu.memory_space<vmem>> -> memref<1x128x32xf32, #tpu.memory_space<vmem>>
      %dma_start3A_105 = tpu.memref_squeeze %dma_start3A_104 : memref<1x128x32xf32, #tpu.memory_space<vmem>> -> memref<128x32xf32, #tpu.memory_space<vmem>>
      %dma_start3A_106 = arith.constant 0 : i32
      %dma_start3A_107 = tpu.memref_slice %arg7[%scan3A_91, %dma_start3A_106] : memref<5x128xi32, #tpu.memory_space<vmem>> -> memref<1x128xi32, #tpu.memory_space<vmem>>
      %dma_start3A_108 = tpu.memref_squeeze %dma_start3A_107 : memref<1x128xi32, #tpu.memory_space<vmem>> -> memref<128xi32, #tpu.memory_space<vmem>>
      %dma_start3A_109 = arith.constant 0 : i32
      %dma_start3A_110 = arith.constant 0 : i32
      %dma_start3A_111 = tpu.memref_slice %arg9[%dma_start3A_109, %dma_start3A_110] : memref<10240x32xf32, #tpu.memory_space<vmem_shared>> -> memref<10240x32xf32, #tpu.memory_space<vmem_shared>>
      tpu.enqueue_indirect_dma source(%dma_start3A_105 : memref<128x32xf32, #tpu.memory_space<vmem>>) target(%dma_start3A_111 : memref<10240x32xf32, #tpu.memory_space<vmem_shared>>) offsets(%dma_start3A_108 : memref<128xi32, #tpu.memory_space<vmem>>) semaphore(%arg12 : memref<!tpu.dma_semaphore, #tpu.memory_space<semaphore_mem>>) {add = true}
      %ge3A = arith.constant 5 : i32
      %ge3A_112 = arith.cmpi sge, %scan3A_91, %ge3A : i32
      %convert_element_type3A_113 = arith.extui %ge3A_112 : i1 to i32
      %cond3A_114 = arith.constant 0 : i32
      %cond3A_115 = arith.cmpi ne, %convert_element_type3A_113, %cond3A_114 : i32
      scf.if %cond3A_115 {
        %sub3A = arith.constant 5 : i32
        %sub3A_122 = arith.subi %scan3A_91, %sub3A : i32
        %rem3A_123 = arith.constant 16 : i32
        %rem3A_124 = arith.remsi %sub3A_122, %rem3A_123 : i32
        %dma_wait3A_125 = arith.constant 0 : i32
        %dma_wait3A_126 = arith.constant 0 : i32
        %dma_wait3A_127 = tpu.memref_slice %arg8[%rem3A_124, %dma_wait3A_125, %dma_wait3A_126] : memref<16x128x32xf32, #tpu.memory_space<vmem>> -> memref<1x128x32xf32, #tpu.memory_space<vmem>>
        %dma_wait3A_128 = tpu.memref_squeeze %dma_wait3A_127 : memref<1x128x32xf32, #tpu.memory_space<vmem>> -> memref<128x32xf32, #tpu.memory_space<vmem>>
        %dma_wait3A_129 = arith.constant 0 : i32
        %dma_wait3A_130 = tpu.memref_slice %arg7[%sub3A_122, %dma_wait3A_129] : memref<5x128xi32, #tpu.memory_space<vmem>> -> memref<1x128xi32, #tpu.memory_space<vmem>>
        %dma_wait3A_131 = tpu.memref_squeeze %dma_wait3A_130 : memref<1x128xi32, #tpu.memory_space<vmem>> -> memref<128xi32, #tpu.memory_space<vmem>>
        %dma_wait3A_132 = arith.constant 0 : i32
        %dma_wait3A_133 = arith.constant 0 : i32
        %dma_wait3A_134 = tpu.memref_slice %arg9[%dma_wait3A_132, %dma_wait3A_133] : memref<10240x32xf32, #tpu.memory_space<vmem_shared>> -> memref<10240x32xf32, #tpu.memory_space<vmem_shared>>
        tpu.wait_indirect_dma semaphore(%arg12 : memref<!tpu.dma_semaphore, #tpu.memory_space<semaphore_mem>>) src(%dma_wait3A_128 : memref<128x32xf32, #tpu.memory_space<vmem>>) dst(%dma_wait3A_134 : memref<10240x32xf32, #tpu.memory_space<vmem_shared>>)
      } else {
      }
      %add3A_116 = arith.constant 5 : i32
      %add3A_117 = arith.addi %scan3A_91, %add3A_116 : i32
      %lt3A = arith.constant 5 : i32
      %lt3A_118 = arith.cmpi slt, %add3A_117, %lt3A : i32
      %convert_element_type3A_119 = arith.extui %lt3A_118 : i1 to i32
      %cond3A_120 = arith.constant 0 : i32
      %cond3A_121 = arith.cmpi ne, %convert_element_type3A_119, %cond3A_120 : i32
      scf.if %cond3A_121 {
        %add3A_122 = arith.constant 5 : i32
        %add3A_123 = arith.addi %scan3A_91, %add3A_122 : i32
        %add3A_124 = arith.constant 5 : i32
        %add3A_125 = arith.addi %scan3A_91, %add3A_124 : i32
        %rem3A_126 = arith.constant 16 : i32
        %rem3A_127 = arith.remsi %add3A_125, %rem3A_126 : i32
        %dma_start3A_128 = arith.constant 0 : i32
        %dma_start3A_129 = arith.constant 0 : i32
        %dma_start3A_130 = tpu.memref_slice %arg8[%rem3A_127, %dma_start3A_128, %dma_start3A_129] : memref<16x128x32xf32, #tpu.memory_space<vmem>> -> memref<1x128x32xf32, #tpu.memory_space<vmem>>
        %dma_start3A_131 = tpu.memref_squeeze %dma_start3A_130 : memref<1x128x32xf32, #tpu.memory_space<vmem>> -> memref<128x32xf32, #tpu.memory_space<vmem>>
        %dma_start3A_132 = arith.constant 0 : i32
        %dma_start3A_133 = tpu.memref_slice %arg6[%add3A_123, %dma_start3A_132] : memref<5x128xi32, #tpu.memory_space<vmem>> -> memref<1x128xi32, #tpu.memory_space<vmem>>
        %dma_start3A_134 = tpu.memref_squeeze %dma_start3A_133 : memref<1x128xi32, #tpu.memory_space<vmem>> -> memref<128xi32, #tpu.memory_space<vmem>>
        %dma_start3A_135 = arith.constant 0 : i32
        %dma_start3A_136 = arith.constant 0 : i32
        %dma_start3A_137 = tpu.memref_slice %arg10[%dma_start3A_135, %dma_start3A_136] : memref<10240x32xf32, #tpu.memory_space<vmem_shared>> -> memref<10240x32xf32, #tpu.memory_space<vmem_shared>>
        tpu.enqueue_indirect_dma source(%dma_start3A_137 : memref<10240x32xf32, #tpu.memory_space<vmem_shared>>) target(%dma_start3A_131 : memref<128x32xf32, #tpu.memory_space<vmem>>) offsets(%dma_start3A_134 : memref<128xi32, #tpu.memory_space<vmem>>) semaphore(%arg11 : memref<!tpu.dma_semaphore, #tpu.memory_space<semaphore_mem>>)
      } else {
      }
    }
    %scan3A_73 = arith.constant 5 : i32
    %max3A = arith.constant 0 : i32
    %max3A_74 = arith.constant 0 : i32
    %max3A_75 = arith.maxsi %max3A, %max3A_74 : i32
    %while3A = arith.constant 0 : i32
    %while3A_76 = arith.constant 5 : i32
    %while3A_77 = arith.subi %while3A_76, %max3A_75 : i32
    %while3A_78 = arith.addi %max3A_75, %while3A_77 : i32
    %while3A_79 = arith.constant 1 : i32
    %while3A_80 = arith.divsi %while3A_77, %while3A_79 : i32
    %while3A_81 = arith.muli %while3A_80, %while3A_79 : i32
    %while3A_82 = arith.addi %max3A_75, %while3A_81 : i32
    %while3A_83 = arith.constant 1 : i32
    scf.for %while3A_91 = %max3A_75 to %while3A_82 step %while3A_83  : i32 {
      %rem3A = arith.constant 16 : i32
      %rem3A_92 = arith.remsi %while3A_91, %rem3A : i32
      %dma_wait3A = arith.constant 0 : i32
      %dma_wait3A_93 = arith.constant 0 : i32
      %dma_wait3A_94 = tpu.memref_slice %arg8[%rem3A_92, %dma_wait3A, %dma_wait3A_93] : memref<16x128x32xf32, #tpu.memory_space<vmem>> -> memref<1x128x32xf32, #tpu.memory_space<vmem>>
      %dma_wait3A_95 = tpu.memref_squeeze %dma_wait3A_94 : memref<1x128x32xf32, #tpu.memory_space<vmem>> -> memref<128x32xf32, #tpu.memory_space<vmem>>
      %dma_wait3A_96 = arith.constant 0 : i32
      %dma_wait3A_97 = tpu.memref_slice %arg7[%while3A_91, %dma_wait3A_96] : memref<5x128xi32, #tpu.memory_space<vmem>> -> memref<1x128xi32, #tpu.memory_space<vmem>>
      %dma_wait3A_98 = tpu.memref_squeeze %dma_wait3A_97 : memref<1x128xi32, #tpu.memory_space<vmem>> -> memref<128xi32, #tpu.memory_space<vmem>>
      %dma_wait3A_99 = arith.constant 0 : i32
      %dma_wait3A_100 = arith.constant 0 : i32
      %dma_wait3A_101 = tpu.memref_slice %arg9[%dma_wait3A_99, %dma_wait3A_100] : memref<10240x32xf32, #tpu.memory_space<vmem_shared>> -> memref<10240x32xf32, #tpu.memory_space<vmem_shared>>
      tpu.wait_indirect_dma semaphore(%arg12 : memref<!tpu.dma_semaphore, #tpu.memory_space<semaphore_mem>>) src(%dma_wait3A_95 : memref<128x32xf32, #tpu.memory_space<vmem>>) dst(%dma_wait3A_101 : memref<10240x32xf32, #tpu.memory_space<vmem_shared>>)
    }
    %while3A_84 = arith.constant 1 : i32
    scf.for %while3A_91 = %while3A_82 to %while3A_78 step %while3A_84  : i32 {
      %rem3A = arith.constant 16 : i32
      %rem3A_92 = arith.remsi %while3A_91, %rem3A : i32
      %dma_wait3A = arith.constant 0 : i32
      %dma_wait3A_93 = arith.constant 0 : i32
      %dma_wait3A_94 = tpu.memref_slice %arg8[%rem3A_92, %dma_wait3A, %dma_wait3A_93] : memref<16x128x32xf32, #tpu.memory_space<vmem>> -> memref<1x128x32xf32, #tpu.memory_space<vmem>>
      %dma_wait3A_95 = tpu.memref_squeeze %dma_wait3A_94 : memref<1x128x32xf32, #tpu.memory_space<vmem>> -> memref<128x32xf32, #tpu.memory_space<vmem>>
      %dma_wait3A_96 = arith.constant 0 : i32
      %dma_wait3A_97 = tpu.memref_slice %arg7[%while3A_91, %dma_wait3A_96] : memref<5x128xi32, #tpu.memory_space<vmem>> -> memref<1x128xi32, #tpu.memory_space<vmem>>
      %dma_wait3A_98 = tpu.memref_squeeze %dma_wait3A_97 : memref<1x128xi32, #tpu.memory_space<vmem>> -> memref<128xi32, #tpu.memory_space<vmem>>
      %dma_wait3A_99 = arith.constant 0 : i32
      %dma_wait3A_100 = arith.constant 0 : i32
      %dma_wait3A_101 = tpu.memref_slice %arg9[%dma_wait3A_99, %dma_wait3A_100] : memref<10240x32xf32, #tpu.memory_space<vmem_shared>> -> memref<10240x32xf32, #tpu.memory_space<vmem_shared>>
      tpu.wait_indirect_dma semaphore(%arg12 : memref<!tpu.dma_semaphore, #tpu.memory_space<semaphore_mem>>) src(%dma_wait3A_95 : memref<128x32xf32, #tpu.memory_space<vmem>>) dst(%dma_wait3A_101 : memref<10240x32xf32, #tpu.memory_space<vmem_shared>>)
    }
    %barrier3A_85 = arith.constant 0 : index
    tpu.barrier barrier_id(%barrier3A_85)
    %eq3A_86 = arith.constant 0 : i32
    %eq3A_87 = arith.cmpi eq, %arg1, %eq3A_86 : i32
    %convert_element_type3A_88 = arith.extui %eq3A_87 : i1 to i32
    %cond3A_89 = arith.constant 0 : i32
    %cond3A_90 = arith.cmpi ne, %convert_element_type3A_88, %cond3A_89 : i32
    scf.if %cond3A_90 {
      "tpu.region"() ({
        %run_scoped3A_91 = tpu.sem_alloc : memref<!tpu.dma_semaphore, #tpu.memory_space<semaphore_mem>>
        %dma_start3A_92 = arith.constant 0 : i32
        %dma_start3A_93 = arith.constant 0 : i32
        %dma_start3A_94 = tpu.memref_slice %arg5[%arg0, %dma_start3A_92, %dma_start3A_93] : memref<2x10240x32xf32, #tpu.memory_space<hbm>> -> memref<1x640x32xf32, #tpu.memory_space<hbm>>
        %dma_start3A_95 = tpu.memref_squeeze %dma_start3A_94 : memref<1x640x32xf32, #tpu.memory_space<hbm>> -> memref<640x32xf32, #tpu.memory_space<hbm>>
        %dma_start3A_96 = arith.constant 0 : i32
        %dma_start3A_97 = arith.constant 0 : i32
        %dma_start3A_98 = tpu.memref_slice %arg9[%dma_start3A_96, %dma_start3A_97] : memref<10240x32xf32, #tpu.memory_space<vmem_shared>> -> memref<640x32xf32, #tpu.memory_space<vmem_shared>>
        tpu.enqueue_dma source(%dma_start3A_98 : memref<640x32xf32, #tpu.memory_space<vmem_shared>>) target(%dma_start3A_95 : memref<640x32xf32, #tpu.memory_space<hbm>>) target_semaphore(%run_scoped3A_91 : memref<!tpu.dma_semaphore, #tpu.memory_space<semaphore_mem>>)
        %dma_wait3A = arith.constant 0 : i32
        %dma_wait3A_99 = arith.constant 0 : i32
        %dma_wait3A_100 = tpu.memref_slice %arg5[%arg0, %dma_wait3A, %dma_wait3A_99] : memref<2x10240x32xf32, #tpu.memory_space<hbm>> -> memref<1x640x32xf32, #tpu.memory_space<hbm>>
        %dma_wait3A_101 = tpu.memref_squeeze %dma_wait3A_100 : memref<1x640x32xf32, #tpu.memory_space<hbm>> -> memref<640x32xf32, #tpu.memory_space<hbm>>
        %dma_wait3A_102 = arith.constant 0 : i32
        %dma_wait3A_103 = arith.constant 0 : i32
        %dma_wait3A_104 = tpu.memref_slice %arg9[%dma_wait3A_102, %dma_wait3A_103] : memref<10240x32xf32, #tpu.memory_space<vmem_shared>> -> memref<640x32xf32, #tpu.memory_space<vmem_shared>>
        tpu.wait_dma2 semaphore(%run_scoped3A_91 : memref<!tpu.dma_semaphore, #tpu.memory_space<semaphore_mem>>) src(%dma_wait3A_104 : memref<640x32xf32, #tpu.memory_space<vmem_shared>>) dst(%dma_wait3A_101 : memref<640x32xf32, #tpu.memory_space<hbm>>)
        tpu.yield
      }) : () -> ()
    } else {
    }
    return
  }
}

module attributes {stable_mosaic.version = 14 : i64} {
  func.func @_proj_body(%arg0: memref<2500x512xf32, #tpu.memory_space<vmem>>, %arg1: memref<512x128xf32, #tpu.memory_space<vmem>>, %arg2: memref<2560x128xf32, #tpu.memory_space<vmem>>) attributes {dimension_semantics = [], scalar_prefetch = 0 : i64, scratch_operands = 0 : i64, tpu.core_type = #tpu.core_type<tc>} {
    %get3A = arith.constant 0 : index
    %get3A_0 = arith.constant 0 : index
    %get3A_1 = vector.load %arg0[%get3A, %get3A_0] : memref<2500x512xf32, #tpu.memory_space<vmem>>, vector<2500x512xf32>
    %get3A_2 = arith.constant 0 : index
    %get3A_3 = arith.constant 0 : index
    %get3A_4 = vector.load %arg1[%get3A_2, %get3A_3] : memref<512x128xf32, #tpu.memory_space<vmem>>, vector<512x128xf32>
    %dot_general3A = arith.constant dense<0.000000e+00> : vector<2500x128xf32>
    %dot_general3A_5 = tpu.matmul %get3A_1, %get3A_4, %dot_general3A {dimension_numbers = #tpu.dot_dimension_numbers<[1], [0], [0], [1], [0, 0, 1, 1], [], []>, transpose_lhs_hint = false} : vector<2500x512xf32>, vector<512x128xf32>, vector<2500x128xf32> -> vector<2500x128xf32>
    %swap3A = arith.constant 0 : index
    %swap3A_6 = arith.constant 0 : index
    %swap3A_7 = vector.load %arg2[%swap3A, %swap3A_6] : memref<2560x128xf32, #tpu.memory_space<vmem>>, vector<2500x128xf32>
    tpu.vector_store %arg2[%swap3A, %swap3A_6], %dot_general3A_5 {strides = array<i32>} : memref<2560x128xf32, #tpu.memory_space<vmem>>, vector<2500x128xf32>,
    %broadcast_in_dim3A = arith.constant 0.000000e+00 : f32
    %broadcast_in_dim3A_8 = vector.broadcast %broadcast_in_dim3A : f32 to vector<60x128xf32>
    %swap3A_9 = arith.constant 2500 : index
    %swap3A_10 = arith.constant 0 : index
    %swap3A_11 = vector.load %arg2[%swap3A_9, %swap3A_10] : memref<2560x128xf32, #tpu.memory_space<vmem>>, vector<60x128xf32>
    tpu.vector_store %arg2[%swap3A_9, %swap3A_10], %broadcast_in_dim3A_8 {strides = array<i32>} : memref<2560x128xf32, #tpu.memory_space<vmem>>, vector<60x128xf32>,
    return
  }
}

module attributes {stable_mosaic.version = 14 : i64} {
  func.func @_layer_body(%arg0: memref<2560x128xf32, #tpu.memory_space<vmem>>, %arg1: memref<2x2560x128xf32, #tpu.memory_space<vmem>>, %arg2: memref<1x128xf32, #tpu.memory_space<vmem>>, %arg3: memref<128x128xf32, #tpu.memory_space<vmem>>, %arg4: memref<1x128xf32, #tpu.memory_space<vmem>>, %arg5: memref<1x128xf32, #tpu.memory_space<vmem>>, %arg6: memref<1x128xf32, #tpu.memory_space<vmem>>, %arg7: memref<128x128xf32, #tpu.memory_space<vmem>>, %arg8: memref<2560x128xf32, #tpu.memory_space<vmem>>) attributes {dimension_semantics = [], scalar_prefetch = 0 : i64, scratch_operands = 0 : i64, tpu.core_type = #tpu.core_type<tc>} {
    %get3A = arith.constant 0 : index
    %get3A_0 = arith.constant 0 : index
    %get3A_1 = vector.load %arg0[%get3A, %get3A_0] : memref<2560x128xf32, #tpu.memory_space<vmem>>, vector<2560x128xf32>
    %get3A_2 = arith.constant 0 : index
    %get3A_3 = arith.constant 0 : index
    %get3A_4 = arith.constant 0 : index
    %get3A_5 = vector.load %arg1[%get3A_2, %get3A_3, %get3A_4] : memref<2x2560x128xf32, #tpu.memory_space<vmem>>, vector<1x2560x128xf32>
    %get3A_6 = vector.shape_cast %get3A_5 : vector<1x2560x128xf32> to vector<2560x128xf32>
    %get3A_7 = arith.constant 1 : index
    %get3A_8 = arith.constant 0 : index
    %get3A_9 = arith.constant 0 : index
    %get3A_10 = vector.load %arg1[%get3A_7, %get3A_8, %get3A_9] : memref<2x2560x128xf32, #tpu.memory_space<vmem>>, vector<1x2560x128xf32>
    %get3A_11 = vector.shape_cast %get3A_10 : vector<1x2560x128xf32> to vector<2560x128xf32>
    %get3A_12 = arith.constant 0 : index
    %get3A_13 = arith.constant 0 : index
    %get3A_14 = vector.load %arg2[%get3A_12, %get3A_13] : memref<1x128xf32, #tpu.memory_space<vmem>>, vector<1x128xf32>
    %get3A_15 = arith.constant 0 : index
    %get3A_16 = arith.constant 0 : index
    %get3A_17 = vector.load %arg3[%get3A_15, %get3A_16] : memref<128x128xf32, #tpu.memory_space<vmem>>, vector<128x128xf32>
    %get3A_18 = arith.constant 0 : index
    %get3A_19 = arith.constant 0 : index
    %get3A_20 = vector.load %arg4[%get3A_18, %get3A_19] : memref<1x128xf32, #tpu.memory_space<vmem>>, vector<1x128xf32>
    %get3A_21 = arith.constant 0 : index
    %get3A_22 = arith.constant 0 : index
    %get3A_23 = vector.load %arg5[%get3A_21, %get3A_22] : memref<1x128xf32, #tpu.memory_space<vmem>>, vector<1x128xf32>
    %get3A_24 = arith.constant 0 : index
    %get3A_25 = arith.constant 0 : index
    %get3A_26 = vector.load %arg6[%get3A_24, %get3A_25] : memref<1x128xf32, #tpu.memory_space<vmem>>, vector<1x128xf32>
    %add3A = arith.addf %get3A_1, %get3A_6 : vector<2560x128xf32>
    %add3A_27 = arith.addf %add3A, %get3A_11 : vector<2560x128xf32>
    %add3A_28 = vector.broadcast %get3A_14 : vector<1x128xf32> to vector<2560x128xf32>
    %add3A_29 = arith.addf %add3A_27, %add3A_28 : vector<2560x128xf32>
    %max3A = arith.constant 0.000000e+00 : f32
    %max3A_30 = vector.broadcast %max3A : f32 to vector<2560x128xf32>
    %max3A_31 = arith.maximumf %add3A_29, %max3A_30 : vector<2560x128xf32>
    %dot_general3A = arith.constant dense<0.000000e+00> : vector<2560x128xf32>
    %dot_general3A_32 = tpu.matmul %max3A_31, %get3A_17, %dot_general3A {dimension_numbers = #tpu.dot_dimension_numbers<[1], [0], [0], [1], [0, 0, 1, 1], [], []>, transpose_lhs_hint = false} : vector<2560x128xf32>, vector<128x128xf32>, vector<2560x128xf32> -> vector<2560x128xf32>
    %add3A_33 = vector.broadcast %get3A_20 : vector<1x128xf32> to vector<2560x128xf32>
    %add3A_34 = arith.addf %dot_general3A_32, %add3A_33 : vector<2560x128xf32>
    %max3A_35 = arith.constant 0.000000e+00 : f32
    %max3A_36 = vector.broadcast %max3A_35 : f32 to vector<2560x128xf32>
    %max3A_37 = arith.maximumf %add3A_34, %max3A_36 : vector<2560x128xf32>
    %slice3A = vector.extract_strided_slice %max3A_37 {offsets = [0, 0], sizes = [2500, 128], strides = [1, 1]} : vector<2560x128xf32> to vector<2500x128xf32>
    %reduce_sum3A = arith.constant dense<0.000000e+00> : vector<128xf32>
    %reduce_sum3A_38 = vector.multi_reduction <add>, %slice3A, %reduce_sum3A [0] : vector<2500x128xf32> to vector<128xf32>
    %broadcast_in_dim3A = vector.shape_cast %reduce_sum3A_38 : vector<128xf32> to vector<1x128xf32>
    %iota3A = tpu.iota {dimensions = array<i32: 0>} : vector<128x128xi32>
    %rem3A = arith.constant 32 : i32
    %rem3A_39 = vector.broadcast %rem3A : i32 to vector<128x128xi32>
    %rem3A_40 = arith.remsi %iota3A, %rem3A_39 : vector<128x128xi32>
    %iota3A_41 = tpu.iota {dimensions = array<i32: 1>} : vector<128x128xi32>
    %rem3A_42 = arith.constant 32 : i32
    %rem3A_43 = vector.broadcast %rem3A_42 : i32 to vector<128x128xi32>
    %rem3A_44 = arith.remsi %iota3A_41, %rem3A_43 : vector<128x128xi32>
    %eq3A = arith.cmpi eq, %rem3A_40, %rem3A_44 : vector<128x128xi32>
    %convert_element_type3A = arith.extui %eq3A : vector<128x128xi1> to vector<128x128xi32>
    %convert_element_type3A_45 = arith.sitofp %convert_element_type3A : vector<128x128xi32> to vector<128x128xf32>
    %dot_general3A_46 = arith.constant dense<0.000000e+00> : vector<1x128xf32>
    %dot_general3A_47 = tpu.matmul %broadcast_in_dim3A, %convert_element_type3A_45, %dot_general3A_46 {dimension_numbers = #tpu.dot_dimension_numbers<[1], [0], [0], [1], [0, 0, 1, 1], [], []>, transpose_lhs_hint = false} : vector<1x128xf32>, vector<128x128xf32>, vector<1x128xf32> -> vector<1x128xf32>
    %div3A = arith.constant 1.000000e+04 : f32
    %div3A_48 = vector.broadcast %div3A : f32 to vector<1x128xf32>
    %div3A_49 = arith.divf %dot_general3A_47, %div3A_48 : vector<1x128xf32>
    %sub3A = vector.broadcast %div3A_49 : vector<1x128xf32> to vector<2560x128xf32>
    %sub3A_50 = arith.subf %max3A_37, %sub3A : vector<2560x128xf32>
    %slice3A_51 = vector.extract_strided_slice %sub3A_50 {offsets = [0, 0], sizes = [2500, 128], strides = [1, 1]} : vector<2560x128xf32> to vector<2500x128xf32>
    %mul3A = arith.mulf %slice3A_51, %slice3A_51 : vector<2500x128xf32>
    %reduce_sum3A_52 = arith.constant dense<0.000000e+00> : vector<128xf32>
    %reduce_sum3A_53 = vector.multi_reduction <add>, %mul3A, %reduce_sum3A_52 [0] : vector<2500x128xf32> to vector<128xf32>
    %broadcast_in_dim3A_54 = vector.shape_cast %reduce_sum3A_53 : vector<128xf32> to vector<1x128xf32>
    %iota3A_55 = tpu.iota {dimensions = array<i32: 0>} : vector<128x128xi32>
    %rem3A_56 = arith.constant 32 : i32
    %rem3A_57 = vector.broadcast %rem3A_56 : i32 to vector<128x128xi32>
    %rem3A_58 = arith.remsi %iota3A_55, %rem3A_57 : vector<128x128xi32>
    %iota3A_59 = tpu.iota {dimensions = array<i32: 1>} : vector<128x128xi32>
    %rem3A_60 = arith.constant 32 : i32
    %rem3A_61 = vector.broadcast %rem3A_60 : i32 to vector<128x128xi32>
    %rem3A_62 = arith.remsi %iota3A_59, %rem3A_61 : vector<128x128xi32>
    %eq3A_63 = arith.cmpi eq, %rem3A_58, %rem3A_62 : vector<128x128xi32>
    %convert_element_type3A_64 = arith.extui %eq3A_63 : vector<128x128xi1> to vector<128x128xi32>
    %convert_element_type3A_65 = arith.sitofp %convert_element_type3A_64 : vector<128x128xi32> to vector<128x128xf32>
    %dot_general3A_66 = arith.constant dense<0.000000e+00> : vector<1x128xf32>
    %dot_general3A_67 = tpu.matmul %broadcast_in_dim3A_54, %convert_element_type3A_65, %dot_general3A_66 {dimension_numbers = #tpu.dot_dimension_numbers<[1], [0], [0], [1], [0, 0, 1, 1], [], []>, transpose_lhs_hint = false} : vector<1x128xf32>, vector<128x128xf32>, vector<1x128xf32> -> vector<1x128xf32>
    %div3A_68 = arith.constant 1.000000e+04 : f32
    %div3A_69 = vector.broadcast %div3A_68 : f32 to vector<1x128xf32>
    %div3A_70 = arith.divf %dot_general3A_67, %div3A_69 : vector<1x128xf32>
    %add3A_71 = arith.constant 9.99999974E-6 : f32
    %add3A_72 = vector.broadcast %add3A_71 : f32 to vector<1x128xf32>
    %add3A_73 = arith.addf %div3A_70, %add3A_72 : vector<1x128xf32>
    %rsqrt3A = math.rsqrt %add3A_73 : vector<1x128xf32>
    %mul3A_74 = vector.broadcast %rsqrt3A : vector<1x128xf32> to vector<2560x128xf32>
    %mul3A_75 = arith.mulf %sub3A_50, %mul3A_74 : vector<2560x128xf32>
    %mul3A_76 = vector.broadcast %get3A_23 : vector<1x128xf32> to vector<2560x128xf32>
    %mul3A_77 = arith.mulf %mul3A_75, %mul3A_76 : vector<2560x128xf32>
    %add3A_78 = vector.broadcast %get3A_26 : vector<1x128xf32> to vector<2560x128xf32>
    %add3A_79 = arith.addf %mul3A_77, %add3A_78 : vector<2560x128xf32>
    %get3A_80 = arith.constant 0 : index
    %get3A_81 = arith.constant 0 : index
    %get3A_82 = vector.load %arg7[%get3A_80, %get3A_81] : memref<128x128xf32, #tpu.memory_space<vmem>>, vector<128x128xf32>
    %dot_general3A_83 = arith.constant dense<0.000000e+00> : vector<2560x128xf32>
    %dot_general3A_84 = tpu.matmul %add3A_79, %get3A_82, %dot_general3A_83 {dimension_numbers = #tpu.dot_dimension_numbers<[1], [0], [0], [1], [0, 0, 1, 1], [], []>, transpose_lhs_hint = false} : vector<2560x128xf32>, vector<128x128xf32>, vector<2560x128xf32> -> vector<2560x128xf32>
    %swap3A = arith.constant 0 : index
    %swap3A_85 = arith.constant 0 : index
    %swap3A_86 = vector.load %arg8[%swap3A, %swap3A_85] : memref<2560x128xf32, #tpu.memory_space<vmem>>, vector<2560x128xf32>
    tpu.vector_store %arg8[%swap3A, %swap3A_85], %dot_general3A_84 {strides = array<i32>} : memref<2560x128xf32, #tpu.memory_space<vmem>>, vector<2560x128xf32>,
    return
  }
}

module attributes {stable_mosaic.version = 14 : i64} {
  func.func @_last_body(%arg0: memref<2560x128xf32, #tpu.memory_space<vmem>>, %arg1: memref<2x2560x128xf32, #tpu.memory_space<vmem>>, %arg2: memref<1x128xf32, #tpu.memory_space<vmem>>, %arg3: memref<128x128xf32, #tpu.memory_space<vmem>>, %arg4: memref<1x128xf32, #tpu.memory_space<vmem>>, %arg5: memref<1x128xf32, #tpu.memory_space<vmem>>, %arg6: memref<1x128xf32, #tpu.memory_space<vmem>>, %arg7: memref<2560x128xf32, #tpu.memory_space<vmem>>) attributes {dimension_semantics = [], scalar_prefetch = 0 : i64, scratch_operands = 0 : i64, tpu.core_type = #tpu.core_type<tc>} {
    %get3A = arith.constant 0 : index
    %get3A_0 = arith.constant 0 : index
    %get3A_1 = vector.load %arg0[%get3A, %get3A_0] : memref<2560x128xf32, #tpu.memory_space<vmem>>, vector<2560x128xf32>
    %get3A_2 = arith.constant 0 : index
    %get3A_3 = arith.constant 0 : index
    %get3A_4 = arith.constant 0 : index
    %get3A_5 = vector.load %arg1[%get3A_2, %get3A_3, %get3A_4] : memref<2x2560x128xf32, #tpu.memory_space<vmem>>, vector<1x2560x128xf32>
    %get3A_6 = vector.shape_cast %get3A_5 : vector<1x2560x128xf32> to vector<2560x128xf32>
    %get3A_7 = arith.constant 1 : index
    %get3A_8 = arith.constant 0 : index
    %get3A_9 = arith.constant 0 : index
    %get3A_10 = vector.load %arg1[%get3A_7, %get3A_8, %get3A_9] : memref<2x2560x128xf32, #tpu.memory_space<vmem>>, vector<1x2560x128xf32>
    %get3A_11 = vector.shape_cast %get3A_10 : vector<1x2560x128xf32> to vector<2560x128xf32>
    %get3A_12 = arith.constant 0 : index
    %get3A_13 = arith.constant 0 : index
    %get3A_14 = vector.load %arg2[%get3A_12, %get3A_13] : memref<1x128xf32, #tpu.memory_space<vmem>>, vector<1x128xf32>
    %get3A_15 = arith.constant 0 : index
    %get3A_16 = arith.constant 0 : index
    %get3A_17 = vector.load %arg3[%get3A_15, %get3A_16] : memref<128x128xf32, #tpu.memory_space<vmem>>, vector<128x128xf32>
    %get3A_18 = arith.constant 0 : index
    %get3A_19 = arith.constant 0 : index
    %get3A_20 = vector.load %arg4[%get3A_18, %get3A_19] : memref<1x128xf32, #tpu.memory_space<vmem>>, vector<1x128xf32>
    %get3A_21 = arith.constant 0 : index
    %get3A_22 = arith.constant 0 : index
    %get3A_23 = vector.load %arg5[%get3A_21, %get3A_22] : memref<1x128xf32, #tpu.memory_space<vmem>>, vector<1x128xf32>
    %get3A_24 = arith.constant 0 : index
    %get3A_25 = arith.constant 0 : index
    %get3A_26 = vector.load %arg6[%get3A_24, %get3A_25] : memref<1x128xf32, #tpu.memory_space<vmem>>, vector<1x128xf32>
    %add3A = arith.addf %get3A_1, %get3A_6 : vector<2560x128xf32>
    %add3A_27 = arith.addf %add3A, %get3A_11 : vector<2560x128xf32>
    %add3A_28 = vector.broadcast %get3A_14 : vector<1x128xf32> to vector<2560x128xf32>
    %add3A_29 = arith.addf %add3A_27, %add3A_28 : vector<2560x128xf32>
    %max3A = arith.constant 0.000000e+00 : f32
    %max3A_30 = vector.broadcast %max3A : f32 to vector<2560x128xf32>
    %max3A_31 = arith.maximumf %add3A_29, %max3A_30 : vector<2560x128xf32>
    %dot_general3A = arith.constant dense<0.000000e+00> : vector<2560x128xf32>
    %dot_general3A_32 = tpu.matmul %max3A_31, %get3A_17, %dot_general3A {dimension_numbers = #tpu.dot_dimension_numbers<[1], [0], [0], [1], [0, 0, 1, 1], [], []>, transpose_lhs_hint = false} : vector<2560x128xf32>, vector<128x128xf32>, vector<2560x128xf32> -> vector<2560x128xf32>
    %add3A_33 = vector.broadcast %get3A_20 : vector<1x128xf32> to vector<2560x128xf32>
    %add3A_34 = arith.addf %dot_general3A_32, %add3A_33 : vector<2560x128xf32>
    %max3A_35 = arith.constant 0.000000e+00 : f32
    %max3A_36 = vector.broadcast %max3A_35 : f32 to vector<2560x128xf32>
    %max3A_37 = arith.maximumf %add3A_34, %max3A_36 : vector<2560x128xf32>
    %slice3A = vector.extract_strided_slice %max3A_37 {offsets = [0, 0], sizes = [2500, 128], strides = [1, 1]} : vector<2560x128xf32> to vector<2500x128xf32>
    %reduce_sum3A = arith.constant dense<0.000000e+00> : vector<128xf32>
    %reduce_sum3A_38 = vector.multi_reduction <add>, %slice3A, %reduce_sum3A [0] : vector<2500x128xf32> to vector<128xf32>
    %broadcast_in_dim3A = vector.shape_cast %reduce_sum3A_38 : vector<128xf32> to vector<1x128xf32>
    %iota3A = tpu.iota {dimensions = array<i32: 0>} : vector<128x128xi32>
    %rem3A = arith.constant 32 : i32
    %rem3A_39 = vector.broadcast %rem3A : i32 to vector<128x128xi32>
    %rem3A_40 = arith.remsi %iota3A, %rem3A_39 : vector<128x128xi32>
    %iota3A_41 = tpu.iota {dimensions = array<i32: 1>} : vector<128x128xi32>
    %rem3A_42 = arith.constant 32 : i32
    %rem3A_43 = vector.broadcast %rem3A_42 : i32 to vector<128x128xi32>
    %rem3A_44 = arith.remsi %iota3A_41, %rem3A_43 : vector<128x128xi32>
    %eq3A = arith.cmpi eq, %rem3A_40, %rem3A_44 : vector<128x128xi32>
    %convert_element_type3A = arith.extui %eq3A : vector<128x128xi1> to vector<128x128xi32>
    %convert_element_type3A_45 = arith.sitofp %convert_element_type3A : vector<128x128xi32> to vector<128x128xf32>
    %dot_general3A_46 = arith.constant dense<0.000000e+00> : vector<1x128xf32>
    %dot_general3A_47 = tpu.matmul %broadcast_in_dim3A, %convert_element_type3A_45, %dot_general3A_46 {dimension_numbers = #tpu.dot_dimension_numbers<[1], [0], [0], [1], [0, 0, 1, 1], [], []>, transpose_lhs_hint = false} : vector<1x128xf32>, vector<128x128xf32>, vector<1x128xf32> -> vector<1x128xf32>
    %div3A = arith.constant 1.000000e+04 : f32
    %div3A_48 = vector.broadcast %div3A : f32 to vector<1x128xf32>
    %div3A_49 = arith.divf %dot_general3A_47, %div3A_48 : vector<1x128xf32>
    %sub3A = vector.broadcast %div3A_49 : vector<1x128xf32> to vector<2560x128xf32>
    %sub3A_50 = arith.subf %max3A_37, %sub3A : vector<2560x128xf32>
    %slice3A_51 = vector.extract_strided_slice %sub3A_50 {offsets = [0, 0], sizes = [2500, 128], strides = [1, 1]} : vector<2560x128xf32> to vector<2500x128xf32>
    %mul3A = arith.mulf %slice3A_51, %slice3A_51 : vector<2500x128xf32>
    %reduce_sum3A_52 = arith.constant dense<0.000000e+00> : vector<128xf32>
    %reduce_sum3A_53 = vector.multi_reduction <add>, %mul3A, %reduce_sum3A_52 [0] : vector<2500x128xf32> to vector<128xf32>
    %broadcast_in_dim3A_54 = vector.shape_cast %reduce_sum3A_53 : vector<128xf32> to vector<1x128xf32>
    %iota3A_55 = tpu.iota {dimensions = array<i32: 0>} : vector<128x128xi32>
    %rem3A_56 = arith.constant 32 : i32
    %rem3A_57 = vector.broadcast %rem3A_56 : i32 to vector<128x128xi32>
    %rem3A_58 = arith.remsi %iota3A_55, %rem3A_57 : vector<128x128xi32>
    %iota3A_59 = tpu.iota {dimensions = array<i32: 1>} : vector<128x128xi32>
    %rem3A_60 = arith.constant 32 : i32
    %rem3A_61 = vector.broadcast %rem3A_60 : i32 to vector<128x128xi32>
    %rem3A_62 = arith.remsi %iota3A_59, %rem3A_61 : vector<128x128xi32>
    %eq3A_63 = arith.cmpi eq, %rem3A_58, %rem3A_62 : vector<128x128xi32>
    %convert_element_type3A_64 = arith.extui %eq3A_63 : vector<128x128xi1> to vector<128x128xi32>
    %convert_element_type3A_65 = arith.sitofp %convert_element_type3A_64 : vector<128x128xi32> to vector<128x128xf32>
    %dot_general3A_66 = arith.constant dense<0.000000e+00> : vector<1x128xf32>
    %dot_general3A_67 = tpu.matmul %broadcast_in_dim3A_54, %convert_element_type3A_65, %dot_general3A_66 {dimension_numbers = #tpu.dot_dimension_numbers<[1], [0], [0], [1], [0, 0, 1, 1], [], []>, transpose_lhs_hint = false} : vector<1x128xf32>, vector<128x128xf32>, vector<1x128xf32> -> vector<1x128xf32>
    %div3A_68 = arith.constant 1.000000e+04 : f32
    %div3A_69 = vector.broadcast %div3A_68 : f32 to vector<1x128xf32>
    %div3A_70 = arith.divf %dot_general3A_67, %div3A_69 : vector<1x128xf32>
    %add3A_71 = arith.constant 9.99999974E-6 : f32
    %add3A_72 = vector.broadcast %add3A_71 : f32 to vector<1x128xf32>
    %add3A_73 = arith.addf %div3A_70, %add3A_72 : vector<1x128xf32>
    %rsqrt3A = math.rsqrt %add3A_73 : vector<1x128xf32>
    %mul3A_74 = vector.broadcast %rsqrt3A : vector<1x128xf32> to vector<2560x128xf32>
    %mul3A_75 = arith.mulf %sub3A_50, %mul3A_74 : vector<2560x128xf32>
    %mul3A_76 = vector.broadcast %get3A_23 : vector<1x128xf32> to vector<2560x128xf32>
    %mul3A_77 = arith.mulf %mul3A_75, %mul3A_76 : vector<2560x128xf32>
    %add3A_78 = vector.broadcast %get3A_26 : vector<1x128xf32> to vector<2560x128xf32>
    %add3A_79 = arith.addf %mul3A_77, %add3A_78 : vector<2560x128xf32>
    %swap3A = arith.constant 0 : index
    %swap3A_80 = arith.constant 0 : index
    %swap3A_81 = vector.load %arg7[%swap3A, %swap3A_80] : memref<2560x128xf32, #tpu.memory_space<vmem>>, vector<2560x128xf32>
    tpu.vector_store %arg7[%swap3A, %swap3A_80], %add3A_79 {strides = array<i32>} : memref<2560x128xf32, #tpu.memory_space<vmem>>, vector<2560x128xf32>,
    %broadcast_in_dim3A_82 = arith.constant 1.000000e+00 : f32
    %broadcast_in_dim3A_83 = vector.broadcast %broadcast_in_dim3A_82 : f32 to vector<1x128xf32>
    %swap3A_84 = arith.constant 2500 : index
    %swap3A_85 = arith.constant 0 : index
    %swap3A_86 = vector.load %arg7[%swap3A_84, %swap3A_85] : memref<2560x128xf32, #tpu.memory_space<vmem>>, vector<1x128xf32>
    tpu.vector_store %arg7[%swap3A_84, %swap3A_85], %broadcast_in_dim3A_83 {strides = array<i32>} : memref<2560x128xf32, #tpu.memory_space<vmem>>, vector<1x128xf32>,
    return
  }
}

module attributes {stable_mosaic.version = 14 : i64} {
  func.func @_head_body(%arg0: memref<2x32x128xf32, #tpu.memory_space<vmem>>, %arg1: memref<32x32xf32, #tpu.memory_space<vmem>>, %arg2: memref<1x32xf32, #tpu.memory_space<vmem>>, %arg3: memref<32x10xf32, #tpu.memory_space<vmem>>, %arg4: memref<1x10xf32, #tpu.memory_space<vmem>>, %arg5: memref<64x10xf32, #tpu.memory_space<vmem>>) attributes {dimension_semantics = [], scalar_prefetch = 0 : i64, scratch_operands = 0 : i64, tpu.core_type = #tpu.core_type<tc>} {
    %get3A = arith.constant 0 : index
    %get3A_0 = arith.constant 0 : index
    %get3A_1 = arith.constant 0 : index
    %get3A_2 = vector.load %arg0[%get3A, %get3A_0, %get3A_1] : memref<2x32x128xf32, #tpu.memory_space<vmem>>, vector<1x32x128xf32>
    %get3A_3 = vector.shape_cast %get3A_2 : vector<1x32x128xf32> to vector<32x128xf32>
    %get3A_4 = arith.constant 1 : index
    %get3A_5 = arith.constant 0 : index
    %get3A_6 = arith.constant 0 : index
    %get3A_7 = vector.load %arg0[%get3A_4, %get3A_5, %get3A_6] : memref<2x32x128xf32, #tpu.memory_space<vmem>>, vector<1x32x128xf32>
    %get3A_8 = vector.shape_cast %get3A_7 : vector<1x32x128xf32> to vector<32x128xf32>
    %add3A = arith.addf %get3A_3, %get3A_8 : vector<32x128xf32>
    %slice3A = vector.extract_strided_slice %add3A {offsets = [0, 0], sizes = [16, 128], strides = [1, 1]} : vector<32x128xf32> to vector<16x128xf32>
    %iota3A = tpu.iota {dimensions = array<i32: 0>} : vector<64x16xi32>
    %iota3A_9 = tpu.iota {dimensions = array<i32: 1>} : vector<64x16xi32>
    %broadcast_in_dim3A = arith.constant 0.000000e+00 : f32
    %broadcast_in_dim3A_10 = vector.broadcast %broadcast_in_dim3A : f32 to vector<64x32xf32>
    %rem3A = arith.constant 4 : i32
    %rem3A_11 = vector.broadcast %rem3A : i32 to vector<64x16xi32>
    %rem3A_12 = arith.remsi %iota3A, %rem3A_11 : vector<64x16xi32>
    %eq3A = arith.constant 0 : i32
    %eq3A_13 = vector.broadcast %eq3A : i32 to vector<64x16xi32>
    %eq3A_14 = arith.cmpi eq, %rem3A_12, %eq3A_13 : vector<64x16xi32>
    %div3A = arith.constant 4 : i32
    %div3A_15 = vector.broadcast %div3A : i32 to vector<64x16xi32>
    %div3A_16 = arith.divsi %iota3A, %div3A_15 : vector<64x16xi32>
    %eq3A_17 = arith.cmpi eq, %div3A_16, %iota3A_9 : vector<64x16xi32>
    %and3A = arith.andi %eq3A_14, %eq3A_17 : vector<64x16xi1>
    %convert_element_type3A = arith.extui %and3A : vector<64x16xi1> to vector<64x16xi32>
    %convert_element_type3A_18 = arith.sitofp %convert_element_type3A : vector<64x16xi32> to vector<64x16xf32>
    %slice3A_19 = vector.extract_strided_slice %slice3A {offsets = [0, 0], sizes = [16, 32], strides = [1, 1]} : vector<16x128xf32> to vector<16x32xf32>
    %dot_general3A = arith.constant dense<0.000000e+00> : vector<64x32xf32>
    %dot_general3A_20 = tpu.matmul %convert_element_type3A_18, %slice3A_19, %dot_general3A {dimension_numbers = #tpu.dot_dimension_numbers<[1], [0], [0], [1], [0, 0, 1, 1], [], []>, transpose_lhs_hint = false} : vector<64x16xf32>, vector<16x32xf32>, vector<64x32xf32> -> vector<64x32xf32>
    %add3A_21 = arith.addf %broadcast_in_dim3A_10, %dot_general3A_20 : vector<64x32xf32>
    %rem3A_22 = arith.constant 4 : i32
    %rem3A_23 = vector.broadcast %rem3A_22 : i32 to vector<64x16xi32>
    %rem3A_24 = arith.remsi %iota3A, %rem3A_23 : vector<64x16xi32>
    %eq3A_25 = arith.constant 1 : i32
    %eq3A_26 = vector.broadcast %eq3A_25 : i32 to vector<64x16xi32>
    %eq3A_27 = arith.cmpi eq, %rem3A_24, %eq3A_26 : vector<64x16xi32>
    %div3A_28 = arith.constant 4 : i32
    %div3A_29 = vector.broadcast %div3A_28 : i32 to vector<64x16xi32>
    %div3A_30 = arith.divsi %iota3A, %div3A_29 : vector<64x16xi32>
    %eq3A_31 = arith.cmpi eq, %div3A_30, %iota3A_9 : vector<64x16xi32>
    %and3A_32 = arith.andi %eq3A_27, %eq3A_31 : vector<64x16xi1>
    %convert_element_type3A_33 = arith.extui %and3A_32 : vector<64x16xi1> to vector<64x16xi32>
    %convert_element_type3A_34 = arith.sitofp %convert_element_type3A_33 : vector<64x16xi32> to vector<64x16xf32>
    %slice3A_35 = vector.extract_strided_slice %slice3A {offsets = [0, 32], sizes = [16, 32], strides = [1, 1]} : vector<16x128xf32> to vector<16x32xf32>
    %dot_general3A_36 = arith.constant dense<0.000000e+00> : vector<64x32xf32>
    %dot_general3A_37 = tpu.matmul %convert_element_type3A_34, %slice3A_35, %dot_general3A_36 {dimension_numbers = #tpu.dot_dimension_numbers<[1], [0], [0], [1], [0, 0, 1, 1], [], []>, transpose_lhs_hint = false} : vector<64x16xf32>, vector<16x32xf32>, vector<64x32xf32> -> vector<64x32xf32>
    %add3A_38 = arith.addf %add3A_21, %dot_general3A_37 : vector<64x32xf32>
    %rem3A_39 = arith.constant 4 : i32
    %rem3A_40 = vector.broadcast %rem3A_39 : i32 to vector<64x16xi32>
    %rem3A_41 = arith.remsi %iota3A, %rem3A_40 : vector<64x16xi32>
    %eq3A_42 = arith.constant 2 : i32
    %eq3A_43 = vector.broadcast %eq3A_42 : i32 to vector<64x16xi32>
    %eq3A_44 = arith.cmpi eq, %rem3A_41, %eq3A_43 : vector<64x16xi32>
    %div3A_45 = arith.constant 4 : i32
    %div3A_46 = vector.broadcast %div3A_45 : i32 to vector<64x16xi32>
    %div3A_47 = arith.divsi %iota3A, %div3A_46 : vector<64x16xi32>
    %eq3A_48 = arith.cmpi eq, %div3A_47, %iota3A_9 : vector<64x16xi32>
    %and3A_49 = arith.andi %eq3A_44, %eq3A_48 : vector<64x16xi1>
    %convert_element_type3A_50 = arith.extui %and3A_49 : vector<64x16xi1> to vector<64x16xi32>
    %convert_element_type3A_51 = arith.sitofp %convert_element_type3A_50 : vector<64x16xi32> to vector<64x16xf32>
    %slice3A_52 = vector.extract_strided_slice %slice3A {offsets = [0, 64], sizes = [16, 32], strides = [1, 1]} : vector<16x128xf32> to vector<16x32xf32>
    %dot_general3A_53 = arith.constant dense<0.000000e+00> : vector<64x32xf32>
    %dot_general3A_54 = tpu.matmul %convert_element_type3A_51, %slice3A_52, %dot_general3A_53 {dimension_numbers = #tpu.dot_dimension_numbers<[1], [0], [0], [1], [0, 0, 1, 1], [], []>, transpose_lhs_hint = false} : vector<64x16xf32>, vector<16x32xf32>, vector<64x32xf32> -> vector<64x32xf32>
    %add3A_55 = arith.addf %add3A_38, %dot_general3A_54 : vector<64x32xf32>
    %rem3A_56 = arith.constant 4 : i32
    %rem3A_57 = vector.broadcast %rem3A_56 : i32 to vector<64x16xi32>
    %rem3A_58 = arith.remsi %iota3A, %rem3A_57 : vector<64x16xi32>
    %eq3A_59 = arith.constant 3 : i32
    %eq3A_60 = vector.broadcast %eq3A_59 : i32 to vector<64x16xi32>
    %eq3A_61 = arith.cmpi eq, %rem3A_58, %eq3A_60 : vector<64x16xi32>
    %div3A_62 = arith.constant 4 : i32
    %div3A_63 = vector.broadcast %div3A_62 : i32 to vector<64x16xi32>
    %div3A_64 = arith.divsi %iota3A, %div3A_63 : vector<64x16xi32>
    %eq3A_65 = arith.cmpi eq, %div3A_64, %iota3A_9 : vector<64x16xi32>
    %and3A_66 = arith.andi %eq3A_61, %eq3A_65 : vector<64x16xi1>
    %convert_element_type3A_67 = arith.extui %and3A_66 : vector<64x16xi1> to vector<64x16xi32>
    %convert_element_type3A_68 = arith.sitofp %convert_element_type3A_67 : vector<64x16xi32> to vector<64x16xf32>
    %slice3A_69 = vector.extract_strided_slice %slice3A {offsets = [0, 96], sizes = [16, 32], strides = [1, 1]} : vector<16x128xf32> to vector<16x32xf32>
    %dot_general3A_70 = arith.constant dense<0.000000e+00> : vector<64x32xf32>
    %dot_general3A_71 = tpu.matmul %convert_element_type3A_68, %slice3A_69, %dot_general3A_70 {dimension_numbers = #tpu.dot_dimension_numbers<[1], [0], [0], [1], [0, 0, 1, 1], [], []>, transpose_lhs_hint = false} : vector<64x16xf32>, vector<16x32xf32>, vector<64x32xf32> -> vector<64x32xf32>
    %add3A_72 = arith.addf %add3A_55, %dot_general3A_71 : vector<64x32xf32>
    %slice3A_73 = vector.extract_strided_slice %add3A {offsets = [16, 0], sizes = [16, 128], strides = [1, 1]} : vector<32x128xf32> to vector<16x128xf32>
    %iota3A_74 = tpu.iota {dimensions = array<i32: 0>} : vector<64x16xi32>
    %iota3A_75 = tpu.iota {dimensions = array<i32: 1>} : vector<64x16xi32>
    %broadcast_in_dim3A_76 = arith.constant 0.000000e+00 : f32
    %broadcast_in_dim3A_77 = vector.broadcast %broadcast_in_dim3A_76 : f32 to vector<64x32xf32>
    %rem3A_78 = arith.constant 4 : i32
    %rem3A_79 = vector.broadcast %rem3A_78 : i32 to vector<64x16xi32>
    %rem3A_80 = arith.remsi %iota3A_74, %rem3A_79 : vector<64x16xi32>
    %eq3A_81 = arith.constant 0 : i32
    %eq3A_82 = vector.broadcast %eq3A_81 : i32 to vector<64x16xi32>
    %eq3A_83 = arith.cmpi eq, %rem3A_80, %eq3A_82 : vector<64x16xi32>
    %div3A_84 = arith.constant 4 : i32
    %div3A_85 = vector.broadcast %div3A_84 : i32 to vector<64x16xi32>
    %div3A_86 = arith.divsi %iota3A_74, %div3A_85 : vector<64x16xi32>
    %eq3A_87 = arith.cmpi eq, %div3A_86, %iota3A_75 : vector<64x16xi32>
    %and3A_88 = arith.andi %eq3A_83, %eq3A_87 : vector<64x16xi1>
    %convert_element_type3A_89 = arith.extui %and3A_88 : vector<64x16xi1> to vector<64x16xi32>
    %convert_element_type3A_90 = arith.sitofp %convert_element_type3A_89 : vector<64x16xi32> to vector<64x16xf32>
    %slice3A_91 = vector.extract_strided_slice %slice3A_73 {offsets = [0, 0], sizes = [16, 32], strides = [1, 1]} : vector<16x128xf32> to vector<16x32xf32>
    %dot_general3A_92 = arith.constant dense<0.000000e+00> : vector<64x32xf32>
    %dot_general3A_93 = tpu.matmul %convert_element_type3A_90, %slice3A_91, %dot_general3A_92 {dimension_numbers = #tpu.dot_dimension_numbers<[1], [0], [0], [1], [0, 0, 1, 1], [], []>, transpose_lhs_hint = false} : vector<64x16xf32>, vector<16x32xf32>, vector<64x32xf32> -> vector<64x32xf32>
    %add3A_94 = arith.addf %broadcast_in_dim3A_77, %dot_general3A_93 : vector<64x32xf32>
    %rem3A_95 = arith.constant 4 : i32
    %rem3A_96 = vector.broadcast %rem3A_95 : i32 to vector<64x16xi32>
    %rem3A_97 = arith.remsi %iota3A_74, %rem3A_96 : vector<64x16xi32>
    %eq3A_98 = arith.constant 1 : i32
    %eq3A_99 = vector.broadcast %eq3A_98 : i32 to vector<64x16xi32>
    %eq3A_100 = arith.cmpi eq, %rem3A_97, %eq3A_99 : vector<64x16xi32>
    %div3A_101 = arith.constant 4 : i32
    %div3A_102 = vector.broadcast %div3A_101 : i32 to vector<64x16xi32>
    %div3A_103 = arith.divsi %iota3A_74, %div3A_102 : vector<64x16xi32>
    %eq3A_104 = arith.cmpi eq, %div3A_103, %iota3A_75 : vector<64x16xi32>
    %and3A_105 = arith.andi %eq3A_100, %eq3A_104 : vector<64x16xi1>
    %convert_element_type3A_106 = arith.extui %and3A_105 : vector<64x16xi1> to vector<64x16xi32>
    %convert_element_type3A_107 = arith.sitofp %convert_element_type3A_106 : vector<64x16xi32> to vector<64x16xf32>
    %slice3A_108 = vector.extract_strided_slice %slice3A_73 {offsets = [0, 32], sizes = [16, 32], strides = [1, 1]} : vector<16x128xf32> to vector<16x32xf32>
    %dot_general3A_109 = arith.constant dense<0.000000e+00> : vector<64x32xf32>
    %dot_general3A_110 = tpu.matmul %convert_element_type3A_107, %slice3A_108, %dot_general3A_109 {dimension_numbers = #tpu.dot_dimension_numbers<[1], [0], [0], [1], [0, 0, 1, 1], [], []>, transpose_lhs_hint = false} : vector<64x16xf32>, vector<16x32xf32>, vector<64x32xf32> -> vector<64x32xf32>
    %add3A_111 = arith.addf %add3A_94, %dot_general3A_110 : vector<64x32xf32>
    %rem3A_112 = arith.constant 4 : i32
    %rem3A_113 = vector.broadcast %rem3A_112 : i32 to vector<64x16xi32>
    %rem3A_114 = arith.remsi %iota3A_74, %rem3A_113 : vector<64x16xi32>
    %eq3A_115 = arith.constant 2 : i32
    %eq3A_116 = vector.broadcast %eq3A_115 : i32 to vector<64x16xi32>
    %eq3A_117 = arith.cmpi eq, %rem3A_114, %eq3A_116 : vector<64x16xi32>
    %div3A_118 = arith.constant 4 : i32
    %div3A_119 = vector.broadcast %div3A_118 : i32 to vector<64x16xi32>
    %div3A_120 = arith.divsi %iota3A_74, %div3A_119 : vector<64x16xi32>
    %eq3A_121 = arith.cmpi eq, %div3A_120, %iota3A_75 : vector<64x16xi32>
    %and3A_122 = arith.andi %eq3A_117, %eq3A_121 : vector<64x16xi1>
    %convert_element_type3A_123 = arith.extui %and3A_122 : vector<64x16xi1> to vector<64x16xi32>
    %convert_element_type3A_124 = arith.sitofp %convert_element_type3A_123 : vector<64x16xi32> to vector<64x16xf32>
    %slice3A_125 = vector.extract_strided_slice %slice3A_73 {offsets = [0, 64], sizes = [16, 32], strides = [1, 1]} : vector<16x128xf32> to vector<16x32xf32>
    %dot_general3A_126 = arith.constant dense<0.000000e+00> : vector<64x32xf32>
    %dot_general3A_127 = tpu.matmul %convert_element_type3A_124, %slice3A_125, %dot_general3A_126 {dimension_numbers = #tpu.dot_dimension_numbers<[1], [0], [0], [1], [0, 0, 1, 1], [], []>, transpose_lhs_hint = false} : vector<64x16xf32>, vector<16x32xf32>, vector<64x32xf32> -> vector<64x32xf32>
    %add3A_128 = arith.addf %add3A_111, %dot_general3A_127 : vector<64x32xf32>
    %rem3A_129 = arith.constant 4 : i32
    %rem3A_130 = vector.broadcast %rem3A_129 : i32 to vector<64x16xi32>
    %rem3A_131 = arith.remsi %iota3A_74, %rem3A_130 : vector<64x16xi32>
    %eq3A_132 = arith.constant 3 : i32
    %eq3A_133 = vector.broadcast %eq3A_132 : i32 to vector<64x16xi32>
    %eq3A_134 = arith.cmpi eq, %rem3A_131, %eq3A_133 : vector<64x16xi32>
    %div3A_135 = arith.constant 4 : i32
    %div3A_136 = vector.broadcast %div3A_135 : i32 to vector<64x16xi32>
    %div3A_137 = arith.divsi %iota3A_74, %div3A_136 : vector<64x16xi32>
    %eq3A_138 = arith.cmpi eq, %div3A_137, %iota3A_75 : vector<64x16xi32>
    %and3A_139 = arith.andi %eq3A_134, %eq3A_138 : vector<64x16xi1>
    %convert_element_type3A_140 = arith.extui %and3A_139 : vector<64x16xi1> to vector<64x16xi32>
    %convert_element_type3A_141 = arith.sitofp %convert_element_type3A_140 : vector<64x16xi32> to vector<64x16xf32>
    %slice3A_142 = vector.extract_strided_slice %slice3A_73 {offsets = [0, 96], sizes = [16, 32], strides = [1, 1]} : vector<16x128xf32> to vector<16x32xf32>
    %dot_general3A_143 = arith.constant dense<0.000000e+00> : vector<64x32xf32>
    %dot_general3A_144 = tpu.matmul %convert_element_type3A_141, %slice3A_142, %dot_general3A_143 {dimension_numbers = #tpu.dot_dimension_numbers<[1], [0], [0], [1], [0, 0, 1, 1], [], []>, transpose_lhs_hint = false} : vector<64x16xf32>, vector<16x32xf32>, vector<64x32xf32> -> vector<64x32xf32>
    %add3A_145 = arith.addf %add3A_128, %dot_general3A_144 : vector<64x32xf32>
    %slice3A_146 = vector.extract_strided_slice %add3A_145 {offsets = [0, 0], sizes = [64, 1], strides = [1, 1]} : vector<64x32xf32> to vector<64x1xf32>
    %max3A = arith.constant 1.000000e+00 : f32
    %max3A_147 = vector.broadcast %max3A : f32 to vector<64x1xf32>
    %max3A_148 = arith.maximumf %slice3A_146, %max3A_147 : vector<64x1xf32>
    %div3A_149 = vector.broadcast %max3A_148 : vector<64x1xf32> to vector<64x32xf32>
    %div3A_150 = arith.divf %add3A_72, %div3A_149 : vector<64x32xf32>
    %get3A_151 = arith.constant 0 : index
    %get3A_152 = arith.constant 0 : index
    %get3A_153 = vector.load %arg1[%get3A_151, %get3A_152] : memref<32x32xf32, #tpu.memory_space<vmem>>, vector<32x32xf32>
    %dot_general3A_154 = arith.constant dense<0.000000e+00> : vector<64x32xf32>
    %dot_general3A_155 = tpu.matmul %div3A_150, %get3A_153, %dot_general3A_154 {dimension_numbers = #tpu.dot_dimension_numbers<[1], [0], [0], [1], [0, 0, 1, 1], [], []>, transpose_lhs_hint = false} : vector<64x32xf32>, vector<32x32xf32>, vector<64x32xf32> -> vector<64x32xf32>
    %get3A_156 = arith.constant 0 : index
    %get3A_157 = arith.constant 0 : index
    %get3A_158 = vector.load %arg2[%get3A_156, %get3A_157] : memref<1x32xf32, #tpu.memory_space<vmem>>, vector<1x32xf32>
    %add3A_159 = vector.broadcast %get3A_158 : vector<1x32xf32> to vector<64x32xf32>
    %add3A_160 = arith.addf %dot_general3A_155, %add3A_159 : vector<64x32xf32>
    %max3A_161 = arith.constant 0.000000e+00 : f32
    %max3A_162 = vector.broadcast %max3A_161 : f32 to vector<64x32xf32>
    %max3A_163 = arith.maximumf %add3A_160, %max3A_162 : vector<64x32xf32>
    %get3A_164 = arith.constant 0 : index
    %get3A_165 = arith.constant 0 : index
    %get3A_166 = vector.load %arg3[%get3A_164, %get3A_165] : memref<32x10xf32, #tpu.memory_space<vmem>>, vector<32x10xf32>
    %dot_general3A_167 = arith.constant dense<0.000000e+00> : vector<64x10xf32>
    %dot_general3A_168 = tpu.matmul %max3A_163, %get3A_166, %dot_general3A_167 {dimension_numbers = #tpu.dot_dimension_numbers<[1], [0], [0], [1], [0, 0, 1, 1], [], []>, transpose_lhs_hint = false} : vector<64x32xf32>, vector<32x10xf32>, vector<64x10xf32> -> vector<64x10xf32>
    %get3A_169 = arith.constant 0 : index
    %get3A_170 = arith.constant 0 : index
    %get3A_171 = vector.load %arg4[%get3A_169, %get3A_170] : memref<1x10xf32, #tpu.memory_space<vmem>>, vector<1x10xf32>
    %add3A_172 = vector.broadcast %get3A_171 : vector<1x10xf32> to vector<64x10xf32>
    %add3A_173 = arith.addf %dot_general3A_168, %add3A_172 : vector<64x10xf32>
    %reduce_max3A = arith.constant dense<0xFF800000> : vector<64xf32>
    %reduce_max3A_174 = vector.multi_reduction <maximumf>, %add3A_173, %reduce_max3A [1] : vector<64x10xf32> to vector<64xf32>
    %broadcast_in_dim3A_175 = vector.shape_cast %reduce_max3A_174 : vector<64xf32> to vector<64x1xf32>
    %sub3A = vector.broadcast %broadcast_in_dim3A_175 : vector<64x1xf32> to vector<64x10xf32>
    %sub3A_176 = arith.subf %add3A_173, %sub3A : vector<64x10xf32>
    %exp3A = math.exp %sub3A_176 : vector<64x10xf32>
    %reduce_sum3A = arith.constant dense<0.000000e+00> : vector<64xf32>
    %reduce_sum3A_177 = vector.multi_reduction <add>, %exp3A, %reduce_sum3A [1] : vector<64x10xf32> to vector<64xf32>
    %broadcast_in_dim3A_178 = vector.shape_cast %reduce_sum3A_177 : vector<64xf32> to vector<64x1xf32>
    %log3A = math.log %broadcast_in_dim3A_178 : vector<64x1xf32>
    %add3A_179 = arith.addf %broadcast_in_dim3A_175, %log3A : vector<64x1xf32>
    %sub3A_180 = vector.broadcast %add3A_179 : vector<64x1xf32> to vector<64x10xf32>
    %sub3A_181 = arith.subf %add3A_173, %sub3A_180 : vector<64x10xf32>
    %swap3A = arith.constant 0 : index
    %swap3A_182 = arith.constant 0 : index
    %swap3A_183 = vector.load %arg5[%swap3A, %swap3A_182] : memref<64x10xf32, #tpu.memory_space<vmem>>, vector<64x10xf32>
    tpu.vector_store %arg5[%swap3A, %swap3A_182], %sub3A_181 {strides = array<i32>} : memref<64x10xf32, #tpu.memory_space<vmem>>, vector<64x10xf32>,
    return
  }
}

</mosaic_0001>

<sc_bundles>
// kernel: kernel.15.cloned.1.call-start
scs
__scs_entry_jumppad:
0x0: {  	(pc) =	sbr.rel $0x88, $3  }
0x1: {  	(tag) =	ssettag $0x0;
	lr =	simm.s32 $0x1  }
0x2: {  	[smem:$0x3F7C] =	sst lr;
	_ =	strace $0xD0000000  }
0x3: {  	_ = 	snop  }
0x4: {  	_ = 	snop  }
0x5: {  	_ = 	snop  }
0x6: {  	_ = 	snop  }
0x7: {  	_ = 	snop  }
__scs_overlays_trampoline_lowered:
0x8: {  	[smem:$0x3F8B] =	sst s0  }
0x9: {  	[smem:$0x3F8C] =	sst s1  }
0xa: {  	[smem:$0x3F8D] =	sst s2  }
0xb: {  	[smem:$0x3F8E] =	sst s3  }
0xc: {  	[smem:$0x3F8F] =	sst s4  }
0xd: {  	[smem:$0x3F90] =	sst s5  }
0xe: {  	[smem:$0x3F91] =	sst s6  }
0xf: {  	[smem:$0x3F92] =	sst s7  }
0x10: {  	[smem:$0x3F93] =	sst s8  }
0x11: {  	[smem:$0x3F94] =	sst s9;
	s0 =	simm.s32 @!p0 $0x0  }
0x12: {  	s1 =	sld [smem:$0x3F7A];
	s0 =	simm.s32 @p0 $0x1  }
0x13: {  	[smem:$0x3F95] =	sst s0;
	s0 =	simm.s32 @!p1 $0x0  }
0x14: {  	s2 =	sld [smem:$0x3F79];
	s0 =	simm.s32 @p1 $0x1  }
0x15: {  	[smem:$0x3F96] =	sst s0;
	s0 =	simm.s32 @!p2 $0x0  }
0x16: {  	s3 =	sld [smem:$0x3FDB];
	s0 =	simm.s32 @p2 $0x1  }
0x17: {  	s4 =	simm.s32 $0x1BF5;
	[smem:$0x3F98] =	sst s0  }
0x18: {  	s0 =	sld [smem:$0x3F7B];
	_ =	swait.ge [sflag:s4], $0x0  }
0x19: {  	s7 =	sld [smem:$0x3F7C]  }
0x1a: {  	s8 =	sadd.s32 $0xFFFFE003, lr  }
0x1b: {  	s9 =	sadd.s32 $0xFFFFFEF7, lr;
	s5 =	simm.s32 $0xFFFFFFFF;
	p2 =	slt.u32 s8, $0xFFFFF086  }
0x1c: {  	p1 =	slt.u32 s9, $0xF7A;
	s5 =	simm.s32 @!p2 $0x0  }
0x1d: {  	s5 =	simm.s32 @p1 $0x1;
	p0 =	seq.s32 s7, s2  }
0x1e: {  	s7 =	smul.u32 @!p0 $0xF7A, s2;
	p2 =	seq.s32 @!p0 s5, $0x0  }
0x1f: {  	s9 =	smul.u32 $0xF7A, s1;
	s8 =	simm.s32 @!p0 $0x1BF5;
	p2 =	por !p2, p0  }
0x20: {  	[sflag:s8] =	ssyncset.s32 @!p0 $0xFFFFF086;
	s6 =	sadd.s32 @!p0 s3, s7;
	s7 =	simm.s32 @!p0 $0x108  }
0x21: {  	s3 =	sadd.s32 s3, s9;
	s6 =	sadd.s32 @!p0 $0x88, s6;
	s7 =	simm.s32 @p2 $0x1082  }
0x22: {  	[simem:s7], [sflag:s8] =	dma.local @!p0 [hbm:s6], $0xF7A  }
0x23: {  	s9 =	sor.u32 $0xD0000000, s2;
	s6 =	simm.s32 $0x108;
	_ =	swait.ge @!p0 [sflag:s8], $0x0  }
0x24: {  	s3 =	sadd.s32 $0x88, s3;
	s6 =	simm.s32 @!p1 $0x1082;
	[sflag:s4] =	ssyncset.s32 $0xFFFFF086  }
0x25: {  	[simem:s6], [sflag:s4] =	dma.local [hbm:s3], $0xF7A  }
0x26: {  	[smem:$0x3F7C] =	sst s1;
	(tag) =	ssettag s2;
	_ =	strace s9  }
0x27: {  	s1 =	sld [smem:$0x3F8C]  }
0x28: {  	s2 =	sld [smem:$0x3F8D]  }
0x29: {  	s4 =	sld [smem:$0x3F8F]  }
0x2a: {  	p0 =	seq.s32 s5, $0x0;
	s5 =	sld [smem:$0x3F90]  }
0x2b: {  	s6 =	sld [smem:$0x3F91]  }
0x2c: {  	s7 =	sld [smem:$0x3F92]  }
0x2d: {  	s3 =	simm.s32 $0x108;
	s8 =	sld [smem:$0x3F93]  }
0x2e: {  	s3 =	simm.s32 @!p0 $0x1082;
	s9 =	sld [smem:$0x3F94]  }
0x2f: {  	lr =	sadd.s32 s0, s3;
	s0 =	sld [smem:$0x3F8B]  }
0x30: {  	s3 =	sld [smem:$0x3F8E]  }
0x31: {  	[smem:$0x3F97] =	sst s10  }
0x32: {  	s10 =	sld [smem:$0x3F95];
	_ =	sdelay $0x3  }
0x33: {  	p0 =	seq.s32 s10, $0x1;
	s10 =	sld [smem:$0x3F97];
	_ =	sdelay $0x3  }
0x34: {  	[smem:$0x3F97] =	sst s10  }
0x35: {  	s10 =	sld [smem:$0x3F96];
	_ =	sdelay $0x3  }
0x36: {  	p1 =	seq.s32 s10, $0x1;
	s10 =	sld [smem:$0x3F97];
	_ =	sdelay $0x3  }
0x37: {  	[smem:$0x3F97] =	sst s10  }
0x38: {  	s10 =	sld [smem:$0x3F98]  }
0x39: {  	_ = 	snop;
	(pc) =	sbr.ind lr, $3  }
0x3a: {  	_ = 	snop  }
0x3b: {  	_ = 	snop  }
0x3c: {  	p2 =	seq.s32 s10, $0x1;
	s10 =	sld [smem:$0x3F97]  }
0x3d: {  	_ =	shalt  }
0x3e: {  	_ =	shalt  }
0x3f: {  	_ =	shalt  }
0x40: {  	_ =	shalt  }
0x41: {  	_ =	shalt  }
0x42: {  	_ =	shalt  }
0x43: {  	_ =	shalt  }
0x44: {  	_ =	shalt  }
0x45: {  	_ =	shalt  }
0x46: {  	_ =	shalt  }
0x47: {  	_ =	shalt  }
0x48: {  	_ =	shalt  }
0x49: {  	_ =	shalt  }
0x4a: {  	_ =	shalt  }
0x4b: {  	_ =	shalt  }
0x4c: {  	_ =	shalt  }
0x4d: {  	_ =	shalt  }
0x4e: {  	_ =	shalt  }
0x4f: {  	_ =	shalt  }
0x50: {  	_ =	shalt  }
0x51: {  	_ =	shalt  }
0x52: {  	_ =	shalt  }
0x53: {  	_ =	shalt  }
0x54: {  	_ =	shalt  }
0x55: {  	_ =	shalt  }
0x56: {  	_ =	shalt  }
0x57: {  	_ =	shalt  }
0x58: {  	_ =	shalt  }
0x59: {  	_ =	shalt  }
0x5a: {  	_ =	shalt  }
0x5b: {  	_ =	shalt  }
0x5c: {  	_ =	shalt  }
0x5d: {  	_ =	shalt  }
0x5e: {  	_ =	shalt  }
0x5f: {  	_ =	shalt  }
0x60: {  	_ =	shalt  }
0x61: {  	_ =	shalt  }
0x62: {  	_ =	shalt  }
0x63: {  	_ =	shalt  }
0x64: {  	_ =	shalt  }
0x65: {  	_ =	shalt  }
0x66: {  	_ =	shalt  }
0x67: {  	_ =	shalt  }
0x68: {  	_ =	shalt  }
0x69: {  	_ =	shalt  }
0x6a: {  	_ =	shalt  }
0x6b: {  	_ =	shalt  }
0x6c: {  	_ =	shalt  }
0x6d: {  	_ =	shalt  }
0x6e: {  	_ =	shalt  }
0x6f: {  	_ =	shalt  }
0x70: {  	_ =	shalt  }
0x71: {  	_ =	shalt  }
0x72: {  	_ =	shalt  }
0x73: {  	_ =	shalt  }
0x74: {  	_ =	shalt  }
0x75: {  	_ =	shalt  }
0x76: {  	_ =	shalt  }
0x77: {  	_ =	shalt  }
0x78: {  	_ =	shalt  }
0x79: {  	_ =	shalt  }
0x7a: {  	_ =	shalt  }
0x7b: {  	_ =	shalt  }
0x7c: {  	_ =	shalt  }
0x7d: {  	_ =	shalt  }
0x7e: {  	_ =	shalt  }
0x7f: {  	_ =	shalt  }
0x80: {  	_ =	shalt  }
0x81: {  	_ =	shalt  }
0x82: {  	_ =	shalt  }
0x83: {  	_ =	shalt  }
0x84: {  	_ =	shalt  }
0x85: {  	_ =	shalt  }
0x86: {  	_ =	shalt  }
0x87: {  	_ =	shalt  }
.Lfunc_end0:
.L_simem_size_0:
called_computation_lowered:
.L_overlay_start_0:
0x88: {  	s2 =	sld [smem:$0x3FD9]  }
0x89: {  	s3 =	sld [smem:$0x3FFE];
	_ =	sdelay $0x1  }
0x8a: {  	s1 =	srdreg.scid  }
0x8b: {  	s0 =	sand.u32 $0x1, s1  }
0x8c: {  	s16 =	sshll.u32 s0, $0xA;
	s2 =	sadd.s32 s3, s2  }
0x8d: {  	s2 =	sadd.s32 s2, s16  }
0x8e: {  	[smem:$0x3FA3] =	sst s2  }
0x8f: {  	_ = 	snop  }
0x90: {  	(tm) =	ssettm $0x1  }
0x91: {  	s17 =	sld [smem:$0x3FFB];
	_ =	sdelay $0x3  }
0x92: {  	_ =	strace s17  }
0x93: {  	s2 =	sld [smem:$0x3FFC];
	_ =	sdelay $0x3  }
0x94: {  	_ =	strace s2  }
0x95: {  	s2 =	sld [smem:$0x3FFD];
	_ =	sdelay $0x3  }
0x96: {  	_ =	strace s2  }
0x97: {  	_ =	strace $0x8FFFFFFF  }
0x98: {  	s18 =	sld [smem:$0x3FDB];
	_ =	sdelay $0x1  }
0x99: {  	s19 =	simm.s32 $_scs_section_size  }
0x9a: {  	s4 =	simm.s32 $_size__tile_overlayer_lowered;
	s5 =	simm.s32 $_tile_overlayer_lowered  }
0x9b: {  	s22 =	simm.s32 $0x1BFF;
	s21 =	sshll.u32 s5, $0x1;
	s2 =	sadd.s32 s19, s18  }
0x9c: {  	s6 =	simm.s32 $0x0;
	s20 =	sshll.u32 s4, $0x1;
	s4 =	sadd.s32 s21, s2  }
0x9d: {  	[timem:s6], [sflag:s22] =	dma.local [hbm:s4], s20  }
0x9e: {  	_ =	swait.ge [sflag:s22], s20  }
0x9f: {  	s3 =	ssub.s32 $0x0, s20;
	[sflag:s22] =	ssyncset.done $0x0  }
0xa0: {  	[sflag:s22] =	ssyncadd.s32 s3;
	_ =	sdelay $0x1  }
0xa1: {  	s23 =	simm.s32 $0x1B8B  }
0xa2: {  	_ =	swait.ge [sflag:s23], $0x1  }
0xa3: {  	[sflag:s23] =	ssyncset.done $0x0  }
0xa4: {  	s25 =	simm.s32 $0x1B8E;
	s24 =	sld [smem:$0x3FFE];
	[sflag:s23] =	ssyncadd.s32 $0xFFFFFFFF  }
0xa5: {  	s26 =	simm.s32 $execute0_lowered;
	[smem:$0x3FD2] =	sst s25  }
0xa6: {  	s4 =	sshll.u32 s26, $0x1;
	_ =	strace $0x80000046;
	[dreg:$0x1] =	wrdreg $0xFFFFFFFF  }
0xa7: {  	s28 =	simm.s32 $_size_execute0_lowered;
	s2 =	sadd.s32 s2, s4;
	[dreg:$0x0] =	wrdreg $0x0  }
0xa8: {  	s4 =	sshll.u32 s28, $0x1;
	[dreg:$0x2] =	wrdreg s2  }
0xa9: {  	[dreg:$0x3] =	wrdreg s4  }
0xaa: {  	[dreg:$0x4] =	wrdreg $0xC0  }
0xab: {  	_ =	task [dreg:s6], $0x5FFFF  }
0xac: {  	[dreg:$0x1] =	wrdreg $0xFFFFFFFF  }
0xad: {  	[dreg:$0x0] =	wrdreg $0x60  }
0xae: {  	[dreg:$0x2] =	wrdreg s24  }
0xaf: {  	[dreg:$0x3] =	wrdreg $0x14F000  }
0xb0: {  	[dreg:$0x4] =	wrdreg $0x19F000  }
0xb1: {  	[dreg:$0x5] =	wrdreg $0x9  }
0xb2: {  	_ =	task.clear_ibuf [dreg:s6], $0x6FFFF;
	_ =	strace $0x90000046  }
0xb3: {  	s29 =	simm.s32 $0x9;
	_ =	strace $0x80000048  }
0xb4: {  	_ =	swait.ge [sflag:s29], $0x1  }
0xb5: {  	[sflag:s29] =	ssyncadd.s32 $0xFFFFFFFF  }
0xb6: {  	_ =	strace $0x90000048  }
0xb7: {  	_ =	sfence  }
0xb8: {  	s30 =	sld [smem:$0x0];
	_ =	sdelay $0x2  }
0xb9: {  	s31 =	sshll.u32 s1, $0xD;
	s1 =	sshrl.u32 s1, $0x2  }
0xba: {  	s3 =	sand.u32 $0x4000, s31;
	s1 =	sadd.s32 s1, s30  }
0xbb: {  	s0 =	sor.u32 s3, s0;
	s1 =	sshll.u32 s1, $0x11  }
0xbc: {  	s0 =	sor.u32 s1, s0  }
0xbd: {  	s0 =	sadd.s32 $0x8F2B, s0  }
0xbe: {  	[sflag:s0] =	ssyncadd.remote.s32 $0x1  }
0xbf: {  	_ =	sfence.sel $0xFFFF  }
0xc0: {  	[dreg:$0x0] =	wrdreg $0xFFFFFFFF;
	(pc) =	sbr.abs _section_cstart, $3  }
0xc1: {  	[dreg:$0x1] =	wrdreg $0xFFFFFFFF  }
0xc2: {  	_ =	task.clear_ibuf [dreg:s6], $0x2FFFF;
	_ =	strace $0x9FFFFFFF  }
0xc3: {  	(tm) =	ssettm $0x7FFFFFFF  }
tec
execute0_lowered:
.L_overlay_start_1:
0x0: {  	(tag) =	ssettag $0x1  }
0x1: {  	s0 =	srdreg.scid  }
0x2: {  	s1 =	rddreg [dreg:$0x0];
	s9 =	stileid.u32  }
0x3: {  	s2 =	rddreg [dreg:$0x1];
	s4 =	simm.s32 $0x0;
	s15 =	simm.s32 $0x47  }
0x4: {  	s19 =	simm.s32 $0x2780;
	s20 =	simm.s32 $0x80;
	s22 =	simm.s32 $0xBF00  }
0x5: {  	s23 =	simm.s32 $0x1;
	s24 =	simm.s32 $0x2;
	s25 =	simm.s32 $0x0  }
0x6: {  	s0 =	sand.u32 $0x1, s0;
	s7 =	smul.u32 $0x5000, s9;
	[smem:$0x7FF] =	sst s4  }
0x7: {  	s31 =	sshll.u32 s9, $0x6;
	s3 =	sshll.u32 s0, $0x4;
	s26 =	smul.u32 $0x50000, s0  }
0x8: {  	s0 =	ssub.s32 $0x2, s0;
	s16 =	sor.u32 s9, s3;
	s3 =	rddreg [dreg:$0x2]  }
0x9: {  	_ =	strace $0x80000047;
	s29 =	sshrl.u32 s7, $0x3;
	s30 =	sshrl.u32 s0, $0x1  }
0xa: {  	s17 =	sadd.s32 s7, s2;
	s5 =	smul.u32 $0x4E, s16;
	s6 =	smin.u32 s16, $0x4  }
0xb: {  	s28 =	sadd.s32 s7, s26;
	s8 =	sadd.s32 s29, s1;
	s0 =	ssub.s32 s0, s30  }
0xc: {  	s18 =	sadd.s32 s7, s3;
	p0 =	slt.u32 s16, $0x4;
	s5 =	sadd.s32 s6, s5  }
0xd: {  	s7 =	sadd.s32 $0x1BA00, s8;
	s15 =	simm.s32 @!p0 $0x46;
	s5 =	sshll.u32 s5, $0x4  }
0xe: {  	s14 =	smax.u32 s0, $0x1;
	s12 =	sadd.s32 s5, s1;
	s5 =	sshrl.u32 s28, $0x3  }
0xf: {  	s18 =	sshrl.u32 s18, $0x3;
	s6 =	sor.u32 $0x1C03, s31;
	s1 =	sadd.s32 s5, s1  }
0x10: {  	s5 =	sadd.s32 $0x25A00, s8;
	s8 =	simm.s32 $0x4F;
	s9 =	sadd.s32 $0x8000, s12  }
0x11: {  	s10 =	sadd.s32 $0x11C40, s12;
	s11 =	sadd.s32 $0x84E0, s12;
	s12 =	sadd.s32 $0x12120, s12  }
0x12: {  	s8 =	simm.s32 @!p0 $0x4E;
	s13 =	sadd.s32 $0x2FA00, s1;
	p0 =	sgt.u32 s16, $0x3  }
0x13: {  	s16 =	sshrl.u32 s17, $0x3;
	s17 =	simm.s32 $0x3;
	s15 =	ssub.s32 s8, s15  }
.LBB2_1:
0x14: {  	[spmem:s16], [sflag:s6] =	dma.local [hbm:s5], $0xA00  }
0x15: {  	_ =	swait.ge [sflag:s17], $0xA00  }
0x16: {  	[sflag:s17] =	ssyncset.done $0x0  }
0x17: {  	[sflag:s17] =	ssyncadd.s32 $0xFFFFF600  }
0x18: {  	[spmem:s18], [sflag:s6] =	dma.local [hbm:s7], $0xA00  }
0x19: {  	_ =	swait.ge [sflag:s17], $0xA00  }
0x1a: {  	[sflag:s17] =	ssyncset.done $0x0  }
0x1b: {  	[sflag:s17] =	ssyncadd.s32 $0xFFFFF600  }
0x1c: {  	[tilespmem:s4], [sflag:$0x3] =	stream.linear.gather [hbm4b:s9+s4], $0x2700, $0x38;
	[tilespmem:$0x1EF00] =	vst v63  }
0x1d: {  	_ =	swait.ge [sflag:s17], $0x2700  }
0x1e: {  	[sflag:s17] =	ssyncset.done $0x0  }
0x1f: {  	[sflag:s17] =	ssyncadd.s32 $0xFFFFD900  }
0x20: {  	[tilespmem:s19], [sflag:$0x3] =	stream.linear.gather [hbm4b:s10+s4], $0x2700, $0x38;
	[tilespmem:$0x1EF00] =	vst v63  }
0x21: {  	_ =	swait.ge [sflag:s17], $0x2700  }
0x22: {  	[sflag:s17] =	ssyncset.done $0x0  }
0x23: {  	s0 =	simm.s32 @!p0 $0x0;
	s1 =	simm.s32 @!p0 $0x2700;
	[sflag:s17] =	ssyncadd.s32 $0xFFFFD900  }
0x24: {  	[tilespmem:s1], [sflag:$0x3] =	stream.linear.gather @!p0 [hbm4b:s11+s0], $0x80, $0x38;
	[tilespmem:$0x1EF00] =	vst v63  }
0x25: {  	s1 =	simm.s32 @!p0 $0x3  }
0x26: {  	_ =	swait.ge @!p0 [sflag:s1], $0x80  }
0x27: {  	[sflag:s1] =	ssyncset.done @!p0 $0x0  }
0x28: {  	s21 =	simm.s32 @!p0 $0x4E80;
	[sflag:s1] =	ssyncadd.s32 @!p0 $0xFFFFFF80  }
0x29: {  	[tilespmem:s21], [sflag:$0x3] =	stream.linear.gather @!p0 [hbm4b:s12+s0], $0x80, $0x38;
	[tilespmem:$0x1EF00] =	vst v63  }
0x2a: {  	_ =	swait.ge @!p0 [sflag:s1], $0x80  }
0x2b: {  	[sflag:s1] =	ssyncset.done @!p0 $0x0  }
0x2c: {  	[sflag:s1] =	ssyncadd.s32 @!p0 $0xFFFFFF80  }
0x2d: {  	s26 =	simm.s32 $0x4F00;
	[bflag:$0x0] =	sbarrier.arrive $0xFFFF  }
0x2e: {  	[tilespmem:s26], [sflag:$0x1] =	stream.indirect.gather [spmem:s3], $0x20, s4, s20, $0xb8;
	[tilespmem:$0x1EF00] =	vst v63  }
0x2f: {  	s1 =	simm.s32 $0x5F00  }
0x30: {  	[tilespmem:s1], [sflag:$0x1] =	stream.indirect.gather [spmem:s3], $0x20, s20, s20, $0xb8;
	[tilespmem:$0x1EF00] =	vst v63  }
0x31: {  	s21 =	simm.s32 $0x100;
	s26 =	simm.s32 $0x6F00  }
0x32: {  	[tilespmem:s26], [sflag:$0x1] =	stream.indirect.gather [spmem:s3], $0x20, s21, s20, $0xb8;
	[tilespmem:$0x1EF00] =	vst v63  }
0x33: {  	s21 =	simm.s32 $0x180;
	s26 =	simm.s32 $0x7F00  }
0x34: {  	[tilespmem:s26], [sflag:$0x1] =	stream.indirect.gather [spmem:s3], $0x20, s21, s20, $0xb8;
	[tilespmem:$0x1EF00] =	vst v63  }
0x35: {  	s28 =	simm.s32 $0x400;
	s21 =	simm.s32 $0x200;
	s26 =	simm.s32 $0x8F00  }
0x36: {  	[tilespmem:s26], [sflag:$0x1] =	stream.indirect.gather [spmem:s3], $0x20, s21, s20, $0xb8;
	[tilespmem:$0x1EF00] =	vst v63  }
0x37: {  	p1 =	por $0x1, $0x1;
	s21 =	simm.s32 $0x280;
	s26 =	simm.s32 $0x9F00  }
0x38: {  	[tilespmem:s26], [sflag:$0x1] =	stream.indirect.gather [spmem:s3], $0x20, s21, s20, $0xb8;
	[tilespmem:$0x1EF00] =	vst v63  }
0x39: {  	s29 =	simm.s32 $0x2800;
	s21 =	simm.s32 $0x300;
	s26 =	simm.s32 $0xAF00  }
0x3a: {  	[tilespmem:s26], [sflag:$0x1] =	stream.indirect.gather [spmem:s3], $0x20, s21, s20, $0xb8;
	[tilespmem:$0x1EF00] =	vst v63  }
0x3b: {  	p2 =	sle.u32 s8, $0x8;
	s1 =	simm.s32 $0x380;
	s21 =	simm.s32 $0x0  }
0x3c: {  	[tilespmem:s22], [sflag:$0x1] =	stream.indirect.gather [spmem:s3], $0x20, s1, s20, $0xb8;
	[tilespmem:$0x1EF00] =	vst v63  }
0x3d: {  	p3 =	sne.s32 s8, $0x1;
	s0 =	sand.u32 $0x3C000, s21;
	_ =	swait.ge [sflag:s23], $0x1000  }
0x3e: {  	s26 =	simm.s32 $0x20000;
	s0 =	sshrl.u32 s0, $0x2;
	[sflag:s23] =	ssyncset.done $0x0  }
.Ltmp0:
0x3f: {  	s0 =	sadd.s32 $0x4F00, s0;
	[sflag:s23] =	ssyncadd.s32 $0xFFFFF000;
	(pc) =	sbr.rel @!p3 .LBB2_3-.Ltmp0, $4  }
0x40: {  	[spmem:s2] =	stream.indirect.scatter.add.f32 [tilespmem:s0], [sflag:$0x2], $0x20, s19, s20, $0xb8;
	[tilespmem:$0x1EF00] =	vst v63  }
0x41: {  	s31 =	simm.s32 $0x1;
	s1 =	simm.s32 @!p1 $0x2;
	s0 =	sand.u32 @!p2 $0x3C000, s26  }
0x42: {  	s30 =	simm.s32 $0x400;
	_ =	swait.ge @!p1 [sflag:s1], $0x1000;
	s0 =	sshrl.u32 @!p2 s0, $0x2  }
0x43: {  	s21 =	simm.s32 @!p2 $0x80;
	[sflag:s1] =	ssyncset.done @!p1 $0x0;
	s0 =	sadd.s32 @!p2 $0x4F00, s0  }
.LBB2_2:
0x44: {  	[sflag:s1] =	ssyncadd.s32 @!p1 $0xFFFFF000  }
0x45: {  	s26 =	sadd.s32 $0x4000, s26;
	s30 =	sadd.s32 $0x80, s30;
	p1 =	slt.u32 s31, $0x8  }
0x46: {  	[tilespmem:s0], [sflag:$0x1] =	stream.indirect.gather @!p2 [spmem:s3], $0x20, s28, s21, $0xb8;
	[tilespmem:$0x1EF00] =	vst v63  }
0x47: {  	s28 =	smov.u32 s30;
	s0 =	smov.u32 s29;
	s1 =	sadd.s32 $0xFFFE0000, s26  }
0x48: {  	s29 =	sadd.s32 $0x80, s29;
	s21 =	sadd.s32 $0x8, s31;
	s1 =	sand.u32 $0x3C000, s1  }
0x49: {  	p2 =	sge.u32 s21, s8;
	s31 =	sadd.s32 $0xFFFFFFF9, s21;
	_ =	swait.ge [sflag:s23], $0x1000  }
0x4a: {  	s1 =	sshrl.u32 s1, $0x2;
	p3 =	sne.s32 s31, s8;
	[sflag:s23] =	ssyncset.done $0x0  }
.Ltmp1:
0x4b: {  	s1 =	sadd.s32 $0x4F00, s1;
	[sflag:s23] =	ssyncadd.s32 $0xFFFFF000;
	(pc) =	sbr.rel @p3 .LBB2_2-.Ltmp1, $4  }
0x4c: {  	[spmem:s2] =	stream.indirect.scatter.add.f32 [tilespmem:s1], [sflag:$0x2], $0x20, s0, s20, $0xb8;
	[tilespmem:$0x1EF00] =	vst v63  }
0x4d: {  	s1 =	simm.s32 @!p1 $0x2;
	s0 =	sand.u32 @!p2 $0x3C000, s26  }
0x4e: {  	s0 =	sshrl.u32 @!p2 s0, $0x2;
	_ =	swait.ge @!p1 [sflag:s1], $0x1000  }
0x4f: {  	s21 =	simm.s32 @!p2 $0x80;
	s0 =	sadd.s32 @!p2 $0x4F00, s0;
	[sflag:s1] =	ssyncset.done @!p1 $0x0  }
.LBB2_3:
0x50: {  	[sflag:s1] =	ssyncadd.s32 @!p1 $0xFFFFF000;
	p1 =	sne.s32 s15, $0x1  }
.Ltmp2:
0x51: {  	_ = 	snop;
	(pc) =	sbr.rel @!p1 .LBB2_5-.Ltmp2, $4  }
0x52: {  	_ = 	snop  }
0x53: {  	[tilespmem:s0], [sflag:$0x1] =	stream.indirect.gather @!p2 [spmem:s3], $0x20, s28, s21, $0xb8;
	[tilespmem:$0x1EF00] =	vst v63  }
0x54: {  	_ =	swait.ge [sflag:s24], $0x1000  }
0x55: {  	s1 =	sadd.s32 $0xFFFFFFFF, s15;
	[sflag:s24] =	ssyncset.done $0x0  }
.LBB2_4:
0x56: {  	p1 =	sne.s32 s1, $0x1;
	s1 =	sadd.s32 $0xFFFFFFFF, s1;
	[sflag:s24] =	ssyncadd.s32 $0xFFFFF000  }
.Ltmp3:
0x57: {  	(pc) =	sbr.rel @p1 .LBB2_4-.Ltmp3, $3  }
0x58: {  	_ =	sdelay $0x1  }
0x59: {  	_ =	swait.ge [sflag:s24], $0x1000  }
0x5a: {  	[sflag:s24] =	ssyncset.done $0x0  }
.LBB2_5:
0x5b: {  	s25 =	sadd.s32 $0x1, s25  }
0x5c: {  	[sflag:s24] =	ssyncadd.s32 $0xFFFFF000;
	p1 =	sne.s32 s25, s14  }
.Ltmp4:
0x5d: {  	[bflag:$0x0] =	sbarrier.arrive $0xFFFF;
	(pc) =	sbr.rel @p1 .LBB2_1-.Ltmp4, $4  }
0x5e: {  	[hbm:s13], [sflag:s6] =	dma.local [spmem:s16], $0xA00  }
0x5f: {  	_ =	swait.ge [sflag:s17], $0xA00  }
0x60: {  	[sflag:s17] =	ssyncset.done $0x0  }
0x61: {  	[sflag:s17] =	ssyncadd.s32 $0xFFFFF600  }
0x62: {  	_ =	sfence.sel $0x180000  }
0x63: {  	[bflag:$0x0] =	sbarrier.arrive $0xFFFF  }
0x64: {  	_ =	strace $0x90000047  }
0x65: {  	s0 =	stileid.u32;
	[bflag:$0x2] =	sbarrier.arrive $0xFFFF  }
0x66: {  	p0 =	sne.s32 s0, $0x0;
	s0 =	rddreg [dreg:$0x3]  }
0x67: {  	s0 =	sadd.s32 @!p0 $0x100000, s0  }
0x68: {  	[sflag:s0] =	ssyncadd.tile.s32 @!p0 $0x1;
	_ =	shalt  }
.Lfunc_end2:
_tile_overlayer_lowered:
.L_overlay_start_2:
0x69: {  	(tag) =	ssettag $0x2  }
0x6a: {  	s0 =	rddreg [dreg:$0x0];
	s2 =	stileid.u32  }
0x6b: {  	s1 =	rddreg [dreg:$0x1];
	p0 =	sne.s32 s2, $0x0  }
0x6c: {  	s3 =	rddreg [dreg:$0x2];
	[bflag:$0x3] =	sbarrier.arrive $0xFFFF;
	s2 =	simm.s32 @!p0 $0x1C03  }
0x6d: {  	[timem:s3], [sflag:s2] =	dma.local @!p0 [hbm:s0], s1  }
0x6e: {  	s0 =	simm.s32 @!p0 $0x3  }
0x6f: {  	_ =	swait.ge @!p0 [sflag:s0], s1  }
0x70: {  	s1 =	ssub.s32 @!p0 $0x0, s1;
	[sflag:s0] =	ssyncset.done @!p0 $0x0  }
0x71: {  	[sflag:s0] =	ssyncadd.s32 @!p0 s1  }
0x72: {  	[bflag:$0x3] =	sbarrier.arrive $0xFFFF  }
0x73: {  	_ =	shalt  }

// kernel: kernel.18.cloned.1.call-start
scs
__scs_entry_jumppad:
0x0: {  	(pc) =	sbr.rel $0x88, $3  }
0x1: {  	(tag) =	ssettag $0x0;
	lr =	simm.s32 $0x1  }
0x2: {  	[smem:$0x3F7C] =	sst lr;
	_ =	strace $0xD0000000  }
0x3: {  	_ = 	snop  }
0x4: {  	_ = 	snop  }
0x5: {  	_ = 	snop  }
0x6: {  	_ = 	snop  }
0x7: {  	_ = 	snop  }
__scs_overlays_trampoline_lowered:
0x8: {  	[smem:$0x3F8B] =	sst s0  }
0x9: {  	[smem:$0x3F8C] =	sst s1  }
0xa: {  	[smem:$0x3F8D] =	sst s2  }
0xb: {  	[smem:$0x3F8E] =	sst s3  }
0xc: {  	[smem:$0x3F8F] =	sst s4  }
0xd: {  	[smem:$0x3F90] =	sst s5  }
0xe: {  	[smem:$0x3F91] =	sst s6  }
0xf: {  	[smem:$0x3F92] =	sst s7  }
0x10: {  	[smem:$0x3F93] =	sst s8  }
0x11: {  	[smem:$0x3F94] =	sst s9;
	s0 =	simm.s32 @!p0 $0x0  }
0x12: {  	s1 =	sld [smem:$0x3F7A];
	s0 =	simm.s32 @p0 $0x1  }
0x13: {  	[smem:$0x3F95] =	sst s0;
	s0 =	simm.s32 @!p1 $0x0  }
0x14: {  	s2 =	sld [smem:$0x3F79];
	s0 =	simm.s32 @p1 $0x1  }
0x15: {  	[smem:$0x3F96] =	sst s0;
	s0 =	simm.s32 @!p2 $0x0  }
0x16: {  	s3 =	sld [smem:$0x3FDB];
	s0 =	simm.s32 @p2 $0x1  }
0x17: {  	s4 =	simm.s32 $0x1BF5;
	[smem:$0x3F98] =	sst s0  }
0x18: {  	s0 =	sld [smem:$0x3F7B];
	_ =	swait.ge [sflag:s4], $0x0  }
0x19: {  	s7 =	sld [smem:$0x3F7C]  }
0x1a: {  	s8 =	sadd.s32 $0xFFFFE003, lr  }
0x1b: {  	s9 =	sadd.s32 $0xFFFFFEF7, lr;
	s5 =	simm.s32 $0xFFFFFFFF;
	p2 =	slt.u32 s8, $0xFFFFF086  }
0x1c: {  	p1 =	slt.u32 s9, $0xF7A;
	s5 =	simm.s32 @!p2 $0x0  }
0x1d: {  	s5 =	simm.s32 @p1 $0x1;
	p0 =	seq.s32 s7, s2  }
0x1e: {  	s7 =	smul.u32 @!p0 $0xF7A, s2;
	p2 =	seq.s32 @!p0 s5, $0x0  }
0x1f: {  	s9 =	smul.u32 $0xF7A, s1;
	s8 =	simm.s32 @!p0 $0x1BF5;
	p2 =	por !p2, p0  }
0x20: {  	[sflag:s8] =	ssyncset.s32 @!p0 $0xFFFFF086;
	s6 =	sadd.s32 @!p0 s3, s7;
	s7 =	simm.s32 @!p0 $0x108  }
0x21: {  	s3 =	sadd.s32 s3, s9;
	s6 =	sadd.s32 @!p0 $0x88, s6;
	s7 =	simm.s32 @p2 $0x1082  }
0x22: {  	[simem:s7], [sflag:s8] =	dma.local @!p0 [hbm:s6], $0xF7A  }
0x23: {  	s9 =	sor.u32 $0xD0000000, s2;
	s6 =	simm.s32 $0x108;
	_ =	swait.ge @!p0 [sflag:s8], $0x0  }
0x24: {  	s3 =	sadd.s32 $0x88, s3;
	s6 =	simm.s32 @!p1 $0x1082;
	[sflag:s4] =	ssyncset.s32 $0xFFFFF086  }
0x25: {  	[simem:s6], [sflag:s4] =	dma.local [hbm:s3], $0xF7A  }
0x26: {  	[smem:$0x3F7C] =	sst s1;
	(tag) =	ssettag s2;
	_ =	strace s9  }
0x27: {  	s1 =	sld [smem:$0x3F8C]  }
0x28: {  	s2 =	sld [smem:$0x3F8D]  }
0x29: {  	s4 =	sld [smem:$0x3F8F]  }
0x2a: {  	p0 =	seq.s32 s5, $0x0;
	s5 =	sld [smem:$0x3F90]  }
0x2b: {  	s6 =	sld [smem:$0x3F91]  }
0x2c: {  	s7 =	sld [smem:$0x3F92]  }
0x2d: {  	s3 =	simm.s32 $0x108;
	s8 =	sld [smem:$0x3F93]  }
0x2e: {  	s3 =	simm.s32 @!p0 $0x1082;
	s9 =	sld [smem:$0x3F94]  }
0x2f: {  	lr =	sadd.s32 s0, s3;
	s0 =	sld [smem:$0x3F8B]  }
0x30: {  	s3 =	sld [smem:$0x3F8E]  }
0x31: {  	[smem:$0x3F97] =	sst s10  }
0x32: {  	s10 =	sld [smem:$0x3F95];
	_ =	sdelay $0x3  }
0x33: {  	p0 =	seq.s32 s10, $0x1;
	s10 =	sld [smem:$0x3F97];
	_ =	sdelay $0x3  }
0x34: {  	[smem:$0x3F97] =	sst s10  }
0x35: {  	s10 =	sld [smem:$0x3F96];
	_ =	sdelay $0x3  }
0x36: {  	p1 =	seq.s32 s10, $0x1;
	s10 =	sld [smem:$0x3F97];
	_ =	sdelay $0x3  }
0x37: {  	[smem:$0x3F97] =	sst s10  }
0x38: {  	s10 =	sld [smem:$0x3F98]  }
0x39: {  	_ = 	snop;
	(pc) =	sbr.ind lr, $3  }
0x3a: {  	_ = 	snop  }
0x3b: {  	_ = 	snop  }
0x3c: {  	p2 =	seq.s32 s10, $0x1;
	s10 =	sld [smem:$0x3F97]  }
0x3d: {  	_ =	shalt  }
0x3e: {  	_ =	shalt  }
0x3f: {  	_ =	shalt  }
0x40: {  	_ =	shalt  }
0x41: {  	_ =	shalt  }
0x42: {  	_ =	shalt  }
0x43: {  	_ =	shalt  }
0x44: {  	_ =	shalt  }
0x45: {  	_ =	shalt  }
0x46: {  	_ =	shalt  }
0x47: {  	_ =	shalt  }
0x48: {  	_ =	shalt  }
0x49: {  	_ =	shalt  }
0x4a: {  	_ =	shalt  }
0x4b: {  	_ =	shalt  }
0x4c: {  	_ =	shalt  }
0x4d: {  	_ =	shalt  }
0x4e: {  	_ =	shalt  }
0x4f: {  	_ =	shalt  }
0x50: {  	_ =	shalt  }
0x51: {  	_ =	shalt  }
0x52: {  	_ =	shalt  }
0x53: {  	_ =	shalt  }
0x54: {  	_ =	shalt  }
0x55: {  	_ =	shalt  }
0x56: {  	_ =	shalt  }
0x57: {  	_ =	shalt  }
0x58: {  	_ =	shalt  }
0x59: {  	_ =	shalt  }
0x5a: {  	_ =	shalt  }
0x5b: {  	_ =	shalt  }
0x5c: {  	_ =	shalt  }
0x5d: {  	_ =	shalt  }
0x5e: {  	_ =	shalt  }
0x5f: {  	_ =	shalt  }
0x60: {  	_ =	shalt  }
0x61: {  	_ =	shalt  }
0x62: {  	_ =	shalt  }
0x63: {  	_ =	shalt  }
0x64: {  	_ =	shalt  }
0x65: {  	_ =	shalt  }
0x66: {  	_ =	shalt  }
0x67: {  	_ =	shalt  }
0x68: {  	_ =	shalt  }
0x69: {  	_ =	shalt  }
0x6a: {  	_ =	shalt  }
0x6b: {  	_ =	shalt  }
0x6c: {  	_ =	shalt  }
0x6d: {  	_ =	shalt  }
0x6e: {  	_ =	shalt  }
0x6f: {  	_ =	shalt  }
0x70: {  	_ =	shalt  }
0x71: {  	_ =	shalt  }
0x72: {  	_ =	shalt  }
0x73: {  	_ =	shalt  }
0x74: {  	_ =	shalt  }
0x75: {  	_ =	shalt  }
0x76: {  	_ =	shalt  }
0x77: {  	_ =	shalt  }
0x78: {  	_ =	shalt  }
0x79: {  	_ =	shalt  }
0x7a: {  	_ =	shalt  }
0x7b: {  	_ =	shalt  }
0x7c: {  	_ =	shalt  }
0x7d: {  	_ =	shalt  }
0x7e: {  	_ =	shalt  }
0x7f: {  	_ =	shalt  }
0x80: {  	_ =	shalt  }
0x81: {  	_ =	shalt  }
0x82: {  	_ =	shalt  }
0x83: {  	_ =	shalt  }
0x84: {  	_ =	shalt  }
0x85: {  	_ =	shalt  }
0x86: {  	_ =	shalt  }
0x87: {  	_ =	shalt  }
.Lfunc_end0:
.L_simem_size_0:
called_computation.1_lowered:
.L_overlay_start_0:
0x88: {  	s2 =	sld [smem:$0x3FD9]  }
0x89: {  	s3 =	sld [smem:$0x3FFE];
	_ =	sdelay $0x1  }
0x8a: {  	s1 =	srdreg.scid  }
0x8b: {  	s0 =	sand.u32 $0x1, s1  }
0x8c: {  	s16 =	sshll.u32 s0, $0xA;
	s2 =	sadd.s32 s3, s2  }
0x8d: {  	s2 =	sadd.s32 s2, s16  }
0x8e: {  	[smem:$0x3FA3] =	sst s2  }
0x8f: {  	_ = 	snop  }
0x90: {  	(tm) =	ssettm $0x1  }
0x91: {  	s17 =	sld [smem:$0x3FFB];
	_ =	sdelay $0x3  }
0x92: {  	_ =	strace s17  }
0x93: {  	s2 =	sld [smem:$0x3FFC];
	_ =	sdelay $0x3  }
0x94: {  	_ =	strace s2  }
0x95: {  	s2 =	sld [smem:$0x3FFD];
	_ =	sdelay $0x3  }
0x96: {  	_ =	strace s2  }
0x97: {  	_ =	strace $0x8FFFFFFF  }
0x98: {  	s18 =	sld [smem:$0x3FDB];
	_ =	sdelay $0x1  }
0x99: {  	s19 =	simm.s32 $_scs_section_size  }
0x9a: {  	s4 =	simm.s32 $_size__tile_overlayer_lowered;
	s5 =	simm.s32 $_tile_overlayer_lowered  }
0x9b: {  	s22 =	simm.s32 $0x1BFF;
	s21 =	sshll.u32 s5, $0x1;
	s2 =	sadd.s32 s19, s18  }
0x9c: {  	s6 =	simm.s32 $0x0;
	s20 =	sshll.u32 s4, $0x1;
	s4 =	sadd.s32 s21, s2  }
0x9d: {  	[timem:s6], [sflag:s22] =	dma.local [hbm:s4], s20  }
0x9e: {  	_ =	swait.ge [sflag:s22], s20  }
0x9f: {  	s3 =	ssub.s32 $0x0, s20;
	[sflag:s22] =	ssyncset.done $0x0  }
0xa0: {  	[sflag:s22] =	ssyncadd.s32 s3;
	_ =	sdelay $0x1  }
0xa1: {  	s23 =	simm.s32 $0x1B8B  }
0xa2: {  	_ =	swait.ge [sflag:s23], $0x1  }
0xa3: {  	[sflag:s23] =	ssyncset.done $0x0  }
0xa4: {  	s25 =	simm.s32 $0x1B8E;
	s24 =	sld [smem:$0x3FFE];
	[sflag:s23] =	ssyncadd.s32 $0xFFFFFFFF  }
0xa5: {  	s26 =	simm.s32 $execute0_lowered;
	[smem:$0x3FD2] =	sst s25  }
0xa6: {  	s4 =	sshll.u32 s26, $0x1;
	_ =	strace $0x80000049;
	[dreg:$0x1] =	wrdreg $0xFFFFFFFF  }
0xa7: {  	s28 =	simm.s32 $_size_execute0_lowered;
	s2 =	sadd.s32 s2, s4;
	[dreg:$0x0] =	wrdreg $0x0  }
0xa8: {  	s4 =	sshll.u32 s28, $0x1;
	[dreg:$0x2] =	wrdreg s2  }
0xa9: {  	[dreg:$0x3] =	wrdreg s4  }
0xaa: {  	[dreg:$0x4] =	wrdreg $0xC0  }
0xab: {  	_ =	task [dreg:s6], $0x5FFFF  }
0xac: {  	[dreg:$0x1] =	wrdreg $0xFFFFFFFF  }
0xad: {  	[dreg:$0x0] =	wrdreg $0x60  }
0xae: {  	[dreg:$0x2] =	wrdreg s24  }
0xaf: {  	[dreg:$0x3] =	wrdreg $0x14F000  }
0xb0: {  	[dreg:$0x4] =	wrdreg $0x19F000  }
0xb1: {  	[dreg:$0x5] =	wrdreg $0x9  }
0xb2: {  	_ =	task.clear_ibuf [dreg:s6], $0x6FFFF;
	_ =	strace $0x90000049  }
0xb3: {  	s29 =	simm.s32 $0x9;
	_ =	strace $0x8000004B  }
0xb4: {  	_ =	swait.ge [sflag:s29], $0x1  }
0xb5: {  	[sflag:s29] =	ssyncadd.s32 $0xFFFFFFFF  }
0xb6: {  	_ =	strace $0x9000004B  }
0xb7: {  	_ =	sfence  }
0xb8: {  	s30 =	sld [smem:$0x0];
	_ =	sdelay $0x2  }
0xb9: {  	s31 =	sshll.u32 s1, $0xD;
	s1 =	sshrl.u32 s1, $0x2  }
0xba: {  	s3 =	sand.u32 $0x4000, s31;
	s1 =	sadd.s32 s1, s30  }
0xbb: {  	s0 =	sor.u32 s3, s0;
	s1 =	sshll.u32 s1, $0x11  }
0xbc: {  	s0 =	sor.u32 s1, s0  }
0xbd: {  	s0 =	sadd.s32 $0x8F2B, s0  }
0xbe: {  	[sflag:s0] =	ssyncadd.remote.s32 $0x1  }
0xbf: {  	_ =	sfence.sel $0xFFFF  }
0xc0: {  	[dreg:$0x0] =	wrdreg $0xFFFFFFFF;
	(pc) =	sbr.abs _section_cstart, $3  }
0xc1: {  	[dreg:$0x1] =	wrdreg $0xFFFFFFFF  }
0xc2: {  	_ =	task.clear_ibuf [dreg:s6], $0x2FFFF;
	_ =	strace $0x9FFFFFFF  }
0xc3: {  	(tm) =	ssettm $0x7FFFFFFF  }
tec
execute0_lowered:
.L_overlay_start_1:
0x0: {  	(tag) =	ssettag $0x1  }
0x1: {  	s0 =	srdreg.scid  }
0x2: {  	s1 =	rddreg [dreg:$0x0];
	s9 =	stileid.u32  }
0x3: {  	s2 =	rddreg [dreg:$0x1];
	s4 =	simm.s32 $0x0;
	s15 =	simm.s32 $0x47  }
0x4: {  	s19 =	simm.s32 $0x2780;
	s20 =	simm.s32 $0x80;
	s22 =	simm.s32 $0xBF00  }
0x5: {  	s23 =	simm.s32 $0x1;
	s24 =	simm.s32 $0x2;
	s25 =	simm.s32 $0x0  }
0x6: {  	s0 =	sand.u32 $0x1, s0;
	s7 =	smul.u32 $0x5000, s9;
	[smem:$0x7FF] =	sst s4  }
0x7: {  	s31 =	sshll.u32 s9, $0x6;
	s3 =	sshll.u32 s0, $0x4;
	s26 =	smul.u32 $0x50000, s0  }
0x8: {  	s0 =	ssub.s32 $0x2, s0;
	s16 =	sor.u32 s9, s3;
	s3 =	rddreg [dreg:$0x2]  }
0x9: {  	_ =	strace $0x8000004A;
	s29 =	sshrl.u32 s7, $0x3;
	s30 =	sshrl.u32 s0, $0x1  }
0xa: {  	s17 =	sadd.s32 s7, s2;
	s5 =	smul.u32 $0x4E, s16;
	s6 =	smin.u32 s16, $0x4  }
0xb: {  	s28 =	sadd.s32 s7, s26;
	s8 =	sadd.s32 s29, s1;
	s0 =	ssub.s32 s0, s30  }
0xc: {  	s18 =	sadd.s32 s7, s3;
	p0 =	slt.u32 s16, $0x4;
	s5 =	sadd.s32 s6, s5  }
0xd: {  	s7 =	sadd.s32 $0x1BA00, s8;
	s15 =	simm.s32 @!p0 $0x46;
	s5 =	sshll.u32 s5, $0x4  }
0xe: {  	s14 =	smax.u32 s0, $0x1;
	s12 =	sadd.s32 s5, s1;
	s5 =	sshrl.u32 s28, $0x3  }
0xf: {  	s18 =	sshrl.u32 s18, $0x3;
	s6 =	sor.u32 $0x1C03, s31;
	s1 =	sadd.s32 s5, s1  }
0x10: {  	s5 =	sadd.s32 $0x25A00, s8;
	s8 =	simm.s32 $0x4F;
	s9 =	sadd.s32 $0x8000, s12  }
0x11: {  	s10 =	sadd.s32 $0x11C40, s12;
	s11 =	sadd.s32 $0x84E0, s12;
	s12 =	sadd.s32 $0x12120, s12  }
0x12: {  	s8 =	simm.s32 @!p0 $0x4E;
	s13 =	sadd.s32 $0x2FA00, s1;
	p0 =	sgt.u32 s16, $0x3  }
0x13: {  	s16 =	sshrl.u32 s17, $0x3;
	s17 =	simm.s32 $0x3;
	s15 =	ssub.s32 s8, s15  }
.LBB2_1:
0x14: {  	[spmem:s16], [sflag:s6] =	dma.local [hbm:s5], $0xA00  }
0x15: {  	_ =	swait.ge [sflag:s17], $0xA00  }
0x16: {  	[sflag:s17] =	ssyncset.done $0x0  }
0x17: {  	[sflag:s17] =	ssyncadd.s32 $0xFFFFF600  }
0x18: {  	[spmem:s18], [sflag:s6] =	dma.local [hbm:s7], $0xA00  }
0x19: {  	_ =	swait.ge [sflag:s17], $0xA00  }
0x1a: {  	[sflag:s17] =	ssyncset.done $0x0  }
0x1b: {  	[sflag:s17] =	ssyncadd.s32 $0xFFFFF600  }
0x1c: {  	[tilespmem:s4], [sflag:$0x3] =	stream.linear.gather [hbm4b:s9+s4], $0x2700, $0x38;
	[tilespmem:$0x1EF00] =	vst v63  }
0x1d: {  	_ =	swait.ge [sflag:s17], $0x2700  }
0x1e: {  	[sflag:s17] =	ssyncset.done $0x0  }
0x1f: {  	[sflag:s17] =	ssyncadd.s32 $0xFFFFD900  }
0x20: {  	[tilespmem:s19], [sflag:$0x3] =	stream.linear.gather [hbm4b:s10+s4], $0x2700, $0x38;
	[tilespmem:$0x1EF00] =	vst v63  }
0x21: {  	_ =	swait.ge [sflag:s17], $0x2700  }
0x22: {  	[sflag:s17] =	ssyncset.done $0x0  }
0x23: {  	s0 =	simm.s32 @!p0 $0x0;
	s1 =	simm.s32 @!p0 $0x2700;
	[sflag:s17] =	ssyncadd.s32 $0xFFFFD900  }
0x24: {  	[tilespmem:s1], [sflag:$0x3] =	stream.linear.gather @!p0 [hbm4b:s11+s0], $0x80, $0x38;
	[tilespmem:$0x1EF00] =	vst v63  }
0x25: {  	s1 =	simm.s32 @!p0 $0x3  }
0x26: {  	_ =	swait.ge @!p0 [sflag:s1], $0x80  }
0x27: {  	[sflag:s1] =	ssyncset.done @!p0 $0x0  }
0x28: {  	s21 =	simm.s32 @!p0 $0x4E80;
	[sflag:s1] =	ssyncadd.s32 @!p0 $0xFFFFFF80  }
0x29: {  	[tilespmem:s21], [sflag:$0x3] =	stream.linear.gather @!p0 [hbm4b:s12+s0], $0x80, $0x38;
	[tilespmem:$0x1EF00] =	vst v63  }
0x2a: {  	_ =	swait.ge @!p0 [sflag:s1], $0x80  }
0x2b: {  	[sflag:s1] =	ssyncset.done @!p0 $0x0  }
0x2c: {  	[sflag:s1] =	ssyncadd.s32 @!p0 $0xFFFFFF80  }
0x2d: {  	s26 =	simm.s32 $0x4F00;
	[bflag:$0x0] =	sbarrier.arrive $0xFFFF  }
0x2e: {  	[tilespmem:s26], [sflag:$0x1] =	stream.indirect.gather [spmem:s3], $0x20, s4, s20, $0xb8;
	[tilespmem:$0x1EF00] =	vst v63  }
0x2f: {  	s1 =	simm.s32 $0x5F00  }
0x30: {  	[tilespmem:s1], [sflag:$0x1] =	stream.indirect.gather [spmem:s3], $0x20, s20, s20, $0xb8;
	[tilespmem:$0x1EF00] =	vst v63  }
0x31: {  	s21 =	simm.s32 $0x100;
	s26 =	simm.s32 $0x6F00  }
0x32: {  	[tilespmem:s26], [sflag:$0x1] =	stream.indirect.gather [spmem:s3], $0x20, s21, s20, $0xb8;
	[tilespmem:$0x1EF00] =	vst v63  }
0x33: {  	s21 =	simm.s32 $0x180;
	s26 =	simm.s32 $0x7F00  }
0x34: {  	[tilespmem:s26], [sflag:$0x1] =	stream.indirect.gather [spmem:s3], $0x20, s21, s20, $0xb8;
	[tilespmem:$0x1EF00] =	vst v63  }
0x35: {  	s28 =	simm.s32 $0x400;
	s21 =	simm.s32 $0x200;
	s26 =	simm.s32 $0x8F00  }
0x36: {  	[tilespmem:s26], [sflag:$0x1] =	stream.indirect.gather [spmem:s3], $0x20, s21, s20, $0xb8;
	[tilespmem:$0x1EF00] =	vst v63  }
0x37: {  	p1 =	por $0x1, $0x1;
	s21 =	simm.s32 $0x280;
	s26 =	simm.s32 $0x9F00  }
0x38: {  	[tilespmem:s26], [sflag:$0x1] =	stream.indirect.gather [spmem:s3], $0x20, s21, s20, $0xb8;
	[tilespmem:$0x1EF00] =	vst v63  }
0x39: {  	s29 =	simm.s32 $0x2800;
	s21 =	simm.s32 $0x300;
	s26 =	simm.s32 $0xAF00  }
0x3a: {  	[tilespmem:s26], [sflag:$0x1] =	stream.indirect.gather [spmem:s3], $0x20, s21, s20, $0xb8;
	[tilespmem:$0x1EF00] =	vst v63  }
0x3b: {  	p2 =	sle.u32 s8, $0x8;
	s1 =	simm.s32 $0x380;
	s21 =	simm.s32 $0x0  }
0x3c: {  	[tilespmem:s22], [sflag:$0x1] =	stream.indirect.gather [spmem:s3], $0x20, s1, s20, $0xb8;
	[tilespmem:$0x1EF00] =	vst v63  }
0x3d: {  	p3 =	sne.s32 s8, $0x1;
	s0 =	sand.u32 $0x3C000, s21;
	_ =	swait.ge [sflag:s23], $0x1000  }
0x3e: {  	s26 =	simm.s32 $0x20000;
	s0 =	sshrl.u32 s0, $0x2;
	[sflag:s23] =	ssyncset.done $0x0  }
.Ltmp0:
0x3f: {  	s0 =	sadd.s32 $0x4F00, s0;
	[sflag:s23] =	ssyncadd.s32 $0xFFFFF000;
	(pc) =	sbr.rel @!p3 .LBB2_3-.Ltmp0, $4  }
0x40: {  	[spmem:s2] =	stream.indirect.scatter.add.f32 [tilespmem:s0], [sflag:$0x2], $0x20, s19, s20, $0xb8;
	[tilespmem:$0x1EF00] =	vst v63  }
0x41: {  	s31 =	simm.s32 $0x1;
	s1 =	simm.s32 @!p1 $0x2;
	s0 =	sand.u32 @!p2 $0x3C000, s26  }
0x42: {  	s30 =	simm.s32 $0x400;
	_ =	swait.ge @!p1 [sflag:s1], $0x1000;
	s0 =	sshrl.u32 @!p2 s0, $0x2  }
0x43: {  	s21 =	simm.s32 @!p2 $0x80;
	[sflag:s1] =	ssyncset.done @!p1 $0x0;
	s0 =	sadd.s32 @!p2 $0x4F00, s0  }
.LBB2_2:
0x44: {  	[sflag:s1] =	ssyncadd.s32 @!p1 $0xFFFFF000  }
0x45: {  	s26 =	sadd.s32 $0x4000, s26;
	s30 =	sadd.s32 $0x80, s30;
	p1 =	slt.u32 s31, $0x8  }
0x46: {  	[tilespmem:s0], [sflag:$0x1] =	stream.indirect.gather @!p2 [spmem:s3], $0x20, s28, s21, $0xb8;
	[tilespmem:$0x1EF00] =	vst v63  }
0x47: {  	s28 =	smov.u32 s30;
	s0 =	smov.u32 s29;
	s1 =	sadd.s32 $0xFFFE0000, s26  }
0x48: {  	s29 =	sadd.s32 $0x80, s29;
	s21 =	sadd.s32 $0x8, s31;
	s1 =	sand.u32 $0x3C000, s1  }
0x49: {  	p2 =	sge.u32 s21, s8;
	s31 =	sadd.s32 $0xFFFFFFF9, s21;
	_ =	swait.ge [sflag:s23], $0x1000  }
0x4a: {  	s1 =	sshrl.u32 s1, $0x2;
	p3 =	sne.s32 s31, s8;
	[sflag:s23] =	ssyncset.done $0x0  }
.Ltmp1:
0x4b: {  	s1 =	sadd.s32 $0x4F00, s1;
	[sflag:s23] =	ssyncadd.s32 $0xFFFFF000;
	(pc) =	sbr.rel @p3 .LBB2_2-.Ltmp1, $4  }
0x4c: {  	[spmem:s2] =	stream.indirect.scatter.add.f32 [tilespmem:s1], [sflag:$0x2], $0x20, s0, s20, $0xb8;
	[tilespmem:$0x1EF00] =	vst v63  }
0x4d: {  	s1 =	simm.s32 @!p1 $0x2;
	s0 =	sand.u32 @!p2 $0x3C000, s26  }
0x4e: {  	s0 =	sshrl.u32 @!p2 s0, $0x2;
	_ =	swait.ge @!p1 [sflag:s1], $0x1000  }
0x4f: {  	s21 =	simm.s32 @!p2 $0x80;
	s0 =	sadd.s32 @!p2 $0x4F00, s0;
	[sflag:s1] =	ssyncset.done @!p1 $0x0  }
.LBB2_3:
0x50: {  	[sflag:s1] =	ssyncadd.s32 @!p1 $0xFFFFF000;
	p1 =	sne.s32 s15, $0x1  }
.Ltmp2:
0x51: {  	_ = 	snop;
	(pc) =	sbr.rel @!p1 .LBB2_5-.Ltmp2, $4  }
0x52: {  	_ = 	snop  }
0x53: {  	[tilespmem:s0], [sflag:$0x1] =	stream.indirect.gather @!p2 [spmem:s3], $0x20, s28, s21, $0xb8;
	[tilespmem:$0x1EF00] =	vst v63  }
0x54: {  	_ =	swait.ge [sflag:s24], $0x1000  }
0x55: {  	s1 =	sadd.s32 $0xFFFFFFFF, s15;
	[sflag:s24] =	ssyncset.done $0x0  }
.LBB2_4:
0x56: {  	p1 =	sne.s32 s1, $0x1;
	s1 =	sadd.s32 $0xFFFFFFFF, s1;
	[sflag:s24] =	ssyncadd.s32 $0xFFFFF000  }
.Ltmp3:
0x57: {  	(pc) =	sbr.rel @p1 .LBB2_4-.Ltmp3, $3  }
0x58: {  	_ =	sdelay $0x1  }
0x59: {  	_ =	swait.ge [sflag:s24], $0x1000  }
0x5a: {  	[sflag:s24] =	ssyncset.done $0x0  }
.LBB2_5:
0x5b: {  	s25 =	sadd.s32 $0x1, s25  }
0x5c: {  	[sflag:s24] =	ssyncadd.s32 $0xFFFFF000;
	p1 =	sne.s32 s25, s14  }
.Ltmp4:
0x5d: {  	[bflag:$0x0] =	sbarrier.arrive $0xFFFF;
	(pc) =	sbr.rel @p1 .LBB2_1-.Ltmp4, $4  }
0x5e: {  	[hbm:s13], [sflag:s6] =	dma.local [spmem:s16], $0xA00  }
0x5f: {  	_ =	swait.ge [sflag:s17], $0xA00  }
0x60: {  	[sflag:s17] =	ssyncset.done $0x0  }
0x61: {  	[sflag:s17] =	ssyncadd.s32 $0xFFFFF600  }
0x62: {  	_ =	sfence.sel $0x180000  }
0x63: {  	[bflag:$0x0] =	sbarrier.arrive $0xFFFF  }
0x64: {  	_ =	strace $0x9000004A  }
0x65: {  	s0 =	stileid.u32;
	[bflag:$0x2] =	sbarrier.arrive $0xFFFF  }
0x66: {  	p0 =	sne.s32 s0, $0x0;
	s0 =	rddreg [dreg:$0x3]  }
0x67: {  	s0 =	sadd.s32 @!p0 $0x100000, s0  }
0x68: {  	[sflag:s0] =	ssyncadd.tile.s32 @!p0 $0x1;
	_ =	shalt  }
.Lfunc_end2:
_tile_overlayer_lowered:
.L_overlay_start_2:
0x69: {  	(tag) =	ssettag $0x2  }
0x6a: {  	s0 =	rddreg [dreg:$0x0];
	s2 =	stileid.u32  }
0x6b: {  	s1 =	rddreg [dreg:$0x1];
	p0 =	sne.s32 s2, $0x0  }
0x6c: {  	s3 =	rddreg [dreg:$0x2];
	[bflag:$0x3] =	sbarrier.arrive $0xFFFF;
	s2 =	simm.s32 @!p0 $0x1C03  }
0x6d: {  	[timem:s3], [sflag:s2] =	dma.local @!p0 [hbm:s0], s1  }
0x6e: {  	s0 =	simm.s32 @!p0 $0x3  }
0x6f: {  	_ =	swait.ge @!p0 [sflag:s0], s1  }
0x70: {  	s1 =	ssub.s32 @!p0 $0x0, s1;
	[sflag:s0] =	ssyncset.done @!p0 $0x0  }
0x71: {  	[sflag:s0] =	ssyncadd.s32 @!p0 s1  }
0x72: {  	[bflag:$0x3] =	sbarrier.arrive $0xFFFF  }
0x73: {  	_ =	shalt  }

// kernel: kernel.21.cloned.1.call-start
scs
__scs_entry_jumppad:
0x0: {  	(pc) =	sbr.rel $0x88, $3  }
0x1: {  	(tag) =	ssettag $0x0;
	lr =	simm.s32 $0x1  }
0x2: {  	[smem:$0x3F7C] =	sst lr;
	_ =	strace $0xD0000000  }
0x3: {  	_ = 	snop  }
0x4: {  	_ = 	snop  }
0x5: {  	_ = 	snop  }
0x6: {  	_ = 	snop  }
0x7: {  	_ = 	snop  }
__scs_overlays_trampoline_lowered:
0x8: {  	[smem:$0x3F8B] =	sst s0  }
0x9: {  	[smem:$0x3F8C] =	sst s1  }
0xa: {  	[smem:$0x3F8D] =	sst s2  }
0xb: {  	[smem:$0x3F8E] =	sst s3  }
0xc: {  	[smem:$0x3F8F] =	sst s4  }
0xd: {  	[smem:$0x3F90] =	sst s5  }
0xe: {  	[smem:$0x3F91] =	sst s6  }
0xf: {  	[smem:$0x3F92] =	sst s7  }
0x10: {  	[smem:$0x3F93] =	sst s8  }
0x11: {  	[smem:$0x3F94] =	sst s9;
	s0 =	simm.s32 @!p0 $0x0  }
0x12: {  	s1 =	sld [smem:$0x3F7A];
	s0 =	simm.s32 @p0 $0x1  }
0x13: {  	[smem:$0x3F95] =	sst s0;
	s0 =	simm.s32 @!p1 $0x0  }
0x14: {  	s2 =	sld [smem:$0x3F79];
	s0 =	simm.s32 @p1 $0x1  }
0x15: {  	[smem:$0x3F96] =	sst s0;
	s0 =	simm.s32 @!p2 $0x0  }
0x16: {  	s3 =	sld [smem:$0x3FDB];
	s0 =	simm.s32 @p2 $0x1  }
0x17: {  	s4 =	simm.s32 $0x1BF5;
	[smem:$0x3F98] =	sst s0  }
0x18: {  	s0 =	sld [smem:$0x3F7B];
	_ =	swait.ge [sflag:s4], $0x0  }
0x19: {  	s7 =	sld [smem:$0x3F7C]  }
0x1a: {  	s8 =	sadd.s32 $0xFFFFE003, lr  }
0x1b: {  	s9 =	sadd.s32 $0xFFFFFEF7, lr;
	s5 =	simm.s32 $0xFFFFFFFF;
	p2 =	slt.u32 s8, $0xFFFFF086  }
0x1c: {  	p1 =	slt.u32 s9, $0xF7A;
	s5 =	simm.s32 @!p2 $0x0  }
0x1d: {  	s5 =	simm.s32 @p1 $0x1;
	p0 =	seq.s32 s7, s2  }
0x1e: {  	s7 =	smul.u32 @!p0 $0xF7A, s2;
	p2 =	seq.s32 @!p0 s5, $0x0  }
0x1f: {  	s9 =	smul.u32 $0xF7A, s1;
	s8 =	simm.s32 @!p0 $0x1BF5;
	p2 =	por !p2, p0  }
0x20: {  	[sflag:s8] =	ssyncset.s32 @!p0 $0xFFFFF086;
	s6 =	sadd.s32 @!p0 s3, s7;
	s7 =	simm.s32 @!p0 $0x108  }
0x21: {  	s3 =	sadd.s32 s3, s9;
	s6 =	sadd.s32 @!p0 $0x88, s6;
	s7 =	simm.s32 @p2 $0x1082  }
0x22: {  	[simem:s7], [sflag:s8] =	dma.local @!p0 [hbm:s6], $0xF7A  }
0x23: {  	s9 =	sor.u32 $0xD0000000, s2;
	s6 =	simm.s32 $0x108;
	_ =	swait.ge @!p0 [sflag:s8], $0x0  }
0x24: {  	s3 =	sadd.s32 $0x88, s3;
	s6 =	simm.s32 @!p1 $0x1082;
	[sflag:s4] =	ssyncset.s32 $0xFFFFF086  }
0x25: {  	[simem:s6], [sflag:s4] =	dma.local [hbm:s3], $0xF7A  }
0x26: {  	[smem:$0x3F7C] =	sst s1;
	(tag) =	ssettag s2;
	_ =	strace s9  }
0x27: {  	s1 =	sld [smem:$0x3F8C]  }
0x28: {  	s2 =	sld [smem:$0x3F8D]  }
0x29: {  	s4 =	sld [smem:$0x3F8F]  }
0x2a: {  	p0 =	seq.s32 s5, $0x0;
	s5 =	sld [smem:$0x3F90]  }
0x2b: {  	s6 =	sld [smem:$0x3F91]  }
0x2c: {  	s7 =	sld [smem:$0x3F92]  }
0x2d: {  	s3 =	simm.s32 $0x108;
	s8 =	sld [smem:$0x3F93]  }
0x2e: {  	s3 =	simm.s32 @!p0 $0x1082;
	s9 =	sld [smem:$0x3F94]  }
0x2f: {  	lr =	sadd.s32 s0, s3;
	s0 =	sld [smem:$0x3F8B]  }
0x30: {  	s3 =	sld [smem:$0x3F8E]  }
0x31: {  	[smem:$0x3F97] =	sst s10  }
0x32: {  	s10 =	sld [smem:$0x3F95];
	_ =	sdelay $0x3  }
0x33: {  	p0 =	seq.s32 s10, $0x1;
	s10 =	sld [smem:$0x3F97];
	_ =	sdelay $0x3  }
0x34: {  	[smem:$0x3F97] =	sst s10  }
0x35: {  	s10 =	sld [smem:$0x3F96];
	_ =	sdelay $0x3  }
0x36: {  	p1 =	seq.s32 s10, $0x1;
	s10 =	sld [smem:$0x3F97];
	_ =	sdelay $0x3  }
0x37: {  	[smem:$0x3F97] =	sst s10  }
0x38: {  	s10 =	sld [smem:$0x3F98]  }
0x39: {  	_ = 	snop;
	(pc) =	sbr.ind lr, $3  }
0x3a: {  	_ = 	snop  }
0x3b: {  	_ = 	snop  }
0x3c: {  	p2 =	seq.s32 s10, $0x1;
	s10 =	sld [smem:$0x3F97]  }
0x3d: {  	_ =	shalt  }
0x3e: {  	_ =	shalt  }
0x3f: {  	_ =	shalt  }
0x40: {  	_ =	shalt  }
0x41: {  	_ =	shalt  }
0x42: {  	_ =	shalt  }
0x43: {  	_ =	shalt  }
0x44: {  	_ =	shalt  }
0x45: {  	_ =	shalt  }
0x46: {  	_ =	shalt  }
0x47: {  	_ =	shalt  }
0x48: {  	_ =	shalt  }
0x49: {  	_ =	shalt  }
0x4a: {  	_ =	shalt  }
0x4b: {  	_ =	shalt  }
0x4c: {  	_ =	shalt  }
0x4d: {  	_ =	shalt  }
0x4e: {  	_ =	shalt  }
0x4f: {  	_ =	shalt  }
0x50: {  	_ =	shalt  }
0x51: {  	_ =	shalt  }
0x52: {  	_ =	shalt  }
0x53: {  	_ =	shalt  }
0x54: {  	_ =	shalt  }
0x55: {  	_ =	shalt  }
0x56: {  	_ =	shalt  }
0x57: {  	_ =	shalt  }
0x58: {  	_ =	shalt  }
0x59: {  	_ =	shalt  }
0x5a: {  	_ =	shalt  }
0x5b: {  	_ =	shalt  }
0x5c: {  	_ =	shalt  }
0x5d: {  	_ =	shalt  }
0x5e: {  	_ =	shalt  }
0x5f: {  	_ =	shalt  }
0x60: {  	_ =	shalt  }
0x61: {  	_ =	shalt  }
0x62: {  	_ =	shalt  }
0x63: {  	_ =	shalt  }
0x64: {  	_ =	shalt  }
0x65: {  	_ =	shalt  }
0x66: {  	_ =	shalt  }
0x67: {  	_ =	shalt  }
0x68: {  	_ =	shalt  }
0x69: {  	_ =	shalt  }
0x6a: {  	_ =	shalt  }
0x6b: {  	_ =	shalt  }
0x6c: {  	_ =	shalt  }
0x6d: {  	_ =	shalt  }
0x6e: {  	_ =	shalt  }
0x6f: {  	_ =	shalt  }
0x70: {  	_ =	shalt  }
0x71: {  	_ =	shalt  }
0x72: {  	_ =	shalt  }
0x73: {  	_ =	shalt  }
0x74: {  	_ =	shalt  }
0x75: {  	_ =	shalt  }
0x76: {  	_ =	shalt  }
0x77: {  	_ =	shalt  }
0x78: {  	_ =	shalt  }
0x79: {  	_ =	shalt  }
0x7a: {  	_ =	shalt  }
0x7b: {  	_ =	shalt  }
0x7c: {  	_ =	shalt  }
0x7d: {  	_ =	shalt  }
0x7e: {  	_ =	shalt  }
0x7f: {  	_ =	shalt  }
0x80: {  	_ =	shalt  }
0x81: {  	_ =	shalt  }
0x82: {  	_ =	shalt  }
0x83: {  	_ =	shalt  }
0x84: {  	_ =	shalt  }
0x85: {  	_ =	shalt  }
0x86: {  	_ =	shalt  }
0x87: {  	_ =	shalt  }
.Lfunc_end0:
.L_simem_size_0:
called_computation.2_lowered:
.L_overlay_start_0:
0x88: {  	s2 =	sld [smem:$0x3FD9]  }
0x89: {  	s3 =	sld [smem:$0x3FFE];
	_ =	sdelay $0x1  }
0x8a: {  	s1 =	srdreg.scid  }
0x8b: {  	s0 =	sand.u32 $0x1, s1  }
0x8c: {  	s16 =	sshll.u32 s0, $0xA;
	s2 =	sadd.s32 s3, s2  }
0x8d: {  	s2 =	sadd.s32 s2, s16  }
0x8e: {  	[smem:$0x3FA3] =	sst s2  }
0x8f: {  	_ = 	snop  }
0x90: {  	(tm) =	ssettm $0x1  }
0x91: {  	s17 =	sld [smem:$0x3FFB];
	_ =	sdelay $0x3  }
0x92: {  	_ =	strace s17  }
0x93: {  	s2 =	sld [smem:$0x3FFC];
	_ =	sdelay $0x3  }
0x94: {  	_ =	strace s2  }
0x95: {  	s2 =	sld [smem:$0x3FFD];
	_ =	sdelay $0x3  }
0x96: {  	_ =	strace s2  }
0x97: {  	_ =	strace $0x8FFFFFFF  }
0x98: {  	s18 =	sld [smem:$0x3FDB];
	_ =	sdelay $0x1  }
0x99: {  	s19 =	simm.s32 $_scs_section_size  }
0x9a: {  	s4 =	simm.s32 $_size__tile_overlayer_lowered;
	s5 =	simm.s32 $_tile_overlayer_lowered  }
0x9b: {  	s22 =	simm.s32 $0x1BFF;
	s21 =	sshll.u32 s5, $0x1;
	s2 =	sadd.s32 s19, s18  }
0x9c: {  	s6 =	simm.s32 $0x0;
	s20 =	sshll.u32 s4, $0x1;
	s4 =	sadd.s32 s21, s2  }
0x9d: {  	[timem:s6], [sflag:s22] =	dma.local [hbm:s4], s20  }
0x9e: {  	_ =	swait.ge [sflag:s22], s20  }
0x9f: {  	s3 =	ssub.s32 $0x0, s20;
	[sflag:s22] =	ssyncset.done $0x0  }
0xa0: {  	[sflag:s22] =	ssyncadd.s32 s3;
	_ =	sdelay $0x1  }
0xa1: {  	s23 =	simm.s32 $0x1B8B  }
0xa2: {  	_ =	swait.ge [sflag:s23], $0x1  }
0xa3: {  	[sflag:s23] =	ssyncset.done $0x0  }
0xa4: {  	s25 =	simm.s32 $0x1B8E;
	s24 =	sld [smem:$0x3FFE];
	[sflag:s23] =	ssyncadd.s32 $0xFFFFFFFF  }
0xa5: {  	s26 =	simm.s32 $execute0_lowered;
	[smem:$0x3FD2] =	sst s25  }
0xa6: {  	s4 =	sshll.u32 s26, $0x1;
	_ =	strace $0x8000004C;
	[dreg:$0x1] =	wrdreg $0xFFFFFFFF  }
0xa7: {  	s28 =	simm.s32 $_size_execute0_lowered;
	s2 =	sadd.s32 s2, s4;
	[dreg:$0x0] =	wrdreg $0x0  }
0xa8: {  	s4 =	sshll.u32 s28, $0x1;
	[dreg:$0x2] =	wrdreg s2  }
0xa9: {  	[dreg:$0x3] =	wrdreg s4  }
0xaa: {  	[dreg:$0x4] =	wrdreg $0xC0  }
0xab: {  	_ =	task [dreg:s6], $0x5FFFF  }
0xac: {  	[dreg:$0x1] =	wrdreg $0xFFFFFFFF  }
0xad: {  	[dreg:$0x0] =	wrdreg $0x60  }
0xae: {  	[dreg:$0x2] =	wrdreg s24  }
0xaf: {  	[dreg:$0x3] =	wrdreg $0x14F000  }
0xb0: {  	[dreg:$0x4] =	wrdreg $0x19F000  }
0xb1: {  	[dreg:$0x5] =	wrdreg $0x9  }
0xb2: {  	_ =	task.clear_ibuf [dreg:s6], $0x6FFFF;
	_ =	strace $0x9000004C  }
0xb3: {  	s29 =	simm.s32 $0x9;
	_ =	strace $0x8000004E  }
0xb4: {  	_ =	swait.ge [sflag:s29], $0x1  }
0xb5: {  	[sflag:s29] =	ssyncadd.s32 $0xFFFFFFFF  }
0xb6: {  	_ =	strace $0x9000004E  }
0xb7: {  	_ =	sfence  }
0xb8: {  	s30 =	sld [smem:$0x0];
	_ =	sdelay $0x2  }
0xb9: {  	s31 =	sshll.u32 s1, $0xD;
	s1 =	sshrl.u32 s1, $0x2  }
0xba: {  	s3 =	sand.u32 $0x4000, s31;
	s1 =	sadd.s32 s1, s30  }
0xbb: {  	s0 =	sor.u32 s3, s0;
	s1 =	sshll.u32 s1, $0x11  }
0xbc: {  	s0 =	sor.u32 s1, s0  }
0xbd: {  	s0 =	sadd.s32 $0x8F2B, s0  }
0xbe: {  	[sflag:s0] =	ssyncadd.remote.s32 $0x1  }
0xbf: {  	_ =	sfence.sel $0xFFFF  }
0xc0: {  	[dreg:$0x0] =	wrdreg $0xFFFFFFFF;
	(pc) =	sbr.abs _section_cstart, $3  }
0xc1: {  	[dreg:$0x1] =	wrdreg $0xFFFFFFFF  }
0xc2: {  	_ =	task.clear_ibuf [dreg:s6], $0x2FFFF;
	_ =	strace $0x9FFFFFFF  }
0xc3: {  	(tm) =	ssettm $0x7FFFFFFF  }
tec
execute0_lowered:
.L_overlay_start_1:
0x0: {  	(tag) =	ssettag $0x1  }
0x1: {  	s0 =	srdreg.scid  }
0x2: {  	s1 =	rddreg [dreg:$0x0];
	s9 =	stileid.u32  }
0x3: {  	s2 =	rddreg [dreg:$0x1];
	s4 =	simm.s32 $0x0;
	s15 =	simm.s32 $0x47  }
0x4: {  	s19 =	simm.s32 $0x2780;
	s20 =	simm.s32 $0x80;
	s22 =	simm.s32 $0xBF00  }
0x5: {  	s23 =	simm.s32 $0x1;
	s24 =	simm.s32 $0x2;
	s25 =	simm.s32 $0x0  }
0x6: {  	s0 =	sand.u32 $0x1, s0;
	s7 =	smul.u32 $0x5000, s9;
	[smem:$0x7FF] =	sst s4  }
0x7: {  	s31 =	sshll.u32 s9, $0x6;
	s3 =	sshll.u32 s0, $0x4;
	s26 =	smul.u32 $0x50000, s0  }
0x8: {  	s0 =	ssub.s32 $0x2, s0;
	s16 =	sor.u32 s9, s3;
	s3 =	rddreg [dreg:$0x2]  }
0x9: {  	_ =	strace $0x8000004D;
	s29 =	sshrl.u32 s7, $0x3;
	s30 =	sshrl.u32 s0, $0x1  }
0xa: {  	s17 =	sadd.s32 s7, s2;
	s5 =	smul.u32 $0x4E, s16;
	s6 =	smin.u32 s16, $0x4  }
0xb: {  	s28 =	sadd.s32 s7, s26;
	s8 =	sadd.s32 s29, s1;
	s0 =	ssub.s32 s0, s30  }
0xc: {  	s18 =	sadd.s32 s7, s3;
	p0 =	slt.u32 s16, $0x4;
	s5 =	sadd.s32 s6, s5  }
0xd: {  	s7 =	sadd.s32 $0x1BA00, s8;
	s15 =	simm.s32 @!p0 $0x46;
	s5 =	sshll.u32 s5, $0x4  }
0xe: {  	s14 =	smax.u32 s0, $0x1;
	s12 =	sadd.s32 s5, s1;
	s5 =	sshrl.u32 s28, $0x3  }
0xf: {  	s18 =	sshrl.u32 s18, $0x3;
	s6 =	sor.u32 $0x1C03, s31;
	s1 =	sadd.s32 s5, s1  }
0x10: {  	s5 =	sadd.s32 $0x25A00, s8;
	s8 =	simm.s32 $0x4F;
	s9 =	sadd.s32 $0x8000, s12  }
0x11: {  	s10 =	sadd.s32 $0x11C40, s12;
	s11 =	sadd.s32 $0x84E0, s12;
	s12 =	sadd.s32 $0x12120, s12  }
0x12: {  	s8 =	simm.s32 @!p0 $0x4E;
	s13 =	sadd.s32 $0x2FA00, s1;
	p0 =	sgt.u32 s16, $0x3  }
0x13: {  	s16 =	sshrl.u32 s17, $0x3;
	s17 =	simm.s32 $0x3;
	s15 =	ssub.s32 s8, s15  }
.LBB2_1:
0x14: {  	[spmem:s16], [sflag:s6] =	dma.local [hbm:s5], $0xA00  }
0x15: {  	_ =	swait.ge [sflag:s17], $0xA00  }
0x16: {  	[sflag:s17] =	ssyncset.done $0x0  }
0x17: {  	[sflag:s17] =	ssyncadd.s32 $0xFFFFF600  }
0x18: {  	[spmem:s18], [sflag:s6] =	dma.local [hbm:s7], $0xA00  }
0x19: {  	_ =	swait.ge [sflag:s17], $0xA00  }
0x1a: {  	[sflag:s17] =	ssyncset.done $0x0  }
0x1b: {  	[sflag:s17] =	ssyncadd.s32 $0xFFFFF600  }
0x1c: {  	[tilespmem:s4], [sflag:$0x3] =	stream.linear.gather [hbm4b:s9+s4], $0x2700, $0x38;
	[tilespmem:$0x1EF00] =	vst v63  }
0x1d: {  	_ =	swait.ge [sflag:s17], $0x2700  }
0x1e: {  	[sflag:s17] =	ssyncset.done $0x0  }
0x1f: {  	[sflag:s17] =	ssyncadd.s32 $0xFFFFD900  }
0x20: {  	[tilespmem:s19], [sflag:$0x3] =	stream.linear.gather [hbm4b:s10+s4], $0x2700, $0x38;
	[tilespmem:$0x1EF00] =	vst v63  }
0x21: {  	_ =	swait.ge [sflag:s17], $0x2700  }
0x22: {  	[sflag:s17] =	ssyncset.done $0x0  }
0x23: {  	s0 =	simm.s32 @!p0 $0x0;
	s1 =	simm.s32 @!p0 $0x2700;
	[sflag:s17] =	ssyncadd.s32 $0xFFFFD900  }
0x24: {  	[tilespmem:s1], [sflag:$0x3] =	stream.linear.gather @!p0 [hbm4b:s11+s0], $0x80, $0x38;
	[tilespmem:$0x1EF00] =	vst v63  }
0x25: {  	s1 =	simm.s32 @!p0 $0x3  }
0x26: {  	_ =	swait.ge @!p0 [sflag:s1], $0x80  }
0x27: {  	[sflag:s1] =	ssyncset.done @!p0 $0x0  }
0x28: {  	s21 =	simm.s32 @!p0 $0x4E80;
	[sflag:s1] =	ssyncadd.s32 @!p0 $0xFFFFFF80  }
0x29: {  	[tilespmem:s21], [sflag:$0x3] =	stream.linear.gather @!p0 [hbm4b:s12+s0], $0x80, $0x38;
	[tilespmem:$0x1EF00] =	vst v63  }
0x2a: {  	_ =	swait.ge @!p0 [sflag:s1], $0x80  }
0x2b: {  	[sflag:s1] =	ssyncset.done @!p0 $0x0  }
0x2c: {  	[sflag:s1] =	ssyncadd.s32 @!p0 $0xFFFFFF80  }
0x2d: {  	s26 =	simm.s32 $0x4F00;
	[bflag:$0x0] =	sbarrier.arrive $0xFFFF  }
0x2e: {  	[tilespmem:s26], [sflag:$0x1] =	stream.indirect.gather [spmem:s3], $0x20, s4, s20, $0xb8;
	[tilespmem:$0x1EF00] =	vst v63  }
0x2f: {  	s1 =	simm.s32 $0x5F00  }
0x30: {  	[tilespmem:s1], [sflag:$0x1] =	stream.indirect.gather [spmem:s3], $0x20, s20, s20, $0xb8;
	[tilespmem:$0x1EF00] =	vst v63  }
0x31: {  	s21 =	simm.s32 $0x100;
	s26 =	simm.s32 $0x6F00  }
0x32: {  	[tilespmem:s26], [sflag:$0x1] =	stream.indirect.gather [spmem:s3], $0x20, s21, s20, $0xb8;
	[tilespmem:$0x1EF00] =	vst v63  }
0x33: {  	s21 =	simm.s32 $0x180;
	s26 =	simm.s32 $0x7F00  }
0x34: {  	[tilespmem:s26], [sflag:$0x1] =	stream.indirect.gather [spmem:s3], $0x20, s21, s20, $0xb8;
	[tilespmem:$0x1EF00] =	vst v63  }
0x35: {  	s28 =	simm.s32 $0x400;
	s21 =	simm.s32 $0x200;
	s26 =	simm.s32 $0x8F00  }
0x36: {  	[tilespmem:s26], [sflag:$0x1] =	stream.indirect.gather [spmem:s3], $0x20, s21, s20, $0xb8;
	[tilespmem:$0x1EF00] =	vst v63  }
0x37: {  	p1 =	por $0x1, $0x1;
	s21 =	simm.s32 $0x280;
	s26 =	simm.s32 $0x9F00  }
0x38: {  	[tilespmem:s26], [sflag:$0x1] =	stream.indirect.gather [spmem:s3], $0x20, s21, s20, $0xb8;
	[tilespmem:$0x1EF00] =	vst v63  }
0x39: {  	s29 =	simm.s32 $0x2800;
	s21 =	simm.s32 $0x300;
	s26 =	simm.s32 $0xAF00  }
0x3a: {  	[tilespmem:s26], [sflag:$0x1] =	stream.indirect.gather [spmem:s3], $0x20, s21, s20, $0xb8;
	[tilespmem:$0x1EF00] =	vst v63  }
0x3b: {  	p2 =	sle.u32 s8, $0x8;
	s1 =	simm.s32 $0x380;
	s21 =	simm.s32 $0x0  }
0x3c: {  	[tilespmem:s22], [sflag:$0x1] =	stream.indirect.gather [spmem:s3], $0x20, s1, s20, $0xb8;
	[tilespmem:$0x1EF00] =	vst v63  }
0x3d: {  	p3 =	sne.s32 s8, $0x1;
	s0 =	sand.u32 $0x3C000, s21;
	_ =	swait.ge [sflag:s23], $0x1000  }
0x3e: {  	s26 =	simm.s32 $0x20000;
	s0 =	sshrl.u32 s0, $0x2;
	[sflag:s23] =	ssyncset.done $0x0  }
.Ltmp0:
0x3f: {  	s0 =	sadd.s32 $0x4F00, s0;
	[sflag:s23] =	ssyncadd.s32 $0xFFFFF000;
	(pc) =	sbr.rel @!p3 .LBB2_3-.Ltmp0, $4  }
0x40: {  	[spmem:s2] =	stream.indirect.scatter.add.f32 [tilespmem:s0], [sflag:$0x2], $0x20, s19, s20, $0xb8;
	[tilespmem:$0x1EF00] =	vst v63  }
0x41: {  	s31 =	simm.s32 $0x1;
	s1 =	simm.s32 @!p1 $0x2;
	s0 =	sand.u32 @!p2 $0x3C000, s26  }
0x42: {  	s30 =	simm.s32 $0x400;
	_ =	swait.ge @!p1 [sflag:s1], $0x1000;
	s0 =	sshrl.u32 @!p2 s0, $0x2  }
0x43: {  	s21 =	simm.s32 @!p2 $0x80;
	[sflag:s1] =	ssyncset.done @!p1 $0x0;
	s0 =	sadd.s32 @!p2 $0x4F00, s0  }
.LBB2_2:
0x44: {  	[sflag:s1] =	ssyncadd.s32 @!p1 $0xFFFFF000  }
0x45: {  	s26 =	sadd.s32 $0x4000, s26;
	s30 =	sadd.s32 $0x80, s30;
	p1 =	slt.u32 s31, $0x8  }
0x46: {  	[tilespmem:s0], [sflag:$0x1] =	stream.indirect.gather @!p2 [spmem:s3], $0x20, s28, s21, $0xb8;
	[tilespmem:$0x1EF00] =	vst v63  }
0x47: {  	s28 =	smov.u32 s30;
	s0 =	smov.u32 s29;
	s1 =	sadd.s32 $0xFFFE0000, s26  }
0x48: {  	s29 =	sadd.s32 $0x80, s29;
	s21 =	sadd.s32 $0x8, s31;
	s1 =	sand.u32 $0x3C000, s1  }
0x49: {  	p2 =	sge.u32 s21, s8;
	s31 =	sadd.s32 $0xFFFFFFF9, s21;
	_ =	swait.ge [sflag:s23], $0x1000  }
0x4a: {  	s1 =	sshrl.u32 s1, $0x2;
	p3 =	sne.s32 s31, s8;
	[sflag:s23] =	ssyncset.done $0x0  }
.Ltmp1:
0x4b: {  	s1 =	sadd.s32 $0x4F00, s1;
	[sflag:s23] =	ssyncadd.s32 $0xFFFFF000;
	(pc) =	sbr.rel @p3 .LBB2_2-.Ltmp1, $4  }
0x4c: {  	[spmem:s2] =	stream.indirect.scatter.add.f32 [tilespmem:s1], [sflag:$0x2], $0x20, s0, s20, $0xb8;
	[tilespmem:$0x1EF00] =	vst v63  }
0x4d: {  	s1 =	simm.s32 @!p1 $0x2;
	s0 =	sand.u32 @!p2 $0x3C000, s26  }
0x4e: {  	s0 =	sshrl.u32 @!p2 s0, $0x2;
	_ =	swait.ge @!p1 [sflag:s1], $0x1000  }
0x4f: {  	s21 =	simm.s32 @!p2 $0x80;
	s0 =	sadd.s32 @!p2 $0x4F00, s0;
	[sflag:s1] =	ssyncset.done @!p1 $0x0  }
.LBB2_3:
0x50: {  	[sflag:s1] =	ssyncadd.s32 @!p1 $0xFFFFF000;
	p1 =	sne.s32 s15, $0x1  }
.Ltmp2:
0x51: {  	_ = 	snop;
	(pc) =	sbr.rel @!p1 .LBB2_5-.Ltmp2, $4  }
0x52: {  	_ = 	snop  }
0x53: {  	[tilespmem:s0], [sflag:$0x1] =	stream.indirect.gather @!p2 [spmem:s3], $0x20, s28, s21, $0xb8;
	[tilespmem:$0x1EF00] =	vst v63  }
0x54: {  	_ =	swait.ge [sflag:s24], $0x1000  }
0x55: {  	s1 =	sadd.s32 $0xFFFFFFFF, s15;
	[sflag:s24] =	ssyncset.done $0x0  }
.LBB2_4:
0x56: {  	p1 =	sne.s32 s1, $0x1;
	s1 =	sadd.s32 $0xFFFFFFFF, s1;
	[sflag:s24] =	ssyncadd.s32 $0xFFFFF000  }
.Ltmp3:
0x57: {  	(pc) =	sbr.rel @p1 .LBB2_4-.Ltmp3, $3  }
0x58: {  	_ =	sdelay $0x1  }
0x59: {  	_ =	swait.ge [sflag:s24], $0x1000  }
0x5a: {  	[sflag:s24] =	ssyncset.done $0x0  }
.LBB2_5:
0x5b: {  	s25 =	sadd.s32 $0x1, s25  }
0x5c: {  	[sflag:s24] =	ssyncadd.s32 $0xFFFFF000;
	p1 =	sne.s32 s25, s14  }
.Ltmp4:
0x5d: {  	[bflag:$0x0] =	sbarrier.arrive $0xFFFF;
	(pc) =	sbr.rel @p1 .LBB2_1-.Ltmp4, $4  }
0x5e: {  	[hbm:s13], [sflag:s6] =	dma.local [spmem:s16], $0xA00  }
0x5f: {  	_ =	swait.ge [sflag:s17], $0xA00  }
0x60: {  	[sflag:s17] =	ssyncset.done $0x0  }
0x61: {  	[sflag:s17] =	ssyncadd.s32 $0xFFFFF600  }
0x62: {  	_ =	sfence.sel $0x180000  }
0x63: {  	[bflag:$0x0] =	sbarrier.arrive $0xFFFF  }
0x64: {  	_ =	strace $0x9000004D  }
0x65: {  	s0 =	stileid.u32;
	[bflag:$0x2] =	sbarrier.arrive $0xFFFF  }
0x66: {  	p0 =	sne.s32 s0, $0x0;
	s0 =	rddreg [dreg:$0x3]  }
0x67: {  	s0 =	sadd.s32 @!p0 $0x100000, s0  }
0x68: {  	[sflag:s0] =	ssyncadd.tile.s32 @!p0 $0x1;
	_ =	shalt  }
.Lfunc_end2:
_tile_overlayer_lowered:
.L_overlay_start_2:
0x69: {  	(tag) =	ssettag $0x2  }
0x6a: {  	s0 =	rddreg [dreg:$0x0];
	s2 =	stileid.u32  }
0x6b: {  	s1 =	rddreg [dreg:$0x1];
	p0 =	sne.s32 s2, $0x0  }
0x6c: {  	s3 =	rddreg [dreg:$0x2];
	[bflag:$0x3] =	sbarrier.arrive $0xFFFF;
	s2 =	simm.s32 @!p0 $0x1C03  }
0x6d: {  	[timem:s3], [sflag:s2] =	dma.local @!p0 [hbm:s0], s1  }
0x6e: {  	s0 =	simm.s32 @!p0 $0x3  }
0x6f: {  	_ =	swait.ge @!p0 [sflag:s0], s1  }
0x70: {  	s1 =	ssub.s32 @!p0 $0x0, s1;
	[sflag:s0] =	ssyncset.done @!p0 $0x0  }
0x71: {  	[sflag:s0] =	ssyncadd.s32 @!p0 s1  }
0x72: {  	[bflag:$0x3] =	sbarrier.arrive $0xFFFF  }
0x73: {  	_ =	shalt  }

// kernel: kernel.24.cloned.1.call-start
scs
__scs_entry_jumppad:
0x0: {  	(pc) =	sbr.rel $0x88, $3  }
0x1: {  	(tag) =	ssettag $0x0;
	lr =	simm.s32 $0x1  }
0x2: {  	[smem:$0x3F7C] =	sst lr;
	_ =	strace $0xD0000000  }
0x3: {  	_ = 	snop  }
0x4: {  	_ = 	snop  }
0x5: {  	_ = 	snop  }
0x6: {  	_ = 	snop  }
0x7: {  	_ = 	snop  }
__scs_overlays_trampoline_lowered:
0x8: {  	[smem:$0x3F8B] =	sst s0  }
0x9: {  	[smem:$0x3F8C] =	sst s1  }
0xa: {  	[smem:$0x3F8D] =	sst s2  }
0xb: {  	[smem:$0x3F8E] =	sst s3  }
0xc: {  	[smem:$0x3F8F] =	sst s4  }
0xd: {  	[smem:$0x3F90] =	sst s5  }
0xe: {  	[smem:$0x3F91] =	sst s6  }
0xf: {  	[smem:$0x3F92] =	sst s7  }
0x10: {  	[smem:$0x3F93] =	sst s8  }
0x11: {  	[smem:$0x3F94] =	sst s9;
	s0 =	simm.s32 @!p0 $0x0  }
0x12: {  	s1 =	sld [smem:$0x3F7A];
	s0 =	simm.s32 @p0 $0x1  }
0x13: {  	[smem:$0x3F95] =	sst s0;
	s0 =	simm.s32 @!p1 $0x0  }
0x14: {  	s2 =	sld [smem:$0x3F79];
	s0 =	simm.s32 @p1 $0x1  }
0x15: {  	[smem:$0x3F96] =	sst s0;
	s0 =	simm.s32 @!p2 $0x0  }
0x16: {  	s3 =	sld [smem:$0x3FDB];
	s0 =	simm.s32 @p2 $0x1  }
0x17: {  	s4 =	simm.s32 $0x1BF5;
	[smem:$0x3F98] =	sst s0  }
0x18: {  	s0 =	sld [smem:$0x3F7B];
	_ =	swait.ge [sflag:s4], $0x0  }
0x19: {  	s7 =	sld [smem:$0x3F7C]  }
0x1a: {  	s8 =	sadd.s32 $0xFFFFE003, lr  }
0x1b: {  	s9 =	sadd.s32 $0xFFFFFEF7, lr;
	s5 =	simm.s32 $0xFFFFFFFF;
	p2 =	slt.u32 s8, $0xFFFFF086  }
0x1c: {  	p1 =	slt.u32 s9, $0xF7A;
	s5 =	simm.s32 @!p2 $0x0  }
0x1d: {  	s5 =	simm.s32 @p1 $0x1;
	p0 =	seq.s32 s7, s2  }
0x1e: {  	s7 =	smul.u32 @!p0 $0xF7A, s2;
	p2 =	seq.s32 @!p0 s5, $0x0  }
0x1f: {  	s9 =	smul.u32 $0xF7A, s1;
	s8 =	simm.s32 @!p0 $0x1BF5;
	p2 =	por !p2, p0  }
0x20: {  	[sflag:s8] =	ssyncset.s32 @!p0 $0xFFFFF086;
	s6 =	sadd.s32 @!p0 s3, s7;
	s7 =	simm.s32 @!p0 $0x108  }
0x21: {  	s3 =	sadd.s32 s3, s9;
	s6 =	sadd.s32 @!p0 $0x88, s6;
	s7 =	simm.s32 @p2 $0x1082  }
0x22: {  	[simem:s7], [sflag:s8] =	dma.local @!p0 [hbm:s6], $0xF7A  }
0x23: {  	s9 =	sor.u32 $0xD0000000, s2;
	s6 =	simm.s32 $0x108;
	_ =	swait.ge @!p0 [sflag:s8], $0x0  }
0x24: {  	s3 =	sadd.s32 $0x88, s3;
	s6 =	simm.s32 @!p1 $0x1082;
	[sflag:s4] =	ssyncset.s32 $0xFFFFF086  }
0x25: {  	[simem:s6], [sflag:s4] =	dma.local [hbm:s3], $0xF7A  }
0x26: {  	[smem:$0x3F7C] =	sst s1;
	(tag) =	ssettag s2;
	_ =	strace s9  }
0x27: {  	s1 =	sld [smem:$0x3F8C]  }
0x28: {  	s2 =	sld [smem:$0x3F8D]  }
0x29: {  	s4 =	sld [smem:$0x3F8F]  }
0x2a: {  	p0 =	seq.s32 s5, $0x0;
	s5 =	sld [smem:$0x3F90]  }
0x2b: {  	s6 =	sld [smem:$0x3F91]  }
0x2c: {  	s7 =	sld [smem:$0x3F92]  }
0x2d: {  	s3 =	simm.s32 $0x108;
	s8 =	sld [smem:$0x3F93]  }
0x2e: {  	s3 =	simm.s32 @!p0 $0x1082;
	s9 =	sld [smem:$0x3F94]  }
0x2f: {  	lr =	sadd.s32 s0, s3;
	s0 =	sld [smem:$0x3F8B]  }
0x30: {  	s3 =	sld [smem:$0x3F8E]  }
0x31: {  	[smem:$0x3F97] =	sst s10  }
0x32: {  	s10 =	sld [smem:$0x3F95];
	_ =	sdelay $0x3  }
0x33: {  	p0 =	seq.s32 s10, $0x1;
	s10 =	sld [smem:$0x3F97];
	_ =	sdelay $0x3  }
0x34: {  	[smem:$0x3F97] =	sst s10  }
0x35: {  	s10 =	sld [smem:$0x3F96];
	_ =	sdelay $0x3  }
0x36: {  	p1 =	seq.s32 s10, $0x1;
	s10 =	sld [smem:$0x3F97];
	_ =	sdelay $0x3  }
0x37: {  	[smem:$0x3F97] =	sst s10  }
0x38: {  	s10 =	sld [smem:$0x3F98]  }
0x39: {  	_ = 	snop;
	(pc) =	sbr.ind lr, $3  }
0x3a: {  	_ = 	snop  }
0x3b: {  	_ = 	snop  }
0x3c: {  	p2 =	seq.s32 s10, $0x1;
	s10 =	sld [smem:$0x3F97]  }
0x3d: {  	_ =	shalt  }
0x3e: {  	_ =	shalt  }
0x3f: {  	_ =	shalt  }
0x40: {  	_ =	shalt  }
0x41: {  	_ =	shalt  }
0x42: {  	_ =	shalt  }
0x43: {  	_ =	shalt  }
0x44: {  	_ =	shalt  }
0x45: {  	_ =	shalt  }
0x46: {  	_ =	shalt  }
0x47: {  	_ =	shalt  }
0x48: {  	_ =	shalt  }
0x49: {  	_ =	shalt  }
0x4a: {  	_ =	shalt  }
0x4b: {  	_ =	shalt  }
0x4c: {  	_ =	shalt  }
0x4d: {  	_ =	shalt  }
0x4e: {  	_ =	shalt  }
0x4f: {  	_ =	shalt  }
0x50: {  	_ =	shalt  }
0x51: {  	_ =	shalt  }
0x52: {  	_ =	shalt  }
0x53: {  	_ =	shalt  }
0x54: {  	_ =	shalt  }
0x55: {  	_ =	shalt  }
0x56: {  	_ =	shalt  }
0x57: {  	_ =	shalt  }
0x58: {  	_ =	shalt  }
0x59: {  	_ =	shalt  }
0x5a: {  	_ =	shalt  }
0x5b: {  	_ =	shalt  }
0x5c: {  	_ =	shalt  }
0x5d: {  	_ =	shalt  }
0x5e: {  	_ =	shalt  }
0x5f: {  	_ =	shalt  }
0x60: {  	_ =	shalt  }
0x61: {  	_ =	shalt  }
0x62: {  	_ =	shalt  }
0x63: {  	_ =	shalt  }
0x64: {  	_ =	shalt  }
0x65: {  	_ =	shalt  }
0x66: {  	_ =	shalt  }
0x67: {  	_ =	shalt  }
0x68: {  	_ =	shalt  }
0x69: {  	_ =	shalt  }
0x6a: {  	_ =	shalt  }
0x6b: {  	_ =	shalt  }
0x6c: {  	_ =	shalt  }
0x6d: {  	_ =	shalt  }
0x6e: {  	_ =	shalt  }
0x6f: {  	_ =	shalt  }
0x70: {  	_ =	shalt  }
0x71: {  	_ =	shalt  }
0x72: {  	_ =	shalt  }
0x73: {  	_ =	shalt  }
0x74: {  	_ =	shalt  }
0x75: {  	_ =	shalt  }
0x76: {  	_ =	shalt  }
0x77: {  	_ =	shalt  }
0x78: {  	_ =	shalt  }
0x79: {  	_ =	shalt  }
0x7a: {  	_ =	shalt  }
0x7b: {  	_ =	shalt  }
0x7c: {  	_ =	shalt  }
0x7d: {  	_ =	shalt  }
0x7e: {  	_ =	shalt  }
0x7f: {  	_ =	shalt  }
0x80: {  	_ =	shalt  }
0x81: {  	_ =	shalt  }
0x82: {  	_ =	shalt  }
0x83: {  	_ =	shalt  }
0x84: {  	_ =	shalt  }
0x85: {  	_ =	shalt  }
0x86: {  	_ =	shalt  }
0x87: {  	_ =	shalt  }
.Lfunc_end0:
.L_simem_size_0:
called_computation.3_lowered:
.L_overlay_start_0:
0x88: {  	s2 =	sld [smem:$0x3FD9]  }
0x89: {  	s3 =	sld [smem:$0x3FFE];
	_ =	sdelay $0x1  }
0x8a: {  	s1 =	srdreg.scid  }
0x8b: {  	s0 =	sand.u32 $0x1, s1  }
0x8c: {  	s16 =	sshll.u32 s0, $0xA;
	s2 =	sadd.s32 s3, s2  }
0x8d: {  	s2 =	sadd.s32 s2, s16  }
0x8e: {  	[smem:$0x3FA3] =	sst s2  }
0x8f: {  	_ = 	snop  }
0x90: {  	(tm) =	ssettm $0x1  }
0x91: {  	s17 =	sld [smem:$0x3FFB];
	_ =	sdelay $0x3  }
0x92: {  	_ =	strace s17  }
0x93: {  	s2 =	sld [smem:$0x3FFC];
	_ =	sdelay $0x3  }
0x94: {  	_ =	strace s2  }
0x95: {  	s2 =	sld [smem:$0x3FFD];
	_ =	sdelay $0x3  }
0x96: {  	_ =	strace s2  }
0x97: {  	_ =	strace $0x8FFFFFFF  }
0x98: {  	s18 =	sld [smem:$0x3FDB];
	_ =	sdelay $0x1  }
0x99: {  	s19 =	simm.s32 $_scs_section_size  }
0x9a: {  	s4 =	simm.s32 $_size__tile_overlayer_lowered;
	s5 =	simm.s32 $_tile_overlayer_lowered  }
0x9b: {  	s22 =	simm.s32 $0x1BFF;
	s21 =	sshll.u32 s5, $0x1;
	s2 =	sadd.s32 s19, s18  }
0x9c: {  	s6 =	simm.s32 $0x0;
	s20 =	sshll.u32 s4, $0x1;
	s4 =	sadd.s32 s21, s2  }
0x9d: {  	[timem:s6], [sflag:s22] =	dma.local [hbm:s4], s20  }
0x9e: {  	_ =	swait.ge [sflag:s22], s20  }
0x9f: {  	s3 =	ssub.s32 $0x0, s20;
	[sflag:s22] =	ssyncset.done $0x0  }
0xa0: {  	[sflag:s22] =	ssyncadd.s32 s3;
	_ =	sdelay $0x1  }
0xa1: {  	s23 =	simm.s32 $0x1B8B  }
0xa2: {  	_ =	swait.ge [sflag:s23], $0x1  }
0xa3: {  	[sflag:s23] =	ssyncset.done $0x0  }
0xa4: {  	s25 =	simm.s32 $0x1B8E;
	s24 =	sld [smem:$0x3FFE];
	[sflag:s23] =	ssyncadd.s32 $0xFFFFFFFF  }
0xa5: {  	s26 =	simm.s32 $execute0_lowered;
	[smem:$0x3FD2] =	sst s25  }
0xa6: {  	s4 =	sshll.u32 s26, $0x1;
	_ =	strace $0x8000004F;
	[dreg:$0x1] =	wrdreg $0xFFFFFFFF  }
0xa7: {  	s28 =	simm.s32 $_size_execute0_lowered;
	s2 =	sadd.s32 s2, s4;
	[dreg:$0x0] =	wrdreg $0x0  }
0xa8: {  	s4 =	sshll.u32 s28, $0x1;
	[dreg:$0x2] =	wrdreg s2  }
0xa9: {  	[dreg:$0x3] =	wrdreg s4  }
0xaa: {  	[dreg:$0x4] =	wrdreg $0xC0  }
0xab: {  	_ =	task [dreg:s6], $0x5FFFF  }
0xac: {  	[dreg:$0x1] =	wrdreg $0xFFFFFFFF  }
0xad: {  	[dreg:$0x0] =	wrdreg $0x60  }
0xae: {  	[dreg:$0x2] =	wrdreg s24  }
0xaf: {  	[dreg:$0x3] =	wrdreg $0x14F000  }
0xb0: {  	[dreg:$0x4] =	wrdreg $0x19F000  }
0xb1: {  	[dreg:$0x5] =	wrdreg $0x9  }
0xb2: {  	_ =	task.clear_ibuf [dreg:s6], $0x6FFFF;
	_ =	strace $0x9000004F  }
0xb3: {  	s29 =	simm.s32 $0x9;
	_ =	strace $0x80000051  }
0xb4: {  	_ =	swait.ge [sflag:s29], $0x1  }
0xb5: {  	[sflag:s29] =	ssyncadd.s32 $0xFFFFFFFF  }
0xb6: {  	_ =	strace $0x90000051  }
0xb7: {  	_ =	sfence  }
0xb8: {  	s30 =	sld [smem:$0x0];
	_ =	sdelay $0x2  }
0xb9: {  	s31 =	sshll.u32 s1, $0xD;
	s1 =	sshrl.u32 s1, $0x2  }
0xba: {  	s3 =	sand.u32 $0x4000, s31;
	s1 =	sadd.s32 s1, s30  }
0xbb: {  	s0 =	sor.u32 s3, s0;
	s1 =	sshll.u32 s1, $0x11  }
0xbc: {  	s0 =	sor.u32 s1, s0  }
0xbd: {  	s0 =	sadd.s32 $0x8F2B, s0  }
0xbe: {  	[sflag:s0] =	ssyncadd.remote.s32 $0x1  }
0xbf: {  	_ =	sfence.sel $0xFFFF  }
0xc0: {  	[dreg:$0x0] =	wrdreg $0xFFFFFFFF;
	(pc) =	sbr.abs _section_cstart, $3  }
0xc1: {  	[dreg:$0x1] =	wrdreg $0xFFFFFFFF  }
0xc2: {  	_ =	task.clear_ibuf [dreg:s6], $0x2FFFF;
	_ =	strace $0x9FFFFFFF  }
0xc3: {  	(tm) =	ssettm $0x7FFFFFFF  }
tec
execute0_lowered:
.L_overlay_start_1:
0x0: {  	(tag) =	ssettag $0x1  }
0x1: {  	s0 =	srdreg.scid  }
0x2: {  	s1 =	rddreg [dreg:$0x0];
	s9 =	stileid.u32  }
0x3: {  	s2 =	rddreg [dreg:$0x1];
	s4 =	simm.s32 $0x0;
	s15 =	simm.s32 $0x47  }
0x4: {  	s19 =	simm.s32 $0x2780;
	s20 =	simm.s32 $0x80;
	s22 =	simm.s32 $0xBF00  }
0x5: {  	s23 =	simm.s32 $0x1;
	s24 =	simm.s32 $0x2;
	s25 =	simm.s32 $0x0  }
0x6: {  	s0 =	sand.u32 $0x1, s0;
	s7 =	smul.u32 $0x5000, s9;
	[smem:$0x7FF] =	sst s4  }
0x7: {  	s31 =	sshll.u32 s9, $0x6;
	s3 =	sshll.u32 s0, $0x4;
	s26 =	smul.u32 $0x50000, s0  }
0x8: {  	s0 =	ssub.s32 $0x2, s0;
	s16 =	sor.u32 s9, s3;
	s3 =	rddreg [dreg:$0x2]  }
0x9: {  	_ =	strace $0x80000050;
	s29 =	sshrl.u32 s7, $0x3;
	s30 =	sshrl.u32 s0, $0x1  }
0xa: {  	s17 =	sadd.s32 s7, s2;
	s5 =	smul.u32 $0x4E, s16;
	s6 =	smin.u32 s16, $0x4  }
0xb: {  	s28 =	sadd.s32 s7, s26;
	s8 =	sadd.s32 s29, s1;
	s0 =	ssub.s32 s0, s30  }
0xc: {  	s18 =	sadd.s32 s7, s3;
	p0 =	slt.u32 s16, $0x4;
	s5 =	sadd.s32 s6, s5  }
0xd: {  	s7 =	sadd.s32 $0x1BA00, s8;
	s15 =	simm.s32 @!p0 $0x46;
	s5 =	sshll.u32 s5, $0x4  }
0xe: {  	s14 =	smax.u32 s0, $0x1;
	s12 =	sadd.s32 s5, s1;
	s5 =	sshrl.u32 s28, $0x3  }
0xf: {  	s18 =	sshrl.u32 s18, $0x3;
	s6 =	sor.u32 $0x1C03, s31;
	s1 =	sadd.s32 s5, s1  }
0x10: {  	s5 =	sadd.s32 $0x25A00, s8;
	s8 =	simm.s32 $0x4F;
	s9 =	sadd.s32 $0x8000, s12  }
0x11: {  	s10 =	sadd.s32 $0x11C40, s12;
	s11 =	sadd.s32 $0x84E0, s12;
	s12 =	sadd.s32 $0x12120, s12  }
0x12: {  	s8 =	simm.s32 @!p0 $0x4E;
	s13 =	sadd.s32 $0x2FA00, s1;
	p0 =	sgt.u32 s16, $0x3  }
0x13: {  	s16 =	sshrl.u32 s17, $0x3;
	s17 =	simm.s32 $0x3;
	s15 =	ssub.s32 s8, s15  }
.LBB2_1:
0x14: {  	[spmem:s16], [sflag:s6] =	dma.local [hbm:s5], $0xA00  }
0x15: {  	_ =	swait.ge [sflag:s17], $0xA00  }
0x16: {  	[sflag:s17] =	ssyncset.done $0x0  }
0x17: {  	[sflag:s17] =	ssyncadd.s32 $0xFFFFF600  }
0x18: {  	[spmem:s18], [sflag:s6] =	dma.local [hbm:s7], $0xA00  }
0x19: {  	_ =	swait.ge [sflag:s17], $0xA00  }
0x1a: {  	[sflag:s17] =	ssyncset.done $0x0  }
0x1b: {  	[sflag:s17] =	ssyncadd.s32 $0xFFFFF600  }
0x1c: {  	[tilespmem:s4], [sflag:$0x3] =	stream.linear.gather [hbm4b:s9+s4], $0x2700, $0x38;
	[tilespmem:$0x1EF00] =	vst v63  }
0x1d: {  	_ =	swait.ge [sflag:s17], $0x2700  }
0x1e: {  	[sflag:s17] =	ssyncset.done $0x0  }
0x1f: {  	[sflag:s17] =	ssyncadd.s32 $0xFFFFD900  }
0x20: {  	[tilespmem:s19], [sflag:$0x3] =	stream.linear.gather [hbm4b:s10+s4], $0x2700, $0x38;
	[tilespmem:$0x1EF00] =	vst v63  }
0x21: {  	_ =	swait.ge [sflag:s17], $0x2700  }
0x22: {  	[sflag:s17] =	ssyncset.done $0x0  }
0x23: {  	s0 =	simm.s32 @!p0 $0x0;
	s1 =	simm.s32 @!p0 $0x2700;
	[sflag:s17] =	ssyncadd.s32 $0xFFFFD900  }
0x24: {  	[tilespmem:s1], [sflag:$0x3] =	stream.linear.gather @!p0 [hbm4b:s11+s0], $0x80, $0x38;
	[tilespmem:$0x1EF00] =	vst v63  }
0x25: {  	s1 =	simm.s32 @!p0 $0x3  }
0x26: {  	_ =	swait.ge @!p0 [sflag:s1], $0x80  }
0x27: {  	[sflag:s1] =	ssyncset.done @!p0 $0x0  }
0x28: {  	s21 =	simm.s32 @!p0 $0x4E80;
	[sflag:s1] =	ssyncadd.s32 @!p0 $0xFFFFFF80  }
0x29: {  	[tilespmem:s21], [sflag:$0x3] =	stream.linear.gather @!p0 [hbm4b:s12+s0], $0x80, $0x38;
	[tilespmem:$0x1EF00] =	vst v63  }
0x2a: {  	_ =	swait.ge @!p0 [sflag:s1], $0x80  }
0x2b: {  	[sflag:s1] =	ssyncset.done @!p0 $0x0  }
0x2c: {  	[sflag:s1] =	ssyncadd.s32 @!p0 $0xFFFFFF80  }
0x2d: {  	s26 =	simm.s32 $0x4F00;
	[bflag:$0x0] =	sbarrier.arrive $0xFFFF  }
0x2e: {  	[tilespmem:s26], [sflag:$0x1] =	stream.indirect.gather [spmem:s3], $0x20, s4, s20, $0xb8;
	[tilespmem:$0x1EF00] =	vst v63  }
0x2f: {  	s1 =	simm.s32 $0x5F00  }
0x30: {  	[tilespmem:s1], [sflag:$0x1] =	stream.indirect.gather [spmem:s3], $0x20, s20, s20, $0xb8;
	[tilespmem:$0x1EF00] =	vst v63  }
0x31: {  	s21 =	simm.s32 $0x100;
	s26 =	simm.s32 $0x6F00  }
0x32: {  	[tilespmem:s26], [sflag:$0x1] =	stream.indirect.gather [spmem:s3], $0x20, s21, s20, $0xb8;
	[tilespmem:$0x1EF00] =	vst v63  }
0x33: {  	s21 =	simm.s32 $0x180;
	s26 =	simm.s32 $0x7F00  }
0x34: {  	[tilespmem:s26], [sflag:$0x1] =	stream.indirect.gather [spmem:s3], $0x20, s21, s20, $0xb8;
	[tilespmem:$0x1EF00] =	vst v63  }
0x35: {  	s28 =	simm.s32 $0x400;
	s21 =	simm.s32 $0x200;
	s26 =	simm.s32 $0x8F00  }
0x36: {  	[tilespmem:s26], [sflag:$0x1] =	stream.indirect.gather [spmem:s3], $0x20, s21, s20, $0xb8;
	[tilespmem:$0x1EF00] =	vst v63  }
0x37: {  	p1 =	por $0x1, $0x1;
	s21 =	simm.s32 $0x280;
	s26 =	simm.s32 $0x9F00  }
0x38: {  	[tilespmem:s26], [sflag:$0x1] =	stream.indirect.gather [spmem:s3], $0x20, s21, s20, $0xb8;
	[tilespmem:$0x1EF00] =	vst v63  }
0x39: {  	s29 =	simm.s32 $0x2800;
	s21 =	simm.s32 $0x300;
	s26 =	simm.s32 $0xAF00  }
0x3a: {  	[tilespmem:s26], [sflag:$0x1] =	stream.indirect.gather [spmem:s3], $0x20, s21, s20, $0xb8;
	[tilespmem:$0x1EF00] =	vst v63  }
0x3b: {  	p2 =	sle.u32 s8, $0x8;
	s1 =	simm.s32 $0x380;
	s21 =	simm.s32 $0x0  }
0x3c: {  	[tilespmem:s22], [sflag:$0x1] =	stream.indirect.gather [spmem:s3], $0x20, s1, s20, $0xb8;
	[tilespmem:$0x1EF00] =	vst v63  }
0x3d: {  	p3 =	sne.s32 s8, $0x1;
	s0 =	sand.u32 $0x3C000, s21;
	_ =	swait.ge [sflag:s23], $0x1000  }
0x3e: {  	s26 =	simm.s32 $0x20000;
	s0 =	sshrl.u32 s0, $0x2;
	[sflag:s23] =	ssyncset.done $0x0  }
.Ltmp0:
0x3f: {  	s0 =	sadd.s32 $0x4F00, s0;
	[sflag:s23] =	ssyncadd.s32 $0xFFFFF000;
	(pc) =	sbr.rel @!p3 .LBB2_3-.Ltmp0, $4  }
0x40: {  	[spmem:s2] =	stream.indirect.scatter.add.f32 [tilespmem:s0], [sflag:$0x2], $0x20, s19, s20, $0xb8;
	[tilespmem:$0x1EF00] =	vst v63  }
0x41: {  	s31 =	simm.s32 $0x1;
	s1 =	simm.s32 @!p1 $0x2;
	s0 =	sand.u32 @!p2 $0x3C000, s26  }
0x42: {  	s30 =	simm.s32 $0x400;
	_ =	swait.ge @!p1 [sflag:s1], $0x1000;
	s0 =	sshrl.u32 @!p2 s0, $0x2  }
0x43: {  	s21 =	simm.s32 @!p2 $0x80;
	[sflag:s1] =	ssyncset.done @!p1 $0x0;
	s0 =	sadd.s32 @!p2 $0x4F00, s0  }
.LBB2_2:
0x44: {  	[sflag:s1] =	ssyncadd.s32 @!p1 $0xFFFFF000  }
0x45: {  	s26 =	sadd.s32 $0x4000, s26;
	s30 =	sadd.s32 $0x80, s30;
	p1 =	slt.u32 s31, $0x8  }
0x46: {  	[tilespmem:s0], [sflag:$0x1] =	stream.indirect.gather @!p2 [spmem:s3], $0x20, s28, s21, $0xb8;
	[tilespmem:$0x1EF00] =	vst v63  }
0x47: {  	s28 =	smov.u32 s30;
	s0 =	smov.u32 s29;
	s1 =	sadd.s32 $0xFFFE0000, s26  }
0x48: {  	s29 =	sadd.s32 $0x80, s29;
	s21 =	sadd.s32 $0x8, s31;
	s1 =	sand.u32 $0x3C000, s1  }
0x49: {  	p2 =	sge.u32 s21, s8;
	s31 =	sadd.s32 $0xFFFFFFF9, s21;
	_ =	swait.ge [sflag:s23], $0x1000  }
0x4a: {  	s1 =	sshrl.u32 s1, $0x2;
	p3 =	sne.s32 s31, s8;
	[sflag:s23] =	ssyncset.done $0x0  }
.Ltmp1:
0x4b: {  	s1 =	sadd.s32 $0x4F00, s1;
	[sflag:s23] =	ssyncadd.s32 $0xFFFFF000;
	(pc) =	sbr.rel @p3 .LBB2_2-.Ltmp1, $4  }
0x4c: {  	[spmem:s2] =	stream.indirect.scatter.add.f32 [tilespmem:s1], [sflag:$0x2], $0x20, s0, s20, $0xb8;
	[tilespmem:$0x1EF00] =	vst v63  }
0x4d: {  	s1 =	simm.s32 @!p1 $0x2;
	s0 =	sand.u32 @!p2 $0x3C000, s26  }
0x4e: {  	s0 =	sshrl.u32 @!p2 s0, $0x2;
	_ =	swait.ge @!p1 [sflag:s1], $0x1000  }
0x4f: {  	s21 =	simm.s32 @!p2 $0x80;
	s0 =	sadd.s32 @!p2 $0x4F00, s0;
	[sflag:s1] =	ssyncset.done @!p1 $0x0  }
.LBB2_3:
0x50: {  	[sflag:s1] =	ssyncadd.s32 @!p1 $0xFFFFF000;
	p1 =	sne.s32 s15, $0x1  }
.Ltmp2:
0x51: {  	_ = 	snop;
	(pc) =	sbr.rel @!p1 .LBB2_5-.Ltmp2, $4  }
0x52: {  	_ = 	snop  }
0x53: {  	[tilespmem:s0], [sflag:$0x1] =	stream.indirect.gather @!p2 [spmem:s3], $0x20, s28, s21, $0xb8;
	[tilespmem:$0x1EF00] =	vst v63  }
0x54: {  	_ =	swait.ge [sflag:s24], $0x1000  }
0x55: {  	s1 =	sadd.s32 $0xFFFFFFFF, s15;
	[sflag:s24] =	ssyncset.done $0x0  }
.LBB2_4:
0x56: {  	p1 =	sne.s32 s1, $0x1;
	s1 =	sadd.s32 $0xFFFFFFFF, s1;
	[sflag:s24] =	ssyncadd.s32 $0xFFFFF000  }
.Ltmp3:
0x57: {  	(pc) =	sbr.rel @p1 .LBB2_4-.Ltmp3, $3  }
0x58: {  	_ =	sdelay $0x1  }
0x59: {  	_ =	swait.ge [sflag:s24], $0x1000  }
0x5a: {  	[sflag:s24] =	ssyncset.done $0x0  }
.LBB2_5:
0x5b: {  	s25 =	sadd.s32 $0x1, s25  }
0x5c: {  	[sflag:s24] =	ssyncadd.s32 $0xFFFFF000;
	p1 =	sne.s32 s25, s14  }
.Ltmp4:
0x5d: {  	[bflag:$0x0] =	sbarrier.arrive $0xFFFF;
	(pc) =	sbr.rel @p1 .LBB2_1-.Ltmp4, $4  }
0x5e: {  	[hbm:s13], [sflag:s6] =	dma.local [spmem:s16], $0xA00  }
0x5f: {  	_ =	swait.ge [sflag:s17], $0xA00  }
0x60: {  	[sflag:s17] =	ssyncset.done $0x0  }
0x61: {  	[sflag:s17] =	ssyncadd.s32 $0xFFFFF600  }
0x62: {  	_ =	sfence.sel $0x180000  }
0x63: {  	[bflag:$0x0] =	sbarrier.arrive $0xFFFF  }
0x64: {  	_ =	strace $0x90000050  }
0x65: {  	s0 =	stileid.u32;
	[bflag:$0x2] =	sbarrier.arrive $0xFFFF  }
0x66: {  	p0 =	sne.s32 s0, $0x0;
	s0 =	rddreg [dreg:$0x3]  }
0x67: {  	s0 =	sadd.s32 @!p0 $0x100000, s0  }
0x68: {  	[sflag:s0] =	ssyncadd.tile.s32 @!p0 $0x1;
	_ =	shalt  }
.Lfunc_end2:
_tile_overlayer_lowered:
.L_overlay_start_2:
0x69: {  	(tag) =	ssettag $0x2  }
0x6a: {  	s0 =	rddreg [dreg:$0x0];
	s2 =	stileid.u32  }
0x6b: {  	s1 =	rddreg [dreg:$0x1];
	p0 =	sne.s32 s2, $0x0  }
0x6c: {  	s3 =	rddreg [dreg:$0x2];
	[bflag:$0x3] =	sbarrier.arrive $0xFFFF;
	s2 =	simm.s32 @!p0 $0x1C03  }
0x6d: {  	[timem:s3], [sflag:s2] =	dma.local @!p0 [hbm:s0], s1  }
0x6e: {  	s0 =	simm.s32 @!p0 $0x3  }
0x6f: {  	_ =	swait.ge @!p0 [sflag:s0], s1  }
0x70: {  	s1 =	ssub.s32 @!p0 $0x0, s1;
	[sflag:s0] =	ssyncset.done @!p0 $0x0  }
0x71: {  	[sflag:s0] =	ssyncadd.s32 @!p0 s1  }
0x72: {  	[bflag:$0x3] =	sbarrier.arrive $0xFFFF  }
0x73: {  	_ =	shalt  }

// kernel: kernel.27.cloned.1.call-start
scs
__scs_entry_jumppad:
0x0: {  	(pc) =	sbr.rel $0x88, $3  }
0x1: {  	(tag) =	ssettag $0x0;
	lr =	simm.s32 $0x1  }
0x2: {  	[smem:$0x3F7C] =	sst lr;
	_ =	strace $0xD0000000  }
0x3: {  	_ = 	snop  }
0x4: {  	_ = 	snop  }
0x5: {  	_ = 	snop  }
0x6: {  	_ = 	snop  }
0x7: {  	_ = 	snop  }
__scs_overlays_trampoline_lowered:
0x8: {  	[smem:$0x3F8B] =	sst s0  }
0x9: {  	[smem:$0x3F8C] =	sst s1  }
0xa: {  	[smem:$0x3F8D] =	sst s2  }
0xb: {  	[smem:$0x3F8E] =	sst s3  }
0xc: {  	[smem:$0x3F8F] =	sst s4  }
0xd: {  	[smem:$0x3F90] =	sst s5  }
0xe: {  	[smem:$0x3F91] =	sst s6  }
0xf: {  	[smem:$0x3F92] =	sst s7  }
0x10: {  	[smem:$0x3F93] =	sst s8  }
0x11: {  	[smem:$0x3F94] =	sst s9;
	s0 =	simm.s32 @!p0 $0x0  }
0x12: {  	s1 =	sld [smem:$0x3F7A];
	s0 =	simm.s32 @p0 $0x1  }
0x13: {  	[smem:$0x3F95] =	sst s0;
	s0 =	simm.s32 @!p1 $0x0  }
0x14: {  	s2 =	sld [smem:$0x3F79];
	s0 =	simm.s32 @p1 $0x1  }
0x15: {  	[smem:$0x3F96] =	sst s0;
	s0 =	simm.s32 @!p2 $0x0  }
0x16: {  	s3 =	sld [smem:$0x3FDB];
	s0 =	simm.s32 @p2 $0x1  }
0x17: {  	s4 =	simm.s32 $0x1BF5;
	[smem:$0x3F98] =	sst s0  }
0x18: {  	s0 =	sld [smem:$0x3F7B];
	_ =	swait.ge [sflag:s4], $0x0  }
0x19: {  	s7 =	sld [smem:$0x3F7C]  }
0x1a: {  	s8 =	sadd.s32 $0xFFFFE003, lr  }
0x1b: {  	s9 =	sadd.s32 $0xFFFFFEF7, lr;
	s5 =	simm.s32 $0xFFFFFFFF;
	p2 =	slt.u32 s8, $0xFFFFF086  }
0x1c: {  	p1 =	slt.u32 s9, $0xF7A;
	s5 =	simm.s32 @!p2 $0x0  }
0x1d: {  	s5 =	simm.s32 @p1 $0x1;
	p0 =	seq.s32 s7, s2  }
0x1e: {  	s7 =	smul.u32 @!p0 $0xF7A, s2;
	p2 =	seq.s32 @!p0 s5, $0x0  }
0x1f: {  	s9 =	smul.u32 $0xF7A, s1;
	s8 =	simm.s32 @!p0 $0x1BF5;
	p2 =	por !p2, p0  }
0x20: {  	[sflag:s8] =	ssyncset.s32 @!p0 $0xFFFFF086;
	s6 =	sadd.s32 @!p0 s3, s7;
	s7 =	simm.s32 @!p0 $0x108  }
0x21: {  	s3 =	sadd.s32 s3, s9;
	s6 =	sadd.s32 @!p0 $0x88, s6;
	s7 =	simm.s32 @p2 $0x1082  }
0x22: {  	[simem:s7], [sflag:s8] =	dma.local @!p0 [hbm:s6], $0xF7A  }
0x23: {  	s9 =	sor.u32 $0xD0000000, s2;
	s6 =	simm.s32 $0x108;
	_ =	swait.ge @!p0 [sflag:s8], $0x0  }
0x24: {  	s3 =	sadd.s32 $0x88, s3;
	s6 =	simm.s32 @!p1 $0x1082;
	[sflag:s4] =	ssyncset.s32 $0xFFFFF086  }
0x25: {  	[simem:s6], [sflag:s4] =	dma.local [hbm:s3], $0xF7A  }
0x26: {  	[smem:$0x3F7C] =	sst s1;
	(tag) =	ssettag s2;
	_ =	strace s9  }
0x27: {  	s1 =	sld [smem:$0x3F8C]  }
0x28: {  	s2 =	sld [smem:$0x3F8D]  }
0x29: {  	s4 =	sld [smem:$0x3F8F]  }
0x2a: {  	p0 =	seq.s32 s5, $0x0;
	s5 =	sld [smem:$0x3F90]  }
0x2b: {  	s6 =	sld [smem:$0x3F91]  }
0x2c: {  	s7 =	sld [smem:$0x3F92]  }
0x2d: {  	s3 =	simm.s32 $0x108;
	s8 =	sld [smem:$0x3F93]  }
0x2e: {  	s3 =	simm.s32 @!p0 $0x1082;
	s9 =	sld [smem:$0x3F94]  }
0x2f: {  	lr =	sadd.s32 s0, s3;
	s0 =	sld [smem:$0x3F8B]  }
0x30: {  	s3 =	sld [smem:$0x3F8E]  }
0x31: {  	[smem:$0x3F97] =	sst s10  }
0x32: {  	s10 =	sld [smem:$0x3F95];
	_ =	sdelay $0x3  }
0x33: {  	p0 =	seq.s32 s10, $0x1;
	s10 =	sld [smem:$0x3F97];
	_ =	sdelay $0x3  }
0x34: {  	[smem:$0x3F97] =	sst s10  }
0x35: {  	s10 =	sld [smem:$0x3F96];
	_ =	sdelay $0x3  }
0x36: {  	p1 =	seq.s32 s10, $0x1;
	s10 =	sld [smem:$0x3F97];
	_ =	sdelay $0x3  }
0x37: {  	[smem:$0x3F97] =	sst s10  }
0x38: {  	s10 =	sld [smem:$0x3F98]  }
0x39: {  	_ = 	snop;
	(pc) =	sbr.ind lr, $3  }
0x3a: {  	_ = 	snop  }
0x3b: {  	_ = 	snop  }
0x3c: {  	p2 =	seq.s32 s10, $0x1;
	s10 =	sld [smem:$0x3F97]  }
0x3d: {  	_ =	shalt  }
0x3e: {  	_ =	shalt  }
0x3f: {  	_ =	shalt  }
0x40: {  	_ =	shalt  }
0x41: {  	_ =	shalt  }
0x42: {  	_ =	shalt  }
0x43: {  	_ =	shalt  }
0x44: {  	_ =	shalt  }
0x45: {  	_ =	shalt  }
0x46: {  	_ =	shalt  }
0x47: {  	_ =	shalt  }
0x48: {  	_ =	shalt  }
0x49: {  	_ =	shalt  }
0x4a: {  	_ =	shalt  }
0x4b: {  	_ =	shalt  }
0x4c: {  	_ =	shalt  }
0x4d: {  	_ =	shalt  }
0x4e: {  	_ =	shalt  }
0x4f: {  	_ =	shalt  }
0x50: {  	_ =	shalt  }
0x51: {  	_ =	shalt  }
0x52: {  	_ =	shalt  }
0x53: {  	_ =	shalt  }
0x54: {  	_ =	shalt  }
0x55: {  	_ =	shalt  }
0x56: {  	_ =	shalt  }
0x57: {  	_ =	shalt  }
0x58: {  	_ =	shalt  }
0x59: {  	_ =	shalt  }
0x5a: {  	_ =	shalt  }
0x5b: {  	_ =	shalt  }
0x5c: {  	_ =	shalt  }
0x5d: {  	_ =	shalt  }
0x5e: {  	_ =	shalt  }
0x5f: {  	_ =	shalt  }
0x60: {  	_ =	shalt  }
0x61: {  	_ =	shalt  }
0x62: {  	_ =	shalt  }
0x63: {  	_ =	shalt  }
0x64: {  	_ =	shalt  }
0x65: {  	_ =	shalt  }
0x66: {  	_ =	shalt  }
0x67: {  	_ =	shalt  }
0x68: {  	_ =	shalt  }
0x69: {  	_ =	shalt  }
0x6a: {  	_ =	shalt  }
0x6b: {  	_ =	shalt  }
0x6c: {  	_ =	shalt  }
0x6d: {  	_ =	shalt  }
0x6e: {  	_ =	shalt  }
0x6f: {  	_ =	shalt  }
0x70: {  	_ =	shalt  }
0x71: {  	_ =	shalt  }
0x72: {  	_ =	shalt  }
0x73: {  	_ =	shalt  }
0x74: {  	_ =	shalt  }
0x75: {  	_ =	shalt  }
0x76: {  	_ =	shalt  }
0x77: {  	_ =	shalt  }
0x78: {  	_ =	shalt  }
0x79: {  	_ =	shalt  }
0x7a: {  	_ =	shalt  }
0x7b: {  	_ =	shalt  }
0x7c: {  	_ =	shalt  }
0x7d: {  	_ =	shalt  }
0x7e: {  	_ =	shalt  }
0x7f: {  	_ =	shalt  }
0x80: {  	_ =	shalt  }
0x81: {  	_ =	shalt  }
0x82: {  	_ =	shalt  }
0x83: {  	_ =	shalt  }
0x84: {  	_ =	shalt  }
0x85: {  	_ =	shalt  }
0x86: {  	_ =	shalt  }
0x87: {  	_ =	shalt  }
.Lfunc_end0:
.L_simem_size_0:
called_computation.4_lowered:
.L_overlay_start_0:
0x88: {  	s2 =	sld [smem:$0x3FD9]  }
0x89: {  	s3 =	sld [smem:$0x3FFE];
	_ =	sdelay $0x1  }
0x8a: {  	s1 =	srdreg.scid  }
0x8b: {  	s0 =	sand.u32 $0x1, s1  }
0x8c: {  	s16 =	sshll.u32 s0, $0xA;
	s2 =	sadd.s32 s3, s2  }
0x8d: {  	s2 =	sadd.s32 s2, s16  }
0x8e: {  	[smem:$0x3FA3] =	sst s2  }
0x8f: {  	_ = 	snop  }
0x90: {  	(tm) =	ssettm $0x1  }
0x91: {  	s17 =	sld [smem:$0x3FFB];
	_ =	sdelay $0x3  }
0x92: {  	_ =	strace s17  }
0x93: {  	s2 =	sld [smem:$0x3FFC];
	_ =	sdelay $0x3  }
0x94: {  	_ =	strace s2  }
0x95: {  	s2 =	sld [smem:$0x3FFD];
	_ =	sdelay $0x3  }
0x96: {  	_ =	strace s2  }
0x97: {  	_ =	strace $0x8FFFFFFF  }
0x98: {  	s18 =	sld [smem:$0x3FDB];
	_ =	sdelay $0x1  }
0x99: {  	s19 =	simm.s32 $_scs_section_size  }
0x9a: {  	s4 =	simm.s32 $_size__tile_overlayer_lowered;
	s5 =	simm.s32 $_tile_overlayer_lowered  }
0x9b: {  	s22 =	simm.s32 $0x1BFF;
	s21 =	sshll.u32 s5, $0x1;
	s2 =	sadd.s32 s19, s18  }
0x9c: {  	s6 =	simm.s32 $0x0;
	s20 =	sshll.u32 s4, $0x1;
	s4 =	sadd.s32 s21, s2  }
0x9d: {  	[timem:s6], [sflag:s22] =	dma.local [hbm:s4], s20  }
0x9e: {  	_ =	swait.ge [sflag:s22], s20  }
0x9f: {  	s3 =	ssub.s32 $0x0, s20;
	[sflag:s22] =	ssyncset.done $0x0  }
0xa0: {  	[sflag:s22] =	ssyncadd.s32 s3;
	_ =	sdelay $0x1  }
0xa1: {  	s23 =	simm.s32 $0x1B8B  }
0xa2: {  	_ =	swait.ge [sflag:s23], $0x1  }
0xa3: {  	[sflag:s23] =	ssyncset.done $0x0  }
0xa4: {  	s25 =	simm.s32 $0x1B8E;
	s24 =	sld [smem:$0x3FFE];
	[sflag:s23] =	ssyncadd.s32 $0xFFFFFFFF  }
0xa5: {  	s26 =	simm.s32 $execute0_lowered;
	[smem:$0x3FD2] =	sst s25  }
0xa6: {  	s4 =	sshll.u32 s26, $0x1;
	_ =	strace $0x80000052;
	[dreg:$0x1] =	wrdreg $0xFFFFFFFF  }
0xa7: {  	s28 =	simm.s32 $_size_execute0_lowered;
	s2 =	sadd.s32 s2, s4;
	[dreg:$0x0] =	wrdreg $0x0  }
0xa8: {  	s4 =	sshll.u32 s28, $0x1;
	[dreg:$0x2] =	wrdreg s2  }
0xa9: {  	[dreg:$0x3] =	wrdreg s4  }
0xaa: {  	[dreg:$0x4] =	wrdreg $0xC0  }
0xab: {  	_ =	task [dreg:s6], $0x5FFFF  }
0xac: {  	[dreg:$0x1] =	wrdreg $0xFFFFFFFF  }
0xad: {  	[dreg:$0x0] =	wrdreg $0x60  }
0xae: {  	[dreg:$0x2] =	wrdreg s24  }
0xaf: {  	[dreg:$0x3] =	wrdreg $0x14F000  }
0xb0: {  	[dreg:$0x4] =	wrdreg $0x19F000  }
0xb1: {  	[dreg:$0x5] =	wrdreg $0x9  }
0xb2: {  	_ =	task.clear_ibuf [dreg:s6], $0x6FFFF;
	_ =	strace $0x90000052  }
0xb3: {  	s29 =	simm.s32 $0x9;
	_ =	strace $0x80000054  }
0xb4: {  	_ =	swait.ge [sflag:s29], $0x1  }
0xb5: {  	[sflag:s29] =	ssyncadd.s32 $0xFFFFFFFF  }
0xb6: {  	_ =	strace $0x90000054  }
0xb7: {  	_ =	sfence  }
0xb8: {  	s30 =	sld [smem:$0x0];
	_ =	sdelay $0x2  }
0xb9: {  	s31 =	sshll.u32 s1, $0xD;
	s1 =	sshrl.u32 s1, $0x2  }
0xba: {  	s3 =	sand.u32 $0x4000, s31;
	s1 =	sadd.s32 s1, s30  }
0xbb: {  	s0 =	sor.u32 s3, s0;
	s1 =	sshll.u32 s1, $0x11  }
0xbc: {  	s0 =	sor.u32 s1, s0  }
0xbd: {  	s0 =	sadd.s32 $0x8F2B, s0  }
0xbe: {  	[sflag:s0] =	ssyncadd.remote.s32 $0x1  }
0xbf: {  	_ =	sfence.sel $0xFFFF  }
0xc0: {  	[dreg:$0x0] =	wrdreg $0xFFFFFFFF;
	(pc) =	sbr.abs _section_cstart, $3  }
0xc1: {  	[dreg:$0x1] =	wrdreg $0xFFFFFFFF  }
0xc2: {  	_ =	task.clear_ibuf [dreg:s6], $0x2FFFF;
	_ =	strace $0x9FFFFFFF  }
0xc3: {  	(tm) =	ssettm $0x7FFFFFFF  }
tec
execute0_lowered:
.L_overlay_start_1:
0x0: {  	(tag) =	ssettag $0x1  }
0x1: {  	s0 =	srdreg.scid  }
0x2: {  	s1 =	rddreg [dreg:$0x0];
	s9 =	stileid.u32  }
0x3: {  	s2 =	rddreg [dreg:$0x1];
	s4 =	simm.s32 $0x0;
	s15 =	simm.s32 $0x47  }
0x4: {  	s19 =	simm.s32 $0x2780;
	s20 =	simm.s32 $0x80;
	s22 =	simm.s32 $0xBF00  }
0x5: {  	s23 =	simm.s32 $0x1;
	s24 =	simm.s32 $0x2;
	s25 =	simm.s32 $0x0  }
0x6: {  	s0 =	sand.u32 $0x1, s0;
	s7 =	smul.u32 $0x5000, s9;
	[smem:$0x7FF] =	sst s4  }
0x7: {  	s31 =	sshll.u32 s9, $0x6;
	s3 =	sshll.u32 s0, $0x4;
	s26 =	smul.u32 $0x50000, s0  }
0x8: {  	s0 =	ssub.s32 $0x2, s0;
	s16 =	sor.u32 s9, s3;
	s3 =	rddreg [dreg:$0x2]  }
0x9: {  	_ =	strace $0x80000053;
	s29 =	sshrl.u32 s7, $0x3;
	s30 =	sshrl.u32 s0, $0x1  }
0xa: {  	s17 =	sadd.s32 s7, s2;
	s5 =	smul.u32 $0x4E, s16;
	s6 =	smin.u32 s16, $0x4  }
0xb: {  	s28 =	sadd.s32 s7, s26;
	s8 =	sadd.s32 s29, s1;
	s0 =	ssub.s32 s0, s30  }
0xc: {  	s18 =	sadd.s32 s7, s3;
	p0 =	slt.u32 s16, $0x4;
	s5 =	sadd.s32 s6, s5  }
0xd: {  	s7 =	sadd.s32 $0x1BA00, s8;
	s15 =	simm.s32 @!p0 $0x46;
	s5 =	sshll.u32 s5, $0x4  }
0xe: {  	s14 =	smax.u32 s0, $0x1;
	s12 =	sadd.s32 s5, s1;
	s5 =	sshrl.u32 s28, $0x3  }
0xf: {  	s18 =	sshrl.u32 s18, $0x3;
	s6 =	sor.u32 $0x1C03, s31;
	s1 =	sadd.s32 s5, s1  }
0x10: {  	s5 =	sadd.s32 $0x25A00, s8;
	s8 =	simm.s32 $0x4F;
	s9 =	sadd.s32 $0x8000, s12  }
0x11: {  	s10 =	sadd.s32 $0x11C40, s12;
	s11 =	sadd.s32 $0x84E0, s12;
	s12 =	sadd.s32 $0x12120, s12  }
0x12: {  	s8 =	simm.s32 @!p0 $0x4E;
	s13 =	sadd.s32 $0x2FA00, s1;
	p0 =	sgt.u32 s16, $0x3  }
0x13: {  	s16 =	sshrl.u32 s17, $0x3;
	s17 =	simm.s32 $0x3;
	s15 =	ssub.s32 s8, s15  }
.LBB2_1:
0x14: {  	[spmem:s16], [sflag:s6] =	dma.local [hbm:s5], $0xA00  }
0x15: {  	_ =	swait.ge [sflag:s17], $0xA00  }
0x16: {  	[sflag:s17] =	ssyncset.done $0x0  }
0x17: {  	[sflag:s17] =	ssyncadd.s32 $0xFFFFF600  }
0x18: {  	[spmem:s18], [sflag:s6] =	dma.local [hbm:s7], $0xA00  }
0x19: {  	_ =	swait.ge [sflag:s17], $0xA00  }
0x1a: {  	[sflag:s17] =	ssyncset.done $0x0  }
0x1b: {  	[sflag:s17] =	ssyncadd.s32 $0xFFFFF600  }
0x1c: {  	[tilespmem:s4], [sflag:$0x3] =	stream.linear.gather [hbm4b:s9+s4], $0x2700, $0x38;
	[tilespmem:$0x1EF00] =	vst v63  }
0x1d: {  	_ =	swait.ge [sflag:s17], $0x2700  }
0x1e: {  	[sflag:s17] =	ssyncset.done $0x0  }
0x1f: {  	[sflag:s17] =	ssyncadd.s32 $0xFFFFD900  }
0x20: {  	[tilespmem:s19], [sflag:$0x3] =	stream.linear.gather [hbm4b:s10+s4], $0x2700, $0x38;
	[tilespmem:$0x1EF00] =	vst v63  }
0x21: {  	_ =	swait.ge [sflag:s17], $0x2700  }
0x22: {  	[sflag:s17] =	ssyncset.done $0x0  }
0x23: {  	s0 =	simm.s32 @!p0 $0x0;
	s1 =	simm.s32 @!p0 $0x2700;
	[sflag:s17] =	ssyncadd.s32 $0xFFFFD900  }
0x24: {  	[tilespmem:s1], [sflag:$0x3] =	stream.linear.gather @!p0 [hbm4b:s11+s0], $0x80, $0x38;
	[tilespmem:$0x1EF00] =	vst v63  }
0x25: {  	s1 =	simm.s32 @!p0 $0x3  }
0x26: {  	_ =	swait.ge @!p0 [sflag:s1], $0x80  }
0x27: {  	[sflag:s1] =	ssyncset.done @!p0 $0x0  }
0x28: {  	s21 =	simm.s32 @!p0 $0x4E80;
	[sflag:s1] =	ssyncadd.s32 @!p0 $0xFFFFFF80  }
0x29: {  	[tilespmem:s21], [sflag:$0x3] =	stream.linear.gather @!p0 [hbm4b:s12+s0], $0x80, $0x38;
	[tilespmem:$0x1EF00] =	vst v63  }
0x2a: {  	_ =	swait.ge @!p0 [sflag:s1], $0x80  }
0x2b: {  	[sflag:s1] =	ssyncset.done @!p0 $0x0  }
0x2c: {  	[sflag:s1] =	ssyncadd.s32 @!p0 $0xFFFFFF80  }
0x2d: {  	s26 =	simm.s32 $0x4F00;
	[bflag:$0x0] =	sbarrier.arrive $0xFFFF  }
0x2e: {  	[tilespmem:s26], [sflag:$0x1] =	stream.indirect.gather [spmem:s3], $0x20, s4, s20, $0xb8;
	[tilespmem:$0x1EF00] =	vst v63  }
0x2f: {  	s1 =	simm.s32 $0x5F00  }
0x30: {  	[tilespmem:s1], [sflag:$0x1] =	stream.indirect.gather [spmem:s3], $0x20, s20, s20, $0xb8;
	[tilespmem:$0x1EF00] =	vst v63  }
0x31: {  	s21 =	simm.s32 $0x100;
	s26 =	simm.s32 $0x6F00  }
0x32: {  	[tilespmem:s26], [sflag:$0x1] =	stream.indirect.gather [spmem:s3], $0x20, s21, s20, $0xb8;
	[tilespmem:$0x1EF00] =	vst v63  }
0x33: {  	s21 =	simm.s32 $0x180;
	s26 =	simm.s32 $0x7F00  }
0x34: {  	[tilespmem:s26], [sflag:$0x1] =	stream.indirect.gather [spmem:s3], $0x20, s21, s20, $0xb8;
	[tilespmem:$0x1EF00] =	vst v63  }
0x35: {  	s28 =	simm.s32 $0x400;
	s21 =	simm.s32 $0x200;
	s26 =	simm.s32 $0x8F00  }
0x36: {  	[tilespmem:s26], [sflag:$0x1] =	stream.indirect.gather [spmem:s3], $0x20, s21, s20, $0xb8;
	[tilespmem:$0x1EF00] =	vst v63  }
0x37: {  	p1 =	por $0x1, $0x1;
	s21 =	simm.s32 $0x280;
	s26 =	simm.s32 $0x9F00  }
0x38: {  	[tilespmem:s26], [sflag:$0x1] =	stream.indirect.gather [spmem:s3], $0x20, s21, s20, $0xb8;
	[tilespmem:$0x1EF00] =	vst v63  }
0x39: {  	s29 =	simm.s32 $0x2800;
	s21 =	simm.s32 $0x300;
	s26 =	simm.s32 $0xAF00  }
0x3a: {  	[tilespmem:s26], [sflag:$0x1] =	stream.indirect.gather [spmem:s3], $0x20, s21, s20, $0xb8;
	[tilespmem:$0x1EF00] =	vst v63  }
0x3b: {  	p2 =	sle.u32 s8, $0x8;
	s1 =	simm.s32 $0x380;
	s21 =	simm.s32 $0x0  }
0x3c: {  	[tilespmem:s22], [sflag:$0x1] =	stream.indirect.gather [spmem:s3], $0x20, s1, s20, $0xb8;
	[tilespmem:$0x1EF00] =	vst v63  }
0x3d: {  	p3 =	sne.s32 s8, $0x1;
	s0 =	sand.u32 $0x3C000, s21;
	_ =	swait.ge [sflag:s23], $0x1000  }
0x3e: {  	s26 =	simm.s32 $0x20000;
	s0 =	sshrl.u32 s0, $0x2;
	[sflag:s23] =	ssyncset.done $0x0  }
.Ltmp0:
0x3f: {  	s0 =	sadd.s32 $0x4F00, s0;
	[sflag:s23] =	ssyncadd.s32 $0xFFFFF000;
	(pc) =	sbr.rel @!p3 .LBB2_3-.Ltmp0, $4  }
0x40: {  	[spmem:s2] =	stream.indirect.scatter.add.f32 [tilespmem:s0], [sflag:$0x2], $0x20, s19, s20, $0xb8;
	[tilespmem:$0x1EF00] =	vst v63  }
0x41: {  	s31 =	simm.s32 $0x1;
	s1 =	simm.s32 @!p1 $0x2;
	s0 =	sand.u32 @!p2 $0x3C000, s26  }
0x42: {  	s30 =	simm.s32 $0x400;
	_ =	swait.ge @!p1 [sflag:s1], $0x1000;
	s0 =	sshrl.u32 @!p2 s0, $0x2  }
0x43: {  	s21 =	simm.s32 @!p2 $0x80;
	[sflag:s1] =	ssyncset.done @!p1 $0x0;
	s0 =	sadd.s32 @!p2 $0x4F00, s0  }
.LBB2_2:
0x44: {  	[sflag:s1] =	ssyncadd.s32 @!p1 $0xFFFFF000  }
0x45: {  	s26 =	sadd.s32 $0x4000, s26;
	s30 =	sadd.s32 $0x80, s30;
	p1 =	slt.u32 s31, $0x8  }
0x46: {  	[tilespmem:s0], [sflag:$0x1] =	stream.indirect.gather @!p2 [spmem:s3], $0x20, s28, s21, $0xb8;
	[tilespmem:$0x1EF00] =	vst v63  }
0x47: {  	s28 =	smov.u32 s30;
	s0 =	smov.u32 s29;
	s1 =	sadd.s32 $0xFFFE0000, s26  }
0x48: {  	s29 =	sadd.s32 $0x80, s29;
	s21 =	sadd.s32 $0x8, s31;
	s1 =	sand.u32 $0x3C000, s1  }
0x49: {  	p2 =	sge.u32 s21, s8;
	s31 =	sadd.s32 $0xFFFFFFF9, s21;
	_ =	swait.ge [sflag:s23], $0x1000  }
0x4a: {  	s1 =	sshrl.u32 s1, $0x2;
	p3 =	sne.s32 s31, s8;
	[sflag:s23] =	ssyncset.done $0x0  }
.Ltmp1:
0x4b: {  	s1 =	sadd.s32 $0x4F00, s1;
	[sflag:s23] =	ssyncadd.s32 $0xFFFFF000;
	(pc) =	sbr.rel @p3 .LBB2_2-.Ltmp1, $4  }
0x4c: {  	[spmem:s2] =	stream.indirect.scatter.add.f32 [tilespmem:s1], [sflag:$0x2], $0x20, s0, s20, $0xb8;
	[tilespmem:$0x1EF00] =	vst v63  }
0x4d: {  	s1 =	simm.s32 @!p1 $0x2;
	s0 =	sand.u32 @!p2 $0x3C000, s26  }
0x4e: {  	s0 =	sshrl.u32 @!p2 s0, $0x2;
	_ =	swait.ge @!p1 [sflag:s1], $0x1000  }
0x4f: {  	s21 =	simm.s32 @!p2 $0x80;
	s0 =	sadd.s32 @!p2 $0x4F00, s0;
	[sflag:s1] =	ssyncset.done @!p1 $0x0  }
.LBB2_3:
0x50: {  	[sflag:s1] =	ssyncadd.s32 @!p1 $0xFFFFF000;
	p1 =	sne.s32 s15, $0x1  }
.Ltmp2:
0x51: {  	_ = 	snop;
	(pc) =	sbr.rel @!p1 .LBB2_5-.Ltmp2, $4  }
0x52: {  	_ = 	snop  }
0x53: {  	[tilespmem:s0], [sflag:$0x1] =	stream.indirect.gather @!p2 [spmem:s3], $0x20, s28, s21, $0xb8;
	[tilespmem:$0x1EF00] =	vst v63  }
0x54: {  	_ =	swait.ge [sflag:s24], $0x1000  }
0x55: {  	s1 =	sadd.s32 $0xFFFFFFFF, s15;
	[sflag:s24] =	ssyncset.done $0x0  }
.LBB2_4:
0x56: {  	p1 =	sne.s32 s1, $0x1;
	s1 =	sadd.s32 $0xFFFFFFFF, s1;
	[sflag:s24] =	ssyncadd.s32 $0xFFFFF000  }
.Ltmp3:
0x57: {  	(pc) =	sbr.rel @p1 .LBB2_4-.Ltmp3, $3  }
0x58: {  	_ =	sdelay $0x1  }
0x59: {  	_ =	swait.ge [sflag:s24], $0x1000  }
0x5a: {  	[sflag:s24] =	ssyncset.done $0x0  }
.LBB2_5:
0x5b: {  	s25 =	sadd.s32 $0x1, s25  }
0x5c: {  	[sflag:s24] =	ssyncadd.s32 $0xFFFFF000;
	p1 =	sne.s32 s25, s14  }
.Ltmp4:
0x5d: {  	[bflag:$0x0] =	sbarrier.arrive $0xFFFF;
	(pc) =	sbr.rel @p1 .LBB2_1-.Ltmp4, $4  }
0x5e: {  	[hbm:s13], [sflag:s6] =	dma.local [spmem:s16], $0xA00  }
0x5f: {  	_ =	swait.ge [sflag:s17], $0xA00  }
0x60: {  	[sflag:s17] =	ssyncset.done $0x0  }
0x61: {  	[sflag:s17] =	ssyncadd.s32 $0xFFFFF600  }
0x62: {  	_ =	sfence.sel $0x180000  }
0x63: {  	[bflag:$0x0] =	sbarrier.arrive $0xFFFF  }
0x64: {  	_ =	strace $0x90000053  }
0x65: {  	s0 =	stileid.u32;
	[bflag:$0x2] =	sbarrier.arrive $0xFFFF  }
0x66: {  	p0 =	sne.s32 s0, $0x0;
	s0 =	rddreg [dreg:$0x3]  }
0x67: {  	s0 =	sadd.s32 @!p0 $0x100000, s0  }
0x68: {  	[sflag:s0] =	ssyncadd.tile.s32 @!p0 $0x1;
	_ =	shalt  }
.Lfunc_end2:
_tile_overlayer_lowered:
.L_overlay_start_2:
0x69: {  	(tag) =	ssettag $0x2  }
0x6a: {  	s0 =	rddreg [dreg:$0x0];
	s2 =	stileid.u32  }
0x6b: {  	s1 =	rddreg [dreg:$0x1];
	p0 =	sne.s32 s2, $0x0  }
0x6c: {  	s3 =	rddreg [dreg:$0x2];
	[bflag:$0x3] =	sbarrier.arrive $0xFFFF;
	s2 =	simm.s32 @!p0 $0x1C03  }
0x6d: {  	[timem:s3], [sflag:s2] =	dma.local @!p0 [hbm:s0], s1  }
0x6e: {  	s0 =	simm.s32 @!p0 $0x3  }
0x6f: {  	_ =	swait.ge @!p0 [sflag:s0], s1  }
0x70: {  	s1 =	ssub.s32 @!p0 $0x0, s1;
	[sflag:s0] =	ssyncset.done @!p0 $0x0  }
0x71: {  	[sflag:s0] =	ssyncadd.s32 @!p0 s1  }
0x72: {  	[bflag:$0x3] =	sbarrier.arrive $0xFFFF  }
0x73: {  	_ =	shalt  }

// kernel: kernel.30.cloned.1.call-start
scs
__scs_entry_jumppad:
0x0: {  	(pc) =	sbr.rel $0x88, $3  }
0x1: {  	(tag) =	ssettag $0x0;
	lr =	simm.s32 $0x1  }
0x2: {  	[smem:$0x3F7C] =	sst lr;
	_ =	strace $0xD0000000  }
0x3: {  	_ = 	snop  }
0x4: {  	_ = 	snop  }
0x5: {  	_ = 	snop  }
0x6: {  	_ = 	snop  }
0x7: {  	_ = 	snop  }
__scs_overlays_trampoline_lowered:
0x8: {  	[smem:$0x3F8B] =	sst s0  }
0x9: {  	[smem:$0x3F8C] =	sst s1  }
0xa: {  	[smem:$0x3F8D] =	sst s2  }
0xb: {  	[smem:$0x3F8E] =	sst s3  }
0xc: {  	[smem:$0x3F8F] =	sst s4  }
0xd: {  	[smem:$0x3F90] =	sst s5  }
0xe: {  	[smem:$0x3F91] =	sst s6  }
0xf: {  	[smem:$0x3F92] =	sst s7  }
0x10: {  	[smem:$0x3F93] =	sst s8  }
0x11: {  	[smem:$0x3F94] =	sst s9;
	s0 =	simm.s32 @!p0 $0x0  }
0x12: {  	s1 =	sld [smem:$0x3F7A];
	s0 =	simm.s32 @p0 $0x1  }
0x13: {  	[smem:$0x3F95] =	sst s0;
	s0 =	simm.s32 @!p1 $0x0  }
0x14: {  	s2 =	sld [smem:$0x3F79];
	s0 =	simm.s32 @p1 $0x1  }
0x15: {  	[smem:$0x3F96] =	sst s0;
	s0 =	simm.s32 @!p2 $0x0  }
0x16: {  	s3 =	sld [smem:$0x3FDB];
	s0 =	simm.s32 @p2 $0x1  }
0x17: {  	s4 =	simm.s32 $0x1BF5;
	[smem:$0x3F98] =	sst s0  }
0x18: {  	s0 =	sld [smem:$0x3F7B];
	_ =	swait.ge [sflag:s4], $0x0  }
0x19: {  	s7 =	sld [smem:$0x3F7C]  }
0x1a: {  	s8 =	sadd.s32 $0xFFFFE003, lr  }
0x1b: {  	s9 =	sadd.s32 $0xFFFFFEF7, lr;
	s5 =	simm.s32 $0xFFFFFFFF;
	p2 =	slt.u32 s8, $0xFFFFF086  }
0x1c: {  	p1 =	slt.u32 s9, $0xF7A;
	s5 =	simm.s32 @!p2 $0x0  }
0x1d: {  	s5 =	simm.s32 @p1 $0x1;
	p0 =	seq.s32 s7, s2  }
0x1e: {  	s7 =	smul.u32 @!p0 $0xF7A, s2;
	p2 =	seq.s32 @!p0 s5, $0x0  }
0x1f: {  	s9 =	smul.u32 $0xF7A, s1;
	s8 =	simm.s32 @!p0 $0x1BF5;
	p2 =	por !p2, p0  }
0x20: {  	[sflag:s8] =	ssyncset.s32 @!p0 $0xFFFFF086;
	s6 =	sadd.s32 @!p0 s3, s7;
	s7 =	simm.s32 @!p0 $0x108  }
0x21: {  	s3 =	sadd.s32 s3, s9;
	s6 =	sadd.s32 @!p0 $0x88, s6;
	s7 =	simm.s32 @p2 $0x1082  }
0x22: {  	[simem:s7], [sflag:s8] =	dma.local @!p0 [hbm:s6], $0xF7A  }
0x23: {  	s9 =	sor.u32 $0xD0000000, s2;
	s6 =	simm.s32 $0x108;
	_ =	swait.ge @!p0 [sflag:s8], $0x0  }
0x24: {  	s3 =	sadd.s32 $0x88, s3;
	s6 =	simm.s32 @!p1 $0x1082;
	[sflag:s4] =	ssyncset.s32 $0xFFFFF086  }
0x25: {  	[simem:s6], [sflag:s4] =	dma.local [hbm:s3], $0xF7A  }
0x26: {  	[smem:$0x3F7C] =	sst s1;
	(tag) =	ssettag s2;
	_ =	strace s9  }
0x27: {  	s1 =	sld [smem:$0x3F8C]  }
0x28: {  	s2 =	sld [smem:$0x3F8D]  }
0x29: {  	s4 =	sld [smem:$0x3F8F]  }
0x2a: {  	p0 =	seq.s32 s5, $0x0;
	s5 =	sld [smem:$0x3F90]  }
0x2b: {  	s6 =	sld [smem:$0x3F91]  }
0x2c: {  	s7 =	sld [smem:$0x3F92]  }
0x2d: {  	s3 =	simm.s32 $0x108;
	s8 =	sld [smem:$0x3F93]  }
0x2e: {  	s3 =	simm.s32 @!p0 $0x1082;
	s9 =	sld [smem:$0x3F94]  }
0x2f: {  	lr =	sadd.s32 s0, s3;
	s0 =	sld [smem:$0x3F8B]  }
0x30: {  	s3 =	sld [smem:$0x3F8E]  }
0x31: {  	[smem:$0x3F97] =	sst s10  }
0x32: {  	s10 =	sld [smem:$0x3F95];
	_ =	sdelay $0x3  }
0x33: {  	p0 =	seq.s32 s10, $0x1;
	s10 =	sld [smem:$0x3F97];
	_ =	sdelay $0x3  }
0x34: {  	[smem:$0x3F97] =	sst s10  }
0x35: {  	s10 =	sld [smem:$0x3F96];
	_ =	sdelay $0x3  }
0x36: {  	p1 =	seq.s32 s10, $0x1;
	s10 =	sld [smem:$0x3F97];
	_ =	sdelay $0x3  }
0x37: {  	[smem:$0x3F97] =	sst s10  }
0x38: {  	s10 =	sld [smem:$0x3F98]  }
0x39: {  	_ = 	snop;
	(pc) =	sbr.ind lr, $3  }
0x3a: {  	_ = 	snop  }
0x3b: {  	_ = 	snop  }
0x3c: {  	p2 =	seq.s32 s10, $0x1;
	s10 =	sld [smem:$0x3F97]  }
0x3d: {  	_ =	shalt  }
0x3e: {  	_ =	shalt  }
0x3f: {  	_ =	shalt  }
0x40: {  	_ =	shalt  }
0x41: {  	_ =	shalt  }
0x42: {  	_ =	shalt  }
0x43: {  	_ =	shalt  }
0x44: {  	_ =	shalt  }
0x45: {  	_ =	shalt  }
0x46: {  	_ =	shalt  }
0x47: {  	_ =	shalt  }
0x48: {  	_ =	shalt  }
0x49: {  	_ =	shalt  }
0x4a: {  	_ =	shalt  }
0x4b: {  	_ =	shalt  }
0x4c: {  	_ =	shalt  }
0x4d: {  	_ =	shalt  }
0x4e: {  	_ =	shalt  }
0x4f: {  	_ =	shalt  }
0x50: {  	_ =	shalt  }
0x51: {  	_ =	shalt  }
0x52: {  	_ =	shalt  }
0x53: {  	_ =	shalt  }
0x54: {  	_ =	shalt  }
0x55: {  	_ =	shalt  }
0x56: {  	_ =	shalt  }
0x57: {  	_ =	shalt  }
0x58: {  	_ =	shalt  }
0x59: {  	_ =	shalt  }
0x5a: {  	_ =	shalt  }
0x5b: {  	_ =	shalt  }
0x5c: {  	_ =	shalt  }
0x5d: {  	_ =	shalt  }
0x5e: {  	_ =	shalt  }
0x5f: {  	_ =	shalt  }
0x60: {  	_ =	shalt  }
0x61: {  	_ =	shalt  }
0x62: {  	_ =	shalt  }
0x63: {  	_ =	shalt  }
0x64: {  	_ =	shalt  }
0x65: {  	_ =	shalt  }
0x66: {  	_ =	shalt  }
0x67: {  	_ =	shalt  }
0x68: {  	_ =	shalt  }
0x69: {  	_ =	shalt  }
0x6a: {  	_ =	shalt  }
0x6b: {  	_ =	shalt  }
0x6c: {  	_ =	shalt  }
0x6d: {  	_ =	shalt  }
0x6e: {  	_ =	shalt  }
0x6f: {  	_ =	shalt  }
0x70: {  	_ =	shalt  }
0x71: {  	_ =	shalt  }
0x72: {  	_ =	shalt  }
0x73: {  	_ =	shalt  }
0x74: {  	_ =	shalt  }
0x75: {  	_ =	shalt  }
0x76: {  	_ =	shalt  }
0x77: {  	_ =	shalt  }
0x78: {  	_ =	shalt  }
0x79: {  	_ =	shalt  }
0x7a: {  	_ =	shalt  }
0x7b: {  	_ =	shalt  }
0x7c: {  	_ =	shalt  }
0x7d: {  	_ =	shalt  }
0x7e: {  	_ =	shalt  }
0x7f: {  	_ =	shalt  }
0x80: {  	_ =	shalt  }
0x81: {  	_ =	shalt  }
0x82: {  	_ =	shalt  }
0x83: {  	_ =	shalt  }
0x84: {  	_ =	shalt  }
0x85: {  	_ =	shalt  }
0x86: {  	_ =	shalt  }
0x87: {  	_ =	shalt  }
.Lfunc_end0:
.L_simem_size_0:
called_computation.5_lowered:
.L_overlay_start_0:
0x88: {  	s2 =	sld [smem:$0x3FD9]  }
0x89: {  	s3 =	sld [smem:$0x3FFE];
	_ =	sdelay $0x1  }
0x8a: {  	s1 =	srdreg.scid  }
0x8b: {  	s0 =	sand.u32 $0x1, s1  }
0x8c: {  	s16 =	sshll.u32 s0, $0xA;
	s2 =	sadd.s32 s3, s2  }
0x8d: {  	s2 =	sadd.s32 s2, s16  }
0x8e: {  	[smem:$0x3FA3] =	sst s2  }
0x8f: {  	_ = 	snop  }
0x90: {  	(tm) =	ssettm $0x1  }
0x91: {  	s17 =	sld [smem:$0x3FFB];
	_ =	sdelay $0x3  }
0x92: {  	_ =	strace s17  }
0x93: {  	s2 =	sld [smem:$0x3FFC];
	_ =	sdelay $0x3  }
0x94: {  	_ =	strace s2  }
0x95: {  	s2 =	sld [smem:$0x3FFD];
	_ =	sdelay $0x3  }
0x96: {  	_ =	strace s2  }
0x97: {  	_ =	strace $0x8FFFFFFF  }
0x98: {  	s18 =	sld [smem:$0x3FDB];
	_ =	sdelay $0x1  }
0x99: {  	s19 =	simm.s32 $_scs_section_size  }
0x9a: {  	s4 =	simm.s32 $_size__tile_overlayer_lowered;
	s5 =	simm.s32 $_tile_overlayer_lowered  }
0x9b: {  	s22 =	simm.s32 $0x1BFF;
	s21 =	sshll.u32 s5, $0x1;
	s2 =	sadd.s32 s19, s18  }
0x9c: {  	s6 =	simm.s32 $0x0;
	s20 =	sshll.u32 s4, $0x1;
	s4 =	sadd.s32 s21, s2  }
0x9d: {  	[timem:s6], [sflag:s22] =	dma.local [hbm:s4], s20  }
0x9e: {  	_ =	swait.ge [sflag:s22], s20  }
0x9f: {  	s3 =	ssub.s32 $0x0, s20;
	[sflag:s22] =	ssyncset.done $0x0  }
0xa0: {  	[sflag:s22] =	ssyncadd.s32 s3;
	_ =	sdelay $0x1  }
0xa1: {  	s23 =	simm.s32 $0x1B8B  }
0xa2: {  	_ =	swait.ge [sflag:s23], $0x1  }
0xa3: {  	[sflag:s23] =	ssyncset.done $0x0  }
0xa4: {  	s25 =	simm.s32 $0x1B8E;
	s24 =	sld [smem:$0x3FFE];
	[sflag:s23] =	ssyncadd.s32 $0xFFFFFFFF  }
0xa5: {  	s26 =	simm.s32 $execute0_lowered;
	[smem:$0x3FD2] =	sst s25  }
0xa6: {  	s4 =	sshll.u32 s26, $0x1;
	_ =	strace $0x80000055;
	[dreg:$0x1] =	wrdreg $0xFFFFFFFF  }
0xa7: {  	s28 =	simm.s32 $_size_execute0_lowered;
	s2 =	sadd.s32 s2, s4;
	[dreg:$0x0] =	wrdreg $0x0  }
0xa8: {  	s4 =	sshll.u32 s28, $0x1;
	[dreg:$0x2] =	wrdreg s2  }
0xa9: {  	[dreg:$0x3] =	wrdreg s4  }
0xaa: {  	[dreg:$0x4] =	wrdreg $0xC0  }
0xab: {  	_ =	task [dreg:s6], $0x5FFFF  }
0xac: {  	[dreg:$0x1] =	wrdreg $0xFFFFFFFF  }
0xad: {  	[dreg:$0x0] =	wrdreg $0x60  }
0xae: {  	[dreg:$0x2] =	wrdreg s24  }
0xaf: {  	[dreg:$0x3] =	wrdreg $0x105000  }
0xb0: {  	[dreg:$0x4] =	wrdreg $0x155000  }
0xb1: {  	[dreg:$0x5] =	wrdreg $0x9  }
0xb2: {  	_ =	task.clear_ibuf [dreg:s6], $0x6FFFF;
	_ =	strace $0x90000055  }
0xb3: {  	s29 =	simm.s32 $0x9;
	_ =	strace $0x80000057  }
0xb4: {  	_ =	swait.ge [sflag:s29], $0x1  }
0xb5: {  	[sflag:s29] =	ssyncadd.s32 $0xFFFFFFFF  }
0xb6: {  	_ =	strace $0x90000057  }
0xb7: {  	_ =	sfence  }
0xb8: {  	s30 =	sld [smem:$0x0];
	_ =	sdelay $0x2  }
0xb9: {  	s31 =	sshll.u32 s1, $0xD;
	s1 =	sshrl.u32 s1, $0x2  }
0xba: {  	s3 =	sand.u32 $0x4000, s31;
	s1 =	sadd.s32 s1, s30  }
0xbb: {  	s0 =	sor.u32 s3, s0;
	s1 =	sshll.u32 s1, $0x11  }
0xbc: {  	s0 =	sor.u32 s1, s0  }
0xbd: {  	s0 =	sadd.s32 $0x8F2B, s0  }
0xbe: {  	[sflag:s0] =	ssyncadd.remote.s32 $0x1  }
0xbf: {  	_ =	sfence.sel $0xFFFF  }
0xc0: {  	[dreg:$0x0] =	wrdreg $0xFFFFFFFF;
	(pc) =	sbr.abs _section_cstart, $3  }
0xc1: {  	[dreg:$0x1] =	wrdreg $0xFFFFFFFF  }
0xc2: {  	_ =	task.clear_ibuf [dreg:s6], $0x2FFFF;
	_ =	strace $0x9FFFFFFF  }
0xc3: {  	(tm) =	ssettm $0x7FFFFFFF  }
tec
execute0_lowered:
.L_overlay_start_1:
0x0: {  	(tag) =	ssettag $0x1  }
0x1: {  	s0 =	rddreg [dreg:$0x0]  }
0x2: {  	s1 =	rddreg [dreg:$0x1]  }
0x3: {  	s2 =	rddreg [dreg:$0x2];
	s3 =	simm.s32 $0x0;
	s4 =	srdreg.scid  }
0x4: {  	s7 =	stileid.u32;
	[smem:$0x7FF] =	sst s3  }
0x5: {  	s31 =	sand.u32 $0x1, s4;
	s8 =	smul.u32 $0x5000, s7;
	s22 =	sadd.s32 $0x25A00, s0  }
0x6: {  	p0 =	sne.s32 s7, $0x0;
	s26 =	sshll.u32 s7, $0x6;
	_ =	strace $0x80000056  }
0x7: {  	s5 =	sshll.u32 s31, $0x4;
	[dreg:$0x4] =	wrdreg s22;
	s6 =	simm.s32 @!p0 $0x1C03  }
0x8: {  	s4 =	simm.s32 @!p0 $0x3;
	s23 =	sor.u32 s7, s5;
	s24 =	sshrl.u32 s8, $0x3  }
0x9: {  	s9 =	rddreg [dreg:$0x4];
	s5 =	sshrl.u32 @!p0 s1, $0x3;
	s25 =	sadd.s32 s8, s2  }
0xa: {  	[spmem:s5], [sflag:s6] =	dma.local @!p0 [hbm:s9], $0xA00  }
0xb: {  	s8 =	sor.u32 $0x1C03, s26;
	s11 =	smul.u32 $0x280, s23;
	_ =	swait.ge @!p0 [sflag:s4], $0xA00  }
0xc: {  	s10 =	sadd.s32 s24, s0;
	s9 =	sshrl.u32 s25, $0x3;
	[sflag:s4] =	ssyncset.done @!p0 $0x0  }
0xd: {  	s7 =	sadd.s32 $0x2FA00, s10;
	s10 =	simm.s32 $0x3;
	[sflag:s4] =	ssyncadd.s32 @!p0 $0xFFFFF600  }
0xe: {  	[spmem:s9], [sflag:s8] =	dma.local [hbm:s7], $0xA00  }
0xf: {  	s11 =	sshrl.u32 s11, $0x3;
	_ =	swait.ge [sflag:s10], $0xA00  }
0x10: {  	s12 =	sadd.s32 s11, s0;
	[sflag:s10] =	ssyncset.done $0x0  }
0x11: {  	s11 =	sadd.s32 $0x43A00, s12;
	[sflag:s10] =	ssyncadd.s32 $0xFFFFF600  }
0x12: {  	[tilespmem:s3], [sflag:$0x3] =	stream.linear.gather [hbm4b:s11+s3], $0x280, $0x38;
	[tilespmem:$0x1A500] =	vst v63  }
0x13: {  	_ =	swait.ge [sflag:s10], $0x280  }
0x14: {  	[sflag:s10] =	ssyncset.done $0x0  }
0x15: {  	s13 =	simm.s32 $0x280;
	s12 =	sadd.s32 $0x44400, s12;
	[sflag:s10] =	ssyncadd.s32 $0xFFFFFD80  }
0x16: {  	[tilespmem:s13], [sflag:$0x3] =	stream.linear.gather [hbm4b:s12+s3], $0x280, $0x38;
	[tilespmem:$0x1A500] =	vst v63  }
0x17: {  	_ =	swait.ge [sflag:s10], $0x280  }
0x18: {  	[sflag:s10] =	ssyncset.done $0x0  }
0x19: {  	[sflag:s10] =	ssyncadd.s32 $0xFFFFFD80  }
0x1a: {  	s14 =	simm.s32 $0x80;
	s15 =	simm.s32 $0x500;
	[bflag:$0x0] =	sbarrier.arrive $0xFFFF  }
0x1b: {  	[tilespmem:s15], [sflag:$0x1] =	stream.indirect.gather [spmem:s2], $0x20, s3, s14, $0xb8;
	[tilespmem:$0x1A500] =	vst v63  }
0x1c: {  	s16 =	simm.s32 $0x1500  }
0x1d: {  	[tilespmem:s16], [sflag:$0x1] =	stream.indirect.gather [spmem:s2], $0x20, s14, s14, $0xb8;
	[tilespmem:$0x1A500] =	vst v63  }
0x1e: {  	s17 =	simm.s32 $0x100;
	s18 =	simm.s32 $0x2500  }
0x1f: {  	[tilespmem:s18], [sflag:$0x1] =	stream.indirect.gather [spmem:s2], $0x20, s17, s14, $0xb8;
	[tilespmem:$0x1A500] =	vst v63  }
0x20: {  	s19 =	simm.s32 $0x180;
	s20 =	simm.s32 $0x3500  }
0x21: {  	[tilespmem:s20], [sflag:$0x1] =	stream.indirect.gather [spmem:s2], $0x20, s19, s14, $0xb8;
	[tilespmem:$0x1A500] =	vst v63  }
0x22: {  	s21 =	simm.s32 $0x200;
	s22 =	simm.s32 $0x4500;
	s23 =	simm.s32 $0x1  }
0x23: {  	[tilespmem:s22], [sflag:$0x1] =	stream.indirect.gather [spmem:s2], $0x20, s21, s14, $0xb8;
	[tilespmem:$0x1A500] =	vst v63  }
0x24: {  	_ =	swait.ge [sflag:s23], $0x1000  }
0x25: {  	[sflag:s23] =	ssyncset.done $0x0  }
0x26: {  	[sflag:s23] =	ssyncadd.s32 $0xFFFFF000  }
0x27: {  	[spmem:s1] =	stream.indirect.scatter.add.f32 [tilespmem:s15], [sflag:$0x2], $0x20, s13, s14, $0xb8;
	[tilespmem:$0x1A500] =	vst v63  }
0x28: {  	_ =	swait.ge [sflag:s23], $0x1000  }
0x29: {  	[sflag:s23] =	ssyncset.done $0x0  }
0x2a: {  	s24 =	simm.s32 $0x300;
	[sflag:s23] =	ssyncadd.s32 $0xFFFFF000  }
0x2b: {  	[spmem:s1] =	stream.indirect.scatter.add.f32 [tilespmem:s16], [sflag:$0x2], $0x20, s24, s14, $0xb8;
	[tilespmem:$0x1A500] =	vst v63  }
0x2c: {  	_ =	swait.ge [sflag:s23], $0x1000  }
0x2d: {  	[sflag:s23] =	ssyncset.done $0x0  }
0x2e: {  	s25 =	simm.s32 $0x380;
	[sflag:s23] =	ssyncadd.s32 $0xFFFFF000  }
0x2f: {  	[spmem:s1] =	stream.indirect.scatter.add.f32 [tilespmem:s18], [sflag:$0x2], $0x20, s25, s14, $0xb8;
	[tilespmem:$0x1A500] =	vst v63  }
0x30: {  	_ =	swait.ge [sflag:s23], $0x1000  }
0x31: {  	[sflag:s23] =	ssyncset.done $0x0  }
0x32: {  	s26 =	simm.s32 $0x400;
	[sflag:s23] =	ssyncadd.s32 $0xFFFFF000  }
0x33: {  	[spmem:s1] =	stream.indirect.scatter.add.f32 [tilespmem:s20], [sflag:$0x2], $0x20, s26, s14, $0xb8;
	[tilespmem:$0x1A500] =	vst v63  }
0x34: {  	_ =	swait.ge [sflag:s23], $0x1000  }
0x35: {  	[sflag:s23] =	ssyncset.done $0x0  }
0x36: {  	s28 =	simm.s32 $0x480;
	s29 =	simm.s32 $0x2;
	[sflag:s23] =	ssyncadd.s32 $0xFFFFF000  }
0x37: {  	[spmem:s1] =	stream.indirect.scatter.add.f32 [tilespmem:s22], [sflag:$0x2], $0x20, s28, s14, $0xb8;
	[tilespmem:$0x1A500] =	vst v63  }
0x38: {  	_ =	swait.ge [sflag:s29], $0x1000  }
0x39: {  	[sflag:s29] =	ssyncset.done $0x0  }
0x3a: {  	[sflag:s29] =	ssyncadd.s32 $0xFFFFF000  }
0x3b: {  	_ =	swait.ge [sflag:s29], $0x1000  }
0x3c: {  	[sflag:s29] =	ssyncset.done $0x0  }
0x3d: {  	[sflag:s29] =	ssyncadd.s32 $0xFFFFF000  }
0x3e: {  	_ =	swait.ge [sflag:s29], $0x1000  }
0x3f: {  	[sflag:s29] =	ssyncset.done $0x0  }
0x40: {  	[sflag:s29] =	ssyncadd.s32 $0xFFFFF000  }
0x41: {  	_ =	swait.ge [sflag:s29], $0x1000  }
0x42: {  	[sflag:s29] =	ssyncset.done $0x0  }
0x43: {  	s0 =	ssub.s32 $0x2, s31;
	[sflag:s29] =	ssyncadd.s32 $0xFFFFF000  }
0x44: {  	s30 =	sshrl.u32 s0, $0x1;
	_ =	swait.ge [sflag:s29], $0x1000  }
0x45: {  	s31 =	smul.u32 $0xA000, s31;
	s0 =	ssub.s32 s0, s30;
	[sflag:s29] =	ssyncset.done $0x0  }
0x46: {  	s0 =	smax.u32 s0, $0x1;
	s30 =	rddreg [dreg:$0x0]  }
0x47: {  	s30 =	sadd.s32 s31, s30;
	s31 =	sadd.s32 $0xFFFFFFFF, s0  }
0x48: {  	p1 =	sne.s32 s31, $0x0  }
.Ltmp0:
0x49: {  	_ = 	snop;
	(pc) =	sbr.rel @!p1 .LBB2_2-.Ltmp0, $4  }
0x4a: {  	[sflag:s29] =	ssyncadd.s32 $0xFFFFF000  }
0x4b: {  	[bflag:$0x0] =	sbarrier.arrive $0xFFFF;
	s30 =	sadd.s32 $0x8000, s30  }
0x4c: {  	[hbm:s30], [sflag:s8] =	dma.local @!p0 [spmem:s5], $0xA00  }
0x4d: {  	_ =	swait.ge @!p0 [sflag:s4], $0xA00  }
.LBB2_1:
0x4e: {  	[sflag:s4] =	ssyncset.done @!p0 $0x0  }
0x4f: {  	s0 =	rddreg [dreg:$0x4];
	[sflag:s4] =	ssyncadd.s32 @!p0 $0xFFFFF600  }
0x50: {  	[spmem:s5], [sflag:s6] =	dma.local @!p0 [hbm:s0], $0xA00  }
0x51: {  	_ =	swait.ge @!p0 [sflag:s4], $0xA00  }
0x52: {  	[sflag:s4] =	ssyncset.done @!p0 $0x0  }
0x53: {  	[sflag:s4] =	ssyncadd.s32 @!p0 $0xFFFFF600  }
0x54: {  	[spmem:s9], [sflag:s8] =	dma.local [hbm:s7], $0xA00  }
0x55: {  	_ =	swait.ge [sflag:s10], $0xA00  }
0x56: {  	[sflag:s10] =	ssyncset.done $0x0  }
0x57: {  	[sflag:s10] =	ssyncadd.s32 $0xFFFFF600  }
0x58: {  	[tilespmem:s3], [sflag:$0x3] =	stream.linear.gather [hbm4b:s11+s3], $0x280, $0x38;
	[tilespmem:$0x1A500] =	vst v63  }
0x59: {  	_ =	swait.ge [sflag:s10], $0x280  }
0x5a: {  	[sflag:s10] =	ssyncset.done $0x0  }
0x5b: {  	[sflag:s10] =	ssyncadd.s32 $0xFFFFFD80  }
0x5c: {  	[tilespmem:s13], [sflag:$0x3] =	stream.linear.gather [hbm4b:s12+s3], $0x280, $0x38;
	[tilespmem:$0x1A500] =	vst v63  }
0x5d: {  	_ =	swait.ge [sflag:s10], $0x280  }
0x5e: {  	[sflag:s10] =	ssyncset.done $0x0  }
0x5f: {  	[sflag:s10] =	ssyncadd.s32 $0xFFFFFD80  }
0x60: {  	[bflag:$0x0] =	sbarrier.arrive $0xFFFF  }
0x61: {  	[tilespmem:s15], [sflag:$0x1] =	stream.indirect.gather [spmem:s2], $0x20, s3, s14, $0xb8;
	[tilespmem:$0x1A500] =	vst v63  }
0x62: {  	_ = 	snop  }
0x63: {  	[tilespmem:s16], [sflag:$0x1] =	stream.indirect.gather [spmem:s2], $0x20, s14, s14, $0xb8;
	[tilespmem:$0x1A500] =	vst v63  }
0x64: {  	_ = 	snop  }
0x65: {  	[tilespmem:s18], [sflag:$0x1] =	stream.indirect.gather [spmem:s2], $0x20, s17, s14, $0xb8;
	[tilespmem:$0x1A500] =	vst v63  }
0x66: {  	_ = 	snop  }
0x67: {  	[tilespmem:s20], [sflag:$0x1] =	stream.indirect.gather [spmem:s2], $0x20, s19, s14, $0xb8;
	[tilespmem:$0x1A500] =	vst v63  }
0x68: {  	_ = 	snop  }
0x69: {  	[tilespmem:s22], [sflag:$0x1] =	stream.indirect.gather [spmem:s2], $0x20, s21, s14, $0xb8;
	[tilespmem:$0x1A500] =	vst v63  }
0x6a: {  	_ =	swait.ge [sflag:s23], $0x1000  }
0x6b: {  	[sflag:s23] =	ssyncset.done $0x0  }
0x6c: {  	[sflag:s23] =	ssyncadd.s32 $0xFFFFF000  }
0x6d: {  	[spmem:s1] =	stream.indirect.scatter.add.f32 [tilespmem:s15], [sflag:$0x2], $0x20, s13, s14, $0xb8;
	[tilespmem:$0x1A500] =	vst v63  }
0x6e: {  	_ =	swait.ge [sflag:s23], $0x1000  }
0x6f: {  	[sflag:s23] =	ssyncset.done $0x0  }
0x70: {  	[sflag:s23] =	ssyncadd.s32 $0xFFFFF000  }
0x71: {  	[spmem:s1] =	stream.indirect.scatter.add.f32 [tilespmem:s16], [sflag:$0x2], $0x20, s24, s14, $0xb8;
	[tilespmem:$0x1A500] =	vst v63  }
0x72: {  	_ =	swait.ge [sflag:s23], $0x1000  }
0x73: {  	[sflag:s23] =	ssyncset.done $0x0  }
0x74: {  	[sflag:s23] =	ssyncadd.s32 $0xFFFFF000  }
0x75: {  	[spmem:s1] =	stream.indirect.scatter.add.f32 [tilespmem:s18], [sflag:$0x2], $0x20, s25, s14, $0xb8;
	[tilespmem:$0x1A500] =	vst v63  }
0x76: {  	_ =	swait.ge [sflag:s23], $0x1000  }
0x77: {  	[sflag:s23] =	ssyncset.done $0x0  }
0x78: {  	[sflag:s23] =	ssyncadd.s32 $0xFFFFF000  }
0x79: {  	[spmem:s1] =	stream.indirect.scatter.add.f32 [tilespmem:s20], [sflag:$0x2], $0x20, s26, s14, $0xb8;
	[tilespmem:$0x1A500] =	vst v63  }
0x7a: {  	_ =	swait.ge [sflag:s23], $0x1000  }
0x7b: {  	[sflag:s23] =	ssyncset.done $0x0  }
0x7c: {  	[sflag:s23] =	ssyncadd.s32 $0xFFFFF000  }
0x7d: {  	[spmem:s1] =	stream.indirect.scatter.add.f32 [tilespmem:s22], [sflag:$0x2], $0x20, s28, s14, $0xb8;
	[tilespmem:$0x1A500] =	vst v63  }
0x7e: {  	_ =	swait.ge [sflag:s29], $0x1000  }
0x7f: {  	[sflag:s29] =	ssyncset.done $0x0  }
0x80: {  	[sflag:s29] =	ssyncadd.s32 $0xFFFFF000  }
0x81: {  	_ =	swait.ge [sflag:s29], $0x1000  }
0x82: {  	[sflag:s29] =	ssyncset.done $0x0  }
0x83: {  	[sflag:s29] =	ssyncadd.s32 $0xFFFFF000  }
0x84: {  	_ =	swait.ge [sflag:s29], $0x1000  }
0x85: {  	[sflag:s29] =	ssyncset.done $0x0  }
0x86: {  	[sflag:s29] =	ssyncadd.s32 $0xFFFFF000  }
0x87: {  	_ =	swait.ge [sflag:s29], $0x1000  }
0x88: {  	[sflag:s29] =	ssyncset.done $0x0  }
0x89: {  	s31 =	sadd.s32 $0xFFFFFFFF, s31;
	[sflag:s29] =	ssyncadd.s32 $0xFFFFF000  }
0x8a: {  	p1 =	sne.s32 s31, $0x0;
	_ =	swait.ge [sflag:s29], $0x1000  }
.Ltmp1:
0x8b: {  	[sflag:s29] =	ssyncset.done $0x0;
	(pc) =	sbr.rel @p1 .LBB2_1-.Ltmp1, $4  }
0x8c: {  	[sflag:s29] =	ssyncadd.s32 $0xFFFFF000  }
0x8d: {  	[bflag:$0x0] =	sbarrier.arrive $0xFFFF  }
0x8e: {  	[hbm:s30], [sflag:s8] =	dma.local @!p0 [spmem:s5], $0xA00  }
0x8f: {  	_ =	swait.ge @!p0 [sflag:s4], $0xA00  }
.LBB2_2:
0x90: {  	[sflag:s4] =	ssyncset.done @!p0 $0x0  }
0x91: {  	[sflag:s4] =	ssyncadd.s32 @!p0 $0xFFFFF600  }
0x92: {  	_ =	sfence.sel $0x180000  }
0x93: {  	[bflag:$0x0] =	sbarrier.arrive $0xFFFF  }
0x94: {  	_ =	strace $0x90000056  }
0x95: {  	[bflag:$0x2] =	sbarrier.arrive $0xFFFF  }
0x96: {  	s0 =	rddreg [dreg:$0x3]  }
0x97: {  	s0 =	sadd.s32 @!p0 $0x100000, s0  }
0x98: {  	[sflag:s0] =	ssyncadd.tile.s32 @!p0 $0x1;
	_ =	shalt  }
.Lfunc_end2:
_tile_overlayer_lowered:
.L_overlay_start_2:
0x99: {  	(tag) =	ssettag $0x2  }
0x9a: {  	s0 =	rddreg [dreg:$0x0];
	s2 =	stileid.u32  }
0x9b: {  	s1 =	rddreg [dreg:$0x1];
	p0 =	sne.s32 s2, $0x0  }
0x9c: {  	s3 =	rddreg [dreg:$0x2];
	[bflag:$0x3] =	sbarrier.arrive $0xFFFF;
	s2 =	simm.s32 @!p0 $0x1C03  }
0x9d: {  	[timem:s3], [sflag:s2] =	dma.local @!p0 [hbm:s0], s1  }
0x9e: {  	s0 =	simm.s32 @!p0 $0x3  }
0x9f: {  	_ =	swait.ge @!p0 [sflag:s0], s1  }
0xa0: {  	s1 =	ssub.s32 @!p0 $0x0, s1;
	[sflag:s0] =	ssyncset.done @!p0 $0x0  }
0xa1: {  	[sflag:s0] =	ssyncadd.s32 @!p0 s1  }
0xa2: {  	[bflag:$0x3] =	sbarrier.arrive $0xFFFF  }
0xa3: {  	_ =	shalt  }

</sc_bundles>
